<compile_context>
chip_gen: v7x
topology: tpu7x:2x2x1
jax: 0.10.2.dev20260603
libtpu: 0.0.44.dev20260713+nightly
codegen_flags: <defaults>
</compile_context>

<pallas_src>
import dataclasses
import functools

import jax
import jax.numpy as jnp
from jax import lax
from jax.experimental import pallas as pl
from jax.experimental.pallas import tpu as pltpu
from jax.experimental.pallas import tpu_sc as plsc

N = 10000
E = 320000
D = 128
H = 128
C = 10
L = 4
B = 64

NC = 2
NS = 16
NW = NC * NS
CHUNK = 128
NCHUNK = 80
HALF = NCHUNK // 2
E_PAD = NW * NCHUNK * CHUNK
PAD = E_PAD - E
JUNK = 64
N_ACC = N + JUNK
RB = 2000
ROW_SPLIT = 632
ROW_LAST = N - (NS - 1) * ROW_SPLIT


def _each_row_slice(s, fn):

    @pl.when(s < NS - 1)
    def _():
        fn(s * ROW_SPLIT, ROW_SPLIT)

    @pl.when(s == NS - 1)
    def _():
        fn((NS - 1) * ROW_SPLIT, ROW_LAST)

_vector_mesh = functools.partial(
    plsc.VectorSubcoreMesh, core_axis_name="c", subcore_axis_name="s"
)


def _sc_degree(dst3, zeros_deg):

    cp = pltpu.CompilerParams()
    if "needs_layout_passes" in pltpu.CompilerParams.__dataclass_fields__:
        cp = dataclasses.replace(cp, needs_layout_passes=False)

    @functools.partial(
        pl.kernel,
        out_type=jax.ShapeDtypeStruct((NW, 1, N), jnp.float32),
        mesh=_vector_mesh(),
        compiler_params=cp,
        scratch_types=[
            pltpu.VMEM((NCHUNK, CHUNK), jnp.int32),
            pltpu.VMEM((N_ACC,), jnp.float32),
            pltpu.SemaphoreType.DMA,
        ],
    )
    def deg_kernel(dst_hbm, z_hbm, out_hbm, dblk, table, sem):
        c = lax.axis_index("c")
        s = lax.axis_index("s")
        wid = c * NS + s
        pltpu.sync_copy(z_hbm, table)
        pltpu.sync_copy(dst_hbm.at[wid], dblk)
        ones16 = jnp.ones((16,), jnp.float32)

        @pl.loop(0, NCHUNK)
        def _(i):
            for k in range(CHUNK // 16):
                idx16 = dblk[i, pl.ds(k * 16, 16)]
                plsc.addupdate_scatter(table, [idx16], ones16)

        pltpu.sync_copy(table.at[pl.ds(0, N)], out_hbm.at[wid, 0])

    return deg_kernel(dst3, zeros_deg)


def _sc_scatter(mprime, src3, dst3, zeros_nh):

    @functools.partial(
        pl.kernel,
        out_type=jax.ShapeDtypeStruct((NC, N, H), jnp.float32),
        mesh=_vector_mesh(),
        scratch_types=[
            pltpu.VMEM((HALF, CHUNK), jnp.int32),
            pltpu.VMEM((HALF, CHUNK), jnp.int32),
            pltpu.VMEM((CHUNK, H), jnp.float32),
            pltpu.VMEM((CHUNK, H), jnp.float32),
            pltpu.VMEM_SHARED((N_ACC, H), jnp.float32),
            pltpu.SemaphoreType.DMA,
            pltpu.SemaphoreType.DMA,
        ],
    )
    def scatter_kernel(m_hbm, src_hbm, dst_hbm, z_hbm, out_hbm,
                       sblk, dblk, rows0, rows1, acc, semA, semB):
        c = lax.axis_index("c")
        s = lax.axis_index("s")
        wid = c * NS + s
        _each_row_slice(s, lambda r0, nr: pltpu.sync_copy(
            z_hbm.at[pl.ds(r0, nr)], acc.at[pl.ds(r0, nr)]))
        plsc.subcore_barrier()

        def gather(i, rows, sem):
            return pltpu.make_async_copy(m_hbm.at[sblk.at[i]], rows, sem)

        for h in range(NCHUNK // HALF):
            pltpu.sync_copy(src_hbm.at[wid, pl.ds(h * HALF, HALF)], sblk)
            pltpu.sync_copy(dst_hbm.at[wid, pl.ds(h * HALF, HALF)], dblk)
            gather(0, rows0, semA).start()

            @pl.loop(0, HALF, step=2)
            def _(i):
                gather(i + 1, rows1, semB).start()
                gather(i, rows0, semA).wait()
                pltpu.sync_copy(rows0, acc.at[dblk.at[i]], add=True)

                @pl.when(i + 2 < HALF)
                def _():
                    gather(i + 2, rows0, semA).start()

                gather(i + 1, rows1, semB).wait()
                pltpu.sync_copy(rows1, acc.at[dblk.at[i + 1]], add=True)

        plsc.subcore_barrier()
        _each_row_slice(s, lambda r0, nr: pltpu.sync_copy(
            acc.at[pl.ds(r0, nr)], out_hbm.at[c].at[pl.ds(r0, nr)]))

    return scatter_kernel(mprime, src3, dst3, zeros_nh)


def _tc_encode(deg_parts, x, W_enc, b_enc2, W1):

    def body(degp_ref, x_ref, we_ref, be_ref, w1_ref, dinv_ref, m_ref):
        deg = 1.0 + jnp.sum(degp_ref[:, 0, :], axis=0)[:, None]
        dinv = lax.rsqrt(deg)
        dinv_ref[...] = dinv
        h0 = jnp.dot(x_ref[...], we_ref[...],
                     preferred_element_type=jnp.float32) + be_ref[...]
        m1 = jnp.dot(h0, w1_ref[...], preferred_element_type=jnp.float32)
        m_ref[...] = m1 * dinv

    return pl.pallas_call(
        body,
        out_shape=(
            jax.ShapeDtypeStruct((N, 1), jnp.float32),
            jax.ShapeDtypeStruct((N, H), jnp.float32),
        ),
    )(deg_parts, x, W_enc, b_enc2, W1)


def _tc_layer(S2, m, dinv, kvec, cvec, W_next):

    def body(s_ref, m_ref, dinv_ref, k_ref, c_ref, w_ref, out_ref):
        dinv = dinv_ref[...]
        h = (s_ref[0] + s_ref[1] + m_ref[...]) * dinv * k_ref[...] + c_ref[...]
        h = jnp.maximum(h, 0.0)
        out_ref[...] = jnp.dot(
            h, w_ref[...], preferred_element_type=jnp.float32) * dinv

    return pl.pallas_call(
        body,
        grid=(N // RB,),
        in_specs=[
            pl.BlockSpec((NC, RB, H), lambda i: (0, i, 0)),
            pl.BlockSpec((RB, H), lambda i: (i, 0)),
            pl.BlockSpec((RB, 1), lambda i: (i, 0)),
            pl.BlockSpec((1, H), lambda i: (0, 0)),
            pl.BlockSpec((1, H), lambda i: (0, 0)),
            pl.BlockSpec((H, H), lambda i: (0, 0)),
        ],
        out_specs=pl.BlockSpec((RB, H), lambda i: (i, 0)),
        out_shape=jax.ShapeDtypeStruct((N, H), jnp.float32),
    )(S2, m, dinv, kvec, cvec, W_next)


def _tc_final(S2, m, dinv, kvec, cvec, batch2, Wc, bc2):

    def body(s_ref, m_ref, dinv_ref, k_ref, c_ref, b_ref, wc_ref, bc_ref,
             out_ref):
        dinv = dinv_ref[...]
        h = (s_ref[0] + s_ref[1] + m_ref[...]) * dinv * k_ref[...] + c_ref[...]
        h = jnp.maximum(h, 0.0)
        seg = lax.broadcasted_iota(jnp.int32, (B, N), 0)
        onehot = jnp.where(seg == b_ref[...], 1.0, 0.0)
        sums = jnp.dot(onehot, h, preferred_element_type=jnp.float32)
        counts = jnp.sum(onehot, axis=1, keepdims=True)
        g = sums / jnp.maximum(counts, 1.0)
        out_ref[...] = jnp.dot(
            g, wc_ref[...], preferred_element_type=jnp.float32) + bc_ref[...]

    return pl.pallas_call(
        body,
        out_shape=jax.ShapeDtypeStruct((B, C), jnp.float32),
    )(S2, m, dinv, kvec, cvec, batch2, Wc, bc2)


def kernel(x, edge_index, batch, W_enc, b_enc, W_stack, b_stack, gamma, beta,
           Wc, bc):
    src = edge_index[0]
    dst = edge_index[1]
    pad = jnp.arange(PAD, dtype=jnp.int32)
    src3 = jnp.concatenate([src, pad % N]).reshape(NW, NCHUNK, CHUNK)
    dst3 = jnp.concatenate([dst, N + pad % JUNK]).reshape(NW, NCHUNK, CHUNK)
    zeros_nh = jnp.zeros((N, H), jnp.float32)
    zeros_deg = jnp.zeros((N_ACC,), jnp.float32)

    bn_scale = lax.rsqrt(jnp.float32(1.0) + jnp.float32(1e-5))
    kmat = bn_scale * gamma
    cmat = b_stack * bn_scale * gamma + beta

    deg_parts = _sc_degree(dst3, zeros_deg)
    dinv, m = _tc_encode(deg_parts, x, W_enc, b_enc.reshape(1, H), W_stack[0])
    for l in range(L):
        S2 = _sc_scatter(m, src3, dst3, zeros_nh)
        kvec = kmat[l].reshape(1, H)
        cvec = cmat[l].reshape(1, H)
        if l < L - 1:
            m = _tc_layer(S2, m, dinv, kvec, cvec, W_stack[l + 1])
        else:
            out = _tc_final(S2, m, dinv, kvec, cvec,
                            batch.reshape(1, N), Wc, bc.reshape(1, C))
    return out

# --- scband reference (transcript-rebuilt; emitter-appended) ---
"""Pipeline reference for scband-gcnmodel-66932770341395 (READ-ONLY COPY).

The authoritative reference and input builder live on the scoring server;
editing this copy changes nothing except your own understanding.
"""

import jax, jax.numpy as jnp
import numpy as np

N = 10000
E = 320000
D = 128
H = 128
C = 10
L = 4
B = 64


def setup_inputs(seed: int = 0) -> dict:
    key = jax.random.key(seed)
    ks = jax.random.split(key, 8)
    x = jax.random.normal(ks[0], (N, D), dtype=jnp.float32)
    edge_index = jax.random.randint(ks[1], (2, E), 0, N, dtype=jnp.int32)
    batch = jnp.sort(jax.random.randint(ks[2], (N,), 0, B, dtype=jnp.int32))
    W_enc = jax.random.normal(ks[3], (D, H), dtype=jnp.float32) * 0.05
    b_enc = jnp.zeros((H,), dtype=jnp.float32)
    W_stack = jax.random.normal(ks[4], (L, H, H), dtype=jnp.float32) * 0.05
    b_stack = jnp.zeros((L, H), dtype=jnp.float32)
    gamma = jnp.ones((L, H), dtype=jnp.float32)
    beta = jnp.zeros((L, H), dtype=jnp.float32)
    Wc = jax.random.normal(ks[5], (H, C), dtype=jnp.float32) * 0.05
    bc = jnp.zeros((C,), dtype=jnp.float32)
    return {"x": x, "edge_index": edge_index, "batch": batch,
            "W_enc": W_enc, "b_enc": b_enc, "W_stack": W_stack, "b_stack": b_stack,
            "gamma": gamma, "beta": beta, "Wc": Wc, "bc": bc}


def reference(x, edge_index, batch, W_enc, b_enc, W_stack, b_stack, gamma, beta, Wc, bc):
    # atom encoder (use_atom_encoder=False -> Linear)
    h = x @ W_enc + b_enc
    # GCN normalization with self-loops (Kipf & Welling)
    loop = jnp.arange(N, dtype=edge_index.dtype)
    src = jnp.concatenate([edge_index[0], loop])
    dst = jnp.concatenate([edge_index[1], loop])
    deg = jnp.zeros((N,), dtype=h.dtype).at[dst].add(1.0)
    dinv = jnp.where(deg > 0, jax.lax.rsqrt(deg), 0.0)
    norm = (dinv[src] * dinv[dst])[:, None]
    eps = jnp.float32(1e-5)
    bn_scale = jax.lax.rsqrt(1.0 + eps)  # eval-mode BN: running_mean=0, running_var=1
    for l in range(L):
        m = h @ W_stack[l]
        msg = m[src] * norm
        agg = jnp.zeros_like(m).at[dst].add(msg) + b_stack[l]
        bn = agg * bn_scale * gamma[l] + beta[l]
        h = jax.nn.relu(bn)
        # dropout is identity in eval mode
    # global mean pool over batch assignment
    sums = jax.ops.segment_sum(h, batch, num_segments=B)
    counts = jax.ops.segment_sum(jnp.ones((N, 1), dtype=h.dtype), batch, num_segments=B)
    g = sums / jnp.clip(counts, 1.0)
    return g @ Wc + bc

if __name__ == "__main__":
    import jax
    _d = setup_inputs()
    print(jax.jit(kernel)(*tuple(_d.values())))

</pallas_src>

<mosaic_0001>
#map = affine_map<(d0, d1) -> (0, 0, 0)>
#map1 = affine_map<(d0, d1) -> (0)>
module attributes {stable_mosaic.version = 14 : i64} {
  func.func @deg_kernel(%arg0: i32, %arg1: i32, %arg2: memref<32x80x128xi32, #tpu.memory_space<hbm>>, %arg3: memref<10064xf32, #tpu.memory_space<hbm>>, %arg4: memref<32x1x10000xf32, #tpu.memory_space<hbm>>, %arg5: memref<80x128xi32, #tpu.memory_space<vmem>>, %arg6: memref<10064xf32, #tpu.memory_space<vmem>>, %arg7: memref<!tpu.dma_semaphore, #tpu.memory_space<semaphore_mem>>) attributes {dimension_semantics = [#tpu.dimension_semantics<core_parallel>, #tpu.dimension_semantics<subcore_parallel>], iteration_bounds = array<i64: 2, 16>, scalar_prefetch = 0 : i64, scratch_operands = 3 : i64, tpu.core_type = #tpu.core_type<sc_vector_subcore>, window_params = [{transform_indices = #map}, {transform_indices = #map1}, {transform_indices = #map}]} {
    %mul3A = arith.constant 16 : i32
    %mul3A_0 = arith.muli %arg0, %mul3A : i32
    %add3A = arith.addi %mul3A_0, %arg1 : i32
    "tpu.region"() ({
      %run_scoped3A_6 = tpu.sem_alloc : memref<!tpu.dma_semaphore, #tpu.memory_space<semaphore_mem>>
      tpu.enqueue_dma source(%arg3 : memref<10064xf32, #tpu.memory_space<hbm>>) target(%arg6 : memref<10064xf32, #tpu.memory_space<vmem>>) target_semaphore(%run_scoped3A_6 : memref<!tpu.dma_semaphore, #tpu.memory_space<semaphore_mem>>)
      tpu.wait_dma2 semaphore(%run_scoped3A_6 : memref<!tpu.dma_semaphore, #tpu.memory_space<semaphore_mem>>) src(%arg3 : memref<10064xf32, #tpu.memory_space<hbm>>) dst(%arg6 : memref<10064xf32, #tpu.memory_space<vmem>>)
      tpu.yield
    }) : () -> ()
    "tpu.region"() ({
      %run_scoped3A_6 = tpu.sem_alloc : memref<!tpu.dma_semaphore, #tpu.memory_space<semaphore_mem>>
      %dma_start3A = arith.constant 0 : i32
      %dma_start3A_7 = arith.constant 0 : i32
      %dma_start3A_8 = tpu.memref_slice %arg2[%add3A, %dma_start3A, %dma_start3A_7] : memref<32x80x128xi32, #tpu.memory_space<hbm>> -> memref<1x80x128xi32, #tpu.memory_space<hbm>>
      %dma_start3A_9 = tpu.memref_squeeze %dma_start3A_8 : memref<1x80x128xi32, #tpu.memory_space<hbm>> -> memref<80x128xi32, #tpu.memory_space<hbm>>
      %dma_start3A_10 = arith.constant 0 : i32
      %dma_start3A_11 = arith.constant 0 : i32
      %dma_start3A_12 = tpu.memref_slice %arg2[%add3A, %dma_start3A_10, %dma_start3A_11] : memref<32x80x128xi32, #tpu.memory_space<hbm>> -> memref<1x80x128xi32, #tpu.memory_space<hbm>>
      %dma_start3A_13 = tpu.memref_squeeze %dma_start3A_12 : memref<1x80x128xi32, #tpu.memory_space<hbm>> -> memref<80x128xi32, #tpu.memory_space<hbm>>
      tpu.enqueue_dma source(%dma_start3A_13 : memref<80x128xi32, #tpu.memory_space<hbm>>) target(%arg5 : memref<80x128xi32, #tpu.memory_space<vmem>>) target_semaphore(%run_scoped3A_6 : memref<!tpu.dma_semaphore, #tpu.memory_space<semaphore_mem>>)
      %dma_wait3A = arith.constant 0 : i32
      %dma_wait3A_14 = arith.constant 0 : i32
      %dma_wait3A_15 = tpu.memref_slice %arg2[%add3A, %dma_wait3A, %dma_wait3A_14] : memref<32x80x128xi32, #tpu.memory_space<hbm>> -> memref<1x80x128xi32, #tpu.memory_space<hbm>>
      %dma_wait3A_16 = tpu.memref_squeeze %dma_wait3A_15 : memref<1x80x128xi32, #tpu.memory_space<hbm>> -> memref<80x128xi32, #tpu.memory_space<hbm>>
      %dma_wait3A_17 = arith.constant 0 : i32
      %dma_wait3A_18 = arith.constant 0 : i32
      %dma_wait3A_19 = tpu.memref_slice %arg2[%add3A, %dma_wait3A_17, %dma_wait3A_18] : memref<32x80x128xi32, #tpu.memory_space<hbm>> -> memref<1x80x128xi32, #tpu.memory_space<hbm>>
      %dma_wait3A_20 = tpu.memref_squeeze %dma_wait3A_19 : memref<1x80x128xi32, #tpu.memory_space<hbm>> -> memref<80x128xi32, #tpu.memory_space<hbm>>
      tpu.wait_dma2 semaphore(%run_scoped3A_6 : memref<!tpu.dma_semaphore, #tpu.memory_space<semaphore_mem>>) src(%dma_wait3A_20 : memref<80x128xi32, #tpu.memory_space<hbm>>) dst(%arg5 : memref<80x128xi32, #tpu.memory_space<vmem>>)
      tpu.yield
    }) : () -> ()
    %broadcast_in_dim3A = arith.constant 1.000000e+00 : f32
    %broadcast_in_dim3A_1 = vector.broadcast %broadcast_in_dim3A : f32 to vector<16xf32>
    %scan3A = arith.constant 0 : i32
    %scan3A_2 = arith.constant 80 : i32
    %scan3A_3 = arith.addi %scan3A, %scan3A_2 : i32
    %scan3A_4 = arith.constant 1 : i32
    scf.for %scan3A_6 = %scan3A to %scan3A_3 step %scan3A_4  : i32 {
      %mul3A_7 = arith.constant 1 : i32
      %mul3A_8 = arith.muli %scan3A_6, %mul3A_7 : i32
      %add3A_9 = arith.constant 0 : i32
      %add3A_10 = arith.addi %add3A_9, %mul3A_8 : i32
      %get3A = arith.index_cast %add3A_10 : i32 to index
      %get3A_11 = arith.constant 0 : index
      %get3A_12 = tpu.vector_load %arg5[%get3A, %get3A_11] {strides = array<i32>} : memref<80x128xi32, #tpu.memory_space<vmem>>, vector<16xi32>,
      tpu.vector_store_idx %arg6[%get3A_12], %broadcast_in_dim3A_1 {add = true} : memref<10064xf32, #tpu.memory_space<vmem>>[vector<16xi32>], vector<16xf32>,
      %get3A_13 = arith.index_cast %add3A_10 : i32 to index
      %get3A_14 = arith.constant 16 : index
      %get3A_15 = tpu.vector_load %arg5[%get3A_13, %get3A_14] {strides = array<i32>} : memref<80x128xi32, #tpu.memory_space<vmem>>, vector<16xi32>,
      tpu.vector_store_idx %arg6[%get3A_15], %broadcast_in_dim3A_1 {add = true} : memref<10064xf32, #tpu.memory_space<vmem>>[vector<16xi32>], vector<16xf32>,
      %get3A_16 = arith.index_cast %add3A_10 : i32 to index
      %get3A_17 = arith.constant 32 : index
      %get3A_18 = tpu.vector_load %arg5[%get3A_16, %get3A_17] {strides = array<i32>} : memref<80x128xi32, #tpu.memory_space<vmem>>, vector<16xi32>,
      tpu.vector_store_idx %arg6[%get3A_18], %broadcast_in_dim3A_1 {add = true} : memref<10064xf32, #tpu.memory_space<vmem>>[vector<16xi32>], vector<16xf32>,
      %get3A_19 = arith.index_cast %add3A_10 : i32 to index
      %get3A_20 = arith.constant 48 : index
      %get3A_21 = tpu.vector_load %arg5[%get3A_19, %get3A_20] {strides = array<i32>} : memref<80x128xi32, #tpu.memory_space<vmem>>, vector<16xi32>,
      tpu.vector_store_idx %arg6[%get3A_21], %broadcast_in_dim3A_1 {add = true} : memref<10064xf32, #tpu.memory_space<vmem>>[vector<16xi32>], vector<16xf32>,
      %get3A_22 = arith.index_cast %add3A_10 : i32 to index
      %get3A_23 = arith.constant 64 : index
      %get3A_24 = tpu.vector_load %arg5[%get3A_22, %get3A_23] {strides = array<i32>} : memref<80x128xi32, #tpu.memory_space<vmem>>, vector<16xi32>,
      tpu.vector_store_idx %arg6[%get3A_24], %broadcast_in_dim3A_1 {add = true} : memref<10064xf32, #tpu.memory_space<vmem>>[vector<16xi32>], vector<16xf32>,
      %get3A_25 = arith.index_cast %add3A_10 : i32 to index
      %get3A_26 = arith.constant 80 : index
      %get3A_27 = tpu.vector_load %arg5[%get3A_25, %get3A_26] {strides = array<i32>} : memref<80x128xi32, #tpu.memory_space<vmem>>, vector<16xi32>,
      tpu.vector_store_idx %arg6[%get3A_27], %broadcast_in_dim3A_1 {add = true} : memref<10064xf32, #tpu.memory_space<vmem>>[vector<16xi32>], vector<16xf32>,
      %get3A_28 = arith.index_cast %add3A_10 : i32 to index
      %get3A_29 = arith.constant 96 : index
      %get3A_30 = tpu.vector_load %arg5[%get3A_28, %get3A_29] {strides = array<i32>} : memref<80x128xi32, #tpu.memory_space<vmem>>, vector<16xi32>,
      tpu.vector_store_idx %arg6[%get3A_30], %broadcast_in_dim3A_1 {add = true} : memref<10064xf32, #tpu.memory_space<vmem>>[vector<16xi32>], vector<16xf32>,
      %get3A_31 = arith.index_cast %add3A_10 : i32 to index
      %get3A_32 = arith.constant 112 : index
      %get3A_33 = tpu.vector_load %arg5[%get3A_31, %get3A_32] {strides = array<i32>} : memref<80x128xi32, #tpu.memory_space<vmem>>, vector<16xi32>,
      tpu.vector_store_idx %arg6[%get3A_33], %broadcast_in_dim3A_1 {add = true} : memref<10064xf32, #tpu.memory_space<vmem>>[vector<16xi32>], vector<16xf32>,
    }
    %scan3A_5 = arith.constant 80 : i32
    %run_scoped3A = arith.constant 0 : i32
    "tpu.region"() ({
      %run_scoped3A_6 = tpu.sem_alloc : memref<!tpu.dma_semaphore, #tpu.memory_space<semaphore_mem>>
      %dma_start3A = arith.constant 0 : i32
      %dma_start3A_7 = tpu.memref_slice %arg6[%dma_start3A] : memref<10064xf32, #tpu.memory_space<vmem>> -> memref<10000xf32, #tpu.memory_space<vmem>>
      %dma_start3A_8 = arith.constant 0 : i32
      %dma_start3A_9 = tpu.memref_slice %arg4[%add3A, %run_scoped3A, %dma_start3A_8] : memref<32x1x10000xf32, #tpu.memory_space<hbm>> -> memref<1x1x10000xf32, #tpu.memory_space<hbm>>
      %dma_start3A_10 = tpu.memref_squeeze %dma_start3A_9 : memref<1x1x10000xf32, #tpu.memory_space<hbm>> -> memref<10000xf32, #tpu.memory_space<hbm>>
      %dma_start3A_11 = arith.constant 0 : i32
      %dma_start3A_12 = tpu.memref_slice %arg4[%add3A, %run_scoped3A, %dma_start3A_11] : memref<32x1x10000xf32, #tpu.memory_space<hbm>> -> memref<1x1x10000xf32, #tpu.memory_space<hbm>>
      %dma_start3A_13 = tpu.memref_squeeze %dma_start3A_12 : memref<1x1x10000xf32, #tpu.memory_space<hbm>> -> memref<10000xf32, #tpu.memory_space<hbm>>
      %dma_start3A_14 = arith.constant 0 : i32
      %dma_start3A_15 = tpu.memref_slice %arg6[%dma_start3A_14] : memref<10064xf32, #tpu.memory_space<vmem>> -> memref<10000xf32, #tpu.memory_space<vmem>>
      tpu.enqueue_dma source(%dma_start3A_15 : memref<10000xf32, #tpu.memory_space<vmem>>) target(%dma_start3A_13 : memref<10000xf32, #tpu.memory_space<hbm>>) target_semaphore(%run_scoped3A_6 : memref<!tpu.dma_semaphore, #tpu.memory_space<semaphore_mem>>)
      %dma_wait3A = arith.constant 0 : i32
      %dma_wait3A_16 = tpu.memref_slice %arg6[%dma_wait3A] : memref<10064xf32, #tpu.memory_space<vmem>> -> memref<10000xf32, #tpu.memory_space<vmem>>
      %dma_wait3A_17 = arith.constant 0 : i32
      %dma_wait3A_18 = tpu.memref_slice %arg4[%add3A, %run_scoped3A, %dma_wait3A_17] : memref<32x1x10000xf32, #tpu.memory_space<hbm>> -> memref<1x1x10000xf32, #tpu.memory_space<hbm>>
      %dma_wait3A_19 = tpu.memref_squeeze %dma_wait3A_18 : memref<1x1x10000xf32, #tpu.memory_space<hbm>> -> memref<10000xf32, #tpu.memory_space<hbm>>
      %dma_wait3A_20 = arith.constant 0 : i32
      %dma_wait3A_21 = tpu.memref_slice %arg4[%add3A, %run_scoped3A, %dma_wait3A_20] : memref<32x1x10000xf32, #tpu.memory_space<hbm>> -> memref<1x1x10000xf32, #tpu.memory_space<hbm>>
      %dma_wait3A_22 = tpu.memref_squeeze %dma_wait3A_21 : memref<1x1x10000xf32, #tpu.memory_space<hbm>> -> memref<10000xf32, #tpu.memory_space<hbm>>
      %dma_wait3A_23 = arith.constant 0 : i32
      %dma_wait3A_24 = tpu.memref_slice %arg6[%dma_wait3A_23] : memref<10064xf32, #tpu.memory_space<vmem>> -> memref<10000xf32, #tpu.memory_space<vmem>>
      tpu.wait_dma2 semaphore(%run_scoped3A_6 : memref<!tpu.dma_semaphore, #tpu.memory_space<semaphore_mem>>) src(%dma_wait3A_24 : memref<10000xf32, #tpu.memory_space<vmem>>) dst(%dma_wait3A_22 : memref<10000xf32, #tpu.memory_space<hbm>>)
      tpu.yield
    }) : () -> ()
    return
  }
}

#map = affine_map<(d0, d1) -> (0, 0)>
#map1 = affine_map<(d0, d1) -> (0, 0, 0)>
module attributes {stable_mosaic.version = 14 : i64} {
  func.func @scatter_kernel(%arg0: i32, %arg1: i32, %arg2: memref<10000x128xf32, #tpu.memory_space<hbm>>, %arg3: memref<32x80x128xi32, #tpu.memory_space<hbm>>, %arg4: memref<32x80x128xi32, #tpu.memory_space<hbm>>, %arg5: memref<10000x128xf32, #tpu.memory_space<hbm>>, %arg6: memref<2x10000x128xf32, #tpu.memory_space<hbm>>, %arg7: memref<40x128xi32, #tpu.memory_space<vmem>>, %arg8: memref<40x128xi32, #tpu.memory_space<vmem>>, %arg9: memref<128x128xf32, #tpu.memory_space<vmem>>, %arg10: memref<128x128xf32, #tpu.memory_space<vmem>>, %arg11: memref<10064x128xf32, #tpu.memory_space<vmem_shared>>, %arg12: memref<!tpu.dma_semaphore, #tpu.memory_space<semaphore_mem>>, %arg13: memref<!tpu.dma_semaphore, #tpu.memory_space<semaphore_mem>>) attributes {dimension_semantics = [#tpu.dimension_semantics<core_parallel>, #tpu.dimension_semantics<subcore_parallel>], iteration_bounds = array<i64: 2, 16>, scalar_prefetch = 0 : i64, scratch_operands = 7 : i64, tpu.core_type = #tpu.core_type<sc_vector_subcore>, window_params = [{transform_indices = #map}, {transform_indices = #map1}, {transform_indices = #map1}, {transform_indices = #map}, {transform_indices = #map1}]} {
    %mul3A = arith.constant 16 : i32
    %mul3A_0 = arith.muli %arg0, %mul3A : i32
    %add3A = arith.addi %mul3A_0, %arg1 : i32
    %lt3A = arith.constant 15 : i32
    %lt3A_1 = arith.cmpi slt, %arg1, %lt3A : i32
    %convert_element_type3A = arith.extui %lt3A_1 : i1 to i32
    %cond3A = arith.constant 0 : i32
    %cond3A_2 = arith.cmpi ne, %convert_element_type3A, %cond3A : i32
    scf.if %cond3A_2 {
      %mul3A_40 = arith.constant 632 : i32
      %mul3A_41 = arith.muli %arg1, %mul3A_40 : i32
      "tpu.region"() ({
        %run_scoped3A = tpu.sem_alloc : memref<!tpu.dma_semaphore, #tpu.memory_space<semaphore_mem>>
        %dma_start3A_42 = arith.constant 0 : i32
        %dma_start3A_43 = tpu.memref_slice %arg11[%mul3A_41, %dma_start3A_42] : memref<10064x128xf32, #tpu.memory_space<vmem_shared>> -> memref<632x128xf32, #tpu.memory_space<vmem_shared>>
        %dma_start3A_44 = arith.constant 0 : i32
        %dma_start3A_45 = tpu.memref_slice %arg5[%mul3A_41, %dma_start3A_44] : memref<10000x128xf32, #tpu.memory_space<hbm>> -> memref<632x128xf32, #tpu.memory_space<hbm>>
        tpu.enqueue_dma source(%dma_start3A_45 : memref<632x128xf32, #tpu.memory_space<hbm>>) target(%dma_start3A_43 : memref<632x128xf32, #tpu.memory_space<vmem_shared>>) target_semaphore(%run_scoped3A : memref<!tpu.dma_semaphore, #tpu.memory_space<semaphore_mem>>)
        %dma_wait3A = arith.constant 0 : i32
        %dma_wait3A_46 = tpu.memref_slice %arg11[%mul3A_41, %dma_wait3A] : memref<10064x128xf32, #tpu.memory_space<vmem_shared>> -> memref<632x128xf32, #tpu.memory_space<vmem_shared>>
        %dma_wait3A_47 = arith.constant 0 : i32
        %dma_wait3A_48 = tpu.memref_slice %arg5[%mul3A_41, %dma_wait3A_47] : memref<10000x128xf32, #tpu.memory_space<hbm>> -> memref<632x128xf32, #tpu.memory_space<hbm>>
        tpu.wait_dma2 semaphore(%run_scoped3A : memref<!tpu.dma_semaphore, #tpu.memory_space<semaphore_mem>>) src(%dma_wait3A_48 : memref<632x128xf32, #tpu.memory_space<hbm>>) dst(%dma_wait3A_46 : memref<632x128xf32, #tpu.memory_space<vmem_shared>>)
        tpu.yield
      }) : () -> ()
    } else {
    }
    %eq3A = arith.constant 15 : i32
    %eq3A_3 = arith.cmpi eq, %arg1, %eq3A : i32
    %convert_element_type3A_4 = arith.extui %eq3A_3 : i1 to i32
    %cond3A_5 = arith.constant 0 : i32
    %cond3A_6 = arith.cmpi ne, %convert_element_type3A_4, %cond3A_5 : i32
    scf.if %cond3A_6 {
      "tpu.region"() ({
        %run_scoped3A = tpu.sem_alloc : memref<!tpu.dma_semaphore, #tpu.memory_space<semaphore_mem>>
        %dma_start3A_40 = arith.constant 9480 : i32
        %dma_start3A_41 = arith.constant 0 : i32
        %dma_start3A_42 = tpu.memref_slice %arg11[%dma_start3A_40, %dma_start3A_41] : memref<10064x128xf32, #tpu.memory_space<vmem_shared>> -> memref<520x128xf32, #tpu.memory_space<vmem_shared>>
        %dma_start3A_43 = arith.constant 9480 : i32
        %dma_start3A_44 = arith.constant 0 : i32
        %dma_start3A_45 = tpu.memref_slice %arg5[%dma_start3A_43, %dma_start3A_44] : memref<10000x128xf32, #tpu.memory_space<hbm>> -> memref<520x128xf32, #tpu.memory_space<hbm>>
        tpu.enqueue_dma source(%dma_start3A_45 : memref<520x128xf32, #tpu.memory_space<hbm>>) target(%dma_start3A_42 : memref<520x128xf32, #tpu.memory_space<vmem_shared>>) target_semaphore(%run_scoped3A : memref<!tpu.dma_semaphore, #tpu.memory_space<semaphore_mem>>)
        %dma_wait3A = arith.constant 9480 : i32
        %dma_wait3A_46 = arith.constant 0 : i32
        %dma_wait3A_47 = tpu.memref_slice %arg11[%dma_wait3A, %dma_wait3A_46] : memref<10064x128xf32, #tpu.memory_space<vmem_shared>> -> memref<520x128xf32, #tpu.memory_space<vmem_shared>>
        %dma_wait3A_48 = arith.constant 9480 : i32
        %dma_wait3A_49 = arith.constant 0 : i32
        %dma_wait3A_50 = tpu.memref_slice %arg5[%dma_wait3A_48, %dma_wait3A_49] : memref<10000x128xf32, #tpu.memory_space<hbm>> -> memref<520x128xf32, #tpu.memory_space<hbm>>
        tpu.wait_dma2 semaphore(%run_scoped3A : memref<!tpu.dma_semaphore, #tpu.memory_space<semaphore_mem>>) src(%dma_wait3A_50 : memref<520x128xf32, #tpu.memory_space<hbm>>) dst(%dma_wait3A_47 : memref<520x128xf32, #tpu.memory_space<vmem_shared>>)
        tpu.yield
      }) : () -> ()
    } else {
    }
    %barrier3A = arith.constant 0 : index
    tpu.barrier barrier_id(%barrier3A)
    "tpu.region"() ({
      %run_scoped3A = tpu.sem_alloc : memref<!tpu.dma_semaphore, #tpu.memory_space<semaphore_mem>>
      %dma_start3A_40 = arith.constant 0 : i32
      %dma_start3A_41 = arith.constant 0 : i32
      %dma_start3A_42 = tpu.memref_slice %arg3[%add3A, %dma_start3A_40, %dma_start3A_41] : memref<32x80x128xi32, #tpu.memory_space<hbm>> -> memref<1x40x128xi32, #tpu.memory_space<hbm>>
      %dma_start3A_43 = tpu.memref_squeeze %dma_start3A_42 : memref<1x40x128xi32, #tpu.memory_space<hbm>> -> memref<40x128xi32, #tpu.memory_space<hbm>>
      %dma_start3A_44 = arith.constant 0 : i32
      %dma_start3A_45 = arith.constant 0 : i32
      %dma_start3A_46 = tpu.memref_slice %arg3[%add3A, %dma_start3A_44, %dma_start3A_45] : memref<32x80x128xi32, #tpu.memory_space<hbm>> -> memref<1x40x128xi32, #tpu.memory_space<hbm>>
      %dma_start3A_47 = tpu.memref_squeeze %dma_start3A_46 : memref<1x40x128xi32, #tpu.memory_space<hbm>> -> memref<40x128xi32, #tpu.memory_space<hbm>>
      tpu.enqueue_dma source(%dma_start3A_47 : memref<40x128xi32, #tpu.memory_space<hbm>>) target(%arg7 : memref<40x128xi32, #tpu.memory_space<vmem>>) target_semaphore(%run_scoped3A : memref<!tpu.dma_semaphore, #tpu.memory_space<semaphore_mem>>)
      %dma_wait3A = arith.constant 0 : i32
      %dma_wait3A_48 = arith.constant 0 : i32
      %dma_wait3A_49 = tpu.memref_slice %arg3[%add3A, %dma_wait3A, %dma_wait3A_48] : memref<32x80x128xi32, #tpu.memory_space<hbm>> -> memref<1x40x128xi32, #tpu.memory_space<hbm>>
      %dma_wait3A_50 = tpu.memref_squeeze %dma_wait3A_49 : memref<1x40x128xi32, #tpu.memory_space<hbm>> -> memref<40x128xi32, #tpu.memory_space<hbm>>
      %dma_wait3A_51 = arith.constant 0 : i32
      %dma_wait3A_52 = arith.constant 0 : i32
      %dma_wait3A_53 = tpu.memref_slice %arg3[%add3A, %dma_wait3A_51, %dma_wait3A_52] : memref<32x80x128xi32, #tpu.memory_space<hbm>> -> memref<1x40x128xi32, #tpu.memory_space<hbm>>
      %dma_wait3A_54 = tpu.memref_squeeze %dma_wait3A_53 : memref<1x40x128xi32, #tpu.memory_space<hbm>> -> memref<40x128xi32, #tpu.memory_space<hbm>>
      tpu.wait_dma2 semaphore(%run_scoped3A : memref<!tpu.dma_semaphore, #tpu.memory_space<semaphore_mem>>) src(%dma_wait3A_54 : memref<40x128xi32, #tpu.memory_space<hbm>>) dst(%arg7 : memref<40x128xi32, #tpu.memory_space<vmem>>)
      tpu.yield
    }) : () -> ()
    "tpu.region"() ({
      %run_scoped3A = tpu.sem_alloc : memref<!tpu.dma_semaphore, #tpu.memory_space<semaphore_mem>>
      %dma_start3A_40 = arith.constant 0 : i32
      %dma_start3A_41 = arith.constant 0 : i32
      %dma_start3A_42 = tpu.memref_slice %arg4[%add3A, %dma_start3A_40, %dma_start3A_41] : memref<32x80x128xi32, #tpu.memory_space<hbm>> -> memref<1x40x128xi32, #tpu.memory_space<hbm>>
      %dma_start3A_43 = tpu.memref_squeeze %dma_start3A_42 : memref<1x40x128xi32, #tpu.memory_space<hbm>> -> memref<40x128xi32, #tpu.memory_space<hbm>>
      %dma_start3A_44 = arith.constant 0 : i32
      %dma_start3A_45 = arith.constant 0 : i32
      %dma_start3A_46 = tpu.memref_slice %arg4[%add3A, %dma_start3A_44, %dma_start3A_45] : memref<32x80x128xi32, #tpu.memory_space<hbm>> -> memref<1x40x128xi32, #tpu.memory_space<hbm>>
      %dma_start3A_47 = tpu.memref_squeeze %dma_start3A_46 : memref<1x40x128xi32, #tpu.memory_space<hbm>> -> memref<40x128xi32, #tpu.memory_space<hbm>>
      tpu.enqueue_dma source(%dma_start3A_47 : memref<40x128xi32, #tpu.memory_space<hbm>>) target(%arg8 : memref<40x128xi32, #tpu.memory_space<vmem>>) target_semaphore(%run_scoped3A : memref<!tpu.dma_semaphore, #tpu.memory_space<semaphore_mem>>)
      %dma_wait3A = arith.constant 0 : i32
      %dma_wait3A_48 = arith.constant 0 : i32
      %dma_wait3A_49 = tpu.memref_slice %arg4[%add3A, %dma_wait3A, %dma_wait3A_48] : memref<32x80x128xi32, #tpu.memory_space<hbm>> -> memref<1x40x128xi32, #tpu.memory_space<hbm>>
      %dma_wait3A_50 = tpu.memref_squeeze %dma_wait3A_49 : memref<1x40x128xi32, #tpu.memory_space<hbm>> -> memref<40x128xi32, #tpu.memory_space<hbm>>
      %dma_wait3A_51 = arith.constant 0 : i32
      %dma_wait3A_52 = arith.constant 0 : i32
      %dma_wait3A_53 = tpu.memref_slice %arg4[%add3A, %dma_wait3A_51, %dma_wait3A_52] : memref<32x80x128xi32, #tpu.memory_space<hbm>> -> memref<1x40x128xi32, #tpu.memory_space<hbm>>
      %dma_wait3A_54 = tpu.memref_squeeze %dma_wait3A_53 : memref<1x40x128xi32, #tpu.memory_space<hbm>> -> memref<40x128xi32, #tpu.memory_space<hbm>>
      tpu.wait_dma2 semaphore(%run_scoped3A : memref<!tpu.dma_semaphore, #tpu.memory_space<semaphore_mem>>) src(%dma_wait3A_54 : memref<40x128xi32, #tpu.memory_space<hbm>>) dst(%arg8 : memref<40x128xi32, #tpu.memory_space<vmem>>)
      tpu.yield
    }) : () -> ()
    %dma_start3A = arith.constant 0 : i32
    %dma_start3A_7 = arith.constant 0 : i32
    %dma_start3A_8 = tpu.memref_slice %arg7[%dma_start3A, %dma_start3A_7] : memref<40x128xi32, #tpu.memory_space<vmem>> -> memref<1x128xi32, #tpu.memory_space<vmem>>
    %dma_start3A_9 = tpu.memref_squeeze %dma_start3A_8 : memref<1x128xi32, #tpu.memory_space<vmem>> -> memref<128xi32, #tpu.memory_space<vmem>>
    %dma_start3A_10 = arith.constant 0 : i32
    %dma_start3A_11 = arith.constant 0 : i32
    %dma_start3A_12 = tpu.memref_slice %arg2[%dma_start3A_10, %dma_start3A_11] : memref<10000x128xf32, #tpu.memory_space<hbm>> -> memref<10000x128xf32, #tpu.memory_space<hbm>>
    tpu.enqueue_indirect_dma source(%dma_start3A_12 : memref<10000x128xf32, #tpu.memory_space<hbm>>) target(%arg9 : memref<128x128xf32, #tpu.memory_space<vmem>>) offsets(%dma_start3A_9 : memref<128xi32, #tpu.memory_space<vmem>>) semaphore(%arg12 : memref<!tpu.dma_semaphore, #tpu.memory_space<semaphore_mem>>)
    %scan3A = arith.constant 0 : i32
    %scan3A_13 = arith.constant 20 : i32
    %scan3A_14 = arith.addi %scan3A, %scan3A_13 : i32
    %scan3A_15 = arith.constant 1 : i32
    scf.for %scan3A_40 = %scan3A to %scan3A_14 step %scan3A_15  : i32 {
      %mul3A_41 = arith.constant 2 : i32
      %mul3A_42 = arith.muli %scan3A_40, %mul3A_41 : i32
      %add3A_43 = arith.constant 0 : i32
      %add3A_44 = arith.addi %add3A_43, %mul3A_42 : i32
      %add3A_45 = arith.constant 1 : i32
      %add3A_46 = arith.addi %add3A_44, %add3A_45 : i32
      %dma_start3A_47 = arith.constant 0 : i32
      %dma_start3A_48 = tpu.memref_slice %arg7[%add3A_46, %dma_start3A_47] : memref<40x128xi32, #tpu.memory_space<vmem>> -> memref<1x128xi32, #tpu.memory_space<vmem>>
      %dma_start3A_49 = tpu.memref_squeeze %dma_start3A_48 : memref<1x128xi32, #tpu.memory_space<vmem>> -> memref<128xi32, #tpu.memory_space<vmem>>
      %dma_start3A_50 = arith.constant 0 : i32
      %dma_start3A_51 = arith.constant 0 : i32
      %dma_start3A_52 = tpu.memref_slice %arg2[%dma_start3A_50, %dma_start3A_51] : memref<10000x128xf32, #tpu.memory_space<hbm>> -> memref<10000x128xf32, #tpu.memory_space<hbm>>
      tpu.enqueue_indirect_dma source(%dma_start3A_52 : memref<10000x128xf32, #tpu.memory_space<hbm>>) target(%arg10 : memref<128x128xf32, #tpu.memory_space<vmem>>) offsets(%dma_start3A_49 : memref<128xi32, #tpu.memory_space<vmem>>) semaphore(%arg13 : memref<!tpu.dma_semaphore, #tpu.memory_space<semaphore_mem>>)
      %dma_wait3A = arith.constant 0 : i32
      %dma_wait3A_53 = tpu.memref_slice %arg7[%add3A_44, %dma_wait3A] : memref<40x128xi32, #tpu.memory_space<vmem>> -> memref<1x128xi32, #tpu.memory_space<vmem>>
      %dma_wait3A_54 = tpu.memref_squeeze %dma_wait3A_53 : memref<1x128xi32, #tpu.memory_space<vmem>> -> memref<128xi32, #tpu.memory_space<vmem>>
      %dma_wait3A_55 = arith.constant 0 : i32
      %dma_wait3A_56 = arith.constant 0 : i32
      %dma_wait3A_57 = tpu.memref_slice %arg2[%dma_wait3A_55, %dma_wait3A_56] : memref<10000x128xf32, #tpu.memory_space<hbm>> -> memref<10000x128xf32, #tpu.memory_space<hbm>>
      tpu.wait_indirect_dma semaphore(%arg12 : memref<!tpu.dma_semaphore, #tpu.memory_space<semaphore_mem>>) src(%dma_wait3A_57 : memref<10000x128xf32, #tpu.memory_space<hbm>>) dst(%arg9 : memref<128x128xf32, #tpu.memory_space<vmem>>)
      "tpu.region"() ({
        %run_scoped3A = tpu.sem_alloc : memref<!tpu.dma_semaphore, #tpu.memory_space<semaphore_mem>>
        %dma_start3A_75 = arith.constant 0 : i32
        %dma_start3A_76 = tpu.memref_slice %arg8[%add3A_44, %dma_start3A_75] : memref<40x128xi32, #tpu.memory_space<vmem>> -> memref<1x128xi32, #tpu.memory_space<vmem>>
        %dma_start3A_77 = tpu.memref_squeeze %dma_start3A_76 : memref<1x128xi32, #tpu.memory_space<vmem>> -> memref<128xi32, #tpu.memory_space<vmem>>
        %dma_start3A_78 = arith.constant 0 : i32
        %dma_start3A_79 = arith.constant 0 : i32
        %dma_start3A_80 = tpu.memref_slice %arg11[%dma_start3A_78, %dma_start3A_79] : memref<10064x128xf32, #tpu.memory_space<vmem_shared>> -> memref<10064x128xf32, #tpu.memory_space<vmem_shared>>
        tpu.enqueue_indirect_dma source(%arg9 : memref<128x128xf32, #tpu.memory_space<vmem>>) target(%dma_start3A_80 : memref<10064x128xf32, #tpu.memory_space<vmem_shared>>) offsets(%dma_start3A_77 : memref<128xi32, #tpu.memory_space<vmem>>) semaphore(%run_scoped3A : memref<!tpu.dma_semaphore, #tpu.memory_space<semaphore_mem>>) {add = true}
        %dma_wait3A_81 = arith.constant 0 : i32
        %dma_wait3A_82 = tpu.memref_slice %arg8[%add3A_44, %dma_wait3A_81] : memref<40x128xi32, #tpu.memory_space<vmem>> -> memref<1x128xi32, #tpu.memory_space<vmem>>
        %dma_wait3A_83 = tpu.memref_squeeze %dma_wait3A_82 : memref<1x128xi32, #tpu.memory_space<vmem>> -> memref<128xi32, #tpu.memory_space<vmem>>
        %dma_wait3A_84 = arith.constant 0 : i32
        %dma_wait3A_85 = arith.constant 0 : i32
        %dma_wait3A_86 = tpu.memref_slice %arg11[%dma_wait3A_84, %dma_wait3A_85] : memref<10064x128xf32, #tpu.memory_space<vmem_shared>> -> memref<10064x128xf32, #tpu.memory_space<vmem_shared>>
        tpu.wait_indirect_dma semaphore(%run_scoped3A : memref<!tpu.dma_semaphore, #tpu.memory_space<semaphore_mem>>) src(%arg9 : memref<128x128xf32, #tpu.memory_space<vmem>>) dst(%dma_wait3A_86 : memref<10064x128xf32, #tpu.memory_space<vmem_shared>>)
        tpu.yield
      }) : () -> ()
      %add3A_58 = arith.constant 2 : i32
      %add3A_59 = arith.addi %add3A_44, %add3A_58 : i32
      %lt3A_60 = arith.constant 40 : i32
      %lt3A_61 = arith.cmpi slt, %add3A_59, %lt3A_60 : i32
      %convert_element_type3A_62 = arith.extui %lt3A_61 : i1 to i32
      %cond3A_63 = arith.constant 0 : i32
      %cond3A_64 = arith.cmpi ne, %convert_element_type3A_62, %cond3A_63 : i32
      scf.if %cond3A_64 {
        %add3A_75 = arith.constant 2 : i32
        %add3A_76 = arith.addi %add3A_44, %add3A_75 : i32
        %dma_start3A_77 = arith.constant 0 : i32
        %dma_start3A_78 = tpu.memref_slice %arg7[%add3A_76, %dma_start3A_77] : memref<40x128xi32, #tpu.memory_space<vmem>> -> memref<1x128xi32, #tpu.memory_space<vmem>>
        %dma_start3A_79 = tpu.memref_squeeze %dma_start3A_78 : memref<1x128xi32, #tpu.memory_space<vmem>> -> memref<128xi32, #tpu.memory_space<vmem>>
        %dma_start3A_80 = arith.constant 0 : i32
        %dma_start3A_81 = arith.constant 0 : i32
        %dma_start3A_82 = tpu.memref_slice %arg2[%dma_start3A_80, %dma_start3A_81] : memref<10000x128xf32, #tpu.memory_space<hbm>> -> memref<10000x128xf32, #tpu.memory_space<hbm>>
        tpu.enqueue_indirect_dma source(%dma_start3A_82 : memref<10000x128xf32, #tpu.memory_space<hbm>>) target(%arg9 : memref<128x128xf32, #tpu.memory_space<vmem>>) offsets(%dma_start3A_79 : memref<128xi32, #tpu.memory_space<vmem>>) semaphore(%arg12 : memref<!tpu.dma_semaphore, #tpu.memory_space<semaphore_mem>>)
      } else {
      }
      %add3A_65 = arith.constant 1 : i32
      %add3A_66 = arith.addi %add3A_44, %add3A_65 : i32
      %dma_wait3A_67 = arith.constant 0 : i32
      %dma_wait3A_68 = tpu.memref_slice %arg7[%add3A_66, %dma_wait3A_67] : memref<40x128xi32, #tpu.memory_space<vmem>> -> memref<1x128xi32, #tpu.memory_space<vmem>>
      %dma_wait3A_69 = tpu.memref_squeeze %dma_wait3A_68 : memref<1x128xi32, #tpu.memory_space<vmem>> -> memref<128xi32, #tpu.memory_space<vmem>>
      %dma_wait3A_70 = arith.constant 0 : i32
      %dma_wait3A_71 = arith.constant 0 : i32
      %dma_wait3A_72 = tpu.memref_slice %arg2[%dma_wait3A_70, %dma_wait3A_71] : memref<10000x128xf32, #tpu.memory_space<hbm>> -> memref<10000x128xf32, #tpu.memory_space<hbm>>
      tpu.wait_indirect_dma semaphore(%arg13 : memref<!tpu.dma_semaphore, #tpu.memory_space<semaphore_mem>>) src(%dma_wait3A_72 : memref<10000x128xf32, #tpu.memory_space<hbm>>) dst(%arg10 : memref<128x128xf32, #tpu.memory_space<vmem>>)
      %add3A_73 = arith.constant 1 : i32
      %add3A_74 = arith.addi %add3A_44, %add3A_73 : i32
      "tpu.region"() ({
        %run_scoped3A = tpu.sem_alloc : memref<!tpu.dma_semaphore, #tpu.memory_space<semaphore_mem>>
        %dma_start3A_75 = arith.constant 0 : i32
        %dma_start3A_76 = tpu.memref_slice %arg8[%add3A_74, %dma_start3A_75] : memref<40x128xi32, #tpu.memory_space<vmem>> -> memref<1x128xi32, #tpu.memory_space<vmem>>
        %dma_start3A_77 = tpu.memref_squeeze %dma_start3A_76 : memref<1x128xi32, #tpu.memory_space<vmem>> -> memref<128xi32, #tpu.memory_space<vmem>>
        %dma_start3A_78 = arith.constant 0 : i32
        %dma_start3A_79 = arith.constant 0 : i32
        %dma_start3A_80 = tpu.memref_slice %arg11[%dma_start3A_78, %dma_start3A_79] : memref<10064x128xf32, #tpu.memory_space<vmem_shared>> -> memref<10064x128xf32, #tpu.memory_space<vmem_shared>>
        tpu.enqueue_indirect_dma source(%arg10 : memref<128x128xf32, #tpu.memory_space<vmem>>) target(%dma_start3A_80 : memref<10064x128xf32, #tpu.memory_space<vmem_shared>>) offsets(%dma_start3A_77 : memref<128xi32, #tpu.memory_space<vmem>>) semaphore(%run_scoped3A : memref<!tpu.dma_semaphore, #tpu.memory_space<semaphore_mem>>) {add = true}
        %dma_wait3A_81 = arith.constant 0 : i32
        %dma_wait3A_82 = tpu.memref_slice %arg8[%add3A_74, %dma_wait3A_81] : memref<40x128xi32, #tpu.memory_space<vmem>> -> memref<1x128xi32, #tpu.memory_space<vmem>>
        %dma_wait3A_83 = tpu.memref_squeeze %dma_wait3A_82 : memref<1x128xi32, #tpu.memory_space<vmem>> -> memref<128xi32, #tpu.memory_space<vmem>>
        %dma_wait3A_84 = arith.constant 0 : i32
        %dma_wait3A_85 = arith.constant 0 : i32
        %dma_wait3A_86 = tpu.memref_slice %arg11[%dma_wait3A_84, %dma_wait3A_85] : memref<10064x128xf32, #tpu.memory_space<vmem_shared>> -> memref<10064x128xf32, #tpu.memory_space<vmem_shared>>
        tpu.wait_indirect_dma semaphore(%run_scoped3A : memref<!tpu.dma_semaphore, #tpu.memory_space<semaphore_mem>>) src(%arg10 : memref<128x128xf32, #tpu.memory_space<vmem>>) dst(%dma_wait3A_86 : memref<10064x128xf32, #tpu.memory_space<vmem_shared>>)
        tpu.yield
      }) : () -> ()
    }
    %scan3A_16 = arith.constant 20 : i32
    "tpu.region"() ({
      %run_scoped3A = tpu.sem_alloc : memref<!tpu.dma_semaphore, #tpu.memory_space<semaphore_mem>>
      %dma_start3A_40 = arith.constant 40 : i32
      %dma_start3A_41 = arith.constant 0 : i32
      %dma_start3A_42 = tpu.memref_slice %arg3[%add3A, %dma_start3A_40, %dma_start3A_41] : memref<32x80x128xi32, #tpu.memory_space<hbm>> -> memref<1x40x128xi32, #tpu.memory_space<hbm>>
      %dma_start3A_43 = tpu.memref_squeeze %dma_start3A_42 : memref<1x40x128xi32, #tpu.memory_space<hbm>> -> memref<40x128xi32, #tpu.memory_space<hbm>>
      %dma_start3A_44 = arith.constant 40 : i32
      %dma_start3A_45 = arith.constant 0 : i32
      %dma_start3A_46 = tpu.memref_slice %arg3[%add3A, %dma_start3A_44, %dma_start3A_45] : memref<32x80x128xi32, #tpu.memory_space<hbm>> -> memref<1x40x128xi32, #tpu.memory_space<hbm>>
      %dma_start3A_47 = tpu.memref_squeeze %dma_start3A_46 : memref<1x40x128xi32, #tpu.memory_space<hbm>> -> memref<40x128xi32, #tpu.memory_space<hbm>>
      tpu.enqueue_dma source(%dma_start3A_47 : memref<40x128xi32, #tpu.memory_space<hbm>>) target(%arg7 : memref<40x128xi32, #tpu.memory_space<vmem>>) target_semaphore(%run_scoped3A : memref<!tpu.dma_semaphore, #tpu.memory_space<semaphore_mem>>)
      %dma_wait3A = arith.constant 40 : i32
      %dma_wait3A_48 = arith.constant 0 : i32
      %dma_wait3A_49 = tpu.memref_slice %arg3[%add3A, %dma_wait3A, %dma_wait3A_48] : memref<32x80x128xi32, #tpu.memory_space<hbm>> -> memref<1x40x128xi32, #tpu.memory_space<hbm>>
      %dma_wait3A_50 = tpu.memref_squeeze %dma_wait3A_49 : memref<1x40x128xi32, #tpu.memory_space<hbm>> -> memref<40x128xi32, #tpu.memory_space<hbm>>
      %dma_wait3A_51 = arith.constant 40 : i32
      %dma_wait3A_52 = arith.constant 0 : i32
      %dma_wait3A_53 = tpu.memref_slice %arg3[%add3A, %dma_wait3A_51, %dma_wait3A_52] : memref<32x80x128xi32, #tpu.memory_space<hbm>> -> memref<1x40x128xi32, #tpu.memory_space<hbm>>
      %dma_wait3A_54 = tpu.memref_squeeze %dma_wait3A_53 : memref<1x40x128xi32, #tpu.memory_space<hbm>> -> memref<40x128xi32, #tpu.memory_space<hbm>>
      tpu.wait_dma2 semaphore(%run_scoped3A : memref<!tpu.dma_semaphore, #tpu.memory_space<semaphore_mem>>) src(%dma_wait3A_54 : memref<40x128xi32, #tpu.memory_space<hbm>>) dst(%arg7 : memref<40x128xi32, #tpu.memory_space<vmem>>)
      tpu.yield
    }) : () -> ()
    "tpu.region"() ({
      %run_scoped3A = tpu.sem_alloc : memref<!tpu.dma_semaphore, #tpu.memory_space<semaphore_mem>>
      %dma_start3A_40 = arith.constant 40 : i32
      %dma_start3A_41 = arith.constant 0 : i32
      %dma_start3A_42 = tpu.memref_slice %arg4[%add3A, %dma_start3A_40, %dma_start3A_41] : memref<32x80x128xi32, #tpu.memory_space<hbm>> -> memref<1x40x128xi32, #tpu.memory_space<hbm>>
      %dma_start3A_43 = tpu.memref_squeeze %dma_start3A_42 : memref<1x40x128xi32, #tpu.memory_space<hbm>> -> memref<40x128xi32, #tpu.memory_space<hbm>>
      %dma_start3A_44 = arith.constant 40 : i32
      %dma_start3A_45 = arith.constant 0 : i32
      %dma_start3A_46 = tpu.memref_slice %arg4[%add3A, %dma_start3A_44, %dma_start3A_45] : memref<32x80x128xi32, #tpu.memory_space<hbm>> -> memref<1x40x128xi32, #tpu.memory_space<hbm>>
      %dma_start3A_47 = tpu.memref_squeeze %dma_start3A_46 : memref<1x40x128xi32, #tpu.memory_space<hbm>> -> memref<40x128xi32, #tpu.memory_space<hbm>>
      tpu.enqueue_dma source(%dma_start3A_47 : memref<40x128xi32, #tpu.memory_space<hbm>>) target(%arg8 : memref<40x128xi32, #tpu.memory_space<vmem>>) target_semaphore(%run_scoped3A : memref<!tpu.dma_semaphore, #tpu.memory_space<semaphore_mem>>)
      %dma_wait3A = arith.constant 40 : i32
      %dma_wait3A_48 = arith.constant 0 : i32
      %dma_wait3A_49 = tpu.memref_slice %arg4[%add3A, %dma_wait3A, %dma_wait3A_48] : memref<32x80x128xi32, #tpu.memory_space<hbm>> -> memref<1x40x128xi32, #tpu.memory_space<hbm>>
      %dma_wait3A_50 = tpu.memref_squeeze %dma_wait3A_49 : memref<1x40x128xi32, #tpu.memory_space<hbm>> -> memref<40x128xi32, #tpu.memory_space<hbm>>
      %dma_wait3A_51 = arith.constant 40 : i32
      %dma_wait3A_52 = arith.constant 0 : i32
      %dma_wait3A_53 = tpu.memref_slice %arg4[%add3A, %dma_wait3A_51, %dma_wait3A_52] : memref<32x80x128xi32, #tpu.memory_space<hbm>> -> memref<1x40x128xi32, #tpu.memory_space<hbm>>
      %dma_wait3A_54 = tpu.memref_squeeze %dma_wait3A_53 : memref<1x40x128xi32, #tpu.memory_space<hbm>> -> memref<40x128xi32, #tpu.memory_space<hbm>>
      tpu.wait_dma2 semaphore(%run_scoped3A : memref<!tpu.dma_semaphore, #tpu.memory_space<semaphore_mem>>) src(%dma_wait3A_54 : memref<40x128xi32, #tpu.memory_space<hbm>>) dst(%arg8 : memref<40x128xi32, #tpu.memory_space<vmem>>)
      tpu.yield
    }) : () -> ()
    %dma_start3A_17 = arith.constant 0 : i32
    %dma_start3A_18 = arith.constant 0 : i32
    %dma_start3A_19 = tpu.memref_slice %arg7[%dma_start3A_17, %dma_start3A_18] : memref<40x128xi32, #tpu.memory_space<vmem>> -> memref<1x128xi32, #tpu.memory_space<vmem>>
    %dma_start3A_20 = tpu.memref_squeeze %dma_start3A_19 : memref<1x128xi32, #tpu.memory_space<vmem>> -> memref<128xi32, #tpu.memory_space<vmem>>
    %dma_start3A_21 = arith.constant 0 : i32
    %dma_start3A_22 = arith.constant 0 : i32
    %dma_start3A_23 = tpu.memref_slice %arg2[%dma_start3A_21, %dma_start3A_22] : memref<10000x128xf32, #tpu.memory_space<hbm>> -> memref<10000x128xf32, #tpu.memory_space<hbm>>
    tpu.enqueue_indirect_dma source(%dma_start3A_23 : memref<10000x128xf32, #tpu.memory_space<hbm>>) target(%arg9 : memref<128x128xf32, #tpu.memory_space<vmem>>) offsets(%dma_start3A_20 : memref<128xi32, #tpu.memory_space<vmem>>) semaphore(%arg12 : memref<!tpu.dma_semaphore, #tpu.memory_space<semaphore_mem>>)
    %scan3A_24 = arith.constant 0 : i32
    %scan3A_25 = arith.constant 20 : i32
    %scan3A_26 = arith.addi %scan3A_24, %scan3A_25 : i32
    %scan3A_27 = arith.constant 1 : i32
    scf.for %scan3A_40 = %scan3A_24 to %scan3A_26 step %scan3A_27  : i32 {
      %mul3A_41 = arith.constant 2 : i32
      %mul3A_42 = arith.muli %scan3A_40, %mul3A_41 : i32
      %add3A_43 = arith.constant 0 : i32
      %add3A_44 = arith.addi %add3A_43, %mul3A_42 : i32
      %add3A_45 = arith.constant 1 : i32
      %add3A_46 = arith.addi %add3A_44, %add3A_45 : i32
      %dma_start3A_47 = arith.constant 0 : i32
      %dma_start3A_48 = tpu.memref_slice %arg7[%add3A_46, %dma_start3A_47] : memref<40x128xi32, #tpu.memory_space<vmem>> -> memref<1x128xi32, #tpu.memory_space<vmem>>
      %dma_start3A_49 = tpu.memref_squeeze %dma_start3A_48 : memref<1x128xi32, #tpu.memory_space<vmem>> -> memref<128xi32, #tpu.memory_space<vmem>>
      %dma_start3A_50 = arith.constant 0 : i32
      %dma_start3A_51 = arith.constant 0 : i32
      %dma_start3A_52 = tpu.memref_slice %arg2[%dma_start3A_50, %dma_start3A_51] : memref<10000x128xf32, #tpu.memory_space<hbm>> -> memref<10000x128xf32, #tpu.memory_space<hbm>>
      tpu.enqueue_indirect_dma source(%dma_start3A_52 : memref<10000x128xf32, #tpu.memory_space<hbm>>) target(%arg10 : memref<128x128xf32, #tpu.memory_space<vmem>>) offsets(%dma_start3A_49 : memref<128xi32, #tpu.memory_space<vmem>>) semaphore(%arg13 : memref<!tpu.dma_semaphore, #tpu.memory_space<semaphore_mem>>)
      %dma_wait3A = arith.constant 0 : i32
      %dma_wait3A_53 = tpu.memref_slice %arg7[%add3A_44, %dma_wait3A] : memref<40x128xi32, #tpu.memory_space<vmem>> -> memref<1x128xi32, #tpu.memory_space<vmem>>
      %dma_wait3A_54 = tpu.memref_squeeze %dma_wait3A_53 : memref<1x128xi32, #tpu.memory_space<vmem>> -> memref<128xi32, #tpu.memory_space<vmem>>
      %dma_wait3A_55 = arith.constant 0 : i32
      %dma_wait3A_56 = arith.constant 0 : i32
      %dma_wait3A_57 = tpu.memref_slice %arg2[%dma_wait3A_55, %dma_wait3A_56] : memref<10000x128xf32, #tpu.memory_space<hbm>> -> memref<10000x128xf32, #tpu.memory_space<hbm>>
      tpu.wait_indirect_dma semaphore(%arg12 : memref<!tpu.dma_semaphore, #tpu.memory_space<semaphore_mem>>) src(%dma_wait3A_57 : memref<10000x128xf32, #tpu.memory_space<hbm>>) dst(%arg9 : memref<128x128xf32, #tpu.memory_space<vmem>>)
      "tpu.region"() ({
        %run_scoped3A = tpu.sem_alloc : memref<!tpu.dma_semaphore, #tpu.memory_space<semaphore_mem>>
        %dma_start3A_75 = arith.constant 0 : i32
        %dma_start3A_76 = tpu.memref_slice %arg8[%add3A_44, %dma_start3A_75] : memref<40x128xi32, #tpu.memory_space<vmem>> -> memref<1x128xi32, #tpu.memory_space<vmem>>
        %dma_start3A_77 = tpu.memref_squeeze %dma_start3A_76 : memref<1x128xi32, #tpu.memory_space<vmem>> -> memref<128xi32, #tpu.memory_space<vmem>>
        %dma_start3A_78 = arith.constant 0 : i32
        %dma_start3A_79 = arith.constant 0 : i32
        %dma_start3A_80 = tpu.memref_slice %arg11[%dma_start3A_78, %dma_start3A_79] : memref<10064x128xf32, #tpu.memory_space<vmem_shared>> -> memref<10064x128xf32, #tpu.memory_space<vmem_shared>>
        tpu.enqueue_indirect_dma source(%arg9 : memref<128x128xf32, #tpu.memory_space<vmem>>) target(%dma_start3A_80 : memref<10064x128xf32, #tpu.memory_space<vmem_shared>>) offsets(%dma_start3A_77 : memref<128xi32, #tpu.memory_space<vmem>>) semaphore(%run_scoped3A : memref<!tpu.dma_semaphore, #tpu.memory_space<semaphore_mem>>) {add = true}
        %dma_wait3A_81 = arith.constant 0 : i32
        %dma_wait3A_82 = tpu.memref_slice %arg8[%add3A_44, %dma_wait3A_81] : memref<40x128xi32, #tpu.memory_space<vmem>> -> memref<1x128xi32, #tpu.memory_space<vmem>>
        %dma_wait3A_83 = tpu.memref_squeeze %dma_wait3A_82 : memref<1x128xi32, #tpu.memory_space<vmem>> -> memref<128xi32, #tpu.memory_space<vmem>>
        %dma_wait3A_84 = arith.constant 0 : i32
        %dma_wait3A_85 = arith.constant 0 : i32
        %dma_wait3A_86 = tpu.memref_slice %arg11[%dma_wait3A_84, %dma_wait3A_85] : memref<10064x128xf32, #tpu.memory_space<vmem_shared>> -> memref<10064x128xf32, #tpu.memory_space<vmem_shared>>
        tpu.wait_indirect_dma semaphore(%run_scoped3A : memref<!tpu.dma_semaphore, #tpu.memory_space<semaphore_mem>>) src(%arg9 : memref<128x128xf32, #tpu.memory_space<vmem>>) dst(%dma_wait3A_86 : memref<10064x128xf32, #tpu.memory_space<vmem_shared>>)
        tpu.yield
      }) : () -> ()
      %add3A_58 = arith.constant 2 : i32
      %add3A_59 = arith.addi %add3A_44, %add3A_58 : i32
      %lt3A_60 = arith.constant 40 : i32
      %lt3A_61 = arith.cmpi slt, %add3A_59, %lt3A_60 : i32
      %convert_element_type3A_62 = arith.extui %lt3A_61 : i1 to i32
      %cond3A_63 = arith.constant 0 : i32
      %cond3A_64 = arith.cmpi ne, %convert_element_type3A_62, %cond3A_63 : i32
      scf.if %cond3A_64 {
        %add3A_75 = arith.constant 2 : i32
        %add3A_76 = arith.addi %add3A_44, %add3A_75 : i32
        %dma_start3A_77 = arith.constant 0 : i32
        %dma_start3A_78 = tpu.memref_slice %arg7[%add3A_76, %dma_start3A_77] : memref<40x128xi32, #tpu.memory_space<vmem>> -> memref<1x128xi32, #tpu.memory_space<vmem>>
        %dma_start3A_79 = tpu.memref_squeeze %dma_start3A_78 : memref<1x128xi32, #tpu.memory_space<vmem>> -> memref<128xi32, #tpu.memory_space<vmem>>
        %dma_start3A_80 = arith.constant 0 : i32
        %dma_start3A_81 = arith.constant 0 : i32
        %dma_start3A_82 = tpu.memref_slice %arg2[%dma_start3A_80, %dma_start3A_81] : memref<10000x128xf32, #tpu.memory_space<hbm>> -> memref<10000x128xf32, #tpu.memory_space<hbm>>
        tpu.enqueue_indirect_dma source(%dma_start3A_82 : memref<10000x128xf32, #tpu.memory_space<hbm>>) target(%arg9 : memref<128x128xf32, #tpu.memory_space<vmem>>) offsets(%dma_start3A_79 : memref<128xi32, #tpu.memory_space<vmem>>) semaphore(%arg12 : memref<!tpu.dma_semaphore, #tpu.memory_space<semaphore_mem>>)
      } else {
      }
      %add3A_65 = arith.constant 1 : i32
      %add3A_66 = arith.addi %add3A_44, %add3A_65 : i32
      %dma_wait3A_67 = arith.constant 0 : i32
      %dma_wait3A_68 = tpu.memref_slice %arg7[%add3A_66, %dma_wait3A_67] : memref<40x128xi32, #tpu.memory_space<vmem>> -> memref<1x128xi32, #tpu.memory_space<vmem>>
      %dma_wait3A_69 = tpu.memref_squeeze %dma_wait3A_68 : memref<1x128xi32, #tpu.memory_space<vmem>> -> memref<128xi32, #tpu.memory_space<vmem>>
      %dma_wait3A_70 = arith.constant 0 : i32
      %dma_wait3A_71 = arith.constant 0 : i32
      %dma_wait3A_72 = tpu.memref_slice %arg2[%dma_wait3A_70, %dma_wait3A_71] : memref<10000x128xf32, #tpu.memory_space<hbm>> -> memref<10000x128xf32, #tpu.memory_space<hbm>>
      tpu.wait_indirect_dma semaphore(%arg13 : memref<!tpu.dma_semaphore, #tpu.memory_space<semaphore_mem>>) src(%dma_wait3A_72 : memref<10000x128xf32, #tpu.memory_space<hbm>>) dst(%arg10 : memref<128x128xf32, #tpu.memory_space<vmem>>)
      %add3A_73 = arith.constant 1 : i32
      %add3A_74 = arith.addi %add3A_44, %add3A_73 : i32
      "tpu.region"() ({
        %run_scoped3A = tpu.sem_alloc : memref<!tpu.dma_semaphore, #tpu.memory_space<semaphore_mem>>
        %dma_start3A_75 = arith.constant 0 : i32
        %dma_start3A_76 = tpu.memref_slice %arg8[%add3A_74, %dma_start3A_75] : memref<40x128xi32, #tpu.memory_space<vmem>> -> memref<1x128xi32, #tpu.memory_space<vmem>>
        %dma_start3A_77 = tpu.memref_squeeze %dma_start3A_76 : memref<1x128xi32, #tpu.memory_space<vmem>> -> memref<128xi32, #tpu.memory_space<vmem>>
        %dma_start3A_78 = arith.constant 0 : i32
        %dma_start3A_79 = arith.constant 0 : i32
        %dma_start3A_80 = tpu.memref_slice %arg11[%dma_start3A_78, %dma_start3A_79] : memref<10064x128xf32, #tpu.memory_space<vmem_shared>> -> memref<10064x128xf32, #tpu.memory_space<vmem_shared>>
        tpu.enqueue_indirect_dma source(%arg10 : memref<128x128xf32, #tpu.memory_space<vmem>>) target(%dma_start3A_80 : memref<10064x128xf32, #tpu.memory_space<vmem_shared>>) offsets(%dma_start3A_77 : memref<128xi32, #tpu.memory_space<vmem>>) semaphore(%run_scoped3A : memref<!tpu.dma_semaphore, #tpu.memory_space<semaphore_mem>>) {add = true}
        %dma_wait3A_81 = arith.constant 0 : i32
        %dma_wait3A_82 = tpu.memref_slice %arg8[%add3A_74, %dma_wait3A_81] : memref<40x128xi32, #tpu.memory_space<vmem>> -> memref<1x128xi32, #tpu.memory_space<vmem>>
        %dma_wait3A_83 = tpu.memref_squeeze %dma_wait3A_82 : memref<1x128xi32, #tpu.memory_space<vmem>> -> memref<128xi32, #tpu.memory_space<vmem>>
        %dma_wait3A_84 = arith.constant 0 : i32
        %dma_wait3A_85 = arith.constant 0 : i32
        %dma_wait3A_86 = tpu.memref_slice %arg11[%dma_wait3A_84, %dma_wait3A_85] : memref<10064x128xf32, #tpu.memory_space<vmem_shared>> -> memref<10064x128xf32, #tpu.memory_space<vmem_shared>>
        tpu.wait_indirect_dma semaphore(%run_scoped3A : memref<!tpu.dma_semaphore, #tpu.memory_space<semaphore_mem>>) src(%arg10 : memref<128x128xf32, #tpu.memory_space<vmem>>) dst(%dma_wait3A_86 : memref<10064x128xf32, #tpu.memory_space<vmem_shared>>)
        tpu.yield
      }) : () -> ()
    }
    %scan3A_28 = arith.constant 20 : i32
    %barrier3A_29 = arith.constant 0 : index
    tpu.barrier barrier_id(%barrier3A_29)
    %lt3A_30 = arith.constant 15 : i32
    %lt3A_31 = arith.cmpi slt, %arg1, %lt3A_30 : i32
    %convert_element_type3A_32 = arith.extui %lt3A_31 : i1 to i32
    %cond3A_33 = arith.constant 0 : i32
    %cond3A_34 = arith.cmpi ne, %convert_element_type3A_32, %cond3A_33 : i32
    scf.if %cond3A_34 {
      %mul3A_40 = arith.constant 632 : i32
      %mul3A_41 = arith.muli %arg1, %mul3A_40 : i32
      "tpu.region"() ({
        %run_scoped3A = tpu.sem_alloc : memref<!tpu.dma_semaphore, #tpu.memory_space<semaphore_mem>>
        %dma_start3A_42 = arith.constant 0 : i32
        %dma_start3A_43 = arith.constant 0 : i32
        %dma_start3A_44 = tpu.memref_slice %arg6[%arg0, %dma_start3A_42, %dma_start3A_43] : memref<2x10000x128xf32, #tpu.memory_space<hbm>> -> memref<1x10000x128xf32, #tpu.memory_space<hbm>>
        %dma_start3A_45 = tpu.memref_squeeze %dma_start3A_44 : memref<1x10000x128xf32, #tpu.memory_space<hbm>> -> memref<10000x128xf32, #tpu.memory_space<hbm>>
        %dma_start3A_46 = arith.constant 0 : i32
        %dma_start3A_47 = tpu.memref_slice %dma_start3A_45[%mul3A_41, %dma_start3A_46] : memref<10000x128xf32, #tpu.memory_space<hbm>> -> memref<632x128xf32, #tpu.memory_space<hbm>>
        %dma_start3A_48 = arith.constant 0 : i32
        %dma_start3A_49 = tpu.memref_slice %arg11[%mul3A_41, %dma_start3A_48] : memref<10064x128xf32, #tpu.memory_space<vmem_shared>> -> memref<632x128xf32, #tpu.memory_space<vmem_shared>>
        tpu.enqueue_dma source(%dma_start3A_49 : memref<632x128xf32, #tpu.memory_space<vmem_shared>>) target(%dma_start3A_47 : memref<632x128xf32, #tpu.memory_space<hbm>>) target_semaphore(%run_scoped3A : memref<!tpu.dma_semaphore, #tpu.memory_space<semaphore_mem>>)
        %dma_wait3A = arith.constant 0 : i32
        %dma_wait3A_50 = arith.constant 0 : i32
        %dma_wait3A_51 = tpu.memref_slice %arg6[%arg0, %dma_wait3A, %dma_wait3A_50] : memref<2x10000x128xf32, #tpu.memory_space<hbm>> -> memref<1x10000x128xf32, #tpu.memory_space<hbm>>
        %dma_wait3A_52 = tpu.memref_squeeze %dma_wait3A_51 : memref<1x10000x128xf32, #tpu.memory_space<hbm>> -> memref<10000x128xf32, #tpu.memory_space<hbm>>
        %dma_wait3A_53 = arith.constant 0 : i32
        %dma_wait3A_54 = tpu.memref_slice %dma_wait3A_52[%mul3A_41, %dma_wait3A_53] : memref<10000x128xf32, #tpu.memory_space<hbm>> -> memref<632x128xf32, #tpu.memory_space<hbm>>
        %dma_wait3A_55 = arith.constant 0 : i32
        %dma_wait3A_56 = tpu.memref_slice %arg11[%mul3A_41, %dma_wait3A_55] : memref<10064x128xf32, #tpu.memory_space<vmem_shared>> -> memref<632x128xf32, #tpu.memory_space<vmem_shared>>
        tpu.wait_dma2 semaphore(%run_scoped3A : memref<!tpu.dma_semaphore, #tpu.memory_space<semaphore_mem>>) src(%dma_wait3A_56 : memref<632x128xf32, #tpu.memory_space<vmem_shared>>) dst(%dma_wait3A_54 : memref<632x128xf32, #tpu.memory_space<hbm>>)
        tpu.yield
      }) : () -> ()
    } else {
    }
    %eq3A_35 = arith.constant 15 : i32
    %eq3A_36 = arith.cmpi eq, %arg1, %eq3A_35 : i32
    %convert_element_type3A_37 = arith.extui %eq3A_36 : i1 to i32
    %cond3A_38 = arith.constant 0 : i32
    %cond3A_39 = arith.cmpi ne, %convert_element_type3A_37, %cond3A_38 : i32
    scf.if %cond3A_39 {
      "tpu.region"() ({
        %run_scoped3A = tpu.sem_alloc : memref<!tpu.dma_semaphore, #tpu.memory_space<semaphore_mem>>
        %dma_start3A_40 = arith.constant 0 : i32
        %dma_start3A_41 = arith.constant 0 : i32
        %dma_start3A_42 = tpu.memref_slice %arg6[%arg0, %dma_start3A_40, %dma_start3A_41] : memref<2x10000x128xf32, #tpu.memory_space<hbm>> -> memref<1x10000x128xf32, #tpu.memory_space<hbm>>
        %dma_start3A_43 = tpu.memref_squeeze %dma_start3A_42 : memref<1x10000x128xf32, #tpu.memory_space<hbm>> -> memref<10000x128xf32, #tpu.memory_space<hbm>>
        %dma_start3A_44 = arith.constant 9480 : i32
        %dma_start3A_45 = arith.constant 0 : i32
        %dma_start3A_46 = tpu.memref_slice %dma_start3A_43[%dma_start3A_44, %dma_start3A_45] : memref<10000x128xf32, #tpu.memory_space<hbm>> -> memref<520x128xf32, #tpu.memory_space<hbm>>
        %dma_start3A_47 = arith.constant 9480 : i32
        %dma_start3A_48 = arith.constant 0 : i32
        %dma_start3A_49 = tpu.memref_slice %arg11[%dma_start3A_47, %dma_start3A_48] : memref<10064x128xf32, #tpu.memory_space<vmem_shared>> -> memref<520x128xf32, #tpu.memory_space<vmem_shared>>
        tpu.enqueue_dma source(%dma_start3A_49 : memref<520x128xf32, #tpu.memory_space<vmem_shared>>) target(%dma_start3A_46 : memref<520x128xf32, #tpu.memory_space<hbm>>) target_semaphore(%run_scoped3A : memref<!tpu.dma_semaphore, #tpu.memory_space<semaphore_mem>>)
        %dma_wait3A = arith.constant 0 : i32
        %dma_wait3A_50 = arith.constant 0 : i32
        %dma_wait3A_51 = tpu.memref_slice %arg6[%arg0, %dma_wait3A, %dma_wait3A_50] : memref<2x10000x128xf32, #tpu.memory_space<hbm>> -> memref<1x10000x128xf32, #tpu.memory_space<hbm>>
        %dma_wait3A_52 = tpu.memref_squeeze %dma_wait3A_51 : memref<1x10000x128xf32, #tpu.memory_space<hbm>> -> memref<10000x128xf32, #tpu.memory_space<hbm>>
        %dma_wait3A_53 = arith.constant 9480 : i32
        %dma_wait3A_54 = arith.constant 0 : i32
        %dma_wait3A_55 = tpu.memref_slice %dma_wait3A_52[%dma_wait3A_53, %dma_wait3A_54] : memref<10000x128xf32, #tpu.memory_space<hbm>> -> memref<520x128xf32, #tpu.memory_space<hbm>>
        %dma_wait3A_56 = arith.constant 9480 : i32
        %dma_wait3A_57 = arith.constant 0 : i32
        %dma_wait3A_58 = tpu.memref_slice %arg11[%dma_wait3A_56, %dma_wait3A_57] : memref<10064x128xf32, #tpu.memory_space<vmem_shared>> -> memref<520x128xf32, #tpu.memory_space<vmem_shared>>
        tpu.wait_dma2 semaphore(%run_scoped3A : memref<!tpu.dma_semaphore, #tpu.memory_space<semaphore_mem>>) src(%dma_wait3A_58 : memref<520x128xf32, #tpu.memory_space<vmem_shared>>) dst(%dma_wait3A_55 : memref<520x128xf32, #tpu.memory_space<hbm>>)
        tpu.yield
      }) : () -> ()
    } else {
    }
    return
  }
}

#map = affine_map<(d0, d1) -> (0, 0)>
#map1 = affine_map<(d0, d1) -> (0, 0, 0)>
module attributes {stable_mosaic.version = 14 : i64} {
  func.func @scatter_kernel(%arg0: i32, %arg1: i32, %arg2: memref<10000x128xf32, #tpu.memory_space<hbm>>, %arg3: memref<32x80x128xi32, #tpu.memory_space<hbm>>, %arg4: memref<32x80x128xi32, #tpu.memory_space<hbm>>, %arg5: memref<10000x128xf32, #tpu.memory_space<hbm>>, %arg6: memref<2x10000x128xf32, #tpu.memory_space<hbm>>, %arg7: memref<40x128xi32, #tpu.memory_space<vmem>>, %arg8: memref<40x128xi32, #tpu.memory_space<vmem>>, %arg9: memref<128x128xf32, #tpu.memory_space<vmem>>, %arg10: memref<128x128xf32, #tpu.memory_space<vmem>>, %arg11: memref<10064x128xf32, #tpu.memory_space<vmem_shared>>, %arg12: memref<!tpu.dma_semaphore, #tpu.memory_space<semaphore_mem>>, %arg13: memref<!tpu.dma_semaphore, #tpu.memory_space<semaphore_mem>>) attributes {dimension_semantics = [#tpu.dimension_semantics<core_parallel>, #tpu.dimension_semantics<subcore_parallel>], iteration_bounds = array<i64: 2, 16>, scalar_prefetch = 0 : i64, scratch_operands = 7 : i64, tpu.core_type = #tpu.core_type<sc_vector_subcore>, window_params = [{transform_indices = #map}, {transform_indices = #map1}, {transform_indices = #map1}, {transform_indices = #map}, {transform_indices = #map1}]} {
    %mul3A = arith.constant 16 : i32
    %mul3A_0 = arith.muli %arg0, %mul3A : i32
    %add3A = arith.addi %mul3A_0, %arg1 : i32
    %lt3A = arith.constant 15 : i32
    %lt3A_1 = arith.cmpi slt, %arg1, %lt3A : i32
    %convert_element_type3A = arith.extui %lt3A_1 : i1 to i32
    %cond3A = arith.constant 0 : i32
    %cond3A_2 = arith.cmpi ne, %convert_element_type3A, %cond3A : i32
    scf.if %cond3A_2 {
      %mul3A_40 = arith.constant 632 : i32
      %mul3A_41 = arith.muli %arg1, %mul3A_40 : i32
      "tpu.region"() ({
        %run_scoped3A = tpu.sem_alloc : memref<!tpu.dma_semaphore, #tpu.memory_space<semaphore_mem>>
        %dma_start3A_42 = arith.constant 0 : i32
        %dma_start3A_43 = tpu.memref_slice %arg11[%mul3A_41, %dma_start3A_42] : memref<10064x128xf32, #tpu.memory_space<vmem_shared>> -> memref<632x128xf32, #tpu.memory_space<vmem_shared>>
        %dma_start3A_44 = arith.constant 0 : i32
        %dma_start3A_45 = tpu.memref_slice %arg5[%mul3A_41, %dma_start3A_44] : memref<10000x128xf32, #tpu.memory_space<hbm>> -> memref<632x128xf32, #tpu.memory_space<hbm>>
        tpu.enqueue_dma source(%dma_start3A_45 : memref<632x128xf32, #tpu.memory_space<hbm>>) target(%dma_start3A_43 : memref<632x128xf32, #tpu.memory_space<vmem_shared>>) target_semaphore(%run_scoped3A : memref<!tpu.dma_semaphore, #tpu.memory_space<semaphore_mem>>)
        %dma_wait3A = arith.constant 0 : i32
        %dma_wait3A_46 = tpu.memref_slice %arg11[%mul3A_41, %dma_wait3A] : memref<10064x128xf32, #tpu.memory_space<vmem_shared>> -> memref<632x128xf32, #tpu.memory_space<vmem_shared>>
        %dma_wait3A_47 = arith.constant 0 : i32
        %dma_wait3A_48 = tpu.memref_slice %arg5[%mul3A_41, %dma_wait3A_47] : memref<10000x128xf32, #tpu.memory_space<hbm>> -> memref<632x128xf32, #tpu.memory_space<hbm>>
        tpu.wait_dma2 semaphore(%run_scoped3A : memref<!tpu.dma_semaphore, #tpu.memory_space<semaphore_mem>>) src(%dma_wait3A_48 : memref<632x128xf32, #tpu.memory_space<hbm>>) dst(%dma_wait3A_46 : memref<632x128xf32, #tpu.memory_space<vmem_shared>>)
        tpu.yield
      }) : () -> ()
    } else {
    }
    %eq3A = arith.constant 15 : i32
    %eq3A_3 = arith.cmpi eq, %arg1, %eq3A : i32
    %convert_element_type3A_4 = arith.extui %eq3A_3 : i1 to i32
    %cond3A_5 = arith.constant 0 : i32
    %cond3A_6 = arith.cmpi ne, %convert_element_type3A_4, %cond3A_5 : i32
    scf.if %cond3A_6 {
      "tpu.region"() ({
        %run_scoped3A = tpu.sem_alloc : memref<!tpu.dma_semaphore, #tpu.memory_space<semaphore_mem>>
        %dma_start3A_40 = arith.constant 9480 : i32
        %dma_start3A_41 = arith.constant 0 : i32
        %dma_start3A_42 = tpu.memref_slice %arg11[%dma_start3A_40, %dma_start3A_41] : memref<10064x128xf32, #tpu.memory_space<vmem_shared>> -> memref<520x128xf32, #tpu.memory_space<vmem_shared>>
        %dma_start3A_43 = arith.constant 9480 : i32
        %dma_start3A_44 = arith.constant 0 : i32
        %dma_start3A_45 = tpu.memref_slice %arg5[%dma_start3A_43, %dma_start3A_44] : memref<10000x128xf32, #tpu.memory_space<hbm>> -> memref<520x128xf32, #tpu.memory_space<hbm>>
        tpu.enqueue_dma source(%dma_start3A_45 : memref<520x128xf32, #tpu.memory_space<hbm>>) target(%dma_start3A_42 : memref<520x128xf32, #tpu.memory_space<vmem_shared>>) target_semaphore(%run_scoped3A : memref<!tpu.dma_semaphore, #tpu.memory_space<semaphore_mem>>)
        %dma_wait3A = arith.constant 9480 : i32
        %dma_wait3A_46 = arith.constant 0 : i32
        %dma_wait3A_47 = tpu.memref_slice %arg11[%dma_wait3A, %dma_wait3A_46] : memref<10064x128xf32, #tpu.memory_space<vmem_shared>> -> memref<520x128xf32, #tpu.memory_space<vmem_shared>>
        %dma_wait3A_48 = arith.constant 9480 : i32
        %dma_wait3A_49 = arith.constant 0 : i32
        %dma_wait3A_50 = tpu.memref_slice %arg5[%dma_wait3A_48, %dma_wait3A_49] : memref<10000x128xf32, #tpu.memory_space<hbm>> -> memref<520x128xf32, #tpu.memory_space<hbm>>
        tpu.wait_dma2 semaphore(%run_scoped3A : memref<!tpu.dma_semaphore, #tpu.memory_space<semaphore_mem>>) src(%dma_wait3A_50 : memref<520x128xf32, #tpu.memory_space<hbm>>) dst(%dma_wait3A_47 : memref<520x128xf32, #tpu.memory_space<vmem_shared>>)
        tpu.yield
      }) : () -> ()
    } else {
    }
    %barrier3A = arith.constant 0 : index
    tpu.barrier barrier_id(%barrier3A)
    "tpu.region"() ({
      %run_scoped3A = tpu.sem_alloc : memref<!tpu.dma_semaphore, #tpu.memory_space<semaphore_mem>>
      %dma_start3A_40 = arith.constant 0 : i32
      %dma_start3A_41 = arith.constant 0 : i32
      %dma_start3A_42 = tpu.memref_slice %arg3[%add3A, %dma_start3A_40, %dma_start3A_41] : memref<32x80x128xi32, #tpu.memory_space<hbm>> -> memref<1x40x128xi32, #tpu.memory_space<hbm>>
      %dma_start3A_43 = tpu.memref_squeeze %dma_start3A_42 : memref<1x40x128xi32, #tpu.memory_space<hbm>> -> memref<40x128xi32, #tpu.memory_space<hbm>>
      %dma_start3A_44 = arith.constant 0 : i32
      %dma_start3A_45 = arith.constant 0 : i32
      %dma_start3A_46 = tpu.memref_slice %arg3[%add3A, %dma_start3A_44, %dma_start3A_45] : memref<32x80x128xi32, #tpu.memory_space<hbm>> -> memref<1x40x128xi32, #tpu.memory_space<hbm>>
      %dma_start3A_47 = tpu.memref_squeeze %dma_start3A_46 : memref<1x40x128xi32, #tpu.memory_space<hbm>> -> memref<40x128xi32, #tpu.memory_space<hbm>>
      tpu.enqueue_dma source(%dma_start3A_47 : memref<40x128xi32, #tpu.memory_space<hbm>>) target(%arg7 : memref<40x128xi32, #tpu.memory_space<vmem>>) target_semaphore(%run_scoped3A : memref<!tpu.dma_semaphore, #tpu.memory_space<semaphore_mem>>)
      %dma_wait3A = arith.constant 0 : i32
      %dma_wait3A_48 = arith.constant 0 : i32
      %dma_wait3A_49 = tpu.memref_slice %arg3[%add3A, %dma_wait3A, %dma_wait3A_48] : memref<32x80x128xi32, #tpu.memory_space<hbm>> -> memref<1x40x128xi32, #tpu.memory_space<hbm>>
      %dma_wait3A_50 = tpu.memref_squeeze %dma_wait3A_49 : memref<1x40x128xi32, #tpu.memory_space<hbm>> -> memref<40x128xi32, #tpu.memory_space<hbm>>
      %dma_wait3A_51 = arith.constant 0 : i32
      %dma_wait3A_52 = arith.constant 0 : i32
      %dma_wait3A_53 = tpu.memref_slice %arg3[%add3A, %dma_wait3A_51, %dma_wait3A_52] : memref<32x80x128xi32, #tpu.memory_space<hbm>> -> memref<1x40x128xi32, #tpu.memory_space<hbm>>
      %dma_wait3A_54 = tpu.memref_squeeze %dma_wait3A_53 : memref<1x40x128xi32, #tpu.memory_space<hbm>> -> memref<40x128xi32, #tpu.memory_space<hbm>>
      tpu.wait_dma2 semaphore(%run_scoped3A : memref<!tpu.dma_semaphore, #tpu.memory_space<semaphore_mem>>) src(%dma_wait3A_54 : memref<40x128xi32, #tpu.memory_space<hbm>>) dst(%arg7 : memref<40x128xi32, #tpu.memory_space<vmem>>)
      tpu.yield
    }) : () -> ()
    "tpu.region"() ({
      %run_scoped3A = tpu.sem_alloc : memref<!tpu.dma_semaphore, #tpu.memory_space<semaphore_mem>>
      %dma_start3A_40 = arith.constant 0 : i32
      %dma_start3A_41 = arith.constant 0 : i32
      %dma_start3A_42 = tpu.memref_slice %arg4[%add3A, %dma_start3A_40, %dma_start3A_41] : memref<32x80x128xi32, #tpu.memory_space<hbm>> -> memref<1x40x128xi32, #tpu.memory_space<hbm>>
      %dma_start3A_43 = tpu.memref_squeeze %dma_start3A_42 : memref<1x40x128xi32, #tpu.memory_space<hbm>> -> memref<40x128xi32, #tpu.memory_space<hbm>>
      %dma_start3A_44 = arith.constant 0 : i32
      %dma_start3A_45 = arith.constant 0 : i32
      %dma_start3A_46 = tpu.memref_slice %arg4[%add3A, %dma_start3A_44, %dma_start3A_45] : memref<32x80x128xi32, #tpu.memory_space<hbm>> -> memref<1x40x128xi32, #tpu.memory_space<hbm>>
      %dma_start3A_47 = tpu.memref_squeeze %dma_start3A_46 : memref<1x40x128xi32, #tpu.memory_space<hbm>> -> memref<40x128xi32, #tpu.memory_space<hbm>>
      tpu.enqueue_dma source(%dma_start3A_47 : memref<40x128xi32, #tpu.memory_space<hbm>>) target(%arg8 : memref<40x128xi32, #tpu.memory_space<vmem>>) target_semaphore(%run_scoped3A : memref<!tpu.dma_semaphore, #tpu.memory_space<semaphore_mem>>)
      %dma_wait3A = arith.constant 0 : i32
      %dma_wait3A_48 = arith.constant 0 : i32
      %dma_wait3A_49 = tpu.memref_slice %arg4[%add3A, %dma_wait3A, %dma_wait3A_48] : memref<32x80x128xi32, #tpu.memory_space<hbm>> -> memref<1x40x128xi32, #tpu.memory_space<hbm>>
      %dma_wait3A_50 = tpu.memref_squeeze %dma_wait3A_49 : memref<1x40x128xi32, #tpu.memory_space<hbm>> -> memref<40x128xi32, #tpu.memory_space<hbm>>
      %dma_wait3A_51 = arith.constant 0 : i32
      %dma_wait3A_52 = arith.constant 0 : i32
      %dma_wait3A_53 = tpu.memref_slice %arg4[%add3A, %dma_wait3A_51, %dma_wait3A_52] : memref<32x80x128xi32, #tpu.memory_space<hbm>> -> memref<1x40x128xi32, #tpu.memory_space<hbm>>
      %dma_wait3A_54 = tpu.memref_squeeze %dma_wait3A_53 : memref<1x40x128xi32, #tpu.memory_space<hbm>> -> memref<40x128xi32, #tpu.memory_space<hbm>>
      tpu.wait_dma2 semaphore(%run_scoped3A : memref<!tpu.dma_semaphore, #tpu.memory_space<semaphore_mem>>) src(%dma_wait3A_54 : memref<40x128xi32, #tpu.memory_space<hbm>>) dst(%arg8 : memref<40x128xi32, #tpu.memory_space<vmem>>)
      tpu.yield
    }) : () -> ()
    %dma_start3A = arith.constant 0 : i32
    %dma_start3A_7 = arith.constant 0 : i32
    %dma_start3A_8 = tpu.memref_slice %arg7[%dma_start3A, %dma_start3A_7] : memref<40x128xi32, #tpu.memory_space<vmem>> -> memref<1x128xi32, #tpu.memory_space<vmem>>
    %dma_start3A_9 = tpu.memref_squeeze %dma_start3A_8 : memref<1x128xi32, #tpu.memory_space<vmem>> -> memref<128xi32, #tpu.memory_space<vmem>>
    %dma_start3A_10 = arith.constant 0 : i32
    %dma_start3A_11 = arith.constant 0 : i32
    %dma_start3A_12 = tpu.memref_slice %arg2[%dma_start3A_10, %dma_start3A_11] : memref<10000x128xf32, #tpu.memory_space<hbm>> -> memref<10000x128xf32, #tpu.memory_space<hbm>>
    tpu.enqueue_indirect_dma source(%dma_start3A_12 : memref<10000x128xf32, #tpu.memory_space<hbm>>) target(%arg9 : memref<128x128xf32, #tpu.memory_space<vmem>>) offsets(%dma_start3A_9 : memref<128xi32, #tpu.memory_space<vmem>>) semaphore(%arg12 : memref<!tpu.dma_semaphore, #tpu.memory_space<semaphore_mem>>)
    %scan3A = arith.constant 0 : i32
    %scan3A_13 = arith.constant 20 : i32
    %scan3A_14 = arith.addi %scan3A, %scan3A_13 : i32
    %scan3A_15 = arith.constant 1 : i32
    scf.for %scan3A_40 = %scan3A to %scan3A_14 step %scan3A_15  : i32 {
      %mul3A_41 = arith.constant 2 : i32
      %mul3A_42 = arith.muli %scan3A_40, %mul3A_41 : i32
      %add3A_43 = arith.constant 0 : i32
      %add3A_44 = arith.addi %add3A_43, %mul3A_42 : i32
      %add3A_45 = arith.constant 1 : i32
      %add3A_46 = arith.addi %add3A_44, %add3A_45 : i32
      %dma_start3A_47 = arith.constant 0 : i32
      %dma_start3A_48 = tpu.memref_slice %arg7[%add3A_46, %dma_start3A_47] : memref<40x128xi32, #tpu.memory_space<vmem>> -> memref<1x128xi32, #tpu.memory_space<vmem>>
      %dma_start3A_49 = tpu.memref_squeeze %dma_start3A_48 : memref<1x128xi32, #tpu.memory_space<vmem>> -> memref<128xi32, #tpu.memory_space<vmem>>
      %dma_start3A_50 = arith.constant 0 : i32
      %dma_start3A_51 = arith.constant 0 : i32
      %dma_start3A_52 = tpu.memref_slice %arg2[%dma_start3A_50, %dma_start3A_51] : memref<10000x128xf32, #tpu.memory_space<hbm>> -> memref<10000x128xf32, #tpu.memory_space<hbm>>
      tpu.enqueue_indirect_dma source(%dma_start3A_52 : memref<10000x128xf32, #tpu.memory_space<hbm>>) target(%arg10 : memref<128x128xf32, #tpu.memory_space<vmem>>) offsets(%dma_start3A_49 : memref<128xi32, #tpu.memory_space<vmem>>) semaphore(%arg13 : memref<!tpu.dma_semaphore, #tpu.memory_space<semaphore_mem>>)
      %dma_wait3A = arith.constant 0 : i32
      %dma_wait3A_53 = tpu.memref_slice %arg7[%add3A_44, %dma_wait3A] : memref<40x128xi32, #tpu.memory_space<vmem>> -> memref<1x128xi32, #tpu.memory_space<vmem>>
      %dma_wait3A_54 = tpu.memref_squeeze %dma_wait3A_53 : memref<1x128xi32, #tpu.memory_space<vmem>> -> memref<128xi32, #tpu.memory_space<vmem>>
      %dma_wait3A_55 = arith.constant 0 : i32
      %dma_wait3A_56 = arith.constant 0 : i32
      %dma_wait3A_57 = tpu.memref_slice %arg2[%dma_wait3A_55, %dma_wait3A_56] : memref<10000x128xf32, #tpu.memory_space<hbm>> -> memref<10000x128xf32, #tpu.memory_space<hbm>>
      tpu.wait_indirect_dma semaphore(%arg12 : memref<!tpu.dma_semaphore, #tpu.memory_space<semaphore_mem>>) src(%dma_wait3A_57 : memref<10000x128xf32, #tpu.memory_space<hbm>>) dst(%arg9 : memref<128x128xf32, #tpu.memory_space<vmem>>)
      "tpu.region"() ({
        %run_scoped3A = tpu.sem_alloc : memref<!tpu.dma_semaphore, #tpu.memory_space<semaphore_mem>>
        %dma_start3A_75 = arith.constant 0 : i32
        %dma_start3A_76 = tpu.memref_slice %arg8[%add3A_44, %dma_start3A_75] : memref<40x128xi32, #tpu.memory_space<vmem>> -> memref<1x128xi32, #tpu.memory_space<vmem>>
        %dma_start3A_77 = tpu.memref_squeeze %dma_start3A_76 : memref<1x128xi32, #tpu.memory_space<vmem>> -> memref<128xi32, #tpu.memory_space<vmem>>
        %dma_start3A_78 = arith.constant 0 : i32
        %dma_start3A_79 = arith.constant 0 : i32
        %dma_start3A_80 = tpu.memref_slice %arg11[%dma_start3A_78, %dma_start3A_79] : memref<10064x128xf32, #tpu.memory_space<vmem_shared>> -> memref<10064x128xf32, #tpu.memory_space<vmem_shared>>
        tpu.enqueue_indirect_dma source(%arg9 : memref<128x128xf32, #tpu.memory_space<vmem>>) target(%dma_start3A_80 : memref<10064x128xf32, #tpu.memory_space<vmem_shared>>) offsets(%dma_start3A_77 : memref<128xi32, #tpu.memory_space<vmem>>) semaphore(%run_scoped3A : memref<!tpu.dma_semaphore, #tpu.memory_space<semaphore_mem>>) {add = true}
        %dma_wait3A_81 = arith.constant 0 : i32
        %dma_wait3A_82 = tpu.memref_slice %arg8[%add3A_44, %dma_wait3A_81] : memref<40x128xi32, #tpu.memory_space<vmem>> -> memref<1x128xi32, #tpu.memory_space<vmem>>
        %dma_wait3A_83 = tpu.memref_squeeze %dma_wait3A_82 : memref<1x128xi32, #tpu.memory_space<vmem>> -> memref<128xi32, #tpu.memory_space<vmem>>
        %dma_wait3A_84 = arith.constant 0 : i32
        %dma_wait3A_85 = arith.constant 0 : i32
        %dma_wait3A_86 = tpu.memref_slice %arg11[%dma_wait3A_84, %dma_wait3A_85] : memref<10064x128xf32, #tpu.memory_space<vmem_shared>> -> memref<10064x128xf32, #tpu.memory_space<vmem_shared>>
        tpu.wait_indirect_dma semaphore(%run_scoped3A : memref<!tpu.dma_semaphore, #tpu.memory_space<semaphore_mem>>) src(%arg9 : memref<128x128xf32, #tpu.memory_space<vmem>>) dst(%dma_wait3A_86 : memref<10064x128xf32, #tpu.memory_space<vmem_shared>>)
        tpu.yield
      }) : () -> ()
      %add3A_58 = arith.constant 2 : i32
      %add3A_59 = arith.addi %add3A_44, %add3A_58 : i32
      %lt3A_60 = arith.constant 40 : i32
      %lt3A_61 = arith.cmpi slt, %add3A_59, %lt3A_60 : i32
      %convert_element_type3A_62 = arith.extui %lt3A_61 : i1 to i32
      %cond3A_63 = arith.constant 0 : i32
      %cond3A_64 = arith.cmpi ne, %convert_element_type3A_62, %cond3A_63 : i32
      scf.if %cond3A_64 {
        %add3A_75 = arith.constant 2 : i32
        %add3A_76 = arith.addi %add3A_44, %add3A_75 : i32
        %dma_start3A_77 = arith.constant 0 : i32
        %dma_start3A_78 = tpu.memref_slice %arg7[%add3A_76, %dma_start3A_77] : memref<40x128xi32, #tpu.memory_space<vmem>> -> memref<1x128xi32, #tpu.memory_space<vmem>>
        %dma_start3A_79 = tpu.memref_squeeze %dma_start3A_78 : memref<1x128xi32, #tpu.memory_space<vmem>> -> memref<128xi32, #tpu.memory_space<vmem>>
        %dma_start3A_80 = arith.constant 0 : i32
        %dma_start3A_81 = arith.constant 0 : i32
        %dma_start3A_82 = tpu.memref_slice %arg2[%dma_start3A_80, %dma_start3A_81] : memref<10000x128xf32, #tpu.memory_space<hbm>> -> memref<10000x128xf32, #tpu.memory_space<hbm>>
        tpu.enqueue_indirect_dma source(%dma_start3A_82 : memref<10000x128xf32, #tpu.memory_space<hbm>>) target(%arg9 : memref<128x128xf32, #tpu.memory_space<vmem>>) offsets(%dma_start3A_79 : memref<128xi32, #tpu.memory_space<vmem>>) semaphore(%arg12 : memref<!tpu.dma_semaphore, #tpu.memory_space<semaphore_mem>>)
      } else {
      }
      %add3A_65 = arith.constant 1 : i32
      %add3A_66 = arith.addi %add3A_44, %add3A_65 : i32
      %dma_wait3A_67 = arith.constant 0 : i32
      %dma_wait3A_68 = tpu.memref_slice %arg7[%add3A_66, %dma_wait3A_67] : memref<40x128xi32, #tpu.memory_space<vmem>> -> memref<1x128xi32, #tpu.memory_space<vmem>>
      %dma_wait3A_69 = tpu.memref_squeeze %dma_wait3A_68 : memref<1x128xi32, #tpu.memory_space<vmem>> -> memref<128xi32, #tpu.memory_space<vmem>>
      %dma_wait3A_70 = arith.constant 0 : i32
      %dma_wait3A_71 = arith.constant 0 : i32
      %dma_wait3A_72 = tpu.memref_slice %arg2[%dma_wait3A_70, %dma_wait3A_71] : memref<10000x128xf32, #tpu.memory_space<hbm>> -> memref<10000x128xf32, #tpu.memory_space<hbm>>
      tpu.wait_indirect_dma semaphore(%arg13 : memref<!tpu.dma_semaphore, #tpu.memory_space<semaphore_mem>>) src(%dma_wait3A_72 : memref<10000x128xf32, #tpu.memory_space<hbm>>) dst(%arg10 : memref<128x128xf32, #tpu.memory_space<vmem>>)
      %add3A_73 = arith.constant 1 : i32
      %add3A_74 = arith.addi %add3A_44, %add3A_73 : i32
      "tpu.region"() ({
        %run_scoped3A = tpu.sem_alloc : memref<!tpu.dma_semaphore, #tpu.memory_space<semaphore_mem>>
        %dma_start3A_75 = arith.constant 0 : i32
        %dma_start3A_76 = tpu.memref_slice %arg8[%add3A_74, %dma_start3A_75] : memref<40x128xi32, #tpu.memory_space<vmem>> -> memref<1x128xi32, #tpu.memory_space<vmem>>
        %dma_start3A_77 = tpu.memref_squeeze %dma_start3A_76 : memref<1x128xi32, #tpu.memory_space<vmem>> -> memref<128xi32, #tpu.memory_space<vmem>>
        %dma_start3A_78 = arith.constant 0 : i32
        %dma_start3A_79 = arith.constant 0 : i32
        %dma_start3A_80 = tpu.memref_slice %arg11[%dma_start3A_78, %dma_start3A_79] : memref<10064x128xf32, #tpu.memory_space<vmem_shared>> -> memref<10064x128xf32, #tpu.memory_space<vmem_shared>>
        tpu.enqueue_indirect_dma source(%arg10 : memref<128x128xf32, #tpu.memory_space<vmem>>) target(%dma_start3A_80 : memref<10064x128xf32, #tpu.memory_space<vmem_shared>>) offsets(%dma_start3A_77 : memref<128xi32, #tpu.memory_space<vmem>>) semaphore(%run_scoped3A : memref<!tpu.dma_semaphore, #tpu.memory_space<semaphore_mem>>) {add = true}
        %dma_wait3A_81 = arith.constant 0 : i32
        %dma_wait3A_82 = tpu.memref_slice %arg8[%add3A_74, %dma_wait3A_81] : memref<40x128xi32, #tpu.memory_space<vmem>> -> memref<1x128xi32, #tpu.memory_space<vmem>>
        %dma_wait3A_83 = tpu.memref_squeeze %dma_wait3A_82 : memref<1x128xi32, #tpu.memory_space<vmem>> -> memref<128xi32, #tpu.memory_space<vmem>>
        %dma_wait3A_84 = arith.constant 0 : i32
        %dma_wait3A_85 = arith.constant 0 : i32
        %dma_wait3A_86 = tpu.memref_slice %arg11[%dma_wait3A_84, %dma_wait3A_85] : memref<10064x128xf32, #tpu.memory_space<vmem_shared>> -> memref<10064x128xf32, #tpu.memory_space<vmem_shared>>
        tpu.wait_indirect_dma semaphore(%run_scoped3A : memref<!tpu.dma_semaphore, #tpu.memory_space<semaphore_mem>>) src(%arg10 : memref<128x128xf32, #tpu.memory_space<vmem>>) dst(%dma_wait3A_86 : memref<10064x128xf32, #tpu.memory_space<vmem_shared>>)
        tpu.yield
      }) : () -> ()
    }
    %scan3A_16 = arith.constant 20 : i32
    "tpu.region"() ({
      %run_scoped3A = tpu.sem_alloc : memref<!tpu.dma_semaphore, #tpu.memory_space<semaphore_mem>>
      %dma_start3A_40 = arith.constant 40 : i32
      %dma_start3A_41 = arith.constant 0 : i32
      %dma_start3A_42 = tpu.memref_slice %arg3[%add3A, %dma_start3A_40, %dma_start3A_41] : memref<32x80x128xi32, #tpu.memory_space<hbm>> -> memref<1x40x128xi32, #tpu.memory_space<hbm>>
      %dma_start3A_43 = tpu.memref_squeeze %dma_start3A_42 : memref<1x40x128xi32, #tpu.memory_space<hbm>> -> memref<40x128xi32, #tpu.memory_space<hbm>>
      %dma_start3A_44 = arith.constant 40 : i32
      %dma_start3A_45 = arith.constant 0 : i32
      %dma_start3A_46 = tpu.memref_slice %arg3[%add3A, %dma_start3A_44, %dma_start3A_45] : memref<32x80x128xi32, #tpu.memory_space<hbm>> -> memref<1x40x128xi32, #tpu.memory_space<hbm>>
      %dma_start3A_47 = tpu.memref_squeeze %dma_start3A_46 : memref<1x40x128xi32, #tpu.memory_space<hbm>> -> memref<40x128xi32, #tpu.memory_space<hbm>>
      tpu.enqueue_dma source(%dma_start3A_47 : memref<40x128xi32, #tpu.memory_space<hbm>>) target(%arg7 : memref<40x128xi32, #tpu.memory_space<vmem>>) target_semaphore(%run_scoped3A : memref<!tpu.dma_semaphore, #tpu.memory_space<semaphore_mem>>)
      %dma_wait3A = arith.constant 40 : i32
      %dma_wait3A_48 = arith.constant 0 : i32
      %dma_wait3A_49 = tpu.memref_slice %arg3[%add3A, %dma_wait3A, %dma_wait3A_48] : memref<32x80x128xi32, #tpu.memory_space<hbm>> -> memref<1x40x128xi32, #tpu.memory_space<hbm>>
      %dma_wait3A_50 = tpu.memref_squeeze %dma_wait3A_49 : memref<1x40x128xi32, #tpu.memory_space<hbm>> -> memref<40x128xi32, #tpu.memory_space<hbm>>
      %dma_wait3A_51 = arith.constant 40 : i32
      %dma_wait3A_52 = arith.constant 0 : i32
      %dma_wait3A_53 = tpu.memref_slice %arg3[%add3A, %dma_wait3A_51, %dma_wait3A_52] : memref<32x80x128xi32, #tpu.memory_space<hbm>> -> memref<1x40x128xi32, #tpu.memory_space<hbm>>
      %dma_wait3A_54 = tpu.memref_squeeze %dma_wait3A_53 : memref<1x40x128xi32, #tpu.memory_space<hbm>> -> memref<40x128xi32, #tpu.memory_space<hbm>>
      tpu.wait_dma2 semaphore(%run_scoped3A : memref<!tpu.dma_semaphore, #tpu.memory_space<semaphore_mem>>) src(%dma_wait3A_54 : memref<40x128xi32, #tpu.memory_space<hbm>>) dst(%arg7 : memref<40x128xi32, #tpu.memory_space<vmem>>)
      tpu.yield
    }) : () -> ()
    "tpu.region"() ({
      %run_scoped3A = tpu.sem_alloc : memref<!tpu.dma_semaphore, #tpu.memory_space<semaphore_mem>>
      %dma_start3A_40 = arith.constant 40 : i32
      %dma_start3A_41 = arith.constant 0 : i32
      %dma_start3A_42 = tpu.memref_slice %arg4[%add3A, %dma_start3A_40, %dma_start3A_41] : memref<32x80x128xi32, #tpu.memory_space<hbm>> -> memref<1x40x128xi32, #tpu.memory_space<hbm>>
      %dma_start3A_43 = tpu.memref_squeeze %dma_start3A_42 : memref<1x40x128xi32, #tpu.memory_space<hbm>> -> memref<40x128xi32, #tpu.memory_space<hbm>>
      %dma_start3A_44 = arith.constant 40 : i32
      %dma_start3A_45 = arith.constant 0 : i32
      %dma_start3A_46 = tpu.memref_slice %arg4[%add3A, %dma_start3A_44, %dma_start3A_45] : memref<32x80x128xi32, #tpu.memory_space<hbm>> -> memref<1x40x128xi32, #tpu.memory_space<hbm>>
      %dma_start3A_47 = tpu.memref_squeeze %dma_start3A_46 : memref<1x40x128xi32, #tpu.memory_space<hbm>> -> memref<40x128xi32, #tpu.memory_space<hbm>>
      tpu.enqueue_dma source(%dma_start3A_47 : memref<40x128xi32, #tpu.memory_space<hbm>>) target(%arg8 : memref<40x128xi32, #tpu.memory_space<vmem>>) target_semaphore(%run_scoped3A : memref<!tpu.dma_semaphore, #tpu.memory_space<semaphore_mem>>)
      %dma_wait3A = arith.constant 40 : i32
      %dma_wait3A_48 = arith.constant 0 : i32
      %dma_wait3A_49 = tpu.memref_slice %arg4[%add3A, %dma_wait3A, %dma_wait3A_48] : memref<32x80x128xi32, #tpu.memory_space<hbm>> -> memref<1x40x128xi32, #tpu.memory_space<hbm>>
      %dma_wait3A_50 = tpu.memref_squeeze %dma_wait3A_49 : memref<1x40x128xi32, #tpu.memory_space<hbm>> -> memref<40x128xi32, #tpu.memory_space<hbm>>
      %dma_wait3A_51 = arith.constant 40 : i32
      %dma_wait3A_52 = arith.constant 0 : i32
      %dma_wait3A_53 = tpu.memref_slice %arg4[%add3A, %dma_wait3A_51, %dma_wait3A_52] : memref<32x80x128xi32, #tpu.memory_space<hbm>> -> memref<1x40x128xi32, #tpu.memory_space<hbm>>
      %dma_wait3A_54 = tpu.memref_squeeze %dma_wait3A_53 : memref<1x40x128xi32, #tpu.memory_space<hbm>> -> memref<40x128xi32, #tpu.memory_space<hbm>>
      tpu.wait_dma2 semaphore(%run_scoped3A : memref<!tpu.dma_semaphore, #tpu.memory_space<semaphore_mem>>) src(%dma_wait3A_54 : memref<40x128xi32, #tpu.memory_space<hbm>>) dst(%arg8 : memref<40x128xi32, #tpu.memory_space<vmem>>)
      tpu.yield
    }) : () -> ()
    %dma_start3A_17 = arith.constant 0 : i32
    %dma_start3A_18 = arith.constant 0 : i32
    %dma_start3A_19 = tpu.memref_slice %arg7[%dma_start3A_17, %dma_start3A_18] : memref<40x128xi32, #tpu.memory_space<vmem>> -> memref<1x128xi32, #tpu.memory_space<vmem>>
    %dma_start3A_20 = tpu.memref_squeeze %dma_start3A_19 : memref<1x128xi32, #tpu.memory_space<vmem>> -> memref<128xi32, #tpu.memory_space<vmem>>
    %dma_start3A_21 = arith.constant 0 : i32
    %dma_start3A_22 = arith.constant 0 : i32
    %dma_start3A_23 = tpu.memref_slice %arg2[%dma_start3A_21, %dma_start3A_22] : memref<10000x128xf32, #tpu.memory_space<hbm>> -> memref<10000x128xf32, #tpu.memory_space<hbm>>
    tpu.enqueue_indirect_dma source(%dma_start3A_23 : memref<10000x128xf32, #tpu.memory_space<hbm>>) target(%arg9 : memref<128x128xf32, #tpu.memory_space<vmem>>) offsets(%dma_start3A_20 : memref<128xi32, #tpu.memory_space<vmem>>) semaphore(%arg12 : memref<!tpu.dma_semaphore, #tpu.memory_space<semaphore_mem>>)
    %scan3A_24 = arith.constant 0 : i32
    %scan3A_25 = arith.constant 20 : i32
    %scan3A_26 = arith.addi %scan3A_24, %scan3A_25 : i32
    %scan3A_27 = arith.constant 1 : i32
    scf.for %scan3A_40 = %scan3A_24 to %scan3A_26 step %scan3A_27  : i32 {
      %mul3A_41 = arith.constant 2 : i32
      %mul3A_42 = arith.muli %scan3A_40, %mul3A_41 : i32
      %add3A_43 = arith.constant 0 : i32
      %add3A_44 = arith.addi %add3A_43, %mul3A_42 : i32
      %add3A_45 = arith.constant 1 : i32
      %add3A_46 = arith.addi %add3A_44, %add3A_45 : i32
      %dma_start3A_47 = arith.constant 0 : i32
      %dma_start3A_48 = tpu.memref_slice %arg7[%add3A_46, %dma_start3A_47] : memref<40x128xi32, #tpu.memory_space<vmem>> -> memref<1x128xi32, #tpu.memory_space<vmem>>
      %dma_start3A_49 = tpu.memref_squeeze %dma_start3A_48 : memref<1x128xi32, #tpu.memory_space<vmem>> -> memref<128xi32, #tpu.memory_space<vmem>>
      %dma_start3A_50 = arith.constant 0 : i32
      %dma_start3A_51 = arith.constant 0 : i32
      %dma_start3A_52 = tpu.memref_slice %arg2[%dma_start3A_50, %dma_start3A_51] : memref<10000x128xf32, #tpu.memory_space<hbm>> -> memref<10000x128xf32, #tpu.memory_space<hbm>>
      tpu.enqueue_indirect_dma source(%dma_start3A_52 : memref<10000x128xf32, #tpu.memory_space<hbm>>) target(%arg10 : memref<128x128xf32, #tpu.memory_space<vmem>>) offsets(%dma_start3A_49 : memref<128xi32, #tpu.memory_space<vmem>>) semaphore(%arg13 : memref<!tpu.dma_semaphore, #tpu.memory_space<semaphore_mem>>)
      %dma_wait3A = arith.constant 0 : i32
      %dma_wait3A_53 = tpu.memref_slice %arg7[%add3A_44, %dma_wait3A] : memref<40x128xi32, #tpu.memory_space<vmem>> -> memref<1x128xi32, #tpu.memory_space<vmem>>
      %dma_wait3A_54 = tpu.memref_squeeze %dma_wait3A_53 : memref<1x128xi32, #tpu.memory_space<vmem>> -> memref<128xi32, #tpu.memory_space<vmem>>
      %dma_wait3A_55 = arith.constant 0 : i32
      %dma_wait3A_56 = arith.constant 0 : i32
      %dma_wait3A_57 = tpu.memref_slice %arg2[%dma_wait3A_55, %dma_wait3A_56] : memref<10000x128xf32, #tpu.memory_space<hbm>> -> memref<10000x128xf32, #tpu.memory_space<hbm>>
      tpu.wait_indirect_dma semaphore(%arg12 : memref<!tpu.dma_semaphore, #tpu.memory_space<semaphore_mem>>) src(%dma_wait3A_57 : memref<10000x128xf32, #tpu.memory_space<hbm>>) dst(%arg9 : memref<128x128xf32, #tpu.memory_space<vmem>>)
      "tpu.region"() ({
        %run_scoped3A = tpu.sem_alloc : memref<!tpu.dma_semaphore, #tpu.memory_space<semaphore_mem>>
        %dma_start3A_75 = arith.constant 0 : i32
        %dma_start3A_76 = tpu.memref_slice %arg8[%add3A_44, %dma_start3A_75] : memref<40x128xi32, #tpu.memory_space<vmem>> -> memref<1x128xi32, #tpu.memory_space<vmem>>
        %dma_start3A_77 = tpu.memref_squeeze %dma_start3A_76 : memref<1x128xi32, #tpu.memory_space<vmem>> -> memref<128xi32, #tpu.memory_space<vmem>>
        %dma_start3A_78 = arith.constant 0 : i32
        %dma_start3A_79 = arith.constant 0 : i32
        %dma_start3A_80 = tpu.memref_slice %arg11[%dma_start3A_78, %dma_start3A_79] : memref<10064x128xf32, #tpu.memory_space<vmem_shared>> -> memref<10064x128xf32, #tpu.memory_space<vmem_shared>>
        tpu.enqueue_indirect_dma source(%arg9 : memref<128x128xf32, #tpu.memory_space<vmem>>) target(%dma_start3A_80 : memref<10064x128xf32, #tpu.memory_space<vmem_shared>>) offsets(%dma_start3A_77 : memref<128xi32, #tpu.memory_space<vmem>>) semaphore(%run_scoped3A : memref<!tpu.dma_semaphore, #tpu.memory_space<semaphore_mem>>) {add = true}
        %dma_wait3A_81 = arith.constant 0 : i32
        %dma_wait3A_82 = tpu.memref_slice %arg8[%add3A_44, %dma_wait3A_81] : memref<40x128xi32, #tpu.memory_space<vmem>> -> memref<1x128xi32, #tpu.memory_space<vmem>>
        %dma_wait3A_83 = tpu.memref_squeeze %dma_wait3A_82 : memref<1x128xi32, #tpu.memory_space<vmem>> -> memref<128xi32, #tpu.memory_space<vmem>>
        %dma_wait3A_84 = arith.constant 0 : i32
        %dma_wait3A_85 = arith.constant 0 : i32
        %dma_wait3A_86 = tpu.memref_slice %arg11[%dma_wait3A_84, %dma_wait3A_85] : memref<10064x128xf32, #tpu.memory_space<vmem_shared>> -> memref<10064x128xf32, #tpu.memory_space<vmem_shared>>
        tpu.wait_indirect_dma semaphore(%run_scoped3A : memref<!tpu.dma_semaphore, #tpu.memory_space<semaphore_mem>>) src(%arg9 : memref<128x128xf32, #tpu.memory_space<vmem>>) dst(%dma_wait3A_86 : memref<10064x128xf32, #tpu.memory_space<vmem_shared>>)
        tpu.yield
      }) : () -> ()
      %add3A_58 = arith.constant 2 : i32
      %add3A_59 = arith.addi %add3A_44, %add3A_58 : i32
      %lt3A_60 = arith.constant 40 : i32
      %lt3A_61 = arith.cmpi slt, %add3A_59, %lt3A_60 : i32
      %convert_element_type3A_62 = arith.extui %lt3A_61 : i1 to i32
      %cond3A_63 = arith.constant 0 : i32
      %cond3A_64 = arith.cmpi ne, %convert_element_type3A_62, %cond3A_63 : i32
      scf.if %cond3A_64 {
        %add3A_75 = arith.constant 2 : i32
        %add3A_76 = arith.addi %add3A_44, %add3A_75 : i32
        %dma_start3A_77 = arith.constant 0 : i32
        %dma_start3A_78 = tpu.memref_slice %arg7[%add3A_76, %dma_start3A_77] : memref<40x128xi32, #tpu.memory_space<vmem>> -> memref<1x128xi32, #tpu.memory_space<vmem>>
        %dma_start3A_79 = tpu.memref_squeeze %dma_start3A_78 : memref<1x128xi32, #tpu.memory_space<vmem>> -> memref<128xi32, #tpu.memory_space<vmem>>
        %dma_start3A_80 = arith.constant 0 : i32
        %dma_start3A_81 = arith.constant 0 : i32
        %dma_start3A_82 = tpu.memref_slice %arg2[%dma_start3A_80, %dma_start3A_81] : memref<10000x128xf32, #tpu.memory_space<hbm>> -> memref<10000x128xf32, #tpu.memory_space<hbm>>
        tpu.enqueue_indirect_dma source(%dma_start3A_82 : memref<10000x128xf32, #tpu.memory_space<hbm>>) target(%arg9 : memref<128x128xf32, #tpu.memory_space<vmem>>) offsets(%dma_start3A_79 : memref<128xi32, #tpu.memory_space<vmem>>) semaphore(%arg12 : memref<!tpu.dma_semaphore, #tpu.memory_space<semaphore_mem>>)
      } else {
      }
      %add3A_65 = arith.constant 1 : i32
      %add3A_66 = arith.addi %add3A_44, %add3A_65 : i32
      %dma_wait3A_67 = arith.constant 0 : i32
      %dma_wait3A_68 = tpu.memref_slice %arg7[%add3A_66, %dma_wait3A_67] : memref<40x128xi32, #tpu.memory_space<vmem>> -> memref<1x128xi32, #tpu.memory_space<vmem>>
      %dma_wait3A_69 = tpu.memref_squeeze %dma_wait3A_68 : memref<1x128xi32, #tpu.memory_space<vmem>> -> memref<128xi32, #tpu.memory_space<vmem>>
      %dma_wait3A_70 = arith.constant 0 : i32
      %dma_wait3A_71 = arith.constant 0 : i32
      %dma_wait3A_72 = tpu.memref_slice %arg2[%dma_wait3A_70, %dma_wait3A_71] : memref<10000x128xf32, #tpu.memory_space<hbm>> -> memref<10000x128xf32, #tpu.memory_space<hbm>>
      tpu.wait_indirect_dma semaphore(%arg13 : memref<!tpu.dma_semaphore, #tpu.memory_space<semaphore_mem>>) src(%dma_wait3A_72 : memref<10000x128xf32, #tpu.memory_space<hbm>>) dst(%arg10 : memref<128x128xf32, #tpu.memory_space<vmem>>)
      %add3A_73 = arith.constant 1 : i32
      %add3A_74 = arith.addi %add3A_44, %add3A_73 : i32
      "tpu.region"() ({
        %run_scoped3A = tpu.sem_alloc : memref<!tpu.dma_semaphore, #tpu.memory_space<semaphore_mem>>
        %dma_start3A_75 = arith.constant 0 : i32
        %dma_start3A_76 = tpu.memref_slice %arg8[%add3A_74, %dma_start3A_75] : memref<40x128xi32, #tpu.memory_space<vmem>> -> memref<1x128xi32, #tpu.memory_space<vmem>>
        %dma_start3A_77 = tpu.memref_squeeze %dma_start3A_76 : memref<1x128xi32, #tpu.memory_space<vmem>> -> memref<128xi32, #tpu.memory_space<vmem>>
        %dma_start3A_78 = arith.constant 0 : i32
        %dma_start3A_79 = arith.constant 0 : i32
        %dma_start3A_80 = tpu.memref_slice %arg11[%dma_start3A_78, %dma_start3A_79] : memref<10064x128xf32, #tpu.memory_space<vmem_shared>> -> memref<10064x128xf32, #tpu.memory_space<vmem_shared>>
        tpu.enqueue_indirect_dma source(%arg10 : memref<128x128xf32, #tpu.memory_space<vmem>>) target(%dma_start3A_80 : memref<10064x128xf32, #tpu.memory_space<vmem_shared>>) offsets(%dma_start3A_77 : memref<128xi32, #tpu.memory_space<vmem>>) semaphore(%run_scoped3A : memref<!tpu.dma_semaphore, #tpu.memory_space<semaphore_mem>>) {add = true}
        %dma_wait3A_81 = arith.constant 0 : i32
        %dma_wait3A_82 = tpu.memref_slice %arg8[%add3A_74, %dma_wait3A_81] : memref<40x128xi32, #tpu.memory_space<vmem>> -> memref<1x128xi32, #tpu.memory_space<vmem>>
        %dma_wait3A_83 = tpu.memref_squeeze %dma_wait3A_82 : memref<1x128xi32, #tpu.memory_space<vmem>> -> memref<128xi32, #tpu.memory_space<vmem>>
        %dma_wait3A_84 = arith.constant 0 : i32
        %dma_wait3A_85 = arith.constant 0 : i32
        %dma_wait3A_86 = tpu.memref_slice %arg11[%dma_wait3A_84, %dma_wait3A_85] : memref<10064x128xf32, #tpu.memory_space<vmem_shared>> -> memref<10064x128xf32, #tpu.memory_space<vmem_shared>>
        tpu.wait_indirect_dma semaphore(%run_scoped3A : memref<!tpu.dma_semaphore, #tpu.memory_space<semaphore_mem>>) src(%arg10 : memref<128x128xf32, #tpu.memory_space<vmem>>) dst(%dma_wait3A_86 : memref<10064x128xf32, #tpu.memory_space<vmem_shared>>)
        tpu.yield
      }) : () -> ()
    }
    %scan3A_28 = arith.constant 20 : i32
    %barrier3A_29 = arith.constant 0 : index
    tpu.barrier barrier_id(%barrier3A_29)
    %lt3A_30 = arith.constant 15 : i32
    %lt3A_31 = arith.cmpi slt, %arg1, %lt3A_30 : i32
    %convert_element_type3A_32 = arith.extui %lt3A_31 : i1 to i32
    %cond3A_33 = arith.constant 0 : i32
    %cond3A_34 = arith.cmpi ne, %convert_element_type3A_32, %cond3A_33 : i32
    scf.if %cond3A_34 {
      %mul3A_40 = arith.constant 632 : i32
      %mul3A_41 = arith.muli %arg1, %mul3A_40 : i32
      "tpu.region"() ({
        %run_scoped3A = tpu.sem_alloc : memref<!tpu.dma_semaphore, #tpu.memory_space<semaphore_mem>>
        %dma_start3A_42 = arith.constant 0 : i32
        %dma_start3A_43 = arith.constant 0 : i32
        %dma_start3A_44 = tpu.memref_slice %arg6[%arg0, %dma_start3A_42, %dma_start3A_43] : memref<2x10000x128xf32, #tpu.memory_space<hbm>> -> memref<1x10000x128xf32, #tpu.memory_space<hbm>>
        %dma_start3A_45 = tpu.memref_squeeze %dma_start3A_44 : memref<1x10000x128xf32, #tpu.memory_space<hbm>> -> memref<10000x128xf32, #tpu.memory_space<hbm>>
        %dma_start3A_46 = arith.constant 0 : i32
        %dma_start3A_47 = tpu.memref_slice %dma_start3A_45[%mul3A_41, %dma_start3A_46] : memref<10000x128xf32, #tpu.memory_space<hbm>> -> memref<632x128xf32, #tpu.memory_space<hbm>>
        %dma_start3A_48 = arith.constant 0 : i32
        %dma_start3A_49 = tpu.memref_slice %arg11[%mul3A_41, %dma_start3A_48] : memref<10064x128xf32, #tpu.memory_space<vmem_shared>> -> memref<632x128xf32, #tpu.memory_space<vmem_shared>>
        tpu.enqueue_dma source(%dma_start3A_49 : memref<632x128xf32, #tpu.memory_space<vmem_shared>>) target(%dma_start3A_47 : memref<632x128xf32, #tpu.memory_space<hbm>>) target_semaphore(%run_scoped3A : memref<!tpu.dma_semaphore, #tpu.memory_space<semaphore_mem>>)
        %dma_wait3A = arith.constant 0 : i32
        %dma_wait3A_50 = arith.constant 0 : i32
        %dma_wait3A_51 = tpu.memref_slice %arg6[%arg0, %dma_wait3A, %dma_wait3A_50] : memref<2x10000x128xf32, #tpu.memory_space<hbm>> -> memref<1x10000x128xf32, #tpu.memory_space<hbm>>
        %dma_wait3A_52 = tpu.memref_squeeze %dma_wait3A_51 : memref<1x10000x128xf32, #tpu.memory_space<hbm>> -> memref<10000x128xf32, #tpu.memory_space<hbm>>
        %dma_wait3A_53 = arith.constant 0 : i32
        %dma_wait3A_54 = tpu.memref_slice %dma_wait3A_52[%mul3A_41, %dma_wait3A_53] : memref<10000x128xf32, #tpu.memory_space<hbm>> -> memref<632x128xf32, #tpu.memory_space<hbm>>
        %dma_wait3A_55 = arith.constant 0 : i32
        %dma_wait3A_56 = tpu.memref_slice %arg11[%mul3A_41, %dma_wait3A_55] : memref<10064x128xf32, #tpu.memory_space<vmem_shared>> -> memref<632x128xf32, #tpu.memory_space<vmem_shared>>
        tpu.wait_dma2 semaphore(%run_scoped3A : memref<!tpu.dma_semaphore, #tpu.memory_space<semaphore_mem>>) src(%dma_wait3A_56 : memref<632x128xf32, #tpu.memory_space<vmem_shared>>) dst(%dma_wait3A_54 : memref<632x128xf32, #tpu.memory_space<hbm>>)
        tpu.yield
      }) : () -> ()
    } else {
    }
    %eq3A_35 = arith.constant 15 : i32
    %eq3A_36 = arith.cmpi eq, %arg1, %eq3A_35 : i32
    %convert_element_type3A_37 = arith.extui %eq3A_36 : i1 to i32
    %cond3A_38 = arith.constant 0 : i32
    %cond3A_39 = arith.cmpi ne, %convert_element_type3A_37, %cond3A_38 : i32
    scf.if %cond3A_39 {
      "tpu.region"() ({
        %run_scoped3A = tpu.sem_alloc : memref<!tpu.dma_semaphore, #tpu.memory_space<semaphore_mem>>
        %dma_start3A_40 = arith.constant 0 : i32
        %dma_start3A_41 = arith.constant 0 : i32
        %dma_start3A_42 = tpu.memref_slice %arg6[%arg0, %dma_start3A_40, %dma_start3A_41] : memref<2x10000x128xf32, #tpu.memory_space<hbm>> -> memref<1x10000x128xf32, #tpu.memory_space<hbm>>
        %dma_start3A_43 = tpu.memref_squeeze %dma_start3A_42 : memref<1x10000x128xf32, #tpu.memory_space<hbm>> -> memref<10000x128xf32, #tpu.memory_space<hbm>>
        %dma_start3A_44 = arith.constant 9480 : i32
        %dma_start3A_45 = arith.constant 0 : i32
        %dma_start3A_46 = tpu.memref_slice %dma_start3A_43[%dma_start3A_44, %dma_start3A_45] : memref<10000x128xf32, #tpu.memory_space<hbm>> -> memref<520x128xf32, #tpu.memory_space<hbm>>
        %dma_start3A_47 = arith.constant 9480 : i32
        %dma_start3A_48 = arith.constant 0 : i32
        %dma_start3A_49 = tpu.memref_slice %arg11[%dma_start3A_47, %dma_start3A_48] : memref<10064x128xf32, #tpu.memory_space<vmem_shared>> -> memref<520x128xf32, #tpu.memory_space<vmem_shared>>
        tpu.enqueue_dma source(%dma_start3A_49 : memref<520x128xf32, #tpu.memory_space<vmem_shared>>) target(%dma_start3A_46 : memref<520x128xf32, #tpu.memory_space<hbm>>) target_semaphore(%run_scoped3A : memref<!tpu.dma_semaphore, #tpu.memory_space<semaphore_mem>>)
        %dma_wait3A = arith.constant 0 : i32
        %dma_wait3A_50 = arith.constant 0 : i32
        %dma_wait3A_51 = tpu.memref_slice %arg6[%arg0, %dma_wait3A, %dma_wait3A_50] : memref<2x10000x128xf32, #tpu.memory_space<hbm>> -> memref<1x10000x128xf32, #tpu.memory_space<hbm>>
        %dma_wait3A_52 = tpu.memref_squeeze %dma_wait3A_51 : memref<1x10000x128xf32, #tpu.memory_space<hbm>> -> memref<10000x128xf32, #tpu.memory_space<hbm>>
        %dma_wait3A_53 = arith.constant 9480 : i32
        %dma_wait3A_54 = arith.constant 0 : i32
        %dma_wait3A_55 = tpu.memref_slice %dma_wait3A_52[%dma_wait3A_53, %dma_wait3A_54] : memref<10000x128xf32, #tpu.memory_space<hbm>> -> memref<520x128xf32, #tpu.memory_space<hbm>>
        %dma_wait3A_56 = arith.constant 9480 : i32
        %dma_wait3A_57 = arith.constant 0 : i32
        %dma_wait3A_58 = tpu.memref_slice %arg11[%dma_wait3A_56, %dma_wait3A_57] : memref<10064x128xf32, #tpu.memory_space<vmem_shared>> -> memref<520x128xf32, #tpu.memory_space<vmem_shared>>
        tpu.wait_dma2 semaphore(%run_scoped3A : memref<!tpu.dma_semaphore, #tpu.memory_space<semaphore_mem>>) src(%dma_wait3A_58 : memref<520x128xf32, #tpu.memory_space<vmem_shared>>) dst(%dma_wait3A_55 : memref<520x128xf32, #tpu.memory_space<hbm>>)
        tpu.yield
      }) : () -> ()
    } else {
    }
    return
  }
}

#map = affine_map<(d0, d1) -> (0, 0)>
#map1 = affine_map<(d0, d1) -> (0, 0, 0)>
module attributes {stable_mosaic.version = 14 : i64} {
  func.func @scatter_kernel(%arg0: i32, %arg1: i32, %arg2: memref<10000x128xf32, #tpu.memory_space<hbm>>, %arg3: memref<32x80x128xi32, #tpu.memory_space<hbm>>, %arg4: memref<32x80x128xi32, #tpu.memory_space<hbm>>, %arg5: memref<10000x128xf32, #tpu.memory_space<hbm>>, %arg6: memref<2x10000x128xf32, #tpu.memory_space<hbm>>, %arg7: memref<40x128xi32, #tpu.memory_space<vmem>>, %arg8: memref<40x128xi32, #tpu.memory_space<vmem>>, %arg9: memref<128x128xf32, #tpu.memory_space<vmem>>, %arg10: memref<128x128xf32, #tpu.memory_space<vmem>>, %arg11: memref<10064x128xf32, #tpu.memory_space<vmem_shared>>, %arg12: memref<!tpu.dma_semaphore, #tpu.memory_space<semaphore_mem>>, %arg13: memref<!tpu.dma_semaphore, #tpu.memory_space<semaphore_mem>>) attributes {dimension_semantics = [#tpu.dimension_semantics<core_parallel>, #tpu.dimension_semantics<subcore_parallel>], iteration_bounds = array<i64: 2, 16>, scalar_prefetch = 0 : i64, scratch_operands = 7 : i64, tpu.core_type = #tpu.core_type<sc_vector_subcore>, window_params = [{transform_indices = #map}, {transform_indices = #map1}, {transform_indices = #map1}, {transform_indices = #map}, {transform_indices = #map1}]} {
    %mul3A = arith.constant 16 : i32
    %mul3A_0 = arith.muli %arg0, %mul3A : i32
    %add3A = arith.addi %mul3A_0, %arg1 : i32
    %lt3A = arith.constant 15 : i32
    %lt3A_1 = arith.cmpi slt, %arg1, %lt3A : i32
    %convert_element_type3A = arith.extui %lt3A_1 : i1 to i32
    %cond3A = arith.constant 0 : i32
    %cond3A_2 = arith.cmpi ne, %convert_element_type3A, %cond3A : i32
    scf.if %cond3A_2 {
      %mul3A_40 = arith.constant 632 : i32
      %mul3A_41 = arith.muli %arg1, %mul3A_40 : i32
      "tpu.region"() ({
        %run_scoped3A = tpu.sem_alloc : memref<!tpu.dma_semaphore, #tpu.memory_space<semaphore_mem>>
        %dma_start3A_42 = arith.constant 0 : i32
        %dma_start3A_43 = tpu.memref_slice %arg11[%mul3A_41, %dma_start3A_42] : memref<10064x128xf32, #tpu.memory_space<vmem_shared>> -> memref<632x128xf32, #tpu.memory_space<vmem_shared>>
        %dma_start3A_44 = arith.constant 0 : i32
        %dma_start3A_45 = tpu.memref_slice %arg5[%mul3A_41, %dma_start3A_44] : memref<10000x128xf32, #tpu.memory_space<hbm>> -> memref<632x128xf32, #tpu.memory_space<hbm>>
        tpu.enqueue_dma source(%dma_start3A_45 : memref<632x128xf32, #tpu.memory_space<hbm>>) target(%dma_start3A_43 : memref<632x128xf32, #tpu.memory_space<vmem_shared>>) target_semaphore(%run_scoped3A : memref<!tpu.dma_semaphore, #tpu.memory_space<semaphore_mem>>)
        %dma_wait3A = arith.constant 0 : i32
        %dma_wait3A_46 = tpu.memref_slice %arg11[%mul3A_41, %dma_wait3A] : memref<10064x128xf32, #tpu.memory_space<vmem_shared>> -> memref<632x128xf32, #tpu.memory_space<vmem_shared>>
        %dma_wait3A_47 = arith.constant 0 : i32
        %dma_wait3A_48 = tpu.memref_slice %arg5[%mul3A_41, %dma_wait3A_47] : memref<10000x128xf32, #tpu.memory_space<hbm>> -> memref<632x128xf32, #tpu.memory_space<hbm>>
        tpu.wait_dma2 semaphore(%run_scoped3A : memref<!tpu.dma_semaphore, #tpu.memory_space<semaphore_mem>>) src(%dma_wait3A_48 : memref<632x128xf32, #tpu.memory_space<hbm>>) dst(%dma_wait3A_46 : memref<632x128xf32, #tpu.memory_space<vmem_shared>>)
        tpu.yield
      }) : () -> ()
    } else {
    }
    %eq3A = arith.constant 15 : i32
    %eq3A_3 = arith.cmpi eq, %arg1, %eq3A : i32
    %convert_element_type3A_4 = arith.extui %eq3A_3 : i1 to i32
    %cond3A_5 = arith.constant 0 : i32
    %cond3A_6 = arith.cmpi ne, %convert_element_type3A_4, %cond3A_5 : i32
    scf.if %cond3A_6 {
      "tpu.region"() ({
        %run_scoped3A = tpu.sem_alloc : memref<!tpu.dma_semaphore, #tpu.memory_space<semaphore_mem>>
        %dma_start3A_40 = arith.constant 9480 : i32
        %dma_start3A_41 = arith.constant 0 : i32
        %dma_start3A_42 = tpu.memref_slice %arg11[%dma_start3A_40, %dma_start3A_41] : memref<10064x128xf32, #tpu.memory_space<vmem_shared>> -> memref<520x128xf32, #tpu.memory_space<vmem_shared>>
        %dma_start3A_43 = arith.constant 9480 : i32
        %dma_start3A_44 = arith.constant 0 : i32
        %dma_start3A_45 = tpu.memref_slice %arg5[%dma_start3A_43, %dma_start3A_44] : memref<10000x128xf32, #tpu.memory_space<hbm>> -> memref<520x128xf32, #tpu.memory_space<hbm>>
        tpu.enqueue_dma source(%dma_start3A_45 : memref<520x128xf32, #tpu.memory_space<hbm>>) target(%dma_start3A_42 : memref<520x128xf32, #tpu.memory_space<vmem_shared>>) target_semaphore(%run_scoped3A : memref<!tpu.dma_semaphore, #tpu.memory_space<semaphore_mem>>)
        %dma_wait3A = arith.constant 9480 : i32
        %dma_wait3A_46 = arith.constant 0 : i32
        %dma_wait3A_47 = tpu.memref_slice %arg11[%dma_wait3A, %dma_wait3A_46] : memref<10064x128xf32, #tpu.memory_space<vmem_shared>> -> memref<520x128xf32, #tpu.memory_space<vmem_shared>>
        %dma_wait3A_48 = arith.constant 9480 : i32
        %dma_wait3A_49 = arith.constant 0 : i32
        %dma_wait3A_50 = tpu.memref_slice %arg5[%dma_wait3A_48, %dma_wait3A_49] : memref<10000x128xf32, #tpu.memory_space<hbm>> -> memref<520x128xf32, #tpu.memory_space<hbm>>
        tpu.wait_dma2 semaphore(%run_scoped3A : memref<!tpu.dma_semaphore, #tpu.memory_space<semaphore_mem>>) src(%dma_wait3A_50 : memref<520x128xf32, #tpu.memory_space<hbm>>) dst(%dma_wait3A_47 : memref<520x128xf32, #tpu.memory_space<vmem_shared>>)
        tpu.yield
      }) : () -> ()
    } else {
    }
    %barrier3A = arith.constant 0 : index
    tpu.barrier barrier_id(%barrier3A)
    "tpu.region"() ({
      %run_scoped3A = tpu.sem_alloc : memref<!tpu.dma_semaphore, #tpu.memory_space<semaphore_mem>>
      %dma_start3A_40 = arith.constant 0 : i32
      %dma_start3A_41 = arith.constant 0 : i32
      %dma_start3A_42 = tpu.memref_slice %arg3[%add3A, %dma_start3A_40, %dma_start3A_41] : memref<32x80x128xi32, #tpu.memory_space<hbm>> -> memref<1x40x128xi32, #tpu.memory_space<hbm>>
      %dma_start3A_43 = tpu.memref_squeeze %dma_start3A_42 : memref<1x40x128xi32, #tpu.memory_space<hbm>> -> memref<40x128xi32, #tpu.memory_space<hbm>>
      %dma_start3A_44 = arith.constant 0 : i32
      %dma_start3A_45 = arith.constant 0 : i32
      %dma_start3A_46 = tpu.memref_slice %arg3[%add3A, %dma_start3A_44, %dma_start3A_45] : memref<32x80x128xi32, #tpu.memory_space<hbm>> -> memref<1x40x128xi32, #tpu.memory_space<hbm>>
      %dma_start3A_47 = tpu.memref_squeeze %dma_start3A_46 : memref<1x40x128xi32, #tpu.memory_space<hbm>> -> memref<40x128xi32, #tpu.memory_space<hbm>>
      tpu.enqueue_dma source(%dma_start3A_47 : memref<40x128xi32, #tpu.memory_space<hbm>>) target(%arg7 : memref<40x128xi32, #tpu.memory_space<vmem>>) target_semaphore(%run_scoped3A : memref<!tpu.dma_semaphore, #tpu.memory_space<semaphore_mem>>)
      %dma_wait3A = arith.constant 0 : i32
      %dma_wait3A_48 = arith.constant 0 : i32
      %dma_wait3A_49 = tpu.memref_slice %arg3[%add3A, %dma_wait3A, %dma_wait3A_48] : memref<32x80x128xi32, #tpu.memory_space<hbm>> -> memref<1x40x128xi32, #tpu.memory_space<hbm>>
      %dma_wait3A_50 = tpu.memref_squeeze %dma_wait3A_49 : memref<1x40x128xi32, #tpu.memory_space<hbm>> -> memref<40x128xi32, #tpu.memory_space<hbm>>
      %dma_wait3A_51 = arith.constant 0 : i32
      %dma_wait3A_52 = arith.constant 0 : i32
      %dma_wait3A_53 = tpu.memref_slice %arg3[%add3A, %dma_wait3A_51, %dma_wait3A_52] : memref<32x80x128xi32, #tpu.memory_space<hbm>> -> memref<1x40x128xi32, #tpu.memory_space<hbm>>
      %dma_wait3A_54 = tpu.memref_squeeze %dma_wait3A_53 : memref<1x40x128xi32, #tpu.memory_space<hbm>> -> memref<40x128xi32, #tpu.memory_space<hbm>>
      tpu.wait_dma2 semaphore(%run_scoped3A : memref<!tpu.dma_semaphore, #tpu.memory_space<semaphore_mem>>) src(%dma_wait3A_54 : memref<40x128xi32, #tpu.memory_space<hbm>>) dst(%arg7 : memref<40x128xi32, #tpu.memory_space<vmem>>)
      tpu.yield
    }) : () -> ()
    "tpu.region"() ({
      %run_scoped3A = tpu.sem_alloc : memref<!tpu.dma_semaphore, #tpu.memory_space<semaphore_mem>>
      %dma_start3A_40 = arith.constant 0 : i32
      %dma_start3A_41 = arith.constant 0 : i32
      %dma_start3A_42 = tpu.memref_slice %arg4[%add3A, %dma_start3A_40, %dma_start3A_41] : memref<32x80x128xi32, #tpu.memory_space<hbm>> -> memref<1x40x128xi32, #tpu.memory_space<hbm>>
      %dma_start3A_43 = tpu.memref_squeeze %dma_start3A_42 : memref<1x40x128xi32, #tpu.memory_space<hbm>> -> memref<40x128xi32, #tpu.memory_space<hbm>>
      %dma_start3A_44 = arith.constant 0 : i32
      %dma_start3A_45 = arith.constant 0 : i32
      %dma_start3A_46 = tpu.memref_slice %arg4[%add3A, %dma_start3A_44, %dma_start3A_45] : memref<32x80x128xi32, #tpu.memory_space<hbm>> -> memref<1x40x128xi32, #tpu.memory_space<hbm>>
      %dma_start3A_47 = tpu.memref_squeeze %dma_start3A_46 : memref<1x40x128xi32, #tpu.memory_space<hbm>> -> memref<40x128xi32, #tpu.memory_space<hbm>>
      tpu.enqueue_dma source(%dma_start3A_47 : memref<40x128xi32, #tpu.memory_space<hbm>>) target(%arg8 : memref<40x128xi32, #tpu.memory_space<vmem>>) target_semaphore(%run_scoped3A : memref<!tpu.dma_semaphore, #tpu.memory_space<semaphore_mem>>)
      %dma_wait3A = arith.constant 0 : i32
      %dma_wait3A_48 = arith.constant 0 : i32
      %dma_wait3A_49 = tpu.memref_slice %arg4[%add3A, %dma_wait3A, %dma_wait3A_48] : memref<32x80x128xi32, #tpu.memory_space<hbm>> -> memref<1x40x128xi32, #tpu.memory_space<hbm>>
      %dma_wait3A_50 = tpu.memref_squeeze %dma_wait3A_49 : memref<1x40x128xi32, #tpu.memory_space<hbm>> -> memref<40x128xi32, #tpu.memory_space<hbm>>
      %dma_wait3A_51 = arith.constant 0 : i32
      %dma_wait3A_52 = arith.constant 0 : i32
      %dma_wait3A_53 = tpu.memref_slice %arg4[%add3A, %dma_wait3A_51, %dma_wait3A_52] : memref<32x80x128xi32, #tpu.memory_space<hbm>> -> memref<1x40x128xi32, #tpu.memory_space<hbm>>
      %dma_wait3A_54 = tpu.memref_squeeze %dma_wait3A_53 : memref<1x40x128xi32, #tpu.memory_space<hbm>> -> memref<40x128xi32, #tpu.memory_space<hbm>>
      tpu.wait_dma2 semaphore(%run_scoped3A : memref<!tpu.dma_semaphore, #tpu.memory_space<semaphore_mem>>) src(%dma_wait3A_54 : memref<40x128xi32, #tpu.memory_space<hbm>>) dst(%arg8 : memref<40x128xi32, #tpu.memory_space<vmem>>)
      tpu.yield
    }) : () -> ()
    %dma_start3A = arith.constant 0 : i32
    %dma_start3A_7 = arith.constant 0 : i32
    %dma_start3A_8 = tpu.memref_slice %arg7[%dma_start3A, %dma_start3A_7] : memref<40x128xi32, #tpu.memory_space<vmem>> -> memref<1x128xi32, #tpu.memory_space<vmem>>
    %dma_start3A_9 = tpu.memref_squeeze %dma_start3A_8 : memref<1x128xi32, #tpu.memory_space<vmem>> -> memref<128xi32, #tpu.memory_space<vmem>>
    %dma_start3A_10 = arith.constant 0 : i32
    %dma_start3A_11 = arith.constant 0 : i32
    %dma_start3A_12 = tpu.memref_slice %arg2[%dma_start3A_10, %dma_start3A_11] : memref<10000x128xf32, #tpu.memory_space<hbm>> -> memref<10000x128xf32, #tpu.memory_space<hbm>>
    tpu.enqueue_indirect_dma source(%dma_start3A_12 : memref<10000x128xf32, #tpu.memory_space<hbm>>) target(%arg9 : memref<128x128xf32, #tpu.memory_space<vmem>>) offsets(%dma_start3A_9 : memref<128xi32, #tpu.memory_space<vmem>>) semaphore(%arg12 : memref<!tpu.dma_semaphore, #tpu.memory_space<semaphore_mem>>)
    %scan3A = arith.constant 0 : i32
    %scan3A_13 = arith.constant 20 : i32
    %scan3A_14 = arith.addi %scan3A, %scan3A_13 : i32
    %scan3A_15 = arith.constant 1 : i32
    scf.for %scan3A_40 = %scan3A to %scan3A_14 step %scan3A_15  : i32 {
      %mul3A_41 = arith.constant 2 : i32
      %mul3A_42 = arith.muli %scan3A_40, %mul3A_41 : i32
      %add3A_43 = arith.constant 0 : i32
      %add3A_44 = arith.addi %add3A_43, %mul3A_42 : i32
      %add3A_45 = arith.constant 1 : i32
      %add3A_46 = arith.addi %add3A_44, %add3A_45 : i32
      %dma_start3A_47 = arith.constant 0 : i32
      %dma_start3A_48 = tpu.memref_slice %arg7[%add3A_46, %dma_start3A_47] : memref<40x128xi32, #tpu.memory_space<vmem>> -> memref<1x128xi32, #tpu.memory_space<vmem>>
      %dma_start3A_49 = tpu.memref_squeeze %dma_start3A_48 : memref<1x128xi32, #tpu.memory_space<vmem>> -> memref<128xi32, #tpu.memory_space<vmem>>
      %dma_start3A_50 = arith.constant 0 : i32
      %dma_start3A_51 = arith.constant 0 : i32
      %dma_start3A_52 = tpu.memref_slice %arg2[%dma_start3A_50, %dma_start3A_51] : memref<10000x128xf32, #tpu.memory_space<hbm>> -> memref<10000x128xf32, #tpu.memory_space<hbm>>
      tpu.enqueue_indirect_dma source(%dma_start3A_52 : memref<10000x128xf32, #tpu.memory_space<hbm>>) target(%arg10 : memref<128x128xf32, #tpu.memory_space<vmem>>) offsets(%dma_start3A_49 : memref<128xi32, #tpu.memory_space<vmem>>) semaphore(%arg13 : memref<!tpu.dma_semaphore, #tpu.memory_space<semaphore_mem>>)
      %dma_wait3A = arith.constant 0 : i32
      %dma_wait3A_53 = tpu.memref_slice %arg7[%add3A_44, %dma_wait3A] : memref<40x128xi32, #tpu.memory_space<vmem>> -> memref<1x128xi32, #tpu.memory_space<vmem>>
      %dma_wait3A_54 = tpu.memref_squeeze %dma_wait3A_53 : memref<1x128xi32, #tpu.memory_space<vmem>> -> memref<128xi32, #tpu.memory_space<vmem>>
      %dma_wait3A_55 = arith.constant 0 : i32
      %dma_wait3A_56 = arith.constant 0 : i32
      %dma_wait3A_57 = tpu.memref_slice %arg2[%dma_wait3A_55, %dma_wait3A_56] : memref<10000x128xf32, #tpu.memory_space<hbm>> -> memref<10000x128xf32, #tpu.memory_space<hbm>>
      tpu.wait_indirect_dma semaphore(%arg12 : memref<!tpu.dma_semaphore, #tpu.memory_space<semaphore_mem>>) src(%dma_wait3A_57 : memref<10000x128xf32, #tpu.memory_space<hbm>>) dst(%arg9 : memref<128x128xf32, #tpu.memory_space<vmem>>)
      "tpu.region"() ({
        %run_scoped3A = tpu.sem_alloc : memref<!tpu.dma_semaphore, #tpu.memory_space<semaphore_mem>>
        %dma_start3A_75 = arith.constant 0 : i32
        %dma_start3A_76 = tpu.memref_slice %arg8[%add3A_44, %dma_start3A_75] : memref<40x128xi32, #tpu.memory_space<vmem>> -> memref<1x128xi32, #tpu.memory_space<vmem>>
        %dma_start3A_77 = tpu.memref_squeeze %dma_start3A_76 : memref<1x128xi32, #tpu.memory_space<vmem>> -> memref<128xi32, #tpu.memory_space<vmem>>
        %dma_start3A_78 = arith.constant 0 : i32
        %dma_start3A_79 = arith.constant 0 : i32
        %dma_start3A_80 = tpu.memref_slice %arg11[%dma_start3A_78, %dma_start3A_79] : memref<10064x128xf32, #tpu.memory_space<vmem_shared>> -> memref<10064x128xf32, #tpu.memory_space<vmem_shared>>
        tpu.enqueue_indirect_dma source(%arg9 : memref<128x128xf32, #tpu.memory_space<vmem>>) target(%dma_start3A_80 : memref<10064x128xf32, #tpu.memory_space<vmem_shared>>) offsets(%dma_start3A_77 : memref<128xi32, #tpu.memory_space<vmem>>) semaphore(%run_scoped3A : memref<!tpu.dma_semaphore, #tpu.memory_space<semaphore_mem>>) {add = true}
        %dma_wait3A_81 = arith.constant 0 : i32
        %dma_wait3A_82 = tpu.memref_slice %arg8[%add3A_44, %dma_wait3A_81] : memref<40x128xi32, #tpu.memory_space<vmem>> -> memref<1x128xi32, #tpu.memory_space<vmem>>
        %dma_wait3A_83 = tpu.memref_squeeze %dma_wait3A_82 : memref<1x128xi32, #tpu.memory_space<vmem>> -> memref<128xi32, #tpu.memory_space<vmem>>
        %dma_wait3A_84 = arith.constant 0 : i32
        %dma_wait3A_85 = arith.constant 0 : i32
        %dma_wait3A_86 = tpu.memref_slice %arg11[%dma_wait3A_84, %dma_wait3A_85] : memref<10064x128xf32, #tpu.memory_space<vmem_shared>> -> memref<10064x128xf32, #tpu.memory_space<vmem_shared>>
        tpu.wait_indirect_dma semaphore(%run_scoped3A : memref<!tpu.dma_semaphore, #tpu.memory_space<semaphore_mem>>) src(%arg9 : memref<128x128xf32, #tpu.memory_space<vmem>>) dst(%dma_wait3A_86 : memref<10064x128xf32, #tpu.memory_space<vmem_shared>>)
        tpu.yield
      }) : () -> ()
      %add3A_58 = arith.constant 2 : i32
      %add3A_59 = arith.addi %add3A_44, %add3A_58 : i32
      %lt3A_60 = arith.constant 40 : i32
      %lt3A_61 = arith.cmpi slt, %add3A_59, %lt3A_60 : i32
      %convert_element_type3A_62 = arith.extui %lt3A_61 : i1 to i32
      %cond3A_63 = arith.constant 0 : i32
      %cond3A_64 = arith.cmpi ne, %convert_element_type3A_62, %cond3A_63 : i32
      scf.if %cond3A_64 {
        %add3A_75 = arith.constant 2 : i32
        %add3A_76 = arith.addi %add3A_44, %add3A_75 : i32
        %dma_start3A_77 = arith.constant 0 : i32
        %dma_start3A_78 = tpu.memref_slice %arg7[%add3A_76, %dma_start3A_77] : memref<40x128xi32, #tpu.memory_space<vmem>> -> memref<1x128xi32, #tpu.memory_space<vmem>>
        %dma_start3A_79 = tpu.memref_squeeze %dma_start3A_78 : memref<1x128xi32, #tpu.memory_space<vmem>> -> memref<128xi32, #tpu.memory_space<vmem>>
        %dma_start3A_80 = arith.constant 0 : i32
        %dma_start3A_81 = arith.constant 0 : i32
        %dma_start3A_82 = tpu.memref_slice %arg2[%dma_start3A_80, %dma_start3A_81] : memref<10000x128xf32, #tpu.memory_space<hbm>> -> memref<10000x128xf32, #tpu.memory_space<hbm>>
        tpu.enqueue_indirect_dma source(%dma_start3A_82 : memref<10000x128xf32, #tpu.memory_space<hbm>>) target(%arg9 : memref<128x128xf32, #tpu.memory_space<vmem>>) offsets(%dma_start3A_79 : memref<128xi32, #tpu.memory_space<vmem>>) semaphore(%arg12 : memref<!tpu.dma_semaphore, #tpu.memory_space<semaphore_mem>>)
      } else {
      }
      %add3A_65 = arith.constant 1 : i32
      %add3A_66 = arith.addi %add3A_44, %add3A_65 : i32
      %dma_wait3A_67 = arith.constant 0 : i32
      %dma_wait3A_68 = tpu.memref_slice %arg7[%add3A_66, %dma_wait3A_67] : memref<40x128xi32, #tpu.memory_space<vmem>> -> memref<1x128xi32, #tpu.memory_space<vmem>>
      %dma_wait3A_69 = tpu.memref_squeeze %dma_wait3A_68 : memref<1x128xi32, #tpu.memory_space<vmem>> -> memref<128xi32, #tpu.memory_space<vmem>>
      %dma_wait3A_70 = arith.constant 0 : i32
      %dma_wait3A_71 = arith.constant 0 : i32
      %dma_wait3A_72 = tpu.memref_slice %arg2[%dma_wait3A_70, %dma_wait3A_71] : memref<10000x128xf32, #tpu.memory_space<hbm>> -> memref<10000x128xf32, #tpu.memory_space<hbm>>
      tpu.wait_indirect_dma semaphore(%arg13 : memref<!tpu.dma_semaphore, #tpu.memory_space<semaphore_mem>>) src(%dma_wait3A_72 : memref<10000x128xf32, #tpu.memory_space<hbm>>) dst(%arg10 : memref<128x128xf32, #tpu.memory_space<vmem>>)
      %add3A_73 = arith.constant 1 : i32
      %add3A_74 = arith.addi %add3A_44, %add3A_73 : i32
      "tpu.region"() ({
        %run_scoped3A = tpu.sem_alloc : memref<!tpu.dma_semaphore, #tpu.memory_space<semaphore_mem>>
        %dma_start3A_75 = arith.constant 0 : i32
        %dma_start3A_76 = tpu.memref_slice %arg8[%add3A_74, %dma_start3A_75] : memref<40x128xi32, #tpu.memory_space<vmem>> -> memref<1x128xi32, #tpu.memory_space<vmem>>
        %dma_start3A_77 = tpu.memref_squeeze %dma_start3A_76 : memref<1x128xi32, #tpu.memory_space<vmem>> -> memref<128xi32, #tpu.memory_space<vmem>>
        %dma_start3A_78 = arith.constant 0 : i32
        %dma_start3A_79 = arith.constant 0 : i32
        %dma_start3A_80 = tpu.memref_slice %arg11[%dma_start3A_78, %dma_start3A_79] : memref<10064x128xf32, #tpu.memory_space<vmem_shared>> -> memref<10064x128xf32, #tpu.memory_space<vmem_shared>>
        tpu.enqueue_indirect_dma source(%arg10 : memref<128x128xf32, #tpu.memory_space<vmem>>) target(%dma_start3A_80 : memref<10064x128xf32, #tpu.memory_space<vmem_shared>>) offsets(%dma_start3A_77 : memref<128xi32, #tpu.memory_space<vmem>>) semaphore(%run_scoped3A : memref<!tpu.dma_semaphore, #tpu.memory_space<semaphore_mem>>) {add = true}
        %dma_wait3A_81 = arith.constant 0 : i32
        %dma_wait3A_82 = tpu.memref_slice %arg8[%add3A_74, %dma_wait3A_81] : memref<40x128xi32, #tpu.memory_space<vmem>> -> memref<1x128xi32, #tpu.memory_space<vmem>>
        %dma_wait3A_83 = tpu.memref_squeeze %dma_wait3A_82 : memref<1x128xi32, #tpu.memory_space<vmem>> -> memref<128xi32, #tpu.memory_space<vmem>>
        %dma_wait3A_84 = arith.constant 0 : i32
        %dma_wait3A_85 = arith.constant 0 : i32
        %dma_wait3A_86 = tpu.memref_slice %arg11[%dma_wait3A_84, %dma_wait3A_85] : memref<10064x128xf32, #tpu.memory_space<vmem_shared>> -> memref<10064x128xf32, #tpu.memory_space<vmem_shared>>
        tpu.wait_indirect_dma semaphore(%run_scoped3A : memref<!tpu.dma_semaphore, #tpu.memory_space<semaphore_mem>>) src(%arg10 : memref<128x128xf32, #tpu.memory_space<vmem>>) dst(%dma_wait3A_86 : memref<10064x128xf32, #tpu.memory_space<vmem_shared>>)
        tpu.yield
      }) : () -> ()
    }
    %scan3A_16 = arith.constant 20 : i32
    "tpu.region"() ({
      %run_scoped3A = tpu.sem_alloc : memref<!tpu.dma_semaphore, #tpu.memory_space<semaphore_mem>>
      %dma_start3A_40 = arith.constant 40 : i32
      %dma_start3A_41 = arith.constant 0 : i32
      %dma_start3A_42 = tpu.memref_slice %arg3[%add3A, %dma_start3A_40, %dma_start3A_41] : memref<32x80x128xi32, #tpu.memory_space<hbm>> -> memref<1x40x128xi32, #tpu.memory_space<hbm>>
      %dma_start3A_43 = tpu.memref_squeeze %dma_start3A_42 : memref<1x40x128xi32, #tpu.memory_space<hbm>> -> memref<40x128xi32, #tpu.memory_space<hbm>>
      %dma_start3A_44 = arith.constant 40 : i32
      %dma_start3A_45 = arith.constant 0 : i32
      %dma_start3A_46 = tpu.memref_slice %arg3[%add3A, %dma_start3A_44, %dma_start3A_45] : memref<32x80x128xi32, #tpu.memory_space<hbm>> -> memref<1x40x128xi32, #tpu.memory_space<hbm>>
      %dma_start3A_47 = tpu.memref_squeeze %dma_start3A_46 : memref<1x40x128xi32, #tpu.memory_space<hbm>> -> memref<40x128xi32, #tpu.memory_space<hbm>>
      tpu.enqueue_dma source(%dma_start3A_47 : memref<40x128xi32, #tpu.memory_space<hbm>>) target(%arg7 : memref<40x128xi32, #tpu.memory_space<vmem>>) target_semaphore(%run_scoped3A : memref<!tpu.dma_semaphore, #tpu.memory_space<semaphore_mem>>)
      %dma_wait3A = arith.constant 40 : i32
      %dma_wait3A_48 = arith.constant 0 : i32
      %dma_wait3A_49 = tpu.memref_slice %arg3[%add3A, %dma_wait3A, %dma_wait3A_48] : memref<32x80x128xi32, #tpu.memory_space<hbm>> -> memref<1x40x128xi32, #tpu.memory_space<hbm>>
      %dma_wait3A_50 = tpu.memref_squeeze %dma_wait3A_49 : memref<1x40x128xi32, #tpu.memory_space<hbm>> -> memref<40x128xi32, #tpu.memory_space<hbm>>
      %dma_wait3A_51 = arith.constant 40 : i32
      %dma_wait3A_52 = arith.constant 0 : i32
      %dma_wait3A_53 = tpu.memref_slice %arg3[%add3A, %dma_wait3A_51, %dma_wait3A_52] : memref<32x80x128xi32, #tpu.memory_space<hbm>> -> memref<1x40x128xi32, #tpu.memory_space<hbm>>
      %dma_wait3A_54 = tpu.memref_squeeze %dma_wait3A_53 : memref<1x40x128xi32, #tpu.memory_space<hbm>> -> memref<40x128xi32, #tpu.memory_space<hbm>>
      tpu.wait_dma2 semaphore(%run_scoped3A : memref<!tpu.dma_semaphore, #tpu.memory_space<semaphore_mem>>) src(%dma_wait3A_54 : memref<40x128xi32, #tpu.memory_space<hbm>>) dst(%arg7 : memref<40x128xi32, #tpu.memory_space<vmem>>)
      tpu.yield
    }) : () -> ()
    "tpu.region"() ({
      %run_scoped3A = tpu.sem_alloc : memref<!tpu.dma_semaphore, #tpu.memory_space<semaphore_mem>>
      %dma_start3A_40 = arith.constant 40 : i32
      %dma_start3A_41 = arith.constant 0 : i32
      %dma_start3A_42 = tpu.memref_slice %arg4[%add3A, %dma_start3A_40, %dma_start3A_41] : memref<32x80x128xi32, #tpu.memory_space<hbm>> -> memref<1x40x128xi32, #tpu.memory_space<hbm>>
      %dma_start3A_43 = tpu.memref_squeeze %dma_start3A_42 : memref<1x40x128xi32, #tpu.memory_space<hbm>> -> memref<40x128xi32, #tpu.memory_space<hbm>>
      %dma_start3A_44 = arith.constant 40 : i32
      %dma_start3A_45 = arith.constant 0 : i32
      %dma_start3A_46 = tpu.memref_slice %arg4[%add3A, %dma_start3A_44, %dma_start3A_45] : memref<32x80x128xi32, #tpu.memory_space<hbm>> -> memref<1x40x128xi32, #tpu.memory_space<hbm>>
      %dma_start3A_47 = tpu.memref_squeeze %dma_start3A_46 : memref<1x40x128xi32, #tpu.memory_space<hbm>> -> memref<40x128xi32, #tpu.memory_space<hbm>>
      tpu.enqueue_dma source(%dma_start3A_47 : memref<40x128xi32, #tpu.memory_space<hbm>>) target(%arg8 : memref<40x128xi32, #tpu.memory_space<vmem>>) target_semaphore(%run_scoped3A : memref<!tpu.dma_semaphore, #tpu.memory_space<semaphore_mem>>)
      %dma_wait3A = arith.constant 40 : i32
      %dma_wait3A_48 = arith.constant 0 : i32
      %dma_wait3A_49 = tpu.memref_slice %arg4[%add3A, %dma_wait3A, %dma_wait3A_48] : memref<32x80x128xi32, #tpu.memory_space<hbm>> -> memref<1x40x128xi32, #tpu.memory_space<hbm>>
      %dma_wait3A_50 = tpu.memref_squeeze %dma_wait3A_49 : memref<1x40x128xi32, #tpu.memory_space<hbm>> -> memref<40x128xi32, #tpu.memory_space<hbm>>
      %dma_wait3A_51 = arith.constant 40 : i32
      %dma_wait3A_52 = arith.constant 0 : i32
      %dma_wait3A_53 = tpu.memref_slice %arg4[%add3A, %dma_wait3A_51, %dma_wait3A_52] : memref<32x80x128xi32, #tpu.memory_space<hbm>> -> memref<1x40x128xi32, #tpu.memory_space<hbm>>
      %dma_wait3A_54 = tpu.memref_squeeze %dma_wait3A_53 : memref<1x40x128xi32, #tpu.memory_space<hbm>> -> memref<40x128xi32, #tpu.memory_space<hbm>>
      tpu.wait_dma2 semaphore(%run_scoped3A : memref<!tpu.dma_semaphore, #tpu.memory_space<semaphore_mem>>) src(%dma_wait3A_54 : memref<40x128xi32, #tpu.memory_space<hbm>>) dst(%arg8 : memref<40x128xi32, #tpu.memory_space<vmem>>)
      tpu.yield
    }) : () -> ()
    %dma_start3A_17 = arith.constant 0 : i32
    %dma_start3A_18 = arith.constant 0 : i32
    %dma_start3A_19 = tpu.memref_slice %arg7[%dma_start3A_17, %dma_start3A_18] : memref<40x128xi32, #tpu.memory_space<vmem>> -> memref<1x128xi32, #tpu.memory_space<vmem>>
    %dma_start3A_20 = tpu.memref_squeeze %dma_start3A_19 : memref<1x128xi32, #tpu.memory_space<vmem>> -> memref<128xi32, #tpu.memory_space<vmem>>
    %dma_start3A_21 = arith.constant 0 : i32
    %dma_start3A_22 = arith.constant 0 : i32
    %dma_start3A_23 = tpu.memref_slice %arg2[%dma_start3A_21, %dma_start3A_22] : memref<10000x128xf32, #tpu.memory_space<hbm>> -> memref<10000x128xf32, #tpu.memory_space<hbm>>
    tpu.enqueue_indirect_dma source(%dma_start3A_23 : memref<10000x128xf32, #tpu.memory_space<hbm>>) target(%arg9 : memref<128x128xf32, #tpu.memory_space<vmem>>) offsets(%dma_start3A_20 : memref<128xi32, #tpu.memory_space<vmem>>) semaphore(%arg12 : memref<!tpu.dma_semaphore, #tpu.memory_space<semaphore_mem>>)
    %scan3A_24 = arith.constant 0 : i32
    %scan3A_25 = arith.constant 20 : i32
    %scan3A_26 = arith.addi %scan3A_24, %scan3A_25 : i32
    %scan3A_27 = arith.constant 1 : i32
    scf.for %scan3A_40 = %scan3A_24 to %scan3A_26 step %scan3A_27  : i32 {
      %mul3A_41 = arith.constant 2 : i32
      %mul3A_42 = arith.muli %scan3A_40, %mul3A_41 : i32
      %add3A_43 = arith.constant 0 : i32
      %add3A_44 = arith.addi %add3A_43, %mul3A_42 : i32
      %add3A_45 = arith.constant 1 : i32
      %add3A_46 = arith.addi %add3A_44, %add3A_45 : i32
      %dma_start3A_47 = arith.constant 0 : i32
      %dma_start3A_48 = tpu.memref_slice %arg7[%add3A_46, %dma_start3A_47] : memref<40x128xi32, #tpu.memory_space<vmem>> -> memref<1x128xi32, #tpu.memory_space<vmem>>
      %dma_start3A_49 = tpu.memref_squeeze %dma_start3A_48 : memref<1x128xi32, #tpu.memory_space<vmem>> -> memref<128xi32, #tpu.memory_space<vmem>>
      %dma_start3A_50 = arith.constant 0 : i32
      %dma_start3A_51 = arith.constant 0 : i32
      %dma_start3A_52 = tpu.memref_slice %arg2[%dma_start3A_50, %dma_start3A_51] : memref<10000x128xf32, #tpu.memory_space<hbm>> -> memref<10000x128xf32, #tpu.memory_space<hbm>>
      tpu.enqueue_indirect_dma source(%dma_start3A_52 : memref<10000x128xf32, #tpu.memory_space<hbm>>) target(%arg10 : memref<128x128xf32, #tpu.memory_space<vmem>>) offsets(%dma_start3A_49 : memref<128xi32, #tpu.memory_space<vmem>>) semaphore(%arg13 : memref<!tpu.dma_semaphore, #tpu.memory_space<semaphore_mem>>)
      %dma_wait3A = arith.constant 0 : i32
      %dma_wait3A_53 = tpu.memref_slice %arg7[%add3A_44, %dma_wait3A] : memref<40x128xi32, #tpu.memory_space<vmem>> -> memref<1x128xi32, #tpu.memory_space<vmem>>
      %dma_wait3A_54 = tpu.memref_squeeze %dma_wait3A_53 : memref<1x128xi32, #tpu.memory_space<vmem>> -> memref<128xi32, #tpu.memory_space<vmem>>
      %dma_wait3A_55 = arith.constant 0 : i32
      %dma_wait3A_56 = arith.constant 0 : i32
      %dma_wait3A_57 = tpu.memref_slice %arg2[%dma_wait3A_55, %dma_wait3A_56] : memref<10000x128xf32, #tpu.memory_space<hbm>> -> memref<10000x128xf32, #tpu.memory_space<hbm>>
      tpu.wait_indirect_dma semaphore(%arg12 : memref<!tpu.dma_semaphore, #tpu.memory_space<semaphore_mem>>) src(%dma_wait3A_57 : memref<10000x128xf32, #tpu.memory_space<hbm>>) dst(%arg9 : memref<128x128xf32, #tpu.memory_space<vmem>>)
      "tpu.region"() ({
        %run_scoped3A = tpu.sem_alloc : memref<!tpu.dma_semaphore, #tpu.memory_space<semaphore_mem>>
        %dma_start3A_75 = arith.constant 0 : i32
        %dma_start3A_76 = tpu.memref_slice %arg8[%add3A_44, %dma_start3A_75] : memref<40x128xi32, #tpu.memory_space<vmem>> -> memref<1x128xi32, #tpu.memory_space<vmem>>
        %dma_start3A_77 = tpu.memref_squeeze %dma_start3A_76 : memref<1x128xi32, #tpu.memory_space<vmem>> -> memref<128xi32, #tpu.memory_space<vmem>>
        %dma_start3A_78 = arith.constant 0 : i32
        %dma_start3A_79 = arith.constant 0 : i32
        %dma_start3A_80 = tpu.memref_slice %arg11[%dma_start3A_78, %dma_start3A_79] : memref<10064x128xf32, #tpu.memory_space<vmem_shared>> -> memref<10064x128xf32, #tpu.memory_space<vmem_shared>>
        tpu.enqueue_indirect_dma source(%arg9 : memref<128x128xf32, #tpu.memory_space<vmem>>) target(%dma_start3A_80 : memref<10064x128xf32, #tpu.memory_space<vmem_shared>>) offsets(%dma_start3A_77 : memref<128xi32, #tpu.memory_space<vmem>>) semaphore(%run_scoped3A : memref<!tpu.dma_semaphore, #tpu.memory_space<semaphore_mem>>) {add = true}
        %dma_wait3A_81 = arith.constant 0 : i32
        %dma_wait3A_82 = tpu.memref_slice %arg8[%add3A_44, %dma_wait3A_81] : memref<40x128xi32, #tpu.memory_space<vmem>> -> memref<1x128xi32, #tpu.memory_space<vmem>>
        %dma_wait3A_83 = tpu.memref_squeeze %dma_wait3A_82 : memref<1x128xi32, #tpu.memory_space<vmem>> -> memref<128xi32, #tpu.memory_space<vmem>>
        %dma_wait3A_84 = arith.constant 0 : i32
        %dma_wait3A_85 = arith.constant 0 : i32
        %dma_wait3A_86 = tpu.memref_slice %arg11[%dma_wait3A_84, %dma_wait3A_85] : memref<10064x128xf32, #tpu.memory_space<vmem_shared>> -> memref<10064x128xf32, #tpu.memory_space<vmem_shared>>
        tpu.wait_indirect_dma semaphore(%run_scoped3A : memref<!tpu.dma_semaphore, #tpu.memory_space<semaphore_mem>>) src(%arg9 : memref<128x128xf32, #tpu.memory_space<vmem>>) dst(%dma_wait3A_86 : memref<10064x128xf32, #tpu.memory_space<vmem_shared>>)
        tpu.yield
      }) : () -> ()
      %add3A_58 = arith.constant 2 : i32
      %add3A_59 = arith.addi %add3A_44, %add3A_58 : i32
      %lt3A_60 = arith.constant 40 : i32
      %lt3A_61 = arith.cmpi slt, %add3A_59, %lt3A_60 : i32
      %convert_element_type3A_62 = arith.extui %lt3A_61 : i1 to i32
      %cond3A_63 = arith.constant 0 : i32
      %cond3A_64 = arith.cmpi ne, %convert_element_type3A_62, %cond3A_63 : i32
      scf.if %cond3A_64 {
        %add3A_75 = arith.constant 2 : i32
        %add3A_76 = arith.addi %add3A_44, %add3A_75 : i32
        %dma_start3A_77 = arith.constant 0 : i32
        %dma_start3A_78 = tpu.memref_slice %arg7[%add3A_76, %dma_start3A_77] : memref<40x128xi32, #tpu.memory_space<vmem>> -> memref<1x128xi32, #tpu.memory_space<vmem>>
        %dma_start3A_79 = tpu.memref_squeeze %dma_start3A_78 : memref<1x128xi32, #tpu.memory_space<vmem>> -> memref<128xi32, #tpu.memory_space<vmem>>
        %dma_start3A_80 = arith.constant 0 : i32
        %dma_start3A_81 = arith.constant 0 : i32
        %dma_start3A_82 = tpu.memref_slice %arg2[%dma_start3A_80, %dma_start3A_81] : memref<10000x128xf32, #tpu.memory_space<hbm>> -> memref<10000x128xf32, #tpu.memory_space<hbm>>
        tpu.enqueue_indirect_dma source(%dma_start3A_82 : memref<10000x128xf32, #tpu.memory_space<hbm>>) target(%arg9 : memref<128x128xf32, #tpu.memory_space<vmem>>) offsets(%dma_start3A_79 : memref<128xi32, #tpu.memory_space<vmem>>) semaphore(%arg12 : memref<!tpu.dma_semaphore, #tpu.memory_space<semaphore_mem>>)
      } else {
      }
      %add3A_65 = arith.constant 1 : i32
      %add3A_66 = arith.addi %add3A_44, %add3A_65 : i32
      %dma_wait3A_67 = arith.constant 0 : i32
      %dma_wait3A_68 = tpu.memref_slice %arg7[%add3A_66, %dma_wait3A_67] : memref<40x128xi32, #tpu.memory_space<vmem>> -> memref<1x128xi32, #tpu.memory_space<vmem>>
      %dma_wait3A_69 = tpu.memref_squeeze %dma_wait3A_68 : memref<1x128xi32, #tpu.memory_space<vmem>> -> memref<128xi32, #tpu.memory_space<vmem>>
      %dma_wait3A_70 = arith.constant 0 : i32
      %dma_wait3A_71 = arith.constant 0 : i32
      %dma_wait3A_72 = tpu.memref_slice %arg2[%dma_wait3A_70, %dma_wait3A_71] : memref<10000x128xf32, #tpu.memory_space<hbm>> -> memref<10000x128xf32, #tpu.memory_space<hbm>>
      tpu.wait_indirect_dma semaphore(%arg13 : memref<!tpu.dma_semaphore, #tpu.memory_space<semaphore_mem>>) src(%dma_wait3A_72 : memref<10000x128xf32, #tpu.memory_space<hbm>>) dst(%arg10 : memref<128x128xf32, #tpu.memory_space<vmem>>)
      %add3A_73 = arith.constant 1 : i32
      %add3A_74 = arith.addi %add3A_44, %add3A_73 : i32
      "tpu.region"() ({
        %run_scoped3A = tpu.sem_alloc : memref<!tpu.dma_semaphore, #tpu.memory_space<semaphore_mem>>
        %dma_start3A_75 = arith.constant 0 : i32
        %dma_start3A_76 = tpu.memref_slice %arg8[%add3A_74, %dma_start3A_75] : memref<40x128xi32, #tpu.memory_space<vmem>> -> memref<1x128xi32, #tpu.memory_space<vmem>>
        %dma_start3A_77 = tpu.memref_squeeze %dma_start3A_76 : memref<1x128xi32, #tpu.memory_space<vmem>> -> memref<128xi32, #tpu.memory_space<vmem>>
        %dma_start3A_78 = arith.constant 0 : i32
        %dma_start3A_79 = arith.constant 0 : i32
        %dma_start3A_80 = tpu.memref_slice %arg11[%dma_start3A_78, %dma_start3A_79] : memref<10064x128xf32, #tpu.memory_space<vmem_shared>> -> memref<10064x128xf32, #tpu.memory_space<vmem_shared>>
        tpu.enqueue_indirect_dma source(%arg10 : memref<128x128xf32, #tpu.memory_space<vmem>>) target(%dma_start3A_80 : memref<10064x128xf32, #tpu.memory_space<vmem_shared>>) offsets(%dma_start3A_77 : memref<128xi32, #tpu.memory_space<vmem>>) semaphore(%run_scoped3A : memref<!tpu.dma_semaphore, #tpu.memory_space<semaphore_mem>>) {add = true}
        %dma_wait3A_81 = arith.constant 0 : i32
        %dma_wait3A_82 = tpu.memref_slice %arg8[%add3A_74, %dma_wait3A_81] : memref<40x128xi32, #tpu.memory_space<vmem>> -> memref<1x128xi32, #tpu.memory_space<vmem>>
        %dma_wait3A_83 = tpu.memref_squeeze %dma_wait3A_82 : memref<1x128xi32, #tpu.memory_space<vmem>> -> memref<128xi32, #tpu.memory_space<vmem>>
        %dma_wait3A_84 = arith.constant 0 : i32
        %dma_wait3A_85 = arith.constant 0 : i32
        %dma_wait3A_86 = tpu.memref_slice %arg11[%dma_wait3A_84, %dma_wait3A_85] : memref<10064x128xf32, #tpu.memory_space<vmem_shared>> -> memref<10064x128xf32, #tpu.memory_space<vmem_shared>>
        tpu.wait_indirect_dma semaphore(%run_scoped3A : memref<!tpu.dma_semaphore, #tpu.memory_space<semaphore_mem>>) src(%arg10 : memref<128x128xf32, #tpu.memory_space<vmem>>) dst(%dma_wait3A_86 : memref<10064x128xf32, #tpu.memory_space<vmem_shared>>)
        tpu.yield
      }) : () -> ()
    }
    %scan3A_28 = arith.constant 20 : i32
    %barrier3A_29 = arith.constant 0 : index
    tpu.barrier barrier_id(%barrier3A_29)
    %lt3A_30 = arith.constant 15 : i32
    %lt3A_31 = arith.cmpi slt, %arg1, %lt3A_30 : i32
    %convert_element_type3A_32 = arith.extui %lt3A_31 : i1 to i32
    %cond3A_33 = arith.constant 0 : i32
    %cond3A_34 = arith.cmpi ne, %convert_element_type3A_32, %cond3A_33 : i32
    scf.if %cond3A_34 {
      %mul3A_40 = arith.constant 632 : i32
      %mul3A_41 = arith.muli %arg1, %mul3A_40 : i32
      "tpu.region"() ({
        %run_scoped3A = tpu.sem_alloc : memref<!tpu.dma_semaphore, #tpu.memory_space<semaphore_mem>>
        %dma_start3A_42 = arith.constant 0 : i32
        %dma_start3A_43 = arith.constant 0 : i32
        %dma_start3A_44 = tpu.memref_slice %arg6[%arg0, %dma_start3A_42, %dma_start3A_43] : memref<2x10000x128xf32, #tpu.memory_space<hbm>> -> memref<1x10000x128xf32, #tpu.memory_space<hbm>>
        %dma_start3A_45 = tpu.memref_squeeze %dma_start3A_44 : memref<1x10000x128xf32, #tpu.memory_space<hbm>> -> memref<10000x128xf32, #tpu.memory_space<hbm>>
        %dma_start3A_46 = arith.constant 0 : i32
        %dma_start3A_47 = tpu.memref_slice %dma_start3A_45[%mul3A_41, %dma_start3A_46] : memref<10000x128xf32, #tpu.memory_space<hbm>> -> memref<632x128xf32, #tpu.memory_space<hbm>>
        %dma_start3A_48 = arith.constant 0 : i32
        %dma_start3A_49 = tpu.memref_slice %arg11[%mul3A_41, %dma_start3A_48] : memref<10064x128xf32, #tpu.memory_space<vmem_shared>> -> memref<632x128xf32, #tpu.memory_space<vmem_shared>>
        tpu.enqueue_dma source(%dma_start3A_49 : memref<632x128xf32, #tpu.memory_space<vmem_shared>>) target(%dma_start3A_47 : memref<632x128xf32, #tpu.memory_space<hbm>>) target_semaphore(%run_scoped3A : memref<!tpu.dma_semaphore, #tpu.memory_space<semaphore_mem>>)
        %dma_wait3A = arith.constant 0 : i32
        %dma_wait3A_50 = arith.constant 0 : i32
        %dma_wait3A_51 = tpu.memref_slice %arg6[%arg0, %dma_wait3A, %dma_wait3A_50] : memref<2x10000x128xf32, #tpu.memory_space<hbm>> -> memref<1x10000x128xf32, #tpu.memory_space<hbm>>
        %dma_wait3A_52 = tpu.memref_squeeze %dma_wait3A_51 : memref<1x10000x128xf32, #tpu.memory_space<hbm>> -> memref<10000x128xf32, #tpu.memory_space<hbm>>
        %dma_wait3A_53 = arith.constant 0 : i32
        %dma_wait3A_54 = tpu.memref_slice %dma_wait3A_52[%mul3A_41, %dma_wait3A_53] : memref<10000x128xf32, #tpu.memory_space<hbm>> -> memref<632x128xf32, #tpu.memory_space<hbm>>
        %dma_wait3A_55 = arith.constant 0 : i32
        %dma_wait3A_56 = tpu.memref_slice %arg11[%mul3A_41, %dma_wait3A_55] : memref<10064x128xf32, #tpu.memory_space<vmem_shared>> -> memref<632x128xf32, #tpu.memory_space<vmem_shared>>
        tpu.wait_dma2 semaphore(%run_scoped3A : memref<!tpu.dma_semaphore, #tpu.memory_space<semaphore_mem>>) src(%dma_wait3A_56 : memref<632x128xf32, #tpu.memory_space<vmem_shared>>) dst(%dma_wait3A_54 : memref<632x128xf32, #tpu.memory_space<hbm>>)
        tpu.yield
      }) : () -> ()
    } else {
    }
    %eq3A_35 = arith.constant 15 : i32
    %eq3A_36 = arith.cmpi eq, %arg1, %eq3A_35 : i32
    %convert_element_type3A_37 = arith.extui %eq3A_36 : i1 to i32
    %cond3A_38 = arith.constant 0 : i32
    %cond3A_39 = arith.cmpi ne, %convert_element_type3A_37, %cond3A_38 : i32
    scf.if %cond3A_39 {
      "tpu.region"() ({
        %run_scoped3A = tpu.sem_alloc : memref<!tpu.dma_semaphore, #tpu.memory_space<semaphore_mem>>
        %dma_start3A_40 = arith.constant 0 : i32
        %dma_start3A_41 = arith.constant 0 : i32
        %dma_start3A_42 = tpu.memref_slice %arg6[%arg0, %dma_start3A_40, %dma_start3A_41] : memref<2x10000x128xf32, #tpu.memory_space<hbm>> -> memref<1x10000x128xf32, #tpu.memory_space<hbm>>
        %dma_start3A_43 = tpu.memref_squeeze %dma_start3A_42 : memref<1x10000x128xf32, #tpu.memory_space<hbm>> -> memref<10000x128xf32, #tpu.memory_space<hbm>>
        %dma_start3A_44 = arith.constant 9480 : i32
        %dma_start3A_45 = arith.constant 0 : i32
        %dma_start3A_46 = tpu.memref_slice %dma_start3A_43[%dma_start3A_44, %dma_start3A_45] : memref<10000x128xf32, #tpu.memory_space<hbm>> -> memref<520x128xf32, #tpu.memory_space<hbm>>
        %dma_start3A_47 = arith.constant 9480 : i32
        %dma_start3A_48 = arith.constant 0 : i32
        %dma_start3A_49 = tpu.memref_slice %arg11[%dma_start3A_47, %dma_start3A_48] : memref<10064x128xf32, #tpu.memory_space<vmem_shared>> -> memref<520x128xf32, #tpu.memory_space<vmem_shared>>
        tpu.enqueue_dma source(%dma_start3A_49 : memref<520x128xf32, #tpu.memory_space<vmem_shared>>) target(%dma_start3A_46 : memref<520x128xf32, #tpu.memory_space<hbm>>) target_semaphore(%run_scoped3A : memref<!tpu.dma_semaphore, #tpu.memory_space<semaphore_mem>>)
        %dma_wait3A = arith.constant 0 : i32
        %dma_wait3A_50 = arith.constant 0 : i32
        %dma_wait3A_51 = tpu.memref_slice %arg6[%arg0, %dma_wait3A, %dma_wait3A_50] : memref<2x10000x128xf32, #tpu.memory_space<hbm>> -> memref<1x10000x128xf32, #tpu.memory_space<hbm>>
        %dma_wait3A_52 = tpu.memref_squeeze %dma_wait3A_51 : memref<1x10000x128xf32, #tpu.memory_space<hbm>> -> memref<10000x128xf32, #tpu.memory_space<hbm>>
        %dma_wait3A_53 = arith.constant 9480 : i32
        %dma_wait3A_54 = arith.constant 0 : i32
        %dma_wait3A_55 = tpu.memref_slice %dma_wait3A_52[%dma_wait3A_53, %dma_wait3A_54] : memref<10000x128xf32, #tpu.memory_space<hbm>> -> memref<520x128xf32, #tpu.memory_space<hbm>>
        %dma_wait3A_56 = arith.constant 9480 : i32
        %dma_wait3A_57 = arith.constant 0 : i32
        %dma_wait3A_58 = tpu.memref_slice %arg11[%dma_wait3A_56, %dma_wait3A_57] : memref<10064x128xf32, #tpu.memory_space<vmem_shared>> -> memref<520x128xf32, #tpu.memory_space<vmem_shared>>
        tpu.wait_dma2 semaphore(%run_scoped3A : memref<!tpu.dma_semaphore, #tpu.memory_space<semaphore_mem>>) src(%dma_wait3A_58 : memref<520x128xf32, #tpu.memory_space<vmem_shared>>) dst(%dma_wait3A_55 : memref<520x128xf32, #tpu.memory_space<hbm>>)
        tpu.yield
      }) : () -> ()
    } else {
    }
    return
  }
}

#map = affine_map<(d0, d1) -> (0, 0)>
#map1 = affine_map<(d0, d1) -> (0, 0, 0)>
module attributes {stable_mosaic.version = 14 : i64} {
  func.func @scatter_kernel(%arg0: i32, %arg1: i32, %arg2: memref<10000x128xf32, #tpu.memory_space<hbm>>, %arg3: memref<32x80x128xi32, #tpu.memory_space<hbm>>, %arg4: memref<32x80x128xi32, #tpu.memory_space<hbm>>, %arg5: memref<10000x128xf32, #tpu.memory_space<hbm>>, %arg6: memref<2x10000x128xf32, #tpu.memory_space<hbm>>, %arg7: memref<40x128xi32, #tpu.memory_space<vmem>>, %arg8: memref<40x128xi32, #tpu.memory_space<vmem>>, %arg9: memref<128x128xf32, #tpu.memory_space<vmem>>, %arg10: memref<128x128xf32, #tpu.memory_space<vmem>>, %arg11: memref<10064x128xf32, #tpu.memory_space<vmem_shared>>, %arg12: memref<!tpu.dma_semaphore, #tpu.memory_space<semaphore_mem>>, %arg13: memref<!tpu.dma_semaphore, #tpu.memory_space<semaphore_mem>>) attributes {dimension_semantics = [#tpu.dimension_semantics<core_parallel>, #tpu.dimension_semantics<subcore_parallel>], iteration_bounds = array<i64: 2, 16>, scalar_prefetch = 0 : i64, scratch_operands = 7 : i64, tpu.core_type = #tpu.core_type<sc_vector_subcore>, window_params = [{transform_indices = #map}, {transform_indices = #map1}, {transform_indices = #map1}, {transform_indices = #map}, {transform_indices = #map1}]} {
    %mul3A = arith.constant 16 : i32
    %mul3A_0 = arith.muli %arg0, %mul3A : i32
    %add3A = arith.addi %mul3A_0, %arg1 : i32
    %lt3A = arith.constant 15 : i32
    %lt3A_1 = arith.cmpi slt, %arg1, %lt3A : i32
    %convert_element_type3A = arith.extui %lt3A_1 : i1 to i32
    %cond3A = arith.constant 0 : i32
    %cond3A_2 = arith.cmpi ne, %convert_element_type3A, %cond3A : i32
    scf.if %cond3A_2 {
      %mul3A_40 = arith.constant 632 : i32
      %mul3A_41 = arith.muli %arg1, %mul3A_40 : i32
      "tpu.region"() ({
        %run_scoped3A = tpu.sem_alloc : memref<!tpu.dma_semaphore, #tpu.memory_space<semaphore_mem>>
        %dma_start3A_42 = arith.constant 0 : i32
        %dma_start3A_43 = tpu.memref_slice %arg11[%mul3A_41, %dma_start3A_42] : memref<10064x128xf32, #tpu.memory_space<vmem_shared>> -> memref<632x128xf32, #tpu.memory_space<vmem_shared>>
        %dma_start3A_44 = arith.constant 0 : i32
        %dma_start3A_45 = tpu.memref_slice %arg5[%mul3A_41, %dma_start3A_44] : memref<10000x128xf32, #tpu.memory_space<hbm>> -> memref<632x128xf32, #tpu.memory_space<hbm>>
        tpu.enqueue_dma source(%dma_start3A_45 : memref<632x128xf32, #tpu.memory_space<hbm>>) target(%dma_start3A_43 : memref<632x128xf32, #tpu.memory_space<vmem_shared>>) target_semaphore(%run_scoped3A : memref<!tpu.dma_semaphore, #tpu.memory_space<semaphore_mem>>)
        %dma_wait3A = arith.constant 0 : i32
        %dma_wait3A_46 = tpu.memref_slice %arg11[%mul3A_41, %dma_wait3A] : memref<10064x128xf32, #tpu.memory_space<vmem_shared>> -> memref<632x128xf32, #tpu.memory_space<vmem_shared>>
        %dma_wait3A_47 = arith.constant 0 : i32
        %dma_wait3A_48 = tpu.memref_slice %arg5[%mul3A_41, %dma_wait3A_47] : memref<10000x128xf32, #tpu.memory_space<hbm>> -> memref<632x128xf32, #tpu.memory_space<hbm>>
        tpu.wait_dma2 semaphore(%run_scoped3A : memref<!tpu.dma_semaphore, #tpu.memory_space<semaphore_mem>>) src(%dma_wait3A_48 : memref<632x128xf32, #tpu.memory_space<hbm>>) dst(%dma_wait3A_46 : memref<632x128xf32, #tpu.memory_space<vmem_shared>>)
        tpu.yield
      }) : () -> ()
    } else {
    }
    %eq3A = arith.constant 15 : i32
    %eq3A_3 = arith.cmpi eq, %arg1, %eq3A : i32
    %convert_element_type3A_4 = arith.extui %eq3A_3 : i1 to i32
    %cond3A_5 = arith.constant 0 : i32
    %cond3A_6 = arith.cmpi ne, %convert_element_type3A_4, %cond3A_5 : i32
    scf.if %cond3A_6 {
      "tpu.region"() ({
        %run_scoped3A = tpu.sem_alloc : memref<!tpu.dma_semaphore, #tpu.memory_space<semaphore_mem>>
        %dma_start3A_40 = arith.constant 9480 : i32
        %dma_start3A_41 = arith.constant 0 : i32
        %dma_start3A_42 = tpu.memref_slice %arg11[%dma_start3A_40, %dma_start3A_41] : memref<10064x128xf32, #tpu.memory_space<vmem_shared>> -> memref<520x128xf32, #tpu.memory_space<vmem_shared>>
        %dma_start3A_43 = arith.constant 9480 : i32
        %dma_start3A_44 = arith.constant 0 : i32
        %dma_start3A_45 = tpu.memref_slice %arg5[%dma_start3A_43, %dma_start3A_44] : memref<10000x128xf32, #tpu.memory_space<hbm>> -> memref<520x128xf32, #tpu.memory_space<hbm>>
        tpu.enqueue_dma source(%dma_start3A_45 : memref<520x128xf32, #tpu.memory_space<hbm>>) target(%dma_start3A_42 : memref<520x128xf32, #tpu.memory_space<vmem_shared>>) target_semaphore(%run_scoped3A : memref<!tpu.dma_semaphore, #tpu.memory_space<semaphore_mem>>)
        %dma_wait3A = arith.constant 9480 : i32
        %dma_wait3A_46 = arith.constant 0 : i32
        %dma_wait3A_47 = tpu.memref_slice %arg11[%dma_wait3A, %dma_wait3A_46] : memref<10064x128xf32, #tpu.memory_space<vmem_shared>> -> memref<520x128xf32, #tpu.memory_space<vmem_shared>>
        %dma_wait3A_48 = arith.constant 9480 : i32
        %dma_wait3A_49 = arith.constant 0 : i32
        %dma_wait3A_50 = tpu.memref_slice %arg5[%dma_wait3A_48, %dma_wait3A_49] : memref<10000x128xf32, #tpu.memory_space<hbm>> -> memref<520x128xf32, #tpu.memory_space<hbm>>
        tpu.wait_dma2 semaphore(%run_scoped3A : memref<!tpu.dma_semaphore, #tpu.memory_space<semaphore_mem>>) src(%dma_wait3A_50 : memref<520x128xf32, #tpu.memory_space<hbm>>) dst(%dma_wait3A_47 : memref<520x128xf32, #tpu.memory_space<vmem_shared>>)
        tpu.yield
      }) : () -> ()
    } else {
    }
    %barrier3A = arith.constant 0 : index
    tpu.barrier barrier_id(%barrier3A)
    "tpu.region"() ({
      %run_scoped3A = tpu.sem_alloc : memref<!tpu.dma_semaphore, #tpu.memory_space<semaphore_mem>>
      %dma_start3A_40 = arith.constant 0 : i32
      %dma_start3A_41 = arith.constant 0 : i32
      %dma_start3A_42 = tpu.memref_slice %arg3[%add3A, %dma_start3A_40, %dma_start3A_41] : memref<32x80x128xi32, #tpu.memory_space<hbm>> -> memref<1x40x128xi32, #tpu.memory_space<hbm>>
      %dma_start3A_43 = tpu.memref_squeeze %dma_start3A_42 : memref<1x40x128xi32, #tpu.memory_space<hbm>> -> memref<40x128xi32, #tpu.memory_space<hbm>>
      %dma_start3A_44 = arith.constant 0 : i32
      %dma_start3A_45 = arith.constant 0 : i32
      %dma_start3A_46 = tpu.memref_slice %arg3[%add3A, %dma_start3A_44, %dma_start3A_45] : memref<32x80x128xi32, #tpu.memory_space<hbm>> -> memref<1x40x128xi32, #tpu.memory_space<hbm>>
      %dma_start3A_47 = tpu.memref_squeeze %dma_start3A_46 : memref<1x40x128xi32, #tpu.memory_space<hbm>> -> memref<40x128xi32, #tpu.memory_space<hbm>>
      tpu.enqueue_dma source(%dma_start3A_47 : memref<40x128xi32, #tpu.memory_space<hbm>>) target(%arg7 : memref<40x128xi32, #tpu.memory_space<vmem>>) target_semaphore(%run_scoped3A : memref<!tpu.dma_semaphore, #tpu.memory_space<semaphore_mem>>)
      %dma_wait3A = arith.constant 0 : i32
      %dma_wait3A_48 = arith.constant 0 : i32
      %dma_wait3A_49 = tpu.memref_slice %arg3[%add3A, %dma_wait3A, %dma_wait3A_48] : memref<32x80x128xi32, #tpu.memory_space<hbm>> -> memref<1x40x128xi32, #tpu.memory_space<hbm>>
      %dma_wait3A_50 = tpu.memref_squeeze %dma_wait3A_49 : memref<1x40x128xi32, #tpu.memory_space<hbm>> -> memref<40x128xi32, #tpu.memory_space<hbm>>
      %dma_wait3A_51 = arith.constant 0 : i32
      %dma_wait3A_52 = arith.constant 0 : i32
      %dma_wait3A_53 = tpu.memref_slice %arg3[%add3A, %dma_wait3A_51, %dma_wait3A_52] : memref<32x80x128xi32, #tpu.memory_space<hbm>> -> memref<1x40x128xi32, #tpu.memory_space<hbm>>
      %dma_wait3A_54 = tpu.memref_squeeze %dma_wait3A_53 : memref<1x40x128xi32, #tpu.memory_space<hbm>> -> memref<40x128xi32, #tpu.memory_space<hbm>>
      tpu.wait_dma2 semaphore(%run_scoped3A : memref<!tpu.dma_semaphore, #tpu.memory_space<semaphore_mem>>) src(%dma_wait3A_54 : memref<40x128xi32, #tpu.memory_space<hbm>>) dst(%arg7 : memref<40x128xi32, #tpu.memory_space<vmem>>)
      tpu.yield
    }) : () -> ()
    "tpu.region"() ({
      %run_scoped3A = tpu.sem_alloc : memref<!tpu.dma_semaphore, #tpu.memory_space<semaphore_mem>>
      %dma_start3A_40 = arith.constant 0 : i32
      %dma_start3A_41 = arith.constant 0 : i32
      %dma_start3A_42 = tpu.memref_slice %arg4[%add3A, %dma_start3A_40, %dma_start3A_41] : memref<32x80x128xi32, #tpu.memory_space<hbm>> -> memref<1x40x128xi32, #tpu.memory_space<hbm>>
      %dma_start3A_43 = tpu.memref_squeeze %dma_start3A_42 : memref<1x40x128xi32, #tpu.memory_space<hbm>> -> memref<40x128xi32, #tpu.memory_space<hbm>>
      %dma_start3A_44 = arith.constant 0 : i32
      %dma_start3A_45 = arith.constant 0 : i32
      %dma_start3A_46 = tpu.memref_slice %arg4[%add3A, %dma_start3A_44, %dma_start3A_45] : memref<32x80x128xi32, #tpu.memory_space<hbm>> -> memref<1x40x128xi32, #tpu.memory_space<hbm>>
      %dma_start3A_47 = tpu.memref_squeeze %dma_start3A_46 : memref<1x40x128xi32, #tpu.memory_space<hbm>> -> memref<40x128xi32, #tpu.memory_space<hbm>>
      tpu.enqueue_dma source(%dma_start3A_47 : memref<40x128xi32, #tpu.memory_space<hbm>>) target(%arg8 : memref<40x128xi32, #tpu.memory_space<vmem>>) target_semaphore(%run_scoped3A : memref<!tpu.dma_semaphore, #tpu.memory_space<semaphore_mem>>)
      %dma_wait3A = arith.constant 0 : i32
      %dma_wait3A_48 = arith.constant 0 : i32
      %dma_wait3A_49 = tpu.memref_slice %arg4[%add3A, %dma_wait3A, %dma_wait3A_48] : memref<32x80x128xi32, #tpu.memory_space<hbm>> -> memref<1x40x128xi32, #tpu.memory_space<hbm>>
      %dma_wait3A_50 = tpu.memref_squeeze %dma_wait3A_49 : memref<1x40x128xi32, #tpu.memory_space<hbm>> -> memref<40x128xi32, #tpu.memory_space<hbm>>
      %dma_wait3A_51 = arith.constant 0 : i32
      %dma_wait3A_52 = arith.constant 0 : i32
      %dma_wait3A_53 = tpu.memref_slice %arg4[%add3A, %dma_wait3A_51, %dma_wait3A_52] : memref<32x80x128xi32, #tpu.memory_space<hbm>> -> memref<1x40x128xi32, #tpu.memory_space<hbm>>
      %dma_wait3A_54 = tpu.memref_squeeze %dma_wait3A_53 : memref<1x40x128xi32, #tpu.memory_space<hbm>> -> memref<40x128xi32, #tpu.memory_space<hbm>>
      tpu.wait_dma2 semaphore(%run_scoped3A : memref<!tpu.dma_semaphore, #tpu.memory_space<semaphore_mem>>) src(%dma_wait3A_54 : memref<40x128xi32, #tpu.memory_space<hbm>>) dst(%arg8 : memref<40x128xi32, #tpu.memory_space<vmem>>)
      tpu.yield
    }) : () -> ()
    %dma_start3A = arith.constant 0 : i32
    %dma_start3A_7 = arith.constant 0 : i32
    %dma_start3A_8 = tpu.memref_slice %arg7[%dma_start3A, %dma_start3A_7] : memref<40x128xi32, #tpu.memory_space<vmem>> -> memref<1x128xi32, #tpu.memory_space<vmem>>
    %dma_start3A_9 = tpu.memref_squeeze %dma_start3A_8 : memref<1x128xi32, #tpu.memory_space<vmem>> -> memref<128xi32, #tpu.memory_space<vmem>>
    %dma_start3A_10 = arith.constant 0 : i32
    %dma_start3A_11 = arith.constant 0 : i32
    %dma_start3A_12 = tpu.memref_slice %arg2[%dma_start3A_10, %dma_start3A_11] : memref<10000x128xf32, #tpu.memory_space<hbm>> -> memref<10000x128xf32, #tpu.memory_space<hbm>>
    tpu.enqueue_indirect_dma source(%dma_start3A_12 : memref<10000x128xf32, #tpu.memory_space<hbm>>) target(%arg9 : memref<128x128xf32, #tpu.memory_space<vmem>>) offsets(%dma_start3A_9 : memref<128xi32, #tpu.memory_space<vmem>>) semaphore(%arg12 : memref<!tpu.dma_semaphore, #tpu.memory_space<semaphore_mem>>)
    %scan3A = arith.constant 0 : i32
    %scan3A_13 = arith.constant 20 : i32
    %scan3A_14 = arith.addi %scan3A, %scan3A_13 : i32
    %scan3A_15 = arith.constant 1 : i32
    scf.for %scan3A_40 = %scan3A to %scan3A_14 step %scan3A_15  : i32 {
      %mul3A_41 = arith.constant 2 : i32
      %mul3A_42 = arith.muli %scan3A_40, %mul3A_41 : i32
      %add3A_43 = arith.constant 0 : i32
      %add3A_44 = arith.addi %add3A_43, %mul3A_42 : i32
      %add3A_45 = arith.constant 1 : i32
      %add3A_46 = arith.addi %add3A_44, %add3A_45 : i32
      %dma_start3A_47 = arith.constant 0 : i32
      %dma_start3A_48 = tpu.memref_slice %arg7[%add3A_46, %dma_start3A_47] : memref<40x128xi32, #tpu.memory_space<vmem>> -> memref<1x128xi32, #tpu.memory_space<vmem>>
      %dma_start3A_49 = tpu.memref_squeeze %dma_start3A_48 : memref<1x128xi32, #tpu.memory_space<vmem>> -> memref<128xi32, #tpu.memory_space<vmem>>
      %dma_start3A_50 = arith.constant 0 : i32
      %dma_start3A_51 = arith.constant 0 : i32
      %dma_start3A_52 = tpu.memref_slice %arg2[%dma_start3A_50, %dma_start3A_51] : memref<10000x128xf32, #tpu.memory_space<hbm>> -> memref<10000x128xf32, #tpu.memory_space<hbm>>
      tpu.enqueue_indirect_dma source(%dma_start3A_52 : memref<10000x128xf32, #tpu.memory_space<hbm>>) target(%arg10 : memref<128x128xf32, #tpu.memory_space<vmem>>) offsets(%dma_start3A_49 : memref<128xi32, #tpu.memory_space<vmem>>) semaphore(%arg13 : memref<!tpu.dma_semaphore, #tpu.memory_space<semaphore_mem>>)
      %dma_wait3A = arith.constant 0 : i32
      %dma_wait3A_53 = tpu.memref_slice %arg7[%add3A_44, %dma_wait3A] : memref<40x128xi32, #tpu.memory_space<vmem>> -> memref<1x128xi32, #tpu.memory_space<vmem>>
      %dma_wait3A_54 = tpu.memref_squeeze %dma_wait3A_53 : memref<1x128xi32, #tpu.memory_space<vmem>> -> memref<128xi32, #tpu.memory_space<vmem>>
      %dma_wait3A_55 = arith.constant 0 : i32
      %dma_wait3A_56 = arith.constant 0 : i32
      %dma_wait3A_57 = tpu.memref_slice %arg2[%dma_wait3A_55, %dma_wait3A_56] : memref<10000x128xf32, #tpu.memory_space<hbm>> -> memref<10000x128xf32, #tpu.memory_space<hbm>>
      tpu.wait_indirect_dma semaphore(%arg12 : memref<!tpu.dma_semaphore, #tpu.memory_space<semaphore_mem>>) src(%dma_wait3A_57 : memref<10000x128xf32, #tpu.memory_space<hbm>>) dst(%arg9 : memref<128x128xf32, #tpu.memory_space<vmem>>)
      "tpu.region"() ({
        %run_scoped3A = tpu.sem_alloc : memref<!tpu.dma_semaphore, #tpu.memory_space<semaphore_mem>>
        %dma_start3A_75 = arith.constant 0 : i32
        %dma_start3A_76 = tpu.memref_slice %arg8[%add3A_44, %dma_start3A_75] : memref<40x128xi32, #tpu.memory_space<vmem>> -> memref<1x128xi32, #tpu.memory_space<vmem>>
        %dma_start3A_77 = tpu.memref_squeeze %dma_start3A_76 : memref<1x128xi32, #tpu.memory_space<vmem>> -> memref<128xi32, #tpu.memory_space<vmem>>
        %dma_start3A_78 = arith.constant 0 : i32
        %dma_start3A_79 = arith.constant 0 : i32
        %dma_start3A_80 = tpu.memref_slice %arg11[%dma_start3A_78, %dma_start3A_79] : memref<10064x128xf32, #tpu.memory_space<vmem_shared>> -> memref<10064x128xf32, #tpu.memory_space<vmem_shared>>
        tpu.enqueue_indirect_dma source(%arg9 : memref<128x128xf32, #tpu.memory_space<vmem>>) target(%dma_start3A_80 : memref<10064x128xf32, #tpu.memory_space<vmem_shared>>) offsets(%dma_start3A_77 : memref<128xi32, #tpu.memory_space<vmem>>) semaphore(%run_scoped3A : memref<!tpu.dma_semaphore, #tpu.memory_space<semaphore_mem>>) {add = true}
        %dma_wait3A_81 = arith.constant 0 : i32
        %dma_wait3A_82 = tpu.memref_slice %arg8[%add3A_44, %dma_wait3A_81] : memref<40x128xi32, #tpu.memory_space<vmem>> -> memref<1x128xi32, #tpu.memory_space<vmem>>
        %dma_wait3A_83 = tpu.memref_squeeze %dma_wait3A_82 : memref<1x128xi32, #tpu.memory_space<vmem>> -> memref<128xi32, #tpu.memory_space<vmem>>
        %dma_wait3A_84 = arith.constant 0 : i32
        %dma_wait3A_85 = arith.constant 0 : i32
        %dma_wait3A_86 = tpu.memref_slice %arg11[%dma_wait3A_84, %dma_wait3A_85] : memref<10064x128xf32, #tpu.memory_space<vmem_shared>> -> memref<10064x128xf32, #tpu.memory_space<vmem_shared>>
        tpu.wait_indirect_dma semaphore(%run_scoped3A : memref<!tpu.dma_semaphore, #tpu.memory_space<semaphore_mem>>) src(%arg9 : memref<128x128xf32, #tpu.memory_space<vmem>>) dst(%dma_wait3A_86 : memref<10064x128xf32, #tpu.memory_space<vmem_shared>>)
        tpu.yield
      }) : () -> ()
      %add3A_58 = arith.constant 2 : i32
      %add3A_59 = arith.addi %add3A_44, %add3A_58 : i32
      %lt3A_60 = arith.constant 40 : i32
      %lt3A_61 = arith.cmpi slt, %add3A_59, %lt3A_60 : i32
      %convert_element_type3A_62 = arith.extui %lt3A_61 : i1 to i32
      %cond3A_63 = arith.constant 0 : i32
      %cond3A_64 = arith.cmpi ne, %convert_element_type3A_62, %cond3A_63 : i32
      scf.if %cond3A_64 {
        %add3A_75 = arith.constant 2 : i32
        %add3A_76 = arith.addi %add3A_44, %add3A_75 : i32
        %dma_start3A_77 = arith.constant 0 : i32
        %dma_start3A_78 = tpu.memref_slice %arg7[%add3A_76, %dma_start3A_77] : memref<40x128xi32, #tpu.memory_space<vmem>> -> memref<1x128xi32, #tpu.memory_space<vmem>>
        %dma_start3A_79 = tpu.memref_squeeze %dma_start3A_78 : memref<1x128xi32, #tpu.memory_space<vmem>> -> memref<128xi32, #tpu.memory_space<vmem>>
        %dma_start3A_80 = arith.constant 0 : i32
        %dma_start3A_81 = arith.constant 0 : i32
        %dma_start3A_82 = tpu.memref_slice %arg2[%dma_start3A_80, %dma_start3A_81] : memref<10000x128xf32, #tpu.memory_space<hbm>> -> memref<10000x128xf32, #tpu.memory_space<hbm>>
        tpu.enqueue_indirect_dma source(%dma_start3A_82 : memref<10000x128xf32, #tpu.memory_space<hbm>>) target(%arg9 : memref<128x128xf32, #tpu.memory_space<vmem>>) offsets(%dma_start3A_79 : memref<128xi32, #tpu.memory_space<vmem>>) semaphore(%arg12 : memref<!tpu.dma_semaphore, #tpu.memory_space<semaphore_mem>>)
      } else {
      }
      %add3A_65 = arith.constant 1 : i32
      %add3A_66 = arith.addi %add3A_44, %add3A_65 : i32
      %dma_wait3A_67 = arith.constant 0 : i32
      %dma_wait3A_68 = tpu.memref_slice %arg7[%add3A_66, %dma_wait3A_67] : memref<40x128xi32, #tpu.memory_space<vmem>> -> memref<1x128xi32, #tpu.memory_space<vmem>>
      %dma_wait3A_69 = tpu.memref_squeeze %dma_wait3A_68 : memref<1x128xi32, #tpu.memory_space<vmem>> -> memref<128xi32, #tpu.memory_space<vmem>>
      %dma_wait3A_70 = arith.constant 0 : i32
      %dma_wait3A_71 = arith.constant 0 : i32
      %dma_wait3A_72 = tpu.memref_slice %arg2[%dma_wait3A_70, %dma_wait3A_71] : memref<10000x128xf32, #tpu.memory_space<hbm>> -> memref<10000x128xf32, #tpu.memory_space<hbm>>
      tpu.wait_indirect_dma semaphore(%arg13 : memref<!tpu.dma_semaphore, #tpu.memory_space<semaphore_mem>>) src(%dma_wait3A_72 : memref<10000x128xf32, #tpu.memory_space<hbm>>) dst(%arg10 : memref<128x128xf32, #tpu.memory_space<vmem>>)
      %add3A_73 = arith.constant 1 : i32
      %add3A_74 = arith.addi %add3A_44, %add3A_73 : i32
      "tpu.region"() ({
        %run_scoped3A = tpu.sem_alloc : memref<!tpu.dma_semaphore, #tpu.memory_space<semaphore_mem>>
        %dma_start3A_75 = arith.constant 0 : i32
        %dma_start3A_76 = tpu.memref_slice %arg8[%add3A_74, %dma_start3A_75] : memref<40x128xi32, #tpu.memory_space<vmem>> -> memref<1x128xi32, #tpu.memory_space<vmem>>
        %dma_start3A_77 = tpu.memref_squeeze %dma_start3A_76 : memref<1x128xi32, #tpu.memory_space<vmem>> -> memref<128xi32, #tpu.memory_space<vmem>>
        %dma_start3A_78 = arith.constant 0 : i32
        %dma_start3A_79 = arith.constant 0 : i32
        %dma_start3A_80 = tpu.memref_slice %arg11[%dma_start3A_78, %dma_start3A_79] : memref<10064x128xf32, #tpu.memory_space<vmem_shared>> -> memref<10064x128xf32, #tpu.memory_space<vmem_shared>>
        tpu.enqueue_indirect_dma source(%arg10 : memref<128x128xf32, #tpu.memory_space<vmem>>) target(%dma_start3A_80 : memref<10064x128xf32, #tpu.memory_space<vmem_shared>>) offsets(%dma_start3A_77 : memref<128xi32, #tpu.memory_space<vmem>>) semaphore(%run_scoped3A : memref<!tpu.dma_semaphore, #tpu.memory_space<semaphore_mem>>) {add = true}
        %dma_wait3A_81 = arith.constant 0 : i32
        %dma_wait3A_82 = tpu.memref_slice %arg8[%add3A_74, %dma_wait3A_81] : memref<40x128xi32, #tpu.memory_space<vmem>> -> memref<1x128xi32, #tpu.memory_space<vmem>>
        %dma_wait3A_83 = tpu.memref_squeeze %dma_wait3A_82 : memref<1x128xi32, #tpu.memory_space<vmem>> -> memref<128xi32, #tpu.memory_space<vmem>>
        %dma_wait3A_84 = arith.constant 0 : i32
        %dma_wait3A_85 = arith.constant 0 : i32
        %dma_wait3A_86 = tpu.memref_slice %arg11[%dma_wait3A_84, %dma_wait3A_85] : memref<10064x128xf32, #tpu.memory_space<vmem_shared>> -> memref<10064x128xf32, #tpu.memory_space<vmem_shared>>
        tpu.wait_indirect_dma semaphore(%run_scoped3A : memref<!tpu.dma_semaphore, #tpu.memory_space<semaphore_mem>>) src(%arg10 : memref<128x128xf32, #tpu.memory_space<vmem>>) dst(%dma_wait3A_86 : memref<10064x128xf32, #tpu.memory_space<vmem_shared>>)
        tpu.yield
      }) : () -> ()
    }
    %scan3A_16 = arith.constant 20 : i32
    "tpu.region"() ({
      %run_scoped3A = tpu.sem_alloc : memref<!tpu.dma_semaphore, #tpu.memory_space<semaphore_mem>>
      %dma_start3A_40 = arith.constant 40 : i32
      %dma_start3A_41 = arith.constant 0 : i32
      %dma_start3A_42 = tpu.memref_slice %arg3[%add3A, %dma_start3A_40, %dma_start3A_41] : memref<32x80x128xi32, #tpu.memory_space<hbm>> -> memref<1x40x128xi32, #tpu.memory_space<hbm>>
      %dma_start3A_43 = tpu.memref_squeeze %dma_start3A_42 : memref<1x40x128xi32, #tpu.memory_space<hbm>> -> memref<40x128xi32, #tpu.memory_space<hbm>>
      %dma_start3A_44 = arith.constant 40 : i32
      %dma_start3A_45 = arith.constant 0 : i32
      %dma_start3A_46 = tpu.memref_slice %arg3[%add3A, %dma_start3A_44, %dma_start3A_45] : memref<32x80x128xi32, #tpu.memory_space<hbm>> -> memref<1x40x128xi32, #tpu.memory_space<hbm>>
      %dma_start3A_47 = tpu.memref_squeeze %dma_start3A_46 : memref<1x40x128xi32, #tpu.memory_space<hbm>> -> memref<40x128xi32, #tpu.memory_space<hbm>>
      tpu.enqueue_dma source(%dma_start3A_47 : memref<40x128xi32, #tpu.memory_space<hbm>>) target(%arg7 : memref<40x128xi32, #tpu.memory_space<vmem>>) target_semaphore(%run_scoped3A : memref<!tpu.dma_semaphore, #tpu.memory_space<semaphore_mem>>)
      %dma_wait3A = arith.constant 40 : i32
      %dma_wait3A_48 = arith.constant 0 : i32
      %dma_wait3A_49 = tpu.memref_slice %arg3[%add3A, %dma_wait3A, %dma_wait3A_48] : memref<32x80x128xi32, #tpu.memory_space<hbm>> -> memref<1x40x128xi32, #tpu.memory_space<hbm>>
      %dma_wait3A_50 = tpu.memref_squeeze %dma_wait3A_49 : memref<1x40x128xi32, #tpu.memory_space<hbm>> -> memref<40x128xi32, #tpu.memory_space<hbm>>
      %dma_wait3A_51 = arith.constant 40 : i32
      %dma_wait3A_52 = arith.constant 0 : i32
      %dma_wait3A_53 = tpu.memref_slice %arg3[%add3A, %dma_wait3A_51, %dma_wait3A_52] : memref<32x80x128xi32, #tpu.memory_space<hbm>> -> memref<1x40x128xi32, #tpu.memory_space<hbm>>
      %dma_wait3A_54 = tpu.memref_squeeze %dma_wait3A_53 : memref<1x40x128xi32, #tpu.memory_space<hbm>> -> memref<40x128xi32, #tpu.memory_space<hbm>>
      tpu.wait_dma2 semaphore(%run_scoped3A : memref<!tpu.dma_semaphore, #tpu.memory_space<semaphore_mem>>) src(%dma_wait3A_54 : memref<40x128xi32, #tpu.memory_space<hbm>>) dst(%arg7 : memref<40x128xi32, #tpu.memory_space<vmem>>)
      tpu.yield
    }) : () -> ()
    "tpu.region"() ({
      %run_scoped3A = tpu.sem_alloc : memref<!tpu.dma_semaphore, #tpu.memory_space<semaphore_mem>>
      %dma_start3A_40 = arith.constant 40 : i32
      %dma_start3A_41 = arith.constant 0 : i32
      %dma_start3A_42 = tpu.memref_slice %arg4[%add3A, %dma_start3A_40, %dma_start3A_41] : memref<32x80x128xi32, #tpu.memory_space<hbm>> -> memref<1x40x128xi32, #tpu.memory_space<hbm>>
      %dma_start3A_43 = tpu.memref_squeeze %dma_start3A_42 : memref<1x40x128xi32, #tpu.memory_space<hbm>> -> memref<40x128xi32, #tpu.memory_space<hbm>>
      %dma_start3A_44 = arith.constant 40 : i32
      %dma_start3A_45 = arith.constant 0 : i32
      %dma_start3A_46 = tpu.memref_slice %arg4[%add3A, %dma_start3A_44, %dma_start3A_45] : memref<32x80x128xi32, #tpu.memory_space<hbm>> -> memref<1x40x128xi32, #tpu.memory_space<hbm>>
      %dma_start3A_47 = tpu.memref_squeeze %dma_start3A_46 : memref<1x40x128xi32, #tpu.memory_space<hbm>> -> memref<40x128xi32, #tpu.memory_space<hbm>>
      tpu.enqueue_dma source(%dma_start3A_47 : memref<40x128xi32, #tpu.memory_space<hbm>>) target(%arg8 : memref<40x128xi32, #tpu.memory_space<vmem>>) target_semaphore(%run_scoped3A : memref<!tpu.dma_semaphore, #tpu.memory_space<semaphore_mem>>)
      %dma_wait3A = arith.constant 40 : i32
      %dma_wait3A_48 = arith.constant 0 : i32
      %dma_wait3A_49 = tpu.memref_slice %arg4[%add3A, %dma_wait3A, %dma_wait3A_48] : memref<32x80x128xi32, #tpu.memory_space<hbm>> -> memref<1x40x128xi32, #tpu.memory_space<hbm>>
      %dma_wait3A_50 = tpu.memref_squeeze %dma_wait3A_49 : memref<1x40x128xi32, #tpu.memory_space<hbm>> -> memref<40x128xi32, #tpu.memory_space<hbm>>
      %dma_wait3A_51 = arith.constant 40 : i32
      %dma_wait3A_52 = arith.constant 0 : i32
      %dma_wait3A_53 = tpu.memref_slice %arg4[%add3A, %dma_wait3A_51, %dma_wait3A_52] : memref<32x80x128xi32, #tpu.memory_space<hbm>> -> memref<1x40x128xi32, #tpu.memory_space<hbm>>
      %dma_wait3A_54 = tpu.memref_squeeze %dma_wait3A_53 : memref<1x40x128xi32, #tpu.memory_space<hbm>> -> memref<40x128xi32, #tpu.memory_space<hbm>>
      tpu.wait_dma2 semaphore(%run_scoped3A : memref<!tpu.dma_semaphore, #tpu.memory_space<semaphore_mem>>) src(%dma_wait3A_54 : memref<40x128xi32, #tpu.memory_space<hbm>>) dst(%arg8 : memref<40x128xi32, #tpu.memory_space<vmem>>)
      tpu.yield
    }) : () -> ()
    %dma_start3A_17 = arith.constant 0 : i32
    %dma_start3A_18 = arith.constant 0 : i32
    %dma_start3A_19 = tpu.memref_slice %arg7[%dma_start3A_17, %dma_start3A_18] : memref<40x128xi32, #tpu.memory_space<vmem>> -> memref<1x128xi32, #tpu.memory_space<vmem>>
    %dma_start3A_20 = tpu.memref_squeeze %dma_start3A_19 : memref<1x128xi32, #tpu.memory_space<vmem>> -> memref<128xi32, #tpu.memory_space<vmem>>
    %dma_start3A_21 = arith.constant 0 : i32
    %dma_start3A_22 = arith.constant 0 : i32
    %dma_start3A_23 = tpu.memref_slice %arg2[%dma_start3A_21, %dma_start3A_22] : memref<10000x128xf32, #tpu.memory_space<hbm>> -> memref<10000x128xf32, #tpu.memory_space<hbm>>
    tpu.enqueue_indirect_dma source(%dma_start3A_23 : memref<10000x128xf32, #tpu.memory_space<hbm>>) target(%arg9 : memref<128x128xf32, #tpu.memory_space<vmem>>) offsets(%dma_start3A_20 : memref<128xi32, #tpu.memory_space<vmem>>) semaphore(%arg12 : memref<!tpu.dma_semaphore, #tpu.memory_space<semaphore_mem>>)
    %scan3A_24 = arith.constant 0 : i32
    %scan3A_25 = arith.constant 20 : i32
    %scan3A_26 = arith.addi %scan3A_24, %scan3A_25 : i32
    %scan3A_27 = arith.constant 1 : i32
    scf.for %scan3A_40 = %scan3A_24 to %scan3A_26 step %scan3A_27  : i32 {
      %mul3A_41 = arith.constant 2 : i32
      %mul3A_42 = arith.muli %scan3A_40, %mul3A_41 : i32
      %add3A_43 = arith.constant 0 : i32
      %add3A_44 = arith.addi %add3A_43, %mul3A_42 : i32
      %add3A_45 = arith.constant 1 : i32
      %add3A_46 = arith.addi %add3A_44, %add3A_45 : i32
      %dma_start3A_47 = arith.constant 0 : i32
      %dma_start3A_48 = tpu.memref_slice %arg7[%add3A_46, %dma_start3A_47] : memref<40x128xi32, #tpu.memory_space<vmem>> -> memref<1x128xi32, #tpu.memory_space<vmem>>
      %dma_start3A_49 = tpu.memref_squeeze %dma_start3A_48 : memref<1x128xi32, #tpu.memory_space<vmem>> -> memref<128xi32, #tpu.memory_space<vmem>>
      %dma_start3A_50 = arith.constant 0 : i32
      %dma_start3A_51 = arith.constant 0 : i32
      %dma_start3A_52 = tpu.memref_slice %arg2[%dma_start3A_50, %dma_start3A_51] : memref<10000x128xf32, #tpu.memory_space<hbm>> -> memref<10000x128xf32, #tpu.memory_space<hbm>>
      tpu.enqueue_indirect_dma source(%dma_start3A_52 : memref<10000x128xf32, #tpu.memory_space<hbm>>) target(%arg10 : memref<128x128xf32, #tpu.memory_space<vmem>>) offsets(%dma_start3A_49 : memref<128xi32, #tpu.memory_space<vmem>>) semaphore(%arg13 : memref<!tpu.dma_semaphore, #tpu.memory_space<semaphore_mem>>)
      %dma_wait3A = arith.constant 0 : i32
      %dma_wait3A_53 = tpu.memref_slice %arg7[%add3A_44, %dma_wait3A] : memref<40x128xi32, #tpu.memory_space<vmem>> -> memref<1x128xi32, #tpu.memory_space<vmem>>
      %dma_wait3A_54 = tpu.memref_squeeze %dma_wait3A_53 : memref<1x128xi32, #tpu.memory_space<vmem>> -> memref<128xi32, #tpu.memory_space<vmem>>
      %dma_wait3A_55 = arith.constant 0 : i32
      %dma_wait3A_56 = arith.constant 0 : i32
      %dma_wait3A_57 = tpu.memref_slice %arg2[%dma_wait3A_55, %dma_wait3A_56] : memref<10000x128xf32, #tpu.memory_space<hbm>> -> memref<10000x128xf32, #tpu.memory_space<hbm>>
      tpu.wait_indirect_dma semaphore(%arg12 : memref<!tpu.dma_semaphore, #tpu.memory_space<semaphore_mem>>) src(%dma_wait3A_57 : memref<10000x128xf32, #tpu.memory_space<hbm>>) dst(%arg9 : memref<128x128xf32, #tpu.memory_space<vmem>>)
      "tpu.region"() ({
        %run_scoped3A = tpu.sem_alloc : memref<!tpu.dma_semaphore, #tpu.memory_space<semaphore_mem>>
        %dma_start3A_75 = arith.constant 0 : i32
        %dma_start3A_76 = tpu.memref_slice %arg8[%add3A_44, %dma_start3A_75] : memref<40x128xi32, #tpu.memory_space<vmem>> -> memref<1x128xi32, #tpu.memory_space<vmem>>
        %dma_start3A_77 = tpu.memref_squeeze %dma_start3A_76 : memref<1x128xi32, #tpu.memory_space<vmem>> -> memref<128xi32, #tpu.memory_space<vmem>>
        %dma_start3A_78 = arith.constant 0 : i32
        %dma_start3A_79 = arith.constant 0 : i32
        %dma_start3A_80 = tpu.memref_slice %arg11[%dma_start3A_78, %dma_start3A_79] : memref<10064x128xf32, #tpu.memory_space<vmem_shared>> -> memref<10064x128xf32, #tpu.memory_space<vmem_shared>>
        tpu.enqueue_indirect_dma source(%arg9 : memref<128x128xf32, #tpu.memory_space<vmem>>) target(%dma_start3A_80 : memref<10064x128xf32, #tpu.memory_space<vmem_shared>>) offsets(%dma_start3A_77 : memref<128xi32, #tpu.memory_space<vmem>>) semaphore(%run_scoped3A : memref<!tpu.dma_semaphore, #tpu.memory_space<semaphore_mem>>) {add = true}
        %dma_wait3A_81 = arith.constant 0 : i32
        %dma_wait3A_82 = tpu.memref_slice %arg8[%add3A_44, %dma_wait3A_81] : memref<40x128xi32, #tpu.memory_space<vmem>> -> memref<1x128xi32, #tpu.memory_space<vmem>>
        %dma_wait3A_83 = tpu.memref_squeeze %dma_wait3A_82 : memref<1x128xi32, #tpu.memory_space<vmem>> -> memref<128xi32, #tpu.memory_space<vmem>>
        %dma_wait3A_84 = arith.constant 0 : i32
        %dma_wait3A_85 = arith.constant 0 : i32
        %dma_wait3A_86 = tpu.memref_slice %arg11[%dma_wait3A_84, %dma_wait3A_85] : memref<10064x128xf32, #tpu.memory_space<vmem_shared>> -> memref<10064x128xf32, #tpu.memory_space<vmem_shared>>
        tpu.wait_indirect_dma semaphore(%run_scoped3A : memref<!tpu.dma_semaphore, #tpu.memory_space<semaphore_mem>>) src(%arg9 : memref<128x128xf32, #tpu.memory_space<vmem>>) dst(%dma_wait3A_86 : memref<10064x128xf32, #tpu.memory_space<vmem_shared>>)
        tpu.yield
      }) : () -> ()
      %add3A_58 = arith.constant 2 : i32
      %add3A_59 = arith.addi %add3A_44, %add3A_58 : i32
      %lt3A_60 = arith.constant 40 : i32
      %lt3A_61 = arith.cmpi slt, %add3A_59, %lt3A_60 : i32
      %convert_element_type3A_62 = arith.extui %lt3A_61 : i1 to i32
      %cond3A_63 = arith.constant 0 : i32
      %cond3A_64 = arith.cmpi ne, %convert_element_type3A_62, %cond3A_63 : i32
      scf.if %cond3A_64 {
        %add3A_75 = arith.constant 2 : i32
        %add3A_76 = arith.addi %add3A_44, %add3A_75 : i32
        %dma_start3A_77 = arith.constant 0 : i32
        %dma_start3A_78 = tpu.memref_slice %arg7[%add3A_76, %dma_start3A_77] : memref<40x128xi32, #tpu.memory_space<vmem>> -> memref<1x128xi32, #tpu.memory_space<vmem>>
        %dma_start3A_79 = tpu.memref_squeeze %dma_start3A_78 : memref<1x128xi32, #tpu.memory_space<vmem>> -> memref<128xi32, #tpu.memory_space<vmem>>
        %dma_start3A_80 = arith.constant 0 : i32
        %dma_start3A_81 = arith.constant 0 : i32
        %dma_start3A_82 = tpu.memref_slice %arg2[%dma_start3A_80, %dma_start3A_81] : memref<10000x128xf32, #tpu.memory_space<hbm>> -> memref<10000x128xf32, #tpu.memory_space<hbm>>
        tpu.enqueue_indirect_dma source(%dma_start3A_82 : memref<10000x128xf32, #tpu.memory_space<hbm>>) target(%arg9 : memref<128x128xf32, #tpu.memory_space<vmem>>) offsets(%dma_start3A_79 : memref<128xi32, #tpu.memory_space<vmem>>) semaphore(%arg12 : memref<!tpu.dma_semaphore, #tpu.memory_space<semaphore_mem>>)
      } else {
      }
      %add3A_65 = arith.constant 1 : i32
      %add3A_66 = arith.addi %add3A_44, %add3A_65 : i32
      %dma_wait3A_67 = arith.constant 0 : i32
      %dma_wait3A_68 = tpu.memref_slice %arg7[%add3A_66, %dma_wait3A_67] : memref<40x128xi32, #tpu.memory_space<vmem>> -> memref<1x128xi32, #tpu.memory_space<vmem>>
      %dma_wait3A_69 = tpu.memref_squeeze %dma_wait3A_68 : memref<1x128xi32, #tpu.memory_space<vmem>> -> memref<128xi32, #tpu.memory_space<vmem>>
      %dma_wait3A_70 = arith.constant 0 : i32
      %dma_wait3A_71 = arith.constant 0 : i32
      %dma_wait3A_72 = tpu.memref_slice %arg2[%dma_wait3A_70, %dma_wait3A_71] : memref<10000x128xf32, #tpu.memory_space<hbm>> -> memref<10000x128xf32, #tpu.memory_space<hbm>>
      tpu.wait_indirect_dma semaphore(%arg13 : memref<!tpu.dma_semaphore, #tpu.memory_space<semaphore_mem>>) src(%dma_wait3A_72 : memref<10000x128xf32, #tpu.memory_space<hbm>>) dst(%arg10 : memref<128x128xf32, #tpu.memory_space<vmem>>)
      %add3A_73 = arith.constant 1 : i32
      %add3A_74 = arith.addi %add3A_44, %add3A_73 : i32
      "tpu.region"() ({
        %run_scoped3A = tpu.sem_alloc : memref<!tpu.dma_semaphore, #tpu.memory_space<semaphore_mem>>
        %dma_start3A_75 = arith.constant 0 : i32
        %dma_start3A_76 = tpu.memref_slice %arg8[%add3A_74, %dma_start3A_75] : memref<40x128xi32, #tpu.memory_space<vmem>> -> memref<1x128xi32, #tpu.memory_space<vmem>>
        %dma_start3A_77 = tpu.memref_squeeze %dma_start3A_76 : memref<1x128xi32, #tpu.memory_space<vmem>> -> memref<128xi32, #tpu.memory_space<vmem>>
        %dma_start3A_78 = arith.constant 0 : i32
        %dma_start3A_79 = arith.constant 0 : i32
        %dma_start3A_80 = tpu.memref_slice %arg11[%dma_start3A_78, %dma_start3A_79] : memref<10064x128xf32, #tpu.memory_space<vmem_shared>> -> memref<10064x128xf32, #tpu.memory_space<vmem_shared>>
        tpu.enqueue_indirect_dma source(%arg10 : memref<128x128xf32, #tpu.memory_space<vmem>>) target(%dma_start3A_80 : memref<10064x128xf32, #tpu.memory_space<vmem_shared>>) offsets(%dma_start3A_77 : memref<128xi32, #tpu.memory_space<vmem>>) semaphore(%run_scoped3A : memref<!tpu.dma_semaphore, #tpu.memory_space<semaphore_mem>>) {add = true}
        %dma_wait3A_81 = arith.constant 0 : i32
        %dma_wait3A_82 = tpu.memref_slice %arg8[%add3A_74, %dma_wait3A_81] : memref<40x128xi32, #tpu.memory_space<vmem>> -> memref<1x128xi32, #tpu.memory_space<vmem>>
        %dma_wait3A_83 = tpu.memref_squeeze %dma_wait3A_82 : memref<1x128xi32, #tpu.memory_space<vmem>> -> memref<128xi32, #tpu.memory_space<vmem>>
        %dma_wait3A_84 = arith.constant 0 : i32
        %dma_wait3A_85 = arith.constant 0 : i32
        %dma_wait3A_86 = tpu.memref_slice %arg11[%dma_wait3A_84, %dma_wait3A_85] : memref<10064x128xf32, #tpu.memory_space<vmem_shared>> -> memref<10064x128xf32, #tpu.memory_space<vmem_shared>>
        tpu.wait_indirect_dma semaphore(%run_scoped3A : memref<!tpu.dma_semaphore, #tpu.memory_space<semaphore_mem>>) src(%arg10 : memref<128x128xf32, #tpu.memory_space<vmem>>) dst(%dma_wait3A_86 : memref<10064x128xf32, #tpu.memory_space<vmem_shared>>)
        tpu.yield
      }) : () -> ()
    }
    %scan3A_28 = arith.constant 20 : i32
    %barrier3A_29 = arith.constant 0 : index
    tpu.barrier barrier_id(%barrier3A_29)
    %lt3A_30 = arith.constant 15 : i32
    %lt3A_31 = arith.cmpi slt, %arg1, %lt3A_30 : i32
    %convert_element_type3A_32 = arith.extui %lt3A_31 : i1 to i32
    %cond3A_33 = arith.constant 0 : i32
    %cond3A_34 = arith.cmpi ne, %convert_element_type3A_32, %cond3A_33 : i32
    scf.if %cond3A_34 {
      %mul3A_40 = arith.constant 632 : i32
      %mul3A_41 = arith.muli %arg1, %mul3A_40 : i32
      "tpu.region"() ({
        %run_scoped3A = tpu.sem_alloc : memref<!tpu.dma_semaphore, #tpu.memory_space<semaphore_mem>>
        %dma_start3A_42 = arith.constant 0 : i32
        %dma_start3A_43 = arith.constant 0 : i32
        %dma_start3A_44 = tpu.memref_slice %arg6[%arg0, %dma_start3A_42, %dma_start3A_43] : memref<2x10000x128xf32, #tpu.memory_space<hbm>> -> memref<1x10000x128xf32, #tpu.memory_space<hbm>>
        %dma_start3A_45 = tpu.memref_squeeze %dma_start3A_44 : memref<1x10000x128xf32, #tpu.memory_space<hbm>> -> memref<10000x128xf32, #tpu.memory_space<hbm>>
        %dma_start3A_46 = arith.constant 0 : i32
        %dma_start3A_47 = tpu.memref_slice %dma_start3A_45[%mul3A_41, %dma_start3A_46] : memref<10000x128xf32, #tpu.memory_space<hbm>> -> memref<632x128xf32, #tpu.memory_space<hbm>>
        %dma_start3A_48 = arith.constant 0 : i32
        %dma_start3A_49 = tpu.memref_slice %arg11[%mul3A_41, %dma_start3A_48] : memref<10064x128xf32, #tpu.memory_space<vmem_shared>> -> memref<632x128xf32, #tpu.memory_space<vmem_shared>>
        tpu.enqueue_dma source(%dma_start3A_49 : memref<632x128xf32, #tpu.memory_space<vmem_shared>>) target(%dma_start3A_47 : memref<632x128xf32, #tpu.memory_space<hbm>>) target_semaphore(%run_scoped3A : memref<!tpu.dma_semaphore, #tpu.memory_space<semaphore_mem>>)
        %dma_wait3A = arith.constant 0 : i32
        %dma_wait3A_50 = arith.constant 0 : i32
        %dma_wait3A_51 = tpu.memref_slice %arg6[%arg0, %dma_wait3A, %dma_wait3A_50] : memref<2x10000x128xf32, #tpu.memory_space<hbm>> -> memref<1x10000x128xf32, #tpu.memory_space<hbm>>
        %dma_wait3A_52 = tpu.memref_squeeze %dma_wait3A_51 : memref<1x10000x128xf32, #tpu.memory_space<hbm>> -> memref<10000x128xf32, #tpu.memory_space<hbm>>
        %dma_wait3A_53 = arith.constant 0 : i32
        %dma_wait3A_54 = tpu.memref_slice %dma_wait3A_52[%mul3A_41, %dma_wait3A_53] : memref<10000x128xf32, #tpu.memory_space<hbm>> -> memref<632x128xf32, #tpu.memory_space<hbm>>
        %dma_wait3A_55 = arith.constant 0 : i32
        %dma_wait3A_56 = tpu.memref_slice %arg11[%mul3A_41, %dma_wait3A_55] : memref<10064x128xf32, #tpu.memory_space<vmem_shared>> -> memref<632x128xf32, #tpu.memory_space<vmem_shared>>
        tpu.wait_dma2 semaphore(%run_scoped3A : memref<!tpu.dma_semaphore, #tpu.memory_space<semaphore_mem>>) src(%dma_wait3A_56 : memref<632x128xf32, #tpu.memory_space<vmem_shared>>) dst(%dma_wait3A_54 : memref<632x128xf32, #tpu.memory_space<hbm>>)
        tpu.yield
      }) : () -> ()
    } else {
    }
    %eq3A_35 = arith.constant 15 : i32
    %eq3A_36 = arith.cmpi eq, %arg1, %eq3A_35 : i32
    %convert_element_type3A_37 = arith.extui %eq3A_36 : i1 to i32
    %cond3A_38 = arith.constant 0 : i32
    %cond3A_39 = arith.cmpi ne, %convert_element_type3A_37, %cond3A_38 : i32
    scf.if %cond3A_39 {
      "tpu.region"() ({
        %run_scoped3A = tpu.sem_alloc : memref<!tpu.dma_semaphore, #tpu.memory_space<semaphore_mem>>
        %dma_start3A_40 = arith.constant 0 : i32
        %dma_start3A_41 = arith.constant 0 : i32
        %dma_start3A_42 = tpu.memref_slice %arg6[%arg0, %dma_start3A_40, %dma_start3A_41] : memref<2x10000x128xf32, #tpu.memory_space<hbm>> -> memref<1x10000x128xf32, #tpu.memory_space<hbm>>
        %dma_start3A_43 = tpu.memref_squeeze %dma_start3A_42 : memref<1x10000x128xf32, #tpu.memory_space<hbm>> -> memref<10000x128xf32, #tpu.memory_space<hbm>>
        %dma_start3A_44 = arith.constant 9480 : i32
        %dma_start3A_45 = arith.constant 0 : i32
        %dma_start3A_46 = tpu.memref_slice %dma_start3A_43[%dma_start3A_44, %dma_start3A_45] : memref<10000x128xf32, #tpu.memory_space<hbm>> -> memref<520x128xf32, #tpu.memory_space<hbm>>
        %dma_start3A_47 = arith.constant 9480 : i32
        %dma_start3A_48 = arith.constant 0 : i32
        %dma_start3A_49 = tpu.memref_slice %arg11[%dma_start3A_47, %dma_start3A_48] : memref<10064x128xf32, #tpu.memory_space<vmem_shared>> -> memref<520x128xf32, #tpu.memory_space<vmem_shared>>
        tpu.enqueue_dma source(%dma_start3A_49 : memref<520x128xf32, #tpu.memory_space<vmem_shared>>) target(%dma_start3A_46 : memref<520x128xf32, #tpu.memory_space<hbm>>) target_semaphore(%run_scoped3A : memref<!tpu.dma_semaphore, #tpu.memory_space<semaphore_mem>>)
        %dma_wait3A = arith.constant 0 : i32
        %dma_wait3A_50 = arith.constant 0 : i32
        %dma_wait3A_51 = tpu.memref_slice %arg6[%arg0, %dma_wait3A, %dma_wait3A_50] : memref<2x10000x128xf32, #tpu.memory_space<hbm>> -> memref<1x10000x128xf32, #tpu.memory_space<hbm>>
        %dma_wait3A_52 = tpu.memref_squeeze %dma_wait3A_51 : memref<1x10000x128xf32, #tpu.memory_space<hbm>> -> memref<10000x128xf32, #tpu.memory_space<hbm>>
        %dma_wait3A_53 = arith.constant 9480 : i32
        %dma_wait3A_54 = arith.constant 0 : i32
        %dma_wait3A_55 = tpu.memref_slice %dma_wait3A_52[%dma_wait3A_53, %dma_wait3A_54] : memref<10000x128xf32, #tpu.memory_space<hbm>> -> memref<520x128xf32, #tpu.memory_space<hbm>>
        %dma_wait3A_56 = arith.constant 9480 : i32
        %dma_wait3A_57 = arith.constant 0 : i32
        %dma_wait3A_58 = tpu.memref_slice %arg11[%dma_wait3A_56, %dma_wait3A_57] : memref<10064x128xf32, #tpu.memory_space<vmem_shared>> -> memref<520x128xf32, #tpu.memory_space<vmem_shared>>
        tpu.wait_dma2 semaphore(%run_scoped3A : memref<!tpu.dma_semaphore, #tpu.memory_space<semaphore_mem>>) src(%dma_wait3A_58 : memref<520x128xf32, #tpu.memory_space<vmem_shared>>) dst(%dma_wait3A_55 : memref<520x128xf32, #tpu.memory_space<hbm>>)
        tpu.yield
      }) : () -> ()
    } else {
    }
    return
  }
}

module attributes {stable_mosaic.version = 14 : i64} {
  func.func @body(%arg0: memref<32x1x10000xf32, #tpu.memory_space<vmem>>, %arg1: memref<10000x128xf32, #tpu.memory_space<vmem>>, %arg2: memref<128x128xf32, #tpu.memory_space<vmem>>, %arg3: memref<1x128xf32, #tpu.memory_space<vmem>>, %arg4: memref<128x128xf32, #tpu.memory_space<vmem>>, %arg5: memref<10000x1xf32, #tpu.memory_space<vmem>>, %arg6: memref<10000x128xf32, #tpu.memory_space<vmem>>) attributes {dimension_semantics = [], scalar_prefetch = 0 : i64, scratch_operands = 0 : i64, tpu.core_type = #tpu.core_type<tc>} {
    %get3A = arith.constant 0 : index
    %get3A_0 = arith.constant 0 : index
    %get3A_1 = arith.constant 0 : index
    %get3A_2 = vector.load %arg0[%get3A, %get3A_0, %get3A_1] : memref<32x1x10000xf32, #tpu.memory_space<vmem>>, vector<32x1x10000xf32>
    %get3A_3 = vector.shape_cast %get3A_2 : vector<32x1x10000xf32> to vector<32x10000xf32>
    %reduce_sum3A = arith.constant dense<0.000000e+00> : vector<10000xf32>
    %reduce_sum3A_4 = vector.multi_reduction <add>, %get3A_3, %reduce_sum3A [0] : vector<32x10000xf32> to vector<10000xf32>
    %broadcast_in_dim3A = vector.shape_cast %reduce_sum3A_4 : vector<10000xf32> to vector<10000x1xf32>
    %add3A = arith.constant 1.000000e+00 : f32
    %add3A_5 = vector.broadcast %add3A : f32 to vector<10000x1xf32>
    %add3A_6 = arith.addf %add3A_5, %broadcast_in_dim3A : vector<10000x1xf32>
    %rsqrt3A = math.rsqrt %add3A_6 : vector<10000x1xf32>
    %swap3A = arith.constant 0 : index
    %swap3A_7 = arith.constant 0 : index
    %swap3A_8 = vector.load %arg5[%swap3A, %swap3A_7] : memref<10000x1xf32, #tpu.memory_space<vmem>>, vector<10000x1xf32>
    tpu.vector_store %arg5[%swap3A, %swap3A_7], %rsqrt3A {strides = array<i32>} : memref<10000x1xf32, #tpu.memory_space<vmem>>, vector<10000x1xf32>,
    %get3A_9 = arith.constant 0 : index
    %get3A_10 = arith.constant 0 : index
    %get3A_11 = vector.load %arg1[%get3A_9, %get3A_10] : memref<10000x128xf32, #tpu.memory_space<vmem>>, vector<10000x128xf32>
    %get3A_12 = arith.constant 0 : index
    %get3A_13 = arith.constant 0 : index
    %get3A_14 = vector.load %arg2[%get3A_12, %get3A_13] : memref<128x128xf32, #tpu.memory_space<vmem>>, vector<128x128xf32>
    %dot_general3A = arith.constant dense<0.000000e+00> : vector<10000x128xf32>
    %dot_general3A_15 = tpu.matmul %get3A_11, %get3A_14, %dot_general3A {dimension_numbers = #tpu.dot_dimension_numbers<[1], [0], [0], [1], [0, 0, 1, 1], [], []>, transpose_lhs_hint = false} : vector<10000x128xf32>, vector<128x128xf32>, vector<10000x128xf32> -> vector<10000x128xf32>
    %get3A_16 = arith.constant 0 : index
    %get3A_17 = arith.constant 0 : index
    %get3A_18 = vector.load %arg3[%get3A_16, %get3A_17] : memref<1x128xf32, #tpu.memory_space<vmem>>, vector<1x128xf32>
    %add3A_19 = vector.broadcast %get3A_18 : vector<1x128xf32> to vector<10000x128xf32>
    %add3A_20 = arith.addf %dot_general3A_15, %add3A_19 : vector<10000x128xf32>
    %get3A_21 = arith.constant 0 : index
    %get3A_22 = arith.constant 0 : index
    %get3A_23 = vector.load %arg4[%get3A_21, %get3A_22] : memref<128x128xf32, #tpu.memory_space<vmem>>, vector<128x128xf32>
    %dot_general3A_24 = arith.constant dense<0.000000e+00> : vector<10000x128xf32>
    %dot_general3A_25 = tpu.matmul %add3A_20, %get3A_23, %dot_general3A_24 {dimension_numbers = #tpu.dot_dimension_numbers<[1], [0], [0], [1], [0, 0, 1, 1], [], []>, transpose_lhs_hint = false} : vector<10000x128xf32>, vector<128x128xf32>, vector<10000x128xf32> -> vector<10000x128xf32>
    %mul3A = vector.broadcast %rsqrt3A : vector<10000x1xf32> to vector<10000x128xf32>
    %mul3A_26 = arith.mulf %dot_general3A_25, %mul3A : vector<10000x128xf32>
    %swap3A_27 = arith.constant 0 : index
    %swap3A_28 = arith.constant 0 : index
    %swap3A_29 = vector.load %arg6[%swap3A_27, %swap3A_28] : memref<10000x128xf32, #tpu.memory_space<vmem>>, vector<10000x128xf32>
    tpu.vector_store %arg6[%swap3A_27, %swap3A_28], %mul3A_26 {strides = array<i32>} : memref<10000x128xf32, #tpu.memory_space<vmem>>, vector<10000x128xf32>,
    return
  }
}

module attributes {stable_mosaic.version = 14 : i64} {
  func.func @body(%arg0: i32, %arg1: memref<2x2000x128xf32, #tpu.memory_space<vmem>>, %arg2: memref<2000x128xf32, #tpu.memory_space<vmem>>, %arg3: memref<2000x1xf32, #tpu.memory_space<vmem>>, %arg4: memref<1x128xf32, #tpu.memory_space<vmem>>, %arg5: memref<1x128xf32, #tpu.memory_space<vmem>>, %arg6: memref<128x128xf32, #tpu.memory_space<vmem>>, %arg7: memref<2000x128xf32, #tpu.memory_space<vmem>>) attributes {dimension_semantics = [#tpu.dimension_semantics<arbitrary>], iteration_bounds = array<i64: 5>, scalar_prefetch = 0 : i64, scratch_operands = 0 : i64, tpu.core_type = #tpu.core_type<tc>, window_params = [{transform_indices = @transform_0, window_bounds = array<i64: 2, 2000, 128>}, {transform_indices = @transform_1, window_bounds = array<i64: 2000, 128>}, {transform_indices = @transform_2, window_bounds = array<i64: 2000, 1>}, {pipeline_mode = #tpu.pipeline_mode<synchronous>, transform_indices = @transform_3, window_bounds = array<i64: 1, 128>}, {pipeline_mode = #tpu.pipeline_mode<synchronous>, transform_indices = @transform_4, window_bounds = array<i64: 1, 128>}, {pipeline_mode = #tpu.pipeline_mode<synchronous>, transform_indices = @transform_5, window_bounds = array<i64: 128, 128>}, {transform_indices = @transform_6, window_bounds = array<i64: 2000, 128>}]} {
    %get3A = arith.constant 0 : index
    %get3A_0 = arith.constant 0 : index
    %get3A_1 = vector.load %arg3[%get3A, %get3A_0] : memref<2000x1xf32, #tpu.memory_space<vmem>>, vector<2000x1xf32>
    %get3A_2 = arith.constant 0 : index
    %get3A_3 = arith.constant 0 : index
    %get3A_4 = arith.constant 0 : index
    %get3A_5 = vector.load %arg1[%get3A_2, %get3A_3, %get3A_4] : memref<2x2000x128xf32, #tpu.memory_space<vmem>>, vector<1x2000x128xf32>
    %get3A_6 = vector.shape_cast %get3A_5 : vector<1x2000x128xf32> to vector<2000x128xf32>
    %get3A_7 = arith.constant 1 : index
    %get3A_8 = arith.constant 0 : index
    %get3A_9 = arith.constant 0 : index
    %get3A_10 = vector.load %arg1[%get3A_7, %get3A_8, %get3A_9] : memref<2x2000x128xf32, #tpu.memory_space<vmem>>, vector<1x2000x128xf32>
    %get3A_11 = vector.shape_cast %get3A_10 : vector<1x2000x128xf32> to vector<2000x128xf32>
    %add3A = arith.addf %get3A_6, %get3A_11 : vector<2000x128xf32>
    %get3A_12 = arith.constant 0 : index
    %get3A_13 = arith.constant 0 : index
    %get3A_14 = vector.load %arg2[%get3A_12, %get3A_13] : memref<2000x128xf32, #tpu.memory_space<vmem>>, vector<2000x128xf32>
    %add3A_15 = arith.addf %add3A, %get3A_14 : vector<2000x128xf32>
    %mul3A = vector.broadcast %get3A_1 : vector<2000x1xf32> to vector<2000x128xf32>
    %mul3A_16 = arith.mulf %add3A_15, %mul3A : vector<2000x128xf32>
    %get3A_17 = arith.constant 0 : index
    %get3A_18 = arith.constant 0 : index
    %get3A_19 = vector.load %arg4[%get3A_17, %get3A_18] : memref<1x128xf32, #tpu.memory_space<vmem>>, vector<1x128xf32>
    %mul3A_20 = vector.broadcast %get3A_19 : vector<1x128xf32> to vector<2000x128xf32>
    %mul3A_21 = arith.mulf %mul3A_16, %mul3A_20 : vector<2000x128xf32>
    %get3A_22 = arith.constant 0 : index
    %get3A_23 = arith.constant 0 : index
    %get3A_24 = vector.load %arg5[%get3A_22, %get3A_23] : memref<1x128xf32, #tpu.memory_space<vmem>>, vector<1x128xf32>
    %add3A_25 = vector.broadcast %get3A_24 : vector<1x128xf32> to vector<2000x128xf32>
    %add3A_26 = arith.addf %mul3A_21, %add3A_25 : vector<2000x128xf32>
    %max3A = arith.constant 0.000000e+00 : f32
    %max3A_27 = vector.broadcast %max3A : f32 to vector<2000x128xf32>
    %max3A_28 = arith.maximumf %add3A_26, %max3A_27 : vector<2000x128xf32>
    %get3A_29 = arith.constant 0 : index
    %get3A_30 = arith.constant 0 : index
    %get3A_31 = vector.load %arg6[%get3A_29, %get3A_30] : memref<128x128xf32, #tpu.memory_space<vmem>>, vector<128x128xf32>
    %dot_general3A = arith.constant dense<0.000000e+00> : vector<2000x128xf32>
    %dot_general3A_32 = tpu.matmul %max3A_28, %get3A_31, %dot_general3A {dimension_numbers = #tpu.dot_dimension_numbers<[1], [0], [0], [1], [0, 0, 1, 1], [], []>, transpose_lhs_hint = false} : vector<2000x128xf32>, vector<128x128xf32>, vector<2000x128xf32> -> vector<2000x128xf32>
    %mul3A_33 = vector.broadcast %get3A_1 : vector<2000x1xf32> to vector<2000x128xf32>
    %mul3A_34 = arith.mulf %dot_general3A_32, %mul3A_33 : vector<2000x128xf32>
    %swap3A = arith.constant 0 : index
    %swap3A_35 = arith.constant 0 : index
    %swap3A_36 = vector.load %arg7[%swap3A, %swap3A_35] : memref<2000x128xf32, #tpu.memory_space<vmem>>, vector<2000x128xf32>
    tpu.vector_store %arg7[%swap3A, %swap3A_35], %mul3A_34 {strides = array<i32>} : memref<2000x128xf32, #tpu.memory_space<vmem>>, vector<2000x128xf32>,
    return
  }
  func.func @transform_0(%arg0: i32) -> (i32, i32, i32) {
    %c0_i32 = arith.constant 0 : i32
    %c0_i32_0 = arith.constant 0 : i32
    %c0_i32_1 = arith.constant 0 : i32
    return %c0_i32, %arg0, %c0_i32_0 : i32, i32, i32
  }
  func.func @transform_1(%arg0: i32) -> (i32, i32) {
    %c0_i32 = arith.constant 0 : i32
    %c0_i32_0 = arith.constant 0 : i32
    return %arg0, %c0_i32 : i32, i32
  }
  func.func @transform_2(%arg0: i32) -> (i32, i32) {
    %c0_i32 = arith.constant 0 : i32
    %c0_i32_0 = arith.constant 0 : i32
    return %arg0, %c0_i32 : i32, i32
  }
  func.func @transform_3(%arg0: i32) -> (i32, i32) {
    %c0_i32 = arith.constant 0 : i32
    %c0_i32_0 = arith.constant 0 : i32
    %c0_i32_1 = arith.constant 0 : i32
    return %c0_i32, %c0_i32_0 : i32, i32
  }
  func.func @transform_4(%arg0: i32) -> (i32, i32) {
    %c0_i32 = arith.constant 0 : i32
    %c0_i32_0 = arith.constant 0 : i32
    %c0_i32_1 = arith.constant 0 : i32
    return %c0_i32, %c0_i32_0 : i32, i32
  }
  func.func @transform_5(%arg0: i32) -> (i32, i32) {
    %c0_i32 = arith.constant 0 : i32
    %c0_i32_0 = arith.constant 0 : i32
    %c0_i32_1 = arith.constant 0 : i32
    return %c0_i32, %c0_i32_0 : i32, i32
  }
  func.func @transform_6(%arg0: i32) -> (i32, i32) {
    %c0_i32 = arith.constant 0 : i32
    %c0_i32_0 = arith.constant 0 : i32
    return %arg0, %c0_i32 : i32, i32
  }
}

module attributes {stable_mosaic.version = 14 : i64} {
  func.func @body(%arg0: memref<2x10000x128xf32, #tpu.memory_space<vmem>>, %arg1: memref<10000x128xf32, #tpu.memory_space<vmem>>, %arg2: memref<10000x1xf32, #tpu.memory_space<vmem>>, %arg3: memref<1x128xf32, #tpu.memory_space<vmem>>, %arg4: memref<1x128xf32, #tpu.memory_space<vmem>>, %arg5: memref<1x10000xi32, #tpu.memory_space<vmem>>, %arg6: memref<128x10xf32, #tpu.memory_space<vmem>>, %arg7: memref<1x10xf32, #tpu.memory_space<vmem>>, %arg8: memref<64x10xf32, #tpu.memory_space<vmem>>) attributes {dimension_semantics = [], scalar_prefetch = 0 : i64, scratch_operands = 0 : i64, tpu.core_type = #tpu.core_type<tc>} {
    %get3A = arith.constant 0 : index
    %get3A_0 = arith.constant 0 : index
    %get3A_1 = vector.load %arg2[%get3A, %get3A_0] : memref<10000x1xf32, #tpu.memory_space<vmem>>, vector<10000x1xf32>
    %get3A_2 = arith.constant 0 : index
    %get3A_3 = arith.constant 0 : index
    %get3A_4 = arith.constant 0 : index
    %get3A_5 = vector.load %arg0[%get3A_2, %get3A_3, %get3A_4] : memref<2x10000x128xf32, #tpu.memory_space<vmem>>, vector<1x10000x128xf32>
    %get3A_6 = vector.shape_cast %get3A_5 : vector<1x10000x128xf32> to vector<10000x128xf32>
    %get3A_7 = arith.constant 1 : index
    %get3A_8 = arith.constant 0 : index
    %get3A_9 = arith.constant 0 : index
    %get3A_10 = vector.load %arg0[%get3A_7, %get3A_8, %get3A_9] : memref<2x10000x128xf32, #tpu.memory_space<vmem>>, vector<1x10000x128xf32>
    %get3A_11 = vector.shape_cast %get3A_10 : vector<1x10000x128xf32> to vector<10000x128xf32>
    %add3A = arith.addf %get3A_6, %get3A_11 : vector<10000x128xf32>
    %get3A_12 = arith.constant 0 : index
    %get3A_13 = arith.constant 0 : index
    %get3A_14 = vector.load %arg1[%get3A_12, %get3A_13] : memref<10000x128xf32, #tpu.memory_space<vmem>>, vector<10000x128xf32>
    %add3A_15 = arith.addf %add3A, %get3A_14 : vector<10000x128xf32>
    %mul3A = vector.broadcast %get3A_1 : vector<10000x1xf32> to vector<10000x128xf32>
    %mul3A_16 = arith.mulf %add3A_15, %mul3A : vector<10000x128xf32>
    %get3A_17 = arith.constant 0 : index
    %get3A_18 = arith.constant 0 : index
    %get3A_19 = vector.load %arg3[%get3A_17, %get3A_18] : memref<1x128xf32, #tpu.memory_space<vmem>>, vector<1x128xf32>
    %mul3A_20 = vector.broadcast %get3A_19 : vector<1x128xf32> to vector<10000x128xf32>
    %mul3A_21 = arith.mulf %mul3A_16, %mul3A_20 : vector<10000x128xf32>
    %get3A_22 = arith.constant 0 : index
    %get3A_23 = arith.constant 0 : index
    %get3A_24 = vector.load %arg4[%get3A_22, %get3A_23] : memref<1x128xf32, #tpu.memory_space<vmem>>, vector<1x128xf32>
    %add3A_25 = vector.broadcast %get3A_24 : vector<1x128xf32> to vector<10000x128xf32>
    %add3A_26 = arith.addf %mul3A_21, %add3A_25 : vector<10000x128xf32>
    %max3A = arith.constant 0.000000e+00 : f32
    %max3A_27 = vector.broadcast %max3A : f32 to vector<10000x128xf32>
    %max3A_28 = arith.maximumf %add3A_26, %max3A_27 : vector<10000x128xf32>
    %iota3A = tpu.iota {dimensions = array<i32: 0>} : vector<64x10000xi32>
    %get3A_29 = arith.constant 0 : index
    %get3A_30 = arith.constant 0 : index
    %get3A_31 = vector.load %arg5[%get3A_29, %get3A_30] : memref<1x10000xi32, #tpu.memory_space<vmem>>, vector<1x10000xi32>
    %eq3A = vector.broadcast %get3A_31 : vector<1x10000xi32> to vector<64x10000xi32>
    %eq3A_32 = arith.cmpi eq, %iota3A, %eq3A : vector<64x10000xi32>
    %jit3A = arith.constant 1.000000e+00 : f32
    %jit3A_33 = arith.constant 0.000000e+00 : f32
    %broadcast_in_dim3A = vector.broadcast %jit3A : f32 to vector<64x10000xf32>
    %broadcast_in_dim3A_34 = vector.broadcast %jit3A_33 : f32 to vector<64x10000xf32>
    %select_n3A = arith.select %eq3A_32, %broadcast_in_dim3A, %broadcast_in_dim3A_34 : vector<64x10000xi1>, vector<64x10000xf32>
    %dot_general3A = arith.constant dense<0.000000e+00> : vector<64x128xf32>
    %dot_general3A_35 = tpu.matmul %select_n3A, %max3A_28, %dot_general3A {dimension_numbers = #tpu.dot_dimension_numbers<[1], [0], [0], [1], [0, 0, 1, 1], [], []>, transpose_lhs_hint = false} : vector<64x10000xf32>, vector<10000x128xf32>, vector<64x128xf32> -> vector<64x128xf32>
    %reduce_sum3A = arith.constant dense<0.000000e+00> : vector<64xf32>
    %reduce_sum3A_36 = vector.multi_reduction <add>, %select_n3A, %reduce_sum3A [1] : vector<64x10000xf32> to vector<64xf32>
    %broadcast_in_dim3A_37 = vector.shape_cast %reduce_sum3A_36 : vector<64xf32> to vector<64x1xf32>
    %max3A_38 = arith.constant 1.000000e+00 : f32
    %max3A_39 = vector.broadcast %max3A_38 : f32 to vector<64x1xf32>
    %max3A_40 = arith.maximumf %broadcast_in_dim3A_37, %max3A_39 : vector<64x1xf32>
    %div3A = vector.broadcast %max3A_40 : vector<64x1xf32> to vector<64x128xf32>
    %div3A_41 = arith.divf %dot_general3A_35, %div3A : vector<64x128xf32>
    %get3A_42 = arith.constant 0 : index
    %get3A_43 = arith.constant 0 : index
    %get3A_44 = vector.load %arg6[%get3A_42, %get3A_43] : memref<128x10xf32, #tpu.memory_space<vmem>>, vector<128x10xf32>
    %dot_general3A_45 = arith.constant dense<0.000000e+00> : vector<64x10xf32>
    %dot_general3A_46 = tpu.matmul %div3A_41, %get3A_44, %dot_general3A_45 {dimension_numbers = #tpu.dot_dimension_numbers<[1], [0], [0], [1], [0, 0, 1, 1], [], []>, transpose_lhs_hint = false} : vector<64x128xf32>, vector<128x10xf32>, vector<64x10xf32> -> vector<64x10xf32>
    %get3A_47 = arith.constant 0 : index
    %get3A_48 = arith.constant 0 : index
    %get3A_49 = vector.load %arg7[%get3A_47, %get3A_48] : memref<1x10xf32, #tpu.memory_space<vmem>>, vector<1x10xf32>
    %add3A_50 = vector.broadcast %get3A_49 : vector<1x10xf32> to vector<64x10xf32>
    %add3A_51 = arith.addf %dot_general3A_46, %add3A_50 : vector<64x10xf32>
    %swap3A = arith.constant 0 : index
    %swap3A_52 = arith.constant 0 : index
    %swap3A_53 = vector.load %arg8[%swap3A, %swap3A_52] : memref<64x10xf32, #tpu.memory_space<vmem>>, vector<64x10xf32>
    tpu.vector_store %arg8[%swap3A, %swap3A_52], %add3A_51 {strides = array<i32>} : memref<64x10xf32, #tpu.memory_space<vmem>>, vector<64x10xf32>,
    return
  }
}

</mosaic_0001>

<sc_bundles>
// kernel: kernel.12.cloned.1.call-start
scs
__scs_entry_jumppad:
0x0: {  	(pc) =	sbr.rel $0x88, $3  }
0x1: {  	(tag) =	ssettag $0x0;
	lr =	simm.s32 $0x1  }
0x2: {  	[smem:$0x3F96] =	sst lr;
	_ =	strace $0xD0000000  }
0x3: {  	_ = 	snop  }
0x4: {  	_ = 	snop  }
0x5: {  	_ = 	snop  }
0x6: {  	_ = 	snop  }
0x7: {  	_ = 	snop  }
__scs_overlays_trampoline_lowered:
0x8: {  	[smem:$0x3FA5] =	sst s0  }
0x9: {  	[smem:$0x3FA6] =	sst s1  }
0xa: {  	[smem:$0x3FA7] =	sst s2  }
0xb: {  	[smem:$0x3FA8] =	sst s3  }
0xc: {  	[smem:$0x3FA9] =	sst s4  }
0xd: {  	[smem:$0x3FAA] =	sst s5  }
0xe: {  	[smem:$0x3FAB] =	sst s6  }
0xf: {  	[smem:$0x3FAC] =	sst s7  }
0x10: {  	[smem:$0x3FAD] =	sst s8  }
0x11: {  	[smem:$0x3FAE] =	sst s9;
	s0 =	simm.s32 @!p0 $0x0  }
0x12: {  	s1 =	sld [smem:$0x3F94];
	s0 =	simm.s32 @p0 $0x1  }
0x13: {  	[smem:$0x3FAF] =	sst s0;
	s0 =	simm.s32 @!p1 $0x0  }
0x14: {  	s2 =	sld [smem:$0x3F93];
	s0 =	simm.s32 @p1 $0x1  }
0x15: {  	[smem:$0x3FB0] =	sst s0;
	s0 =	simm.s32 @!p2 $0x0  }
0x16: {  	s3 =	sld [smem:$0x3FDB];
	s0 =	simm.s32 @p2 $0x1  }
0x17: {  	s4 =	simm.s32 $0x1BF5;
	[smem:$0x3FB2] =	sst s0  }
0x18: {  	s0 =	sld [smem:$0x3F95];
	_ =	swait.ge [sflag:s4], $0x0  }
0x19: {  	s7 =	sld [smem:$0x3F96]  }
0x1a: {  	s8 =	sadd.s32 $0xFFFFE003, lr  }
0x1b: {  	s9 =	sadd.s32 $0xFFFFFEF7, lr;
	s5 =	simm.s32 $0xFFFFFFFF;
	p2 =	slt.u32 s8, $0xFFFFF086  }
0x1c: {  	p1 =	slt.u32 s9, $0xF7A;
	s5 =	simm.s32 @!p2 $0x0  }
0x1d: {  	s5 =	simm.s32 @p1 $0x1;
	p0 =	seq.s32 s7, s2  }
0x1e: {  	s7 =	smul.u32 @!p0 $0xF7A, s2;
	p2 =	seq.s32 @!p0 s5, $0x0  }
0x1f: {  	s9 =	smul.u32 $0xF7A, s1;
	s8 =	simm.s32 @!p0 $0x1BF5;
	p2 =	por !p2, p0  }
0x20: {  	[sflag:s8] =	ssyncset.s32 @!p0 $0xFFFFF086;
	s6 =	sadd.s32 @!p0 s3, s7;
	s7 =	simm.s32 @!p0 $0x108  }
0x21: {  	s3 =	sadd.s32 s3, s9;
	s6 =	sadd.s32 @!p0 $0x88, s6;
	s7 =	simm.s32 @p2 $0x1082  }
0x22: {  	[simem:s7], [sflag:s8] =	dma.local @!p0 [hbm:s6], $0xF7A  }
0x23: {  	s9 =	sor.u32 $0xD0000000, s2;
	s6 =	simm.s32 $0x108;
	_ =	swait.ge @!p0 [sflag:s8], $0x0  }
0x24: {  	s3 =	sadd.s32 $0x88, s3;
	s6 =	simm.s32 @!p1 $0x1082;
	[sflag:s4] =	ssyncset.s32 $0xFFFFF086  }
0x25: {  	[simem:s6], [sflag:s4] =	dma.local [hbm:s3], $0xF7A  }
0x26: {  	[smem:$0x3F96] =	sst s1;
	(tag) =	ssettag s2;
	_ =	strace s9  }
0x27: {  	s1 =	sld [smem:$0x3FA6]  }
0x28: {  	s2 =	sld [smem:$0x3FA7]  }
0x29: {  	s4 =	sld [smem:$0x3FA9]  }
0x2a: {  	p0 =	seq.s32 s5, $0x0;
	s5 =	sld [smem:$0x3FAA]  }
0x2b: {  	s6 =	sld [smem:$0x3FAB]  }
0x2c: {  	s7 =	sld [smem:$0x3FAC]  }
0x2d: {  	s3 =	simm.s32 $0x108;
	s8 =	sld [smem:$0x3FAD]  }
0x2e: {  	s3 =	simm.s32 @!p0 $0x1082;
	s9 =	sld [smem:$0x3FAE]  }
0x2f: {  	lr =	sadd.s32 s0, s3;
	s0 =	sld [smem:$0x3FA5]  }
0x30: {  	s3 =	sld [smem:$0x3FA8]  }
0x31: {  	[smem:$0x3FB1] =	sst s10  }
0x32: {  	s10 =	sld [smem:$0x3FAF];
	_ =	sdelay $0x3  }
0x33: {  	p0 =	seq.s32 s10, $0x1;
	s10 =	sld [smem:$0x3FB1];
	_ =	sdelay $0x3  }
0x34: {  	[smem:$0x3FB1] =	sst s10  }
0x35: {  	s10 =	sld [smem:$0x3FB0];
	_ =	sdelay $0x3  }
0x36: {  	p1 =	seq.s32 s10, $0x1;
	s10 =	sld [smem:$0x3FB1];
	_ =	sdelay $0x3  }
0x37: {  	[smem:$0x3FB1] =	sst s10  }
0x38: {  	s10 =	sld [smem:$0x3FB2]  }
0x39: {  	_ = 	snop;
	(pc) =	sbr.ind lr, $3  }
0x3a: {  	_ = 	snop  }
0x3b: {  	_ = 	snop  }
0x3c: {  	p2 =	seq.s32 s10, $0x1;
	s10 =	sld [smem:$0x3FB1]  }
0x3d: {  	_ =	shalt  }
0x3e: {  	_ =	shalt  }
0x3f: {  	_ =	shalt  }
0x40: {  	_ =	shalt  }
0x41: {  	_ =	shalt  }
0x42: {  	_ =	shalt  }
0x43: {  	_ =	shalt  }
0x44: {  	_ =	shalt  }
0x45: {  	_ =	shalt  }
0x46: {  	_ =	shalt  }
0x47: {  	_ =	shalt  }
0x48: {  	_ =	shalt  }
0x49: {  	_ =	shalt  }
0x4a: {  	_ =	shalt  }
0x4b: {  	_ =	shalt  }
0x4c: {  	_ =	shalt  }
0x4d: {  	_ =	shalt  }
0x4e: {  	_ =	shalt  }
0x4f: {  	_ =	shalt  }
0x50: {  	_ =	shalt  }
0x51: {  	_ =	shalt  }
0x52: {  	_ =	shalt  }
0x53: {  	_ =	shalt  }
0x54: {  	_ =	shalt  }
0x55: {  	_ =	shalt  }
0x56: {  	_ =	shalt  }
0x57: {  	_ =	shalt  }
0x58: {  	_ =	shalt  }
0x59: {  	_ =	shalt  }
0x5a: {  	_ =	shalt  }
0x5b: {  	_ =	shalt  }
0x5c: {  	_ =	shalt  }
0x5d: {  	_ =	shalt  }
0x5e: {  	_ =	shalt  }
0x5f: {  	_ =	shalt  }
0x60: {  	_ =	shalt  }
0x61: {  	_ =	shalt  }
0x62: {  	_ =	shalt  }
0x63: {  	_ =	shalt  }
0x64: {  	_ =	shalt  }
0x65: {  	_ =	shalt  }
0x66: {  	_ =	shalt  }
0x67: {  	_ =	shalt  }
0x68: {  	_ =	shalt  }
0x69: {  	_ =	shalt  }
0x6a: {  	_ =	shalt  }
0x6b: {  	_ =	shalt  }
0x6c: {  	_ =	shalt  }
0x6d: {  	_ =	shalt  }
0x6e: {  	_ =	shalt  }
0x6f: {  	_ =	shalt  }
0x70: {  	_ =	shalt  }
0x71: {  	_ =	shalt  }
0x72: {  	_ =	shalt  }
0x73: {  	_ =	shalt  }
0x74: {  	_ =	shalt  }
0x75: {  	_ =	shalt  }
0x76: {  	_ =	shalt  }
0x77: {  	_ =	shalt  }
0x78: {  	_ =	shalt  }
0x79: {  	_ =	shalt  }
0x7a: {  	_ =	shalt  }
0x7b: {  	_ =	shalt  }
0x7c: {  	_ =	shalt  }
0x7d: {  	_ =	shalt  }
0x7e: {  	_ =	shalt  }
0x7f: {  	_ =	shalt  }
0x80: {  	_ =	shalt  }
0x81: {  	_ =	shalt  }
0x82: {  	_ =	shalt  }
0x83: {  	_ =	shalt  }
0x84: {  	_ =	shalt  }
0x85: {  	_ =	shalt  }
0x86: {  	_ =	shalt  }
0x87: {  	_ =	shalt  }
.Lfunc_end0:
.L_simem_size_0:
called_computation_lowered:
.L_overlay_start_0:
0x88: {  	s2 =	sld [smem:$0x3FD9]  }
0x89: {  	s3 =	sld [smem:$0x3FFE];
	_ =	sdelay $0x1  }
0x8a: {  	s1 =	srdreg.scid  }
0x8b: {  	s0 =	sand.u32 $0x1, s1  }
0x8c: {  	s16 =	sshll.u32 s0, $0xA;
	s2 =	sadd.s32 s3, s2  }
0x8d: {  	s2 =	sadd.s32 s2, s16  }
0x8e: {  	[smem:$0x3FBD] =	sst s2  }
0x8f: {  	_ = 	snop  }
0x90: {  	(tm) =	ssettm $0x1  }
0x91: {  	s17 =	sld [smem:$0x3FFB];
	_ =	sdelay $0x3  }
0x92: {  	_ =	strace s17  }
0x93: {  	s2 =	sld [smem:$0x3FFC];
	_ =	sdelay $0x3  }
0x94: {  	_ =	strace s2  }
0x95: {  	s2 =	sld [smem:$0x3FFD];
	_ =	sdelay $0x3  }
0x96: {  	_ =	strace s2  }
0x97: {  	_ =	strace $0x8FFFFFFF  }
0x98: {  	s18 =	sld [smem:$0x3FDB];
	_ =	sdelay $0x1  }
0x99: {  	s19 =	simm.s32 $_scs_section_size  }
0x9a: {  	s4 =	simm.s32 $_size__tile_overlayer_lowered;
	s5 =	simm.s32 $_tile_overlayer_lowered  }
0x9b: {  	s22 =	simm.s32 $0x1BFF;
	s21 =	sshll.u32 s5, $0x1;
	s2 =	sadd.s32 s19, s18  }
0x9c: {  	s6 =	simm.s32 $0x0;
	s20 =	sshll.u32 s4, $0x1;
	s4 =	sadd.s32 s21, s2  }
0x9d: {  	[timem:s6], [sflag:s22] =	dma.local [hbm:s4], s20  }
0x9e: {  	_ =	swait.ge [sflag:s22], s20  }
0x9f: {  	s3 =	ssub.s32 $0x0, s20;
	[sflag:s22] =	ssyncset.done $0x0  }
0xa0: {  	[sflag:s22] =	ssyncadd.s32 s3;
	_ =	sdelay $0x1  }
0xa1: {  	s23 =	simm.s32 $0x1B8B  }
0xa2: {  	_ =	swait.ge [sflag:s23], $0x1  }
0xa3: {  	[sflag:s23] =	ssyncset.done $0x0  }
0xa4: {  	s25 =	simm.s32 $0x1B8E;
	s24 =	sld [smem:$0x3FFE];
	[sflag:s23] =	ssyncadd.s32 $0xFFFFFFFF  }
0xa5: {  	s26 =	simm.s32 $execute0_lowered;
	[smem:$0x3FD2] =	sst s25  }
0xa6: {  	s4 =	sshll.u32 s26, $0x1;
	_ =	strace $0x80000046;
	[dreg:$0x1] =	wrdreg $0xFFFFFFFF  }
0xa7: {  	s28 =	simm.s32 $_size_execute0_lowered;
	s2 =	sadd.s32 s2, s4;
	[dreg:$0x0] =	wrdreg $0x0  }
0xa8: {  	s4 =	sshll.u32 s28, $0x1;
	[dreg:$0x2] =	wrdreg s2  }
0xa9: {  	[dreg:$0x3] =	wrdreg s4  }
0xaa: {  	[dreg:$0x4] =	wrdreg $0xC0  }
0xab: {  	_ =	task [dreg:s6], $0x5FFFF  }
0xac: {  	[dreg:$0x1] =	wrdreg $0xFFFFFFFF  }
0xad: {  	[dreg:$0x0] =	wrdreg $0x60  }
0xae: {  	[dreg:$0x2] =	wrdreg s24  }
0xaf: {  	[dreg:$0x3] =	wrdreg $0x9  }
0xb0: {  	_ =	task.clear_ibuf [dreg:s6], $0x4FFFF;
	_ =	strace $0x90000046  }
0xb1: {  	s29 =	simm.s32 $0x9;
	_ =	strace $0x80000048  }
0xb2: {  	_ =	swait.ge [sflag:s29], $0x1  }
0xb3: {  	[sflag:s29] =	ssyncadd.s32 $0xFFFFFFFF  }
0xb4: {  	_ =	strace $0x90000048  }
0xb5: {  	_ =	sfence  }
0xb6: {  	s30 =	sld [smem:$0x0];
	_ =	sdelay $0x2  }
0xb7: {  	s31 =	sshll.u32 s1, $0xD;
	s1 =	sshrl.u32 s1, $0x2  }
0xb8: {  	s3 =	sand.u32 $0x4000, s31;
	s1 =	sadd.s32 s1, s30  }
0xb9: {  	s0 =	sor.u32 s3, s0;
	s1 =	sshll.u32 s1, $0x11  }
0xba: {  	s0 =	sor.u32 s1, s0  }
0xbb: {  	s0 =	sadd.s32 $0x8F2B, s0  }
0xbc: {  	[sflag:s0] =	ssyncadd.remote.s32 $0x1  }
0xbd: {  	_ =	sfence.sel $0xFFFF  }
0xbe: {  	[dreg:$0x0] =	wrdreg $0xFFFFFFFF;
	(pc) =	sbr.abs _section_cstart, $3  }
0xbf: {  	[dreg:$0x1] =	wrdreg $0xFFFFFFFF  }
0xc0: {  	_ =	task.clear_ibuf [dreg:s6], $0x2FFFF;
	_ =	strace $0x9FFFFFFF  }
0xc1: {  	(tm) =	ssettm $0x7FFFFFFF  }
tec
execute0_lowered:
.L_overlay_start_1:
0x0: {  	(tag) =	ssettag $0x1  }
0x1: {  	s0 =	srdreg.scid  }
0x2: {  	s4 =	rddreg [dreg:$0x0];
	s3 =	sand.u32 $0x1, s0  }
0x3: {  	s2 =	simm.s32 $0x0;
	s0 =	stileid.u32;
	s1 =	sshll.u32 s3, $0x4  }
0x4: {  	s9 =	simm.s32 $0x0;
	[smem:$0x7FF] =	sst s2;
	s5 =	sor.u32 s0, s1  }
0x5: {  	s7 =	ssub.s32 $0x2, s3;
	s3 =	sadd.s32 $0x18400, s4;
	s6 =	smul.u32 $0x500, s5  }
0x6: {  	s1 =	rddreg [dreg:$0x1];
	s8 =	sshrl.u32 s7, $0x1;
	s5 =	smul.u32 $0x4F0, s5  }
0x7: {  	_ =	strace $0x80000047;
	s7 =	ssub.s32 s7, s8;
	s6 =	sadd.s32 s6, s4  }
0x8: {  	s8 =	simm.s32 $0x1;
	s5 =	sadd.s32 s5, s4;
	s4 =	sadd.s32 $0x4400, s6  }
0x9: {  	v0 =	vimm.f32 $1.000000000e+00;
	s5 =	sadd.s32 $0x18A00, s5;
	s6 =	smax.u32 s7, $0x1;
	s7 =	simm.s32 $0x2800  }
.LBB2_1:
0xa: {  	[tilespmem:s7], [sflag:$0x1] =	stream.linear.gather [hbm4b:s3+s2], $0x2780, $0x38;
	[tilespmem:$0x4F80] =	vst v63  }
0xb: {  	_ =	swait.ge [sflag:s8], $0x2780  }
0xc: {  	[sflag:s8] =	ssyncset.done $0x0  }
0xd: {  	[sflag:s8] =	ssyncadd.s32 $0xFFFFD880  }
0xe: {  	[tilespmem:s2], [sflag:$0x1] =	stream.linear.gather [hbm4b:s4+s2], $0x2800, $0x38;
	[tilespmem:$0x4F80] =	vst v63  }
0xf: {  	_ =	swait.ge [sflag:s8], $0x2800  }
0x10: {  	[sflag:s8] =	ssyncset.done $0x0  }
0x11: {  	s10 =	simm.s32 $0x0;
	[sflag:s8] =	ssyncadd.s32 $0xFFFFD800  }
.LBB2_2:
0x12: {  	s11 =	sshra.s32 s10, $0x2  }
0x13: {  	v1 =	vld [tilespmem:s11+$0x0];
	_ =	sdelay $0x7  }
0x14: {  	[tilespmem:v1+s7+$0x0] =	vst.idx.add.f32.msk $0xffff, v0  }
0x15: {  	v1 =	vld [tilespmem:s11+$0x10];
	_ =	sdelay $0x7  }
0x16: {  	[tilespmem:v1+s7+$0x0] =	vst.idx.add.f32.msk $0xffff, v0  }
0x17: {  	v1 =	vld [tilespmem:s11+$0x20];
	_ =	sdelay $0x7  }
0x18: {  	[tilespmem:v1+s7+$0x0] =	vst.idx.add.f32.msk $0xffff, v0  }
0x19: {  	v1 =	vld [tilespmem:s11+$0x30];
	_ =	sdelay $0x7  }
0x1a: {  	[tilespmem:v1+s7+$0x0] =	vst.idx.add.f32.msk $0xffff, v0  }
0x1b: {  	v1 =	vld [tilespmem:s11+$0x40];
	_ =	sdelay $0x7  }
0x1c: {  	[tilespmem:v1+s7+$0x0] =	vst.idx.add.f32.msk $0xffff, v0  }
0x1d: {  	v1 =	vld [tilespmem:s11+$0x50];
	_ =	sdelay $0x7  }
0x1e: {  	[tilespmem:v1+s7+$0x0] =	vst.idx.add.f32.msk $0xffff, v0  }
0x1f: {  	v1 =	vld [tilespmem:s11+$0x60];
	_ =	sdelay $0x7  }
0x20: {  	[tilespmem:v1+s7+$0x0] =	vst.idx.add.f32.msk $0xffff, v0  }
0x21: {  	v1 =	vld [tilespmem:s11+$0x70];
	_ =	sdelay $0x2  }
0x22: {  	p0 =	sne.s32 s10, $0x9E00  }
.Ltmp0:
0x23: {  	_ = 	snop;
	(pc) =	sbr.rel @p0 .LBB2_2-.Ltmp0, $2  }
0x24: {  	_ =	sdelay $0x2  }
0x25: {  	s10 =	sadd.s32 $0x200, s10;
	[tilespmem:v1+s7+$0x0] =	vst.idx.add.f32.msk $0xffff, v0  }
0x26: {  	s9 =	sadd.s32 $0x1, s9  }
0x27: {  	p0 =	sne.s32 s9, s6  }
.Ltmp1:
0x28: {  	_ = 	snop;
	(pc) =	sbr.rel @p0 .LBB2_1-.Ltmp1, $4  }
0x29: {  	[hbm4b:s5+s2] =	stream.linear.scatter [tilespmem:s7], [sflag:$0x1], $0x2710, $0x38;
	[tilespmem:$0x4F80] =	vst v63  }
0x2a: {  	_ =	swait.ge [sflag:s8], $0x2710  }
0x2b: {  	[sflag:s8] =	ssyncset.done $0x0  }
0x2c: {  	[sflag:s8] =	ssyncadd.s32 $0xFFFFD8F0  }
0x2d: {  	_ =	sfence.sel $0x180000  }
0x2e: {  	[bflag:$0x0] =	sbarrier.arrive $0xFFFF  }
0x2f: {  	p0 =	sne.s32 s0, $0x0;
	_ =	strace $0x90000047  }
0x30: {  	s0 =	sadd.s32 @!p0 $0x100000, s1;
	[bflag:$0x2] =	sbarrier.arrive $0xFFFF  }
0x31: {  	[sflag:s0] =	ssyncadd.tile.s32 @!p0 $0x1;
	_ =	shalt  }
.Lfunc_end2:
_tile_overlayer_lowered:
.L_overlay_start_2:
0x32: {  	(tag) =	ssettag $0x2  }
0x33: {  	s0 =	rddreg [dreg:$0x0];
	s2 =	stileid.u32  }
0x34: {  	s1 =	rddreg [dreg:$0x1];
	p0 =	sne.s32 s2, $0x0  }
0x35: {  	s3 =	rddreg [dreg:$0x2];
	[bflag:$0x3] =	sbarrier.arrive $0xFFFF;
	s2 =	simm.s32 @!p0 $0x1C01  }
0x36: {  	[timem:s3], [sflag:s2] =	dma.local @!p0 [hbm:s0], s1  }
0x37: {  	s0 =	simm.s32 @!p0 $0x1  }
0x38: {  	_ =	swait.ge @!p0 [sflag:s0], s1  }
0x39: {  	s1 =	ssub.s32 @!p0 $0x0, s1;
	[sflag:s0] =	ssyncset.done @!p0 $0x0  }
0x3a: {  	[sflag:s0] =	ssyncadd.s32 @!p0 s1  }
0x3b: {  	[bflag:$0x3] =	sbarrier.arrive $0xFFFF  }
0x3c: {  	_ =	shalt  }

// kernel: kernel.15.cloned.1.call-start
scs
__scs_entry_jumppad:
0x0: {  	(pc) =	sbr.rel $0x88, $3  }
0x1: {  	(tag) =	ssettag $0x0;
	lr =	simm.s32 $0x1  }
0x2: {  	[smem:$0x3F96] =	sst lr;
	_ =	strace $0xD0000000  }
0x3: {  	_ = 	snop  }
0x4: {  	_ = 	snop  }
0x5: {  	_ = 	snop  }
0x6: {  	_ = 	snop  }
0x7: {  	_ = 	snop  }
__scs_overlays_trampoline_lowered:
0x8: {  	[smem:$0x3FA5] =	sst s0  }
0x9: {  	[smem:$0x3FA6] =	sst s1  }
0xa: {  	[smem:$0x3FA7] =	sst s2  }
0xb: {  	[smem:$0x3FA8] =	sst s3  }
0xc: {  	[smem:$0x3FA9] =	sst s4  }
0xd: {  	[smem:$0x3FAA] =	sst s5  }
0xe: {  	[smem:$0x3FAB] =	sst s6  }
0xf: {  	[smem:$0x3FAC] =	sst s7  }
0x10: {  	[smem:$0x3FAD] =	sst s8  }
0x11: {  	[smem:$0x3FAE] =	sst s9;
	s0 =	simm.s32 @!p0 $0x0  }
0x12: {  	s1 =	sld [smem:$0x3F94];
	s0 =	simm.s32 @p0 $0x1  }
0x13: {  	[smem:$0x3FAF] =	sst s0;
	s0 =	simm.s32 @!p1 $0x0  }
0x14: {  	s2 =	sld [smem:$0x3F93];
	s0 =	simm.s32 @p1 $0x1  }
0x15: {  	[smem:$0x3FB0] =	sst s0;
	s0 =	simm.s32 @!p2 $0x0  }
0x16: {  	s3 =	sld [smem:$0x3FDB];
	s0 =	simm.s32 @p2 $0x1  }
0x17: {  	s4 =	simm.s32 $0x1BF5;
	[smem:$0x3FB2] =	sst s0  }
0x18: {  	s0 =	sld [smem:$0x3F95];
	_ =	swait.ge [sflag:s4], $0x0  }
0x19: {  	s7 =	sld [smem:$0x3F96]  }
0x1a: {  	s8 =	sadd.s32 $0xFFFFE003, lr  }
0x1b: {  	s9 =	sadd.s32 $0xFFFFFEF7, lr;
	s5 =	simm.s32 $0xFFFFFFFF;
	p2 =	slt.u32 s8, $0xFFFFF086  }
0x1c: {  	p1 =	slt.u32 s9, $0xF7A;
	s5 =	simm.s32 @!p2 $0x0  }
0x1d: {  	s5 =	simm.s32 @p1 $0x1;
	p0 =	seq.s32 s7, s2  }
0x1e: {  	s7 =	smul.u32 @!p0 $0xF7A, s2;
	p2 =	seq.s32 @!p0 s5, $0x0  }
0x1f: {  	s9 =	smul.u32 $0xF7A, s1;
	s8 =	simm.s32 @!p0 $0x1BF5;
	p2 =	por !p2, p0  }
0x20: {  	[sflag:s8] =	ssyncset.s32 @!p0 $0xFFFFF086;
	s6 =	sadd.s32 @!p0 s3, s7;
	s7 =	simm.s32 @!p0 $0x108  }
0x21: {  	s3 =	sadd.s32 s3, s9;
	s6 =	sadd.s32 @!p0 $0x88, s6;
	s7 =	simm.s32 @p2 $0x1082  }
0x22: {  	[simem:s7], [sflag:s8] =	dma.local @!p0 [hbm:s6], $0xF7A  }
0x23: {  	s9 =	sor.u32 $0xD0000000, s2;
	s6 =	simm.s32 $0x108;
	_ =	swait.ge @!p0 [sflag:s8], $0x0  }
0x24: {  	s3 =	sadd.s32 $0x88, s3;
	s6 =	simm.s32 @!p1 $0x1082;
	[sflag:s4] =	ssyncset.s32 $0xFFFFF086  }
0x25: {  	[simem:s6], [sflag:s4] =	dma.local [hbm:s3], $0xF7A  }
0x26: {  	[smem:$0x3F96] =	sst s1;
	(tag) =	ssettag s2;
	_ =	strace s9  }
0x27: {  	s1 =	sld [smem:$0x3FA6]  }
0x28: {  	s2 =	sld [smem:$0x3FA7]  }
0x29: {  	s4 =	sld [smem:$0x3FA9]  }
0x2a: {  	p0 =	seq.s32 s5, $0x0;
	s5 =	sld [smem:$0x3FAA]  }
0x2b: {  	s6 =	sld [smem:$0x3FAB]  }
0x2c: {  	s7 =	sld [smem:$0x3FAC]  }
0x2d: {  	s3 =	simm.s32 $0x108;
	s8 =	sld [smem:$0x3FAD]  }
0x2e: {  	s3 =	simm.s32 @!p0 $0x1082;
	s9 =	sld [smem:$0x3FAE]  }
0x2f: {  	lr =	sadd.s32 s0, s3;
	s0 =	sld [smem:$0x3FA5]  }
0x30: {  	s3 =	sld [smem:$0x3FA8]  }
0x31: {  	[smem:$0x3FB1] =	sst s10  }
0x32: {  	s10 =	sld [smem:$0x3FAF];
	_ =	sdelay $0x3  }
0x33: {  	p0 =	seq.s32 s10, $0x1;
	s10 =	sld [smem:$0x3FB1];
	_ =	sdelay $0x3  }
0x34: {  	[smem:$0x3FB1] =	sst s10  }
0x35: {  	s10 =	sld [smem:$0x3FB0];
	_ =	sdelay $0x3  }
0x36: {  	p1 =	seq.s32 s10, $0x1;
	s10 =	sld [smem:$0x3FB1];
	_ =	sdelay $0x3  }
0x37: {  	[smem:$0x3FB1] =	sst s10  }
0x38: {  	s10 =	sld [smem:$0x3FB2]  }
0x39: {  	_ = 	snop;
	(pc) =	sbr.ind lr, $3  }
0x3a: {  	_ = 	snop  }
0x3b: {  	_ = 	snop  }
0x3c: {  	p2 =	seq.s32 s10, $0x1;
	s10 =	sld [smem:$0x3FB1]  }
0x3d: {  	_ =	shalt  }
0x3e: {  	_ =	shalt  }
0x3f: {  	_ =	shalt  }
0x40: {  	_ =	shalt  }
0x41: {  	_ =	shalt  }
0x42: {  	_ =	shalt  }
0x43: {  	_ =	shalt  }
0x44: {  	_ =	shalt  }
0x45: {  	_ =	shalt  }
0x46: {  	_ =	shalt  }
0x47: {  	_ =	shalt  }
0x48: {  	_ =	shalt  }
0x49: {  	_ =	shalt  }
0x4a: {  	_ =	shalt  }
0x4b: {  	_ =	shalt  }
0x4c: {  	_ =	shalt  }
0x4d: {  	_ =	shalt  }
0x4e: {  	_ =	shalt  }
0x4f: {  	_ =	shalt  }
0x50: {  	_ =	shalt  }
0x51: {  	_ =	shalt  }
0x52: {  	_ =	shalt  }
0x53: {  	_ =	shalt  }
0x54: {  	_ =	shalt  }
0x55: {  	_ =	shalt  }
0x56: {  	_ =	shalt  }
0x57: {  	_ =	shalt  }
0x58: {  	_ =	shalt  }
0x59: {  	_ =	shalt  }
0x5a: {  	_ =	shalt  }
0x5b: {  	_ =	shalt  }
0x5c: {  	_ =	shalt  }
0x5d: {  	_ =	shalt  }
0x5e: {  	_ =	shalt  }
0x5f: {  	_ =	shalt  }
0x60: {  	_ =	shalt  }
0x61: {  	_ =	shalt  }
0x62: {  	_ =	shalt  }
0x63: {  	_ =	shalt  }
0x64: {  	_ =	shalt  }
0x65: {  	_ =	shalt  }
0x66: {  	_ =	shalt  }
0x67: {  	_ =	shalt  }
0x68: {  	_ =	shalt  }
0x69: {  	_ =	shalt  }
0x6a: {  	_ =	shalt  }
0x6b: {  	_ =	shalt  }
0x6c: {  	_ =	shalt  }
0x6d: {  	_ =	shalt  }
0x6e: {  	_ =	shalt  }
0x6f: {  	_ =	shalt  }
0x70: {  	_ =	shalt  }
0x71: {  	_ =	shalt  }
0x72: {  	_ =	shalt  }
0x73: {  	_ =	shalt  }
0x74: {  	_ =	shalt  }
0x75: {  	_ =	shalt  }
0x76: {  	_ =	shalt  }
0x77: {  	_ =	shalt  }
0x78: {  	_ =	shalt  }
0x79: {  	_ =	shalt  }
0x7a: {  	_ =	shalt  }
0x7b: {  	_ =	shalt  }
0x7c: {  	_ =	shalt  }
0x7d: {  	_ =	shalt  }
0x7e: {  	_ =	shalt  }
0x7f: {  	_ =	shalt  }
0x80: {  	_ =	shalt  }
0x81: {  	_ =	shalt  }
0x82: {  	_ =	shalt  }
0x83: {  	_ =	shalt  }
0x84: {  	_ =	shalt  }
0x85: {  	_ =	shalt  }
0x86: {  	_ =	shalt  }
0x87: {  	_ =	shalt  }
.Lfunc_end0:
.L_simem_size_0:
called_computation.1_lowered:
.L_overlay_start_0:
0x88: {  	s2 =	sld [smem:$0x3FD9]  }
0x89: {  	s3 =	sld [smem:$0x3FFE];
	_ =	sdelay $0x1  }
0x8a: {  	s1 =	srdreg.scid  }
0x8b: {  	s0 =	sand.u32 $0x1, s1  }
0x8c: {  	s16 =	sshll.u32 s0, $0xA;
	s2 =	sadd.s32 s3, s2  }
0x8d: {  	s2 =	sadd.s32 s2, s16  }
0x8e: {  	[smem:$0x3FBD] =	sst s2  }
0x8f: {  	_ = 	snop  }
0x90: {  	(tm) =	ssettm $0x1  }
0x91: {  	s17 =	sld [smem:$0x3FFB];
	_ =	sdelay $0x3  }
0x92: {  	_ =	strace s17  }
0x93: {  	s2 =	sld [smem:$0x3FFC];
	_ =	sdelay $0x3  }
0x94: {  	_ =	strace s2  }
0x95: {  	s2 =	sld [smem:$0x3FFD];
	_ =	sdelay $0x3  }
0x96: {  	_ =	strace s2  }
0x97: {  	_ =	strace $0x8FFFFFFF  }
0x98: {  	s18 =	sld [smem:$0x3FDB];
	_ =	sdelay $0x1  }
0x99: {  	s19 =	simm.s32 $_scs_section_size  }
0x9a: {  	s4 =	simm.s32 $_size__tile_overlayer_lowered;
	s5 =	simm.s32 $_tile_overlayer_lowered  }
0x9b: {  	s22 =	simm.s32 $0x1BFF;
	s21 =	sshll.u32 s5, $0x1;
	s2 =	sadd.s32 s19, s18  }
0x9c: {  	s6 =	simm.s32 $0x0;
	s20 =	sshll.u32 s4, $0x1;
	s4 =	sadd.s32 s21, s2  }
0x9d: {  	[timem:s6], [sflag:s22] =	dma.local [hbm:s4], s20  }
0x9e: {  	_ =	swait.ge [sflag:s22], s20  }
0x9f: {  	s3 =	ssub.s32 $0x0, s20;
	[sflag:s22] =	ssyncset.done $0x0  }
0xa0: {  	[sflag:s22] =	ssyncadd.s32 s3;
	_ =	sdelay $0x1  }
0xa1: {  	s23 =	simm.s32 $0x1B8B  }
0xa2: {  	_ =	swait.ge [sflag:s23], $0x1  }
0xa3: {  	[sflag:s23] =	ssyncset.done $0x0  }
0xa4: {  	s25 =	simm.s32 $0x1B8E;
	s24 =	sld [smem:$0x3FFE];
	[sflag:s23] =	ssyncadd.s32 $0xFFFFFFFF  }
0xa5: {  	s26 =	simm.s32 $execute0_lowered;
	[smem:$0x3FD2] =	sst s25  }
0xa6: {  	s4 =	sshll.u32 s26, $0x1;
	_ =	strace $0x80000049;
	[dreg:$0x1] =	wrdreg $0xFFFFFFFF  }
0xa7: {  	s28 =	simm.s32 $_size_execute0_lowered;
	s2 =	sadd.s32 s2, s4;
	[dreg:$0x0] =	wrdreg $0x0  }
0xa8: {  	s4 =	sshll.u32 s28, $0x1;
	[dreg:$0x2] =	wrdreg s2  }
0xa9: {  	[dreg:$0x3] =	wrdreg s4  }
0xaa: {  	[dreg:$0x4] =	wrdreg $0xC0  }
0xab: {  	_ =	task [dreg:s6], $0x5FFFF  }
0xac: {  	[dreg:$0x1] =	wrdreg $0xFFFFFFFF  }
0xad: {  	[dreg:$0x0] =	wrdreg $0x60  }
0xae: {  	[dreg:$0x2] =	wrdreg s24  }
0xaf: {  	[dreg:$0x3] =	wrdreg $0xA8000  }
0xb0: {  	[dreg:$0x4] =	wrdreg $0x9  }
0xb1: {  	_ =	task.clear_ibuf [dreg:s6], $0x5FFFF;
	_ =	strace $0x90000049  }
0xb2: {  	s29 =	simm.s32 $0x9;
	_ =	strace $0x8000004B  }
0xb3: {  	_ =	swait.ge [sflag:s29], $0x1  }
0xb4: {  	[sflag:s29] =	ssyncadd.s32 $0xFFFFFFFF  }
0xb5: {  	_ =	strace $0x9000004B  }
0xb6: {  	_ =	sfence  }
0xb7: {  	s30 =	sld [smem:$0x0];
	_ =	sdelay $0x2  }
0xb8: {  	s31 =	sshll.u32 s1, $0xD;
	s1 =	sshrl.u32 s1, $0x2  }
0xb9: {  	s3 =	sand.u32 $0x4000, s31;
	s1 =	sadd.s32 s1, s30  }
0xba: {  	s0 =	sor.u32 s3, s0;
	s1 =	sshll.u32 s1, $0x11  }
0xbb: {  	s0 =	sor.u32 s1, s0  }
0xbc: {  	s0 =	sadd.s32 $0x8F2B, s0  }
0xbd: {  	[sflag:s0] =	ssyncadd.remote.s32 $0x1  }
0xbe: {  	_ =	sfence.sel $0xFFFF  }
0xbf: {  	[dreg:$0x0] =	wrdreg $0xFFFFFFFF;
	(pc) =	sbr.abs _section_cstart, $3  }
0xc0: {  	[dreg:$0x1] =	wrdreg $0xFFFFFFFF  }
0xc1: {  	_ =	task.clear_ibuf [dreg:s6], $0x2FFFF;
	_ =	strace $0x9FFFFFFF  }
0xc2: {  	(tm) =	ssettm $0x7FFFFFFF  }
0xc3: {  	_ =	shalt  }
tec
execute0_lowered:
.L_overlay_start_1:
0x0: {  	(tag) =	ssettag $0x1  }
0x1: {  	s7 =	rddreg [dreg:$0x0]  }
0x2: {  	s1 =	rddreg [dreg:$0x1];
	s3 =	simm.s32 $0x0  }
0x3: {  	s0 =	stileid.u32;
	s6 =	srdreg.scid;
	s18 =	simm.s32 $0x1400  }
0x4: {  	s19 =	simm.s32 $0x80;
	s20 =	simm.s32 $0x2800;
	s21 =	simm.s32 $0x6800  }
0x5: {  	s22 =	simm.s32 $0x1;
	s23 =	simm.s32 $0x2;
	s24 =	simm.s32 $0x1380  }
0x6: {  	s25 =	simm.s32 $0x2700;
	s26 =	simm.s32 $0x2780;
	s28 =	simm.s32 $0x0  }
0x7: {  	[smem:$0x7FF] =	sst s3;
	s4 =	sadd.s32 $0x18400, s7;
	s5 =	smul.u32 $0x2780, s0  }
0x8: {  	s10 =	sadd.s32 $0xE400, s7;
	s11 =	sadd.s32 $0x4400, s7;
	s6 =	sand.u32 $0x1, s6  }
0x9: {  	s12 =	smul.u32 $0x4F000, s0;
	s15 =	sadd.s32 $0x128400, s1;
	p0 =	seq.s32 s0, $0xF  }
0xa: {  	_ =	strace $0x8000004A;
	s9 =	sshll.u32 s6, $0x4;
	s13 =	smul.u32 $0x27100, s6  }
0xb: {  	s6 =	ssub.s32 $0x2, s6;
	s17 =	sshll.u32 @!p0 s0, $0x6;
	s8 =	sadd.s32 s5, s7  }
0xc: {  	s9 =	sor.u32 s0, s9;
	s14 =	sshrl.u32 s6, $0x1;
	s12 =	sshrl.u32 s12, $0x2  }
0xd: {  	s9 =	smul.u32 $0x2800, s9;
	s13 =	sadd.s32 s13, s7;
	s14 =	ssub.s32 s6, s14  }
0xe: {  	s16 =	sadd.s32 s12, s1;
	s6 =	sadd.s32 $0x3F600, s8;
	s7 =	sadd.s32 $0x64680, s7  }
0xf: {  	s12 =	sadd.s32 $0x66800, s13;
	s13 =	smax.u32 s14, $0x1;
	s14 =	sshrl.u32 @p0 s15, $0x3  }
0x10: {  	s15 =	sor.u32 @!p0 $0x1C03, s17;
	s16 =	sshrl.u32 @!p0 s16, $0x3;
	s9 =	sshrl.u32 s9, $0x3  }
0x11: {  	s17 =	simm.s32 $0x3;
	s8 =	sadd.s32 s10, s9;
	s31 =	sadd.s32 $0x280, s9  }
0x12: {  	s9 =	sadd.s32 s11, s9;
	s10 =	sadd.s32 s10, s31;
	s11 =	sadd.s32 s11, s31  }
.LBB2_1:
0x13: {  	s29 =	simm.s32 @p0 $0x1FC3  }
0x14: {  	[spmem:s14], [sflag:s29] =	dma.local @p0 [hbm:s7], $0x2080  }
0x15: {  	s29 =	simm.s32 @p0 $0x3  }
0x16: {  	_ =	swait.ge @p0 [sflag:s29], $0x2080  }
0x17: {  	[sflag:s29] =	ssyncset.done @p0 $0x0  }
0x18: {  	[sflag:s29] =	ssyncadd.s32 @p0 $0xFFFFDF80;
	s29 =	simm.s32 @!p0 $0x3  }
0x19: {  	[spmem:s16], [sflag:s15] =	dma.local @!p0 [hbm:s6], $0x2780  }
0x1a: {  	_ =	swait.ge @!p0 [sflag:s29], $0x2780  }
0x1b: {  	[sflag:s29] =	ssyncset.done @!p0 $0x0  }
0x1c: {  	[sflag:s29] =	ssyncadd.s32 @!p0 $0xFFFFD880  }
0x1d: {  	[bflag:$0x0] =	sbarrier.arrive $0xFFFF  }
0x1e: {  	[tilespmem:s3], [sflag:$0x3] =	stream.linear.gather [hbm4b:s8+s3], $0x1400, $0x38;
	[tilespmem:$0x1E280] =	vst v63  }
0x1f: {  	_ =	swait.ge [sflag:s17], $0x1400  }
0x20: {  	[sflag:s17] =	ssyncset.done $0x0  }
0x21: {  	[sflag:s17] =	ssyncadd.s32 $0xFFFFEC00  }
0x22: {  	[tilespmem:s18], [sflag:$0x3] =	stream.linear.gather [hbm4b:s9+s3], $0x1400, $0x38;
	[tilespmem:$0x1E280] =	vst v63  }
0x23: {  	_ =	swait.ge [sflag:s17], $0x1400  }
0x24: {  	[sflag:s17] =	ssyncset.done $0x0  }
0x25: {  	[sflag:s17] =	ssyncadd.s32 $0xFFFFEC00  }
0x26: {  	[tilespmem:s20], [sflag:$0x1] =	stream.indirect.gather [hbm4b:s4+s19], $0x80, s3, s19, $0xb8;
	[tilespmem:$0x1E280] =	vst v63  }
0x27: {  	s29 =	simm.s32 $0x80  }
0x28: {  	[tilespmem:s21], [sflag:$0x2] =	stream.indirect.gather [hbm4b:s4+s19], $0x80, s29, s19, $0xb8;
	[tilespmem:$0x1E280] =	vst v63  }
0x29: {  	_ =	swait.ge [sflag:s22], $0x4000  }
0x2a: {  	[sflag:s22] =	ssyncset.done $0x0  }
0x2b: {  	s29 =	simm.s32 $0x1400;
	[sflag:s22] =	ssyncadd.s32 $0xFFFFC000  }
0x2c: {  	[spmem:s1] =	stream.indirect.scatter.add.f32 [tilespmem:s20], [sflag:$0x3], $0x80, s29, s19, $0xb8;
	[tilespmem:$0x1E280] =	vst v63  }
0x2d: {  	_ =	swait.ge [sflag:s17], $0x4000  }
0x2e: {  	[sflag:s17] =	ssyncset.done $0x0  }
0x2f: {  	s29 =	simm.s32 $0x100;
	[sflag:s17] =	ssyncadd.s32 $0xFFFFC000  }
0x30: {  	[tilespmem:s20], [sflag:$0x1] =	stream.indirect.gather [hbm4b:s4+s19], $0x80, s29, s19, $0xb8;
	[tilespmem:$0x1E280] =	vst v63  }
0x31: {  	_ =	swait.ge [sflag:s23], $0x4000  }
0x32: {  	[sflag:s23] =	ssyncset.done $0x0  }
0x33: {  	s29 =	simm.s32 $0x1480;
	[sflag:s23] =	ssyncadd.s32 $0xFFFFC000  }
0x34: {  	[spmem:s1] =	stream.indirect.scatter.add.f32 [tilespmem:s21], [sflag:$0x3], $0x80, s29, s19, $0xb8;
	[tilespmem:$0x1E280] =	vst v63  }
0x35: {  	_ =	swait.ge [sflag:s17], $0x4000  }
0x36: {  	s30 =	simm.s32 $0x800;
	s29 =	simm.s32 $0x100;
	[sflag:s17] =	ssyncset.done $0x0  }
.LBB2_2:
0x37: {  	s31 =	sadd.s32 $0x80, s29  }
0x38: {  	[sflag:s17] =	ssyncadd.s32 $0xFFFFC000;
	s0 =	smov.u32 s30;
	s2 =	sadd.s32 $0x400, s30  }
0x39: {  	[tilespmem:s21], [sflag:$0x2] =	stream.indirect.gather [hbm4b:s4+s19], $0x80, s31, s19, $0xb8;
	[tilespmem:$0x1E280] =	vst v63  }
0x3a: {  	p1 =	sne.s32 s30, $0x4800;
	_ =	swait.ge [sflag:s22], $0x4000  }
0x3b: {  	[sflag:s22] =	ssyncset.done $0x0  }
0x3c: {  	s30 =	sadd.s32 $0x1400, s29;
	[sflag:s22] =	ssyncadd.s32 $0xFFFFC000  }
0x3d: {  	[spmem:s1] =	stream.indirect.scatter.add.f32 [tilespmem:s20], [sflag:$0x3], $0x80, s30, s19, $0xb8;
	[tilespmem:$0x1E280] =	vst v63  }
0x3e: {  	_ =	swait.ge [sflag:s17], $0x4000  }
0x3f: {  	[sflag:s17] =	ssyncset.done $0x0  }
0x40: {  	s30 =	sadd.s32 $0x100, s29;
	[sflag:s17] =	ssyncadd.s32 $0xFFFFC000  }
0x41: {  	[tilespmem:s20], [sflag:$0x1] =	stream.indirect.gather [hbm4b:s4+s19], $0x80, s30, s19, $0xb8;
	[tilespmem:$0x1E280] =	vst v63  }
0x42: {  	_ =	swait.ge [sflag:s23], $0x4000  }
.Ltmp0:
0x43: {  	[sflag:s23] =	ssyncset.done $0x0;
	(pc) =	sbr.rel @p1 .LBB2_2-.Ltmp0, $4  }
0x44: {  	s29 =	sadd.s32 $0x1480, s29;
	[sflag:s23] =	ssyncadd.s32 $0xFFFFC000  }
0x45: {  	[spmem:s1] =	stream.indirect.scatter.add.f32 [tilespmem:s21], [sflag:$0x3], $0x80, s29, s19, $0xb8;
	[tilespmem:$0x1E280] =	vst v63  }
0x46: {  	_ =	swait.ge [sflag:s17], $0x4000  }
0x47: {  	s30 =	smov.u32 s2;
	s29 =	sshra.s32 s0, $0x2;
	[sflag:s17] =	ssyncset.done $0x0  }
0x48: {  	s0 =	sadd.s32 $0x80, s29;
	[sflag:s17] =	ssyncadd.s32 $0xFFFFC000  }
0x49: {  	[tilespmem:s21], [sflag:$0x2] =	stream.indirect.gather [hbm4b:s4+s19], $0x80, s0, s19, $0xb8;
	[tilespmem:$0x1E280] =	vst v63  }
0x4a: {  	_ =	swait.ge [sflag:s22], $0x4000  }
0x4b: {  	[sflag:s22] =	ssyncset.done $0x0  }
0x4c: {  	s2 =	sadd.s32 $0x1400, s29;
	[sflag:s22] =	ssyncadd.s32 $0xFFFFC000  }
0x4d: {  	[spmem:s1] =	stream.indirect.scatter.add.f32 [tilespmem:s20], [sflag:$0x3], $0x80, s2, s19, $0xb8;
	[tilespmem:$0x1E280] =	vst v63  }
0x4e: {  	_ =	swait.ge [sflag:s17], $0x4000  }
0x4f: {  	[sflag:s17] =	ssyncset.done $0x0  }
0x50: {  	s31 =	sadd.s32 $0x100, s29;
	[sflag:s17] =	ssyncadd.s32 $0xFFFFC000  }
0x51: {  	[tilespmem:s20], [sflag:$0x1] =	stream.indirect.gather [hbm4b:s4+s19], $0x80, s31, s19, $0xb8;
	[tilespmem:$0x1E280] =	vst v63  }
0x52: {  	_ =	swait.ge [sflag:s23], $0x4000  }
0x53: {  	[sflag:s23] =	ssyncset.done $0x0  }
0x54: {  	s2 =	sadd.s32 $0x1480, s29;
	[sflag:s23] =	ssyncadd.s32 $0xFFFFC000  }
0x55: {  	[spmem:s1] =	stream.indirect.scatter.add.f32 [tilespmem:s21], [sflag:$0x3], $0x80, s2, s19, $0xb8;
	[tilespmem:$0x1E280] =	vst v63  }
0x56: {  	_ =	swait.ge [sflag:s17], $0x4000  }
0x57: {  	[sflag:s17] =	ssyncset.done $0x0  }
0x58: {  	[sflag:s17] =	ssyncadd.s32 $0xFFFFC000  }
0x59: {  	[tilespmem:s21], [sflag:$0x2] =	stream.indirect.gather [hbm4b:s4+s19], $0x80, s24, s19, $0xb8;
	[tilespmem:$0x1E280] =	vst v63  }
0x5a: {  	_ =	swait.ge [sflag:s22], $0x4000  }
0x5b: {  	[sflag:s22] =	ssyncset.done $0x0  }
0x5c: {  	[sflag:s22] =	ssyncadd.s32 $0xFFFFC000  }
0x5d: {  	[spmem:s1] =	stream.indirect.scatter.add.f32 [tilespmem:s20], [sflag:$0x3], $0x80, s25, s19, $0xb8;
	[tilespmem:$0x1E280] =	vst v63  }
0x5e: {  	_ =	swait.ge [sflag:s17], $0x4000  }
0x5f: {  	[sflag:s17] =	ssyncset.done $0x0  }
0x60: {  	[sflag:s17] =	ssyncadd.s32 $0xFFFFC000  }
0x61: {  	_ =	swait.ge [sflag:s23], $0x4000  }
0x62: {  	[sflag:s23] =	ssyncset.done $0x0  }
0x63: {  	[sflag:s23] =	ssyncadd.s32 $0xFFFFC000  }
0x64: {  	[spmem:s1] =	stream.indirect.scatter.add.f32 [tilespmem:s21], [sflag:$0x3], $0x80, s26, s19, $0xb8;
	[tilespmem:$0x1E280] =	vst v63  }
0x65: {  	_ =	swait.ge [sflag:s17], $0x4000  }
0x66: {  	[sflag:s17] =	ssyncset.done $0x0  }
0x67: {  	s31 =	simm.s32 $0x0;
	[sflag:s17] =	ssyncadd.s32 $0xFFFFC000  }
0x68: {  	[tilespmem:s31], [sflag:$0x3] =	stream.linear.gather [hbm4b:s10+s31], $0x1400, $0x38;
	[tilespmem:$0x1E280] =	vst v63  }
0x69: {  	_ =	swait.ge [sflag:s17], $0x1400  }
0x6a: {  	[sflag:s17] =	ssyncset.done $0x0  }
0x6b: {  	[sflag:s17] =	ssyncadd.s32 $0xFFFFEC00  }
0x6c: {  	[tilespmem:s18], [sflag:$0x3] =	stream.linear.gather [hbm4b:s11+s31], $0x1400, $0x38;
	[tilespmem:$0x1E280] =	vst v63  }
0x6d: {  	_ =	swait.ge [sflag:s17], $0x1400  }
0x6e: {  	[sflag:s17] =	ssyncset.done $0x0  }
0x6f: {  	[sflag:s17] =	ssyncadd.s32 $0xFFFFEC00  }
0x70: {  	[tilespmem:s20], [sflag:$0x1] =	stream.indirect.gather [hbm4b:s4+s19], $0x80, s31, s19, $0xb8;
	[tilespmem:$0x1E280] =	vst v63  }
0x71: {  	s2 =	simm.s32 $0x80  }
0x72: {  	[tilespmem:s21], [sflag:$0x2] =	stream.indirect.gather [hbm4b:s4+s19], $0x80, s2, s19, $0xb8;
	[tilespmem:$0x1E280] =	vst v63  }
0x73: {  	_ =	swait.ge [sflag:s22], $0x4000  }
0x74: {  	[sflag:s22] =	ssyncset.done $0x0  }
0x75: {  	s31 =	simm.s32 $0x1400;
	[sflag:s22] =	ssyncadd.s32 $0xFFFFC000  }
0x76: {  	[spmem:s1] =	stream.indirect.scatter.add.f32 [tilespmem:s20], [sflag:$0x3], $0x80, s31, s19, $0xb8;
	[tilespmem:$0x1E280] =	vst v63  }
0x77: {  	_ =	swait.ge [sflag:s17], $0x4000  }
0x78: {  	[sflag:s17] =	ssyncset.done $0x0  }
0x79: {  	s2 =	simm.s32 $0x100;
	[sflag:s17] =	ssyncadd.s32 $0xFFFFC000  }
0x7a: {  	[tilespmem:s20], [sflag:$0x1] =	stream.indirect.gather [hbm4b:s4+s19], $0x80, s2, s19, $0xb8;
	[tilespmem:$0x1E280] =	vst v63  }
0x7b: {  	_ =	swait.ge [sflag:s23], $0x4000  }
0x7c: {  	[sflag:s23] =	ssyncset.done $0x0  }
0x7d: {  	s31 =	simm.s32 $0x1480;
	[sflag:s23] =	ssyncadd.s32 $0xFFFFC000  }
0x7e: {  	[spmem:s1] =	stream.indirect.scatter.add.f32 [tilespmem:s21], [sflag:$0x3], $0x80, s31, s19, $0xb8;
	[tilespmem:$0x1E280] =	vst v63  }
0x7f: {  	_ =	swait.ge [sflag:s17], $0x4000  }
0x80: {  	s30 =	simm.s32 $0x800;
	s29 =	simm.s32 $0x100;
	[sflag:s17] =	ssyncset.done $0x0  }
.LBB2_4:
0x81: {  	s0 =	sadd.s32 $0x80, s29  }
0x82: {  	[sflag:s17] =	ssyncadd.s32 $0xFFFFC000;
	s2 =	smov.u32 s30;
	s31 =	sadd.s32 $0x400, s30  }
0x83: {  	[tilespmem:s21], [sflag:$0x2] =	stream.indirect.gather [hbm4b:s4+s19], $0x80, s0, s19, $0xb8;
	[tilespmem:$0x1E280] =	vst v63  }
0x84: {  	p1 =	sne.s32 s30, $0x4800;
	_ =	swait.ge [sflag:s22], $0x4000  }
0x85: {  	[sflag:s22] =	ssyncset.done $0x0  }
0x86: {  	s0 =	sadd.s32 $0x1400, s29;
	[sflag:s22] =	ssyncadd.s32 $0xFFFFC000  }
0x87: {  	[spmem:s1] =	stream.indirect.scatter.add.f32 [tilespmem:s20], [sflag:$0x3], $0x80, s0, s19, $0xb8;
	[tilespmem:$0x1E280] =	vst v63  }
0x88: {  	_ =	swait.ge [sflag:s17], $0x4000  }
0x89: {  	[sflag:s17] =	ssyncset.done $0x0  }
0x8a: {  	s0 =	sadd.s32 $0x100, s29;
	[sflag:s17] =	ssyncadd.s32 $0xFFFFC000  }
0x8b: {  	[tilespmem:s20], [sflag:$0x1] =	stream.indirect.gather [hbm4b:s4+s19], $0x80, s0, s19, $0xb8;
	[tilespmem:$0x1E280] =	vst v63  }
0x8c: {  	_ =	swait.ge [sflag:s23], $0x4000  }
.Ltmp1:
0x8d: {  	[sflag:s23] =	ssyncset.done $0x0;
	(pc) =	sbr.rel @p1 .LBB2_4-.Ltmp1, $4  }
0x8e: {  	s0 =	sadd.s32 $0x1480, s29;
	[sflag:s23] =	ssyncadd.s32 $0xFFFFC000  }
0x8f: {  	[spmem:s1] =	stream.indirect.scatter.add.f32 [tilespmem:s21], [sflag:$0x3], $0x80, s0, s19, $0xb8;
	[tilespmem:$0x1E280] =	vst v63  }
0x90: {  	_ =	swait.ge [sflag:s17], $0x4000  }
0x91: {  	s30 =	smov.u32 s31;
	s29 =	sshra.s32 s2, $0x2;
	[sflag:s17] =	ssyncset.done $0x0  }
0x92: {  	s0 =	sadd.s32 $0x80, s29;
	[sflag:s17] =	ssyncadd.s32 $0xFFFFC000  }
0x93: {  	[tilespmem:s21], [sflag:$0x2] =	stream.indirect.gather [hbm4b:s4+s19], $0x80, s0, s19, $0xb8;
	[tilespmem:$0x1E280] =	vst v63  }
0x94: {  	_ =	swait.ge [sflag:s22], $0x4000  }
0x95: {  	[sflag:s22] =	ssyncset.done $0x0  }
0x96: {  	s2 =	sadd.s32 $0x1400, s29;
	[sflag:s22] =	ssyncadd.s32 $0xFFFFC000  }
0x97: {  	[spmem:s1] =	stream.indirect.scatter.add.f32 [tilespmem:s20], [sflag:$0x3], $0x80, s2, s19, $0xb8;
	[tilespmem:$0x1E280] =	vst v63  }
0x98: {  	_ =	swait.ge [sflag:s17], $0x4000  }
0x99: {  	[sflag:s17] =	ssyncset.done $0x0  }
0x9a: {  	s30 =	sadd.s32 $0x100, s29;
	[sflag:s17] =	ssyncadd.s32 $0xFFFFC000  }
0x9b: {  	[tilespmem:s20], [sflag:$0x1] =	stream.indirect.gather [hbm4b:s4+s19], $0x80, s30, s19, $0xb8;
	[tilespmem:$0x1E280] =	vst v63  }
0x9c: {  	_ =	swait.ge [sflag:s23], $0x4000  }
0x9d: {  	[sflag:s23] =	ssyncset.done $0x0  }
0x9e: {  	s31 =	sadd.s32 $0x1480, s29;
	[sflag:s23] =	ssyncadd.s32 $0xFFFFC000  }
0x9f: {  	[spmem:s1] =	stream.indirect.scatter.add.f32 [tilespmem:s21], [sflag:$0x3], $0x80, s31, s19, $0xb8;
	[tilespmem:$0x1E280] =	vst v63  }
0xa0: {  	_ =	swait.ge [sflag:s17], $0x4000  }
0xa1: {  	[sflag:s17] =	ssyncset.done $0x0  }
0xa2: {  	[sflag:s17] =	ssyncadd.s32 $0xFFFFC000  }
0xa3: {  	[tilespmem:s21], [sflag:$0x2] =	stream.indirect.gather [hbm4b:s4+s19], $0x80, s24, s19, $0xb8;
	[tilespmem:$0x1E280] =	vst v63  }
0xa4: {  	_ =	swait.ge [sflag:s22], $0x4000  }
0xa5: {  	[sflag:s22] =	ssyncset.done $0x0  }
0xa6: {  	[sflag:s22] =	ssyncadd.s32 $0xFFFFC000  }
0xa7: {  	[spmem:s1] =	stream.indirect.scatter.add.f32 [tilespmem:s20], [sflag:$0x3], $0x80, s25, s19, $0xb8;
	[tilespmem:$0x1E280] =	vst v63  }
0xa8: {  	_ =	swait.ge [sflag:s17], $0x4000  }
0xa9: {  	[sflag:s17] =	ssyncset.done $0x0  }
0xaa: {  	[sflag:s17] =	ssyncadd.s32 $0xFFFFC000  }
0xab: {  	_ =	swait.ge [sflag:s23], $0x4000  }
0xac: {  	[sflag:s23] =	ssyncset.done $0x0  }
0xad: {  	[sflag:s23] =	ssyncadd.s32 $0xFFFFC000  }
0xae: {  	[spmem:s1] =	stream.indirect.scatter.add.f32 [tilespmem:s21], [sflag:$0x3], $0x80, s26, s19, $0xb8;
	[tilespmem:$0x1E280] =	vst v63  }
0xaf: {  	_ =	swait.ge [sflag:s17], $0x4000  }
0xb0: {  	[sflag:s17] =	ssyncset.done $0x0  }
0xb1: {  	[sflag:s17] =	ssyncadd.s32 $0xFFFFC000  }
0xb2: {  	s0 =	sadd.s32 @p0 $0x25080, s12;
	s2 =	simm.s32 @p0 $0x1FC3;
	[bflag:$0x0] =	sbarrier.arrive $0xFFFF  }
0xb3: {  	[hbm:s0], [sflag:s2] =	dma.local @p0 [spmem:s14], $0x2080  }
0xb4: {  	s0 =	simm.s32 @p0 $0x3  }
0xb5: {  	_ =	swait.ge @p0 [sflag:s0], $0x2080  }
0xb6: {  	s28 =	sadd.s32 $0x1, s28;
	[sflag:s0] =	ssyncset.done @p0 $0x0  }
0xb7: {  	p1 =	sne.s32 s28, s13;
	[sflag:s0] =	ssyncadd.s32 @p0 $0xFFFFDF80;
	s0 =	sadd.s32 @!p0 s5, s12  }
0xb8: {  	[hbm:s0], [sflag:s15] =	dma.local @!p0 [spmem:s16], $0x2780  }
.Ltmp2:
0xb9: {  	_ = 	snop;
	(pc) =	sbr.rel @p1 .LBB2_1-.Ltmp2, $4  }
0xba: {  	s0 =	simm.s32 @!p0 $0x3  }
0xbb: {  	_ =	swait.ge @!p0 [sflag:s0], $0x2780  }
0xbc: {  	[sflag:s0] =	ssyncset.done @!p0 $0x0  }
0xbd: {  	[sflag:s0] =	ssyncadd.s32 @!p0 $0xFFFFD880  }
0xbe: {  	_ =	sfence.sel $0x180000  }
0xbf: {  	[bflag:$0x0] =	sbarrier.arrive $0xFFFF  }
0xc0: {  	_ =	strace $0x9000004A  }
0xc1: {  	s0 =	stileid.u32;
	[bflag:$0x2] =	sbarrier.arrive $0xFFFF  }
0xc2: {  	p0 =	sne.s32 s0, $0x0;
	s0 =	rddreg [dreg:$0x2]  }
0xc3: {  	s0 =	sadd.s32 @!p0 $0x100000, s0  }
0xc4: {  	[sflag:s0] =	ssyncadd.tile.s32 @!p0 $0x1;
	_ =	shalt  }
.Lfunc_end2:
_tile_overlayer_lowered:
.L_overlay_start_2:
0xc5: {  	(tag) =	ssettag $0x2  }
0xc6: {  	s0 =	rddreg [dreg:$0x0];
	s2 =	stileid.u32  }
0xc7: {  	s1 =	rddreg [dreg:$0x1];
	p0 =	sne.s32 s2, $0x0  }
0xc8: {  	s3 =	rddreg [dreg:$0x2];
	[bflag:$0x3] =	sbarrier.arrive $0xFFFF;
	s2 =	simm.s32 @!p0 $0x1C03  }
0xc9: {  	[timem:s3], [sflag:s2] =	dma.local @!p0 [hbm:s0], s1  }
0xca: {  	s0 =	simm.s32 @!p0 $0x3  }
0xcb: {  	_ =	swait.ge @!p0 [sflag:s0], s1  }
0xcc: {  	s1 =	ssub.s32 @!p0 $0x0, s1;
	[sflag:s0] =	ssyncset.done @!p0 $0x0  }
0xcd: {  	[sflag:s0] =	ssyncadd.s32 @!p0 s1  }
0xce: {  	[bflag:$0x3] =	sbarrier.arrive $0xFFFF  }
0xcf: {  	_ =	shalt  }

// kernel: kernel.18.cloned.1.call-start
scs
__scs_entry_jumppad:
0x0: {  	(pc) =	sbr.rel $0x88, $3  }
0x1: {  	(tag) =	ssettag $0x0;
	lr =	simm.s32 $0x1  }
0x2: {  	[smem:$0x3F96] =	sst lr;
	_ =	strace $0xD0000000  }
0x3: {  	_ = 	snop  }
0x4: {  	_ = 	snop  }
0x5: {  	_ = 	snop  }
0x6: {  	_ = 	snop  }
0x7: {  	_ = 	snop  }
__scs_overlays_trampoline_lowered:
0x8: {  	[smem:$0x3FA5] =	sst s0  }
0x9: {  	[smem:$0x3FA6] =	sst s1  }
0xa: {  	[smem:$0x3FA7] =	sst s2  }
0xb: {  	[smem:$0x3FA8] =	sst s3  }
0xc: {  	[smem:$0x3FA9] =	sst s4  }
0xd: {  	[smem:$0x3FAA] =	sst s5  }
0xe: {  	[smem:$0x3FAB] =	sst s6  }
0xf: {  	[smem:$0x3FAC] =	sst s7  }
0x10: {  	[smem:$0x3FAD] =	sst s8  }
0x11: {  	[smem:$0x3FAE] =	sst s9;
	s0 =	simm.s32 @!p0 $0x0  }
0x12: {  	s1 =	sld [smem:$0x3F94];
	s0 =	simm.s32 @p0 $0x1  }
0x13: {  	[smem:$0x3FAF] =	sst s0;
	s0 =	simm.s32 @!p1 $0x0  }
0x14: {  	s2 =	sld [smem:$0x3F93];
	s0 =	simm.s32 @p1 $0x1  }
0x15: {  	[smem:$0x3FB0] =	sst s0;
	s0 =	simm.s32 @!p2 $0x0  }
0x16: {  	s3 =	sld [smem:$0x3FDB];
	s0 =	simm.s32 @p2 $0x1  }
0x17: {  	s4 =	simm.s32 $0x1BF5;
	[smem:$0x3FB2] =	sst s0  }
0x18: {  	s0 =	sld [smem:$0x3F95];
	_ =	swait.ge [sflag:s4], $0x0  }
0x19: {  	s7 =	sld [smem:$0x3F96]  }
0x1a: {  	s8 =	sadd.s32 $0xFFFFE003, lr  }
0x1b: {  	s9 =	sadd.s32 $0xFFFFFEF7, lr;
	s5 =	simm.s32 $0xFFFFFFFF;
	p2 =	slt.u32 s8, $0xFFFFF086  }
0x1c: {  	p1 =	slt.u32 s9, $0xF7A;
	s5 =	simm.s32 @!p2 $0x0  }
0x1d: {  	s5 =	simm.s32 @p1 $0x1;
	p0 =	seq.s32 s7, s2  }
0x1e: {  	s7 =	smul.u32 @!p0 $0xF7A, s2;
	p2 =	seq.s32 @!p0 s5, $0x0  }
0x1f: {  	s9 =	smul.u32 $0xF7A, s1;
	s8 =	simm.s32 @!p0 $0x1BF5;
	p2 =	por !p2, p0  }
0x20: {  	[sflag:s8] =	ssyncset.s32 @!p0 $0xFFFFF086;
	s6 =	sadd.s32 @!p0 s3, s7;
	s7 =	simm.s32 @!p0 $0x108  }
0x21: {  	s3 =	sadd.s32 s3, s9;
	s6 =	sadd.s32 @!p0 $0x88, s6;
	s7 =	simm.s32 @p2 $0x1082  }
0x22: {  	[simem:s7], [sflag:s8] =	dma.local @!p0 [hbm:s6], $0xF7A  }
0x23: {  	s9 =	sor.u32 $0xD0000000, s2;
	s6 =	simm.s32 $0x108;
	_ =	swait.ge @!p0 [sflag:s8], $0x0  }
0x24: {  	s3 =	sadd.s32 $0x88, s3;
	s6 =	simm.s32 @!p1 $0x1082;
	[sflag:s4] =	ssyncset.s32 $0xFFFFF086  }
0x25: {  	[simem:s6], [sflag:s4] =	dma.local [hbm:s3], $0xF7A  }
0x26: {  	[smem:$0x3F96] =	sst s1;
	(tag) =	ssettag s2;
	_ =	strace s9  }
0x27: {  	s1 =	sld [smem:$0x3FA6]  }
0x28: {  	s2 =	sld [smem:$0x3FA7]  }
0x29: {  	s4 =	sld [smem:$0x3FA9]  }
0x2a: {  	p0 =	seq.s32 s5, $0x0;
	s5 =	sld [smem:$0x3FAA]  }
0x2b: {  	s6 =	sld [smem:$0x3FAB]  }
0x2c: {  	s7 =	sld [smem:$0x3FAC]  }
0x2d: {  	s3 =	simm.s32 $0x108;
	s8 =	sld [smem:$0x3FAD]  }
0x2e: {  	s3 =	simm.s32 @!p0 $0x1082;
	s9 =	sld [smem:$0x3FAE]  }
0x2f: {  	lr =	sadd.s32 s0, s3;
	s0 =	sld [smem:$0x3FA5]  }
0x30: {  	s3 =	sld [smem:$0x3FA8]  }
0x31: {  	[smem:$0x3FB1] =	sst s10  }
0x32: {  	s10 =	sld [smem:$0x3FAF];
	_ =	sdelay $0x3  }
0x33: {  	p0 =	seq.s32 s10, $0x1;
	s10 =	sld [smem:$0x3FB1];
	_ =	sdelay $0x3  }
0x34: {  	[smem:$0x3FB1] =	sst s10  }
0x35: {  	s10 =	sld [smem:$0x3FB0];
	_ =	sdelay $0x3  }
0x36: {  	p1 =	seq.s32 s10, $0x1;
	s10 =	sld [smem:$0x3FB1];
	_ =	sdelay $0x3  }
0x37: {  	[smem:$0x3FB1] =	sst s10  }
0x38: {  	s10 =	sld [smem:$0x3FB2]  }
0x39: {  	_ = 	snop;
	(pc) =	sbr.ind lr, $3  }
0x3a: {  	_ = 	snop  }
0x3b: {  	_ = 	snop  }
0x3c: {  	p2 =	seq.s32 s10, $0x1;
	s10 =	sld [smem:$0x3FB1]  }
0x3d: {  	_ =	shalt  }
0x3e: {  	_ =	shalt  }
0x3f: {  	_ =	shalt  }
0x40: {  	_ =	shalt  }
0x41: {  	_ =	shalt  }
0x42: {  	_ =	shalt  }
0x43: {  	_ =	shalt  }
0x44: {  	_ =	shalt  }
0x45: {  	_ =	shalt  }
0x46: {  	_ =	shalt  }
0x47: {  	_ =	shalt  }
0x48: {  	_ =	shalt  }
0x49: {  	_ =	shalt  }
0x4a: {  	_ =	shalt  }
0x4b: {  	_ =	shalt  }
0x4c: {  	_ =	shalt  }
0x4d: {  	_ =	shalt  }
0x4e: {  	_ =	shalt  }
0x4f: {  	_ =	shalt  }
0x50: {  	_ =	shalt  }
0x51: {  	_ =	shalt  }
0x52: {  	_ =	shalt  }
0x53: {  	_ =	shalt  }
0x54: {  	_ =	shalt  }
0x55: {  	_ =	shalt  }
0x56: {  	_ =	shalt  }
0x57: {  	_ =	shalt  }
0x58: {  	_ =	shalt  }
0x59: {  	_ =	shalt  }
0x5a: {  	_ =	shalt  }
0x5b: {  	_ =	shalt  }
0x5c: {  	_ =	shalt  }
0x5d: {  	_ =	shalt  }
0x5e: {  	_ =	shalt  }
0x5f: {  	_ =	shalt  }
0x60: {  	_ =	shalt  }
0x61: {  	_ =	shalt  }
0x62: {  	_ =	shalt  }
0x63: {  	_ =	shalt  }
0x64: {  	_ =	shalt  }
0x65: {  	_ =	shalt  }
0x66: {  	_ =	shalt  }
0x67: {  	_ =	shalt  }
0x68: {  	_ =	shalt  }
0x69: {  	_ =	shalt  }
0x6a: {  	_ =	shalt  }
0x6b: {  	_ =	shalt  }
0x6c: {  	_ =	shalt  }
0x6d: {  	_ =	shalt  }
0x6e: {  	_ =	shalt  }
0x6f: {  	_ =	shalt  }
0x70: {  	_ =	shalt  }
0x71: {  	_ =	shalt  }
0x72: {  	_ =	shalt  }
0x73: {  	_ =	shalt  }
0x74: {  	_ =	shalt  }
0x75: {  	_ =	shalt  }
0x76: {  	_ =	shalt  }
0x77: {  	_ =	shalt  }
0x78: {  	_ =	shalt  }
0x79: {  	_ =	shalt  }
0x7a: {  	_ =	shalt  }
0x7b: {  	_ =	shalt  }
0x7c: {  	_ =	shalt  }
0x7d: {  	_ =	shalt  }
0x7e: {  	_ =	shalt  }
0x7f: {  	_ =	shalt  }
0x80: {  	_ =	shalt  }
0x81: {  	_ =	shalt  }
0x82: {  	_ =	shalt  }
0x83: {  	_ =	shalt  }
0x84: {  	_ =	shalt  }
0x85: {  	_ =	shalt  }
0x86: {  	_ =	shalt  }
0x87: {  	_ =	shalt  }
.Lfunc_end0:
.L_simem_size_0:
called_computation.2_lowered:
.L_overlay_start_0:
0x88: {  	s2 =	sld [smem:$0x3FD9]  }
0x89: {  	s3 =	sld [smem:$0x3FFE];
	_ =	sdelay $0x1  }
0x8a: {  	s1 =	srdreg.scid  }
0x8b: {  	s0 =	sand.u32 $0x1, s1  }
0x8c: {  	s16 =	sshll.u32 s0, $0xA;
	s2 =	sadd.s32 s3, s2  }
0x8d: {  	s2 =	sadd.s32 s2, s16  }
0x8e: {  	[smem:$0x3FBD] =	sst s2  }
0x8f: {  	_ = 	snop  }
0x90: {  	(tm) =	ssettm $0x1  }
0x91: {  	s17 =	sld [smem:$0x3FFB];
	_ =	sdelay $0x3  }
0x92: {  	_ =	strace s17  }
0x93: {  	s2 =	sld [smem:$0x3FFC];
	_ =	sdelay $0x3  }
0x94: {  	_ =	strace s2  }
0x95: {  	s2 =	sld [smem:$0x3FFD];
	_ =	sdelay $0x3  }
0x96: {  	_ =	strace s2  }
0x97: {  	_ =	strace $0x8FFFFFFF  }
0x98: {  	s18 =	sld [smem:$0x3FDB];
	_ =	sdelay $0x1  }
0x99: {  	s19 =	simm.s32 $_scs_section_size  }
0x9a: {  	s4 =	simm.s32 $_size__tile_overlayer_lowered;
	s5 =	simm.s32 $_tile_overlayer_lowered  }
0x9b: {  	s22 =	simm.s32 $0x1BFF;
	s21 =	sshll.u32 s5, $0x1;
	s2 =	sadd.s32 s19, s18  }
0x9c: {  	s6 =	simm.s32 $0x0;
	s20 =	sshll.u32 s4, $0x1;
	s4 =	sadd.s32 s21, s2  }
0x9d: {  	[timem:s6], [sflag:s22] =	dma.local [hbm:s4], s20  }
0x9e: {  	_ =	swait.ge [sflag:s22], s20  }
0x9f: {  	s3 =	ssub.s32 $0x0, s20;
	[sflag:s22] =	ssyncset.done $0x0  }
0xa0: {  	[sflag:s22] =	ssyncadd.s32 s3;
	_ =	sdelay $0x1  }
0xa1: {  	s23 =	simm.s32 $0x1B8B  }
0xa2: {  	_ =	swait.ge [sflag:s23], $0x1  }
0xa3: {  	[sflag:s23] =	ssyncset.done $0x0  }
0xa4: {  	s25 =	simm.s32 $0x1B8E;
	s24 =	sld [smem:$0x3FFE];
	[sflag:s23] =	ssyncadd.s32 $0xFFFFFFFF  }
0xa5: {  	s26 =	simm.s32 $execute0_lowered;
	[smem:$0x3FD2] =	sst s25  }
0xa6: {  	s4 =	sshll.u32 s26, $0x1;
	_ =	strace $0x8000004C;
	[dreg:$0x1] =	wrdreg $0xFFFFFFFF  }
0xa7: {  	s28 =	simm.s32 $_size_execute0_lowered;
	s2 =	sadd.s32 s2, s4;
	[dreg:$0x0] =	wrdreg $0x0  }
0xa8: {  	s4 =	sshll.u32 s28, $0x1;
	[dreg:$0x2] =	wrdreg s2  }
0xa9: {  	[dreg:$0x3] =	wrdreg s4  }
0xaa: {  	[dreg:$0x4] =	wrdreg $0xC0  }
0xab: {  	_ =	task [dreg:s6], $0x5FFFF  }
0xac: {  	[dreg:$0x1] =	wrdreg $0xFFFFFFFF  }
0xad: {  	[dreg:$0x0] =	wrdreg $0x60  }
0xae: {  	[dreg:$0x2] =	wrdreg s24  }
0xaf: {  	[dreg:$0x3] =	wrdreg $0xA8000  }
0xb0: {  	[dreg:$0x4] =	wrdreg $0x9  }
0xb1: {  	_ =	task.clear_ibuf [dreg:s6], $0x5FFFF;
	_ =	strace $0x9000004C  }
0xb2: {  	s29 =	simm.s32 $0x9;
	_ =	strace $0x8000004E  }
0xb3: {  	_ =	swait.ge [sflag:s29], $0x1  }
0xb4: {  	[sflag:s29] =	ssyncadd.s32 $0xFFFFFFFF  }
0xb5: {  	_ =	strace $0x9000004E  }
0xb6: {  	_ =	sfence  }
0xb7: {  	s30 =	sld [smem:$0x0];
	_ =	sdelay $0x2  }
0xb8: {  	s31 =	sshll.u32 s1, $0xD;
	s1 =	sshrl.u32 s1, $0x2  }
0xb9: {  	s3 =	sand.u32 $0x4000, s31;
	s1 =	sadd.s32 s1, s30  }
0xba: {  	s0 =	sor.u32 s3, s0;
	s1 =	sshll.u32 s1, $0x11  }
0xbb: {  	s0 =	sor.u32 s1, s0  }
0xbc: {  	s0 =	sadd.s32 $0x8F2B, s0  }
0xbd: {  	[sflag:s0] =	ssyncadd.remote.s32 $0x1  }
0xbe: {  	_ =	sfence.sel $0xFFFF  }
0xbf: {  	[dreg:$0x0] =	wrdreg $0xFFFFFFFF;
	(pc) =	sbr.abs _section_cstart, $3  }
0xc0: {  	[dreg:$0x1] =	wrdreg $0xFFFFFFFF  }
0xc1: {  	_ =	task.clear_ibuf [dreg:s6], $0x2FFFF;
	_ =	strace $0x9FFFFFFF  }
0xc2: {  	(tm) =	ssettm $0x7FFFFFFF  }
0xc3: {  	_ =	shalt  }
tec
execute0_lowered:
.L_overlay_start_1:
0x0: {  	(tag) =	ssettag $0x1  }
0x1: {  	s7 =	rddreg [dreg:$0x0]  }
0x2: {  	s1 =	rddreg [dreg:$0x1];
	s3 =	simm.s32 $0x0  }
0x3: {  	s0 =	stileid.u32;
	s6 =	srdreg.scid;
	s18 =	simm.s32 $0x1400  }
0x4: {  	s19 =	simm.s32 $0x80;
	s20 =	simm.s32 $0x2800;
	s21 =	simm.s32 $0x6800  }
0x5: {  	s22 =	simm.s32 $0x1;
	s23 =	simm.s32 $0x2;
	s24 =	simm.s32 $0x1380  }
0x6: {  	s25 =	simm.s32 $0x2700;
	s26 =	simm.s32 $0x2780;
	s28 =	simm.s32 $0x0  }
0x7: {  	[smem:$0x7FF] =	sst s3;
	s4 =	sadd.s32 $0x18400, s7;
	s5 =	smul.u32 $0x2780, s0  }
0x8: {  	s10 =	sadd.s32 $0xE400, s7;
	s11 =	sadd.s32 $0x4400, s7;
	s6 =	sand.u32 $0x1, s6  }
0x9: {  	s12 =	smul.u32 $0x4F000, s0;
	s15 =	sadd.s32 $0x128400, s1;
	p0 =	seq.s32 s0, $0xF  }
0xa: {  	_ =	strace $0x8000004D;
	s9 =	sshll.u32 s6, $0x4;
	s13 =	smul.u32 $0x27100, s6  }
0xb: {  	s6 =	ssub.s32 $0x2, s6;
	s17 =	sshll.u32 @!p0 s0, $0x6;
	s8 =	sadd.s32 s5, s7  }
0xc: {  	s9 =	sor.u32 s0, s9;
	s14 =	sshrl.u32 s6, $0x1;
	s12 =	sshrl.u32 s12, $0x2  }
0xd: {  	s9 =	smul.u32 $0x2800, s9;
	s13 =	sadd.s32 s13, s7;
	s14 =	ssub.s32 s6, s14  }
0xe: {  	s16 =	sadd.s32 s12, s1;
	s6 =	sadd.s32 $0x3F600, s8;
	s7 =	sadd.s32 $0x64680, s7  }
0xf: {  	s12 =	sadd.s32 $0x66800, s13;
	s13 =	smax.u32 s14, $0x1;
	s14 =	sshrl.u32 @p0 s15, $0x3  }
0x10: {  	s15 =	sor.u32 @!p0 $0x1C03, s17;
	s16 =	sshrl.u32 @!p0 s16, $0x3;
	s9 =	sshrl.u32 s9, $0x3  }
0x11: {  	s17 =	simm.s32 $0x3;
	s8 =	sadd.s32 s10, s9;
	s31 =	sadd.s32 $0x280, s9  }
0x12: {  	s9 =	sadd.s32 s11, s9;
	s10 =	sadd.s32 s10, s31;
	s11 =	sadd.s32 s11, s31  }
.LBB2_1:
0x13: {  	s29 =	simm.s32 @p0 $0x1FC3  }
0x14: {  	[spmem:s14], [sflag:s29] =	dma.local @p0 [hbm:s7], $0x2080  }
0x15: {  	s29 =	simm.s32 @p0 $0x3  }
0x16: {  	_ =	swait.ge @p0 [sflag:s29], $0x2080  }
0x17: {  	[sflag:s29] =	ssyncset.done @p0 $0x0  }
0x18: {  	[sflag:s29] =	ssyncadd.s32 @p0 $0xFFFFDF80;
	s29 =	simm.s32 @!p0 $0x3  }
0x19: {  	[spmem:s16], [sflag:s15] =	dma.local @!p0 [hbm:s6], $0x2780  }
0x1a: {  	_ =	swait.ge @!p0 [sflag:s29], $0x2780  }
0x1b: {  	[sflag:s29] =	ssyncset.done @!p0 $0x0  }
0x1c: {  	[sflag:s29] =	ssyncadd.s32 @!p0 $0xFFFFD880  }
0x1d: {  	[bflag:$0x0] =	sbarrier.arrive $0xFFFF  }
0x1e: {  	[tilespmem:s3], [sflag:$0x3] =	stream.linear.gather [hbm4b:s8+s3], $0x1400, $0x38;
	[tilespmem:$0x1E280] =	vst v63  }
0x1f: {  	_ =	swait.ge [sflag:s17], $0x1400  }
0x20: {  	[sflag:s17] =	ssyncset.done $0x0  }
0x21: {  	[sflag:s17] =	ssyncadd.s32 $0xFFFFEC00  }
0x22: {  	[tilespmem:s18], [sflag:$0x3] =	stream.linear.gather [hbm4b:s9+s3], $0x1400, $0x38;
	[tilespmem:$0x1E280] =	vst v63  }
0x23: {  	_ =	swait.ge [sflag:s17], $0x1400  }
0x24: {  	[sflag:s17] =	ssyncset.done $0x0  }
0x25: {  	[sflag:s17] =	ssyncadd.s32 $0xFFFFEC00  }
0x26: {  	[tilespmem:s20], [sflag:$0x1] =	stream.indirect.gather [hbm4b:s4+s19], $0x80, s3, s19, $0xb8;
	[tilespmem:$0x1E280] =	vst v63  }
0x27: {  	s29 =	simm.s32 $0x80  }
0x28: {  	[tilespmem:s21], [sflag:$0x2] =	stream.indirect.gather [hbm4b:s4+s19], $0x80, s29, s19, $0xb8;
	[tilespmem:$0x1E280] =	vst v63  }
0x29: {  	_ =	swait.ge [sflag:s22], $0x4000  }
0x2a: {  	[sflag:s22] =	ssyncset.done $0x0  }
0x2b: {  	s29 =	simm.s32 $0x1400;
	[sflag:s22] =	ssyncadd.s32 $0xFFFFC000  }
0x2c: {  	[spmem:s1] =	stream.indirect.scatter.add.f32 [tilespmem:s20], [sflag:$0x3], $0x80, s29, s19, $0xb8;
	[tilespmem:$0x1E280] =	vst v63  }
0x2d: {  	_ =	swait.ge [sflag:s17], $0x4000  }
0x2e: {  	[sflag:s17] =	ssyncset.done $0x0  }
0x2f: {  	s29 =	simm.s32 $0x100;
	[sflag:s17] =	ssyncadd.s32 $0xFFFFC000  }
0x30: {  	[tilespmem:s20], [sflag:$0x1] =	stream.indirect.gather [hbm4b:s4+s19], $0x80, s29, s19, $0xb8;
	[tilespmem:$0x1E280] =	vst v63  }
0x31: {  	_ =	swait.ge [sflag:s23], $0x4000  }
0x32: {  	[sflag:s23] =	ssyncset.done $0x0  }
0x33: {  	s29 =	simm.s32 $0x1480;
	[sflag:s23] =	ssyncadd.s32 $0xFFFFC000  }
0x34: {  	[spmem:s1] =	stream.indirect.scatter.add.f32 [tilespmem:s21], [sflag:$0x3], $0x80, s29, s19, $0xb8;
	[tilespmem:$0x1E280] =	vst v63  }
0x35: {  	_ =	swait.ge [sflag:s17], $0x4000  }
0x36: {  	s30 =	simm.s32 $0x800;
	s29 =	simm.s32 $0x100;
	[sflag:s17] =	ssyncset.done $0x0  }
.LBB2_2:
0x37: {  	s31 =	sadd.s32 $0x80, s29  }
0x38: {  	[sflag:s17] =	ssyncadd.s32 $0xFFFFC000;
	s0 =	smov.u32 s30;
	s2 =	sadd.s32 $0x400, s30  }
0x39: {  	[tilespmem:s21], [sflag:$0x2] =	stream.indirect.gather [hbm4b:s4+s19], $0x80, s31, s19, $0xb8;
	[tilespmem:$0x1E280] =	vst v63  }
0x3a: {  	p1 =	sne.s32 s30, $0x4800;
	_ =	swait.ge [sflag:s22], $0x4000  }
0x3b: {  	[sflag:s22] =	ssyncset.done $0x0  }
0x3c: {  	s30 =	sadd.s32 $0x1400, s29;
	[sflag:s22] =	ssyncadd.s32 $0xFFFFC000  }
0x3d: {  	[spmem:s1] =	stream.indirect.scatter.add.f32 [tilespmem:s20], [sflag:$0x3], $0x80, s30, s19, $0xb8;
	[tilespmem:$0x1E280] =	vst v63  }
0x3e: {  	_ =	swait.ge [sflag:s17], $0x4000  }
0x3f: {  	[sflag:s17] =	ssyncset.done $0x0  }
0x40: {  	s30 =	sadd.s32 $0x100, s29;
	[sflag:s17] =	ssyncadd.s32 $0xFFFFC000  }
0x41: {  	[tilespmem:s20], [sflag:$0x1] =	stream.indirect.gather [hbm4b:s4+s19], $0x80, s30, s19, $0xb8;
	[tilespmem:$0x1E280] =	vst v63  }
0x42: {  	_ =	swait.ge [sflag:s23], $0x4000  }
.Ltmp0:
0x43: {  	[sflag:s23] =	ssyncset.done $0x0;
	(pc) =	sbr.rel @p1 .LBB2_2-.Ltmp0, $4  }
0x44: {  	s29 =	sadd.s32 $0x1480, s29;
	[sflag:s23] =	ssyncadd.s32 $0xFFFFC000  }
0x45: {  	[spmem:s1] =	stream.indirect.scatter.add.f32 [tilespmem:s21], [sflag:$0x3], $0x80, s29, s19, $0xb8;
	[tilespmem:$0x1E280] =	vst v63  }
0x46: {  	_ =	swait.ge [sflag:s17], $0x4000  }
0x47: {  	s30 =	smov.u32 s2;
	s29 =	sshra.s32 s0, $0x2;
	[sflag:s17] =	ssyncset.done $0x0  }
0x48: {  	s0 =	sadd.s32 $0x80, s29;
	[sflag:s17] =	ssyncadd.s32 $0xFFFFC000  }
0x49: {  	[tilespmem:s21], [sflag:$0x2] =	stream.indirect.gather [hbm4b:s4+s19], $0x80, s0, s19, $0xb8;
	[tilespmem:$0x1E280] =	vst v63  }
0x4a: {  	_ =	swait.ge [sflag:s22], $0x4000  }
0x4b: {  	[sflag:s22] =	ssyncset.done $0x0  }
0x4c: {  	s2 =	sadd.s32 $0x1400, s29;
	[sflag:s22] =	ssyncadd.s32 $0xFFFFC000  }
0x4d: {  	[spmem:s1] =	stream.indirect.scatter.add.f32 [tilespmem:s20], [sflag:$0x3], $0x80, s2, s19, $0xb8;
	[tilespmem:$0x1E280] =	vst v63  }
0x4e: {  	_ =	swait.ge [sflag:s17], $0x4000  }
0x4f: {  	[sflag:s17] =	ssyncset.done $0x0  }
0x50: {  	s31 =	sadd.s32 $0x100, s29;
	[sflag:s17] =	ssyncadd.s32 $0xFFFFC000  }
0x51: {  	[tilespmem:s20], [sflag:$0x1] =	stream.indirect.gather [hbm4b:s4+s19], $0x80, s31, s19, $0xb8;
	[tilespmem:$0x1E280] =	vst v63  }
0x52: {  	_ =	swait.ge [sflag:s23], $0x4000  }
0x53: {  	[sflag:s23] =	ssyncset.done $0x0  }
0x54: {  	s2 =	sadd.s32 $0x1480, s29;
	[sflag:s23] =	ssyncadd.s32 $0xFFFFC000  }
0x55: {  	[spmem:s1] =	stream.indirect.scatter.add.f32 [tilespmem:s21], [sflag:$0x3], $0x80, s2, s19, $0xb8;
	[tilespmem:$0x1E280] =	vst v63  }
0x56: {  	_ =	swait.ge [sflag:s17], $0x4000  }
0x57: {  	[sflag:s17] =	ssyncset.done $0x0  }
0x58: {  	[sflag:s17] =	ssyncadd.s32 $0xFFFFC000  }
0x59: {  	[tilespmem:s21], [sflag:$0x2] =	stream.indirect.gather [hbm4b:s4+s19], $0x80, s24, s19, $0xb8;
	[tilespmem:$0x1E280] =	vst v63  }
0x5a: {  	_ =	swait.ge [sflag:s22], $0x4000  }
0x5b: {  	[sflag:s22] =	ssyncset.done $0x0  }
0x5c: {  	[sflag:s22] =	ssyncadd.s32 $0xFFFFC000  }
0x5d: {  	[spmem:s1] =	stream.indirect.scatter.add.f32 [tilespmem:s20], [sflag:$0x3], $0x80, s25, s19, $0xb8;
	[tilespmem:$0x1E280] =	vst v63  }
0x5e: {  	_ =	swait.ge [sflag:s17], $0x4000  }
0x5f: {  	[sflag:s17] =	ssyncset.done $0x0  }
0x60: {  	[sflag:s17] =	ssyncadd.s32 $0xFFFFC000  }
0x61: {  	_ =	swait.ge [sflag:s23], $0x4000  }
0x62: {  	[sflag:s23] =	ssyncset.done $0x0  }
0x63: {  	[sflag:s23] =	ssyncadd.s32 $0xFFFFC000  }
0x64: {  	[spmem:s1] =	stream.indirect.scatter.add.f32 [tilespmem:s21], [sflag:$0x3], $0x80, s26, s19, $0xb8;
	[tilespmem:$0x1E280] =	vst v63  }
0x65: {  	_ =	swait.ge [sflag:s17], $0x4000  }
0x66: {  	[sflag:s17] =	ssyncset.done $0x0  }
0x67: {  	s31 =	simm.s32 $0x0;
	[sflag:s17] =	ssyncadd.s32 $0xFFFFC000  }
0x68: {  	[tilespmem:s31], [sflag:$0x3] =	stream.linear.gather [hbm4b:s10+s31], $0x1400, $0x38;
	[tilespmem:$0x1E280] =	vst v63  }
0x69: {  	_ =	swait.ge [sflag:s17], $0x1400  }
0x6a: {  	[sflag:s17] =	ssyncset.done $0x0  }
0x6b: {  	[sflag:s17] =	ssyncadd.s32 $0xFFFFEC00  }
0x6c: {  	[tilespmem:s18], [sflag:$0x3] =	stream.linear.gather [hbm4b:s11+s31], $0x1400, $0x38;
	[tilespmem:$0x1E280] =	vst v63  }
0x6d: {  	_ =	swait.ge [sflag:s17], $0x1400  }
0x6e: {  	[sflag:s17] =	ssyncset.done $0x0  }
0x6f: {  	[sflag:s17] =	ssyncadd.s32 $0xFFFFEC00  }
0x70: {  	[tilespmem:s20], [sflag:$0x1] =	stream.indirect.gather [hbm4b:s4+s19], $0x80, s31, s19, $0xb8;
	[tilespmem:$0x1E280] =	vst v63  }
0x71: {  	s2 =	simm.s32 $0x80  }
0x72: {  	[tilespmem:s21], [sflag:$0x2] =	stream.indirect.gather [hbm4b:s4+s19], $0x80, s2, s19, $0xb8;
	[tilespmem:$0x1E280] =	vst v63  }
0x73: {  	_ =	swait.ge [sflag:s22], $0x4000  }
0x74: {  	[sflag:s22] =	ssyncset.done $0x0  }
0x75: {  	s31 =	simm.s32 $0x1400;
	[sflag:s22] =	ssyncadd.s32 $0xFFFFC000  }
0x76: {  	[spmem:s1] =	stream.indirect.scatter.add.f32 [tilespmem:s20], [sflag:$0x3], $0x80, s31, s19, $0xb8;
	[tilespmem:$0x1E280] =	vst v63  }
0x77: {  	_ =	swait.ge [sflag:s17], $0x4000  }
0x78: {  	[sflag:s17] =	ssyncset.done $0x0  }
0x79: {  	s2 =	simm.s32 $0x100;
	[sflag:s17] =	ssyncadd.s32 $0xFFFFC000  }
0x7a: {  	[tilespmem:s20], [sflag:$0x1] =	stream.indirect.gather [hbm4b:s4+s19], $0x80, s2, s19, $0xb8;
	[tilespmem:$0x1E280] =	vst v63  }
0x7b: {  	_ =	swait.ge [sflag:s23], $0x4000  }
0x7c: {  	[sflag:s23] =	ssyncset.done $0x0  }
0x7d: {  	s31 =	simm.s32 $0x1480;
	[sflag:s23] =	ssyncadd.s32 $0xFFFFC000  }
0x7e: {  	[spmem:s1] =	stream.indirect.scatter.add.f32 [tilespmem:s21], [sflag:$0x3], $0x80, s31, s19, $0xb8;
	[tilespmem:$0x1E280] =	vst v63  }
0x7f: {  	_ =	swait.ge [sflag:s17], $0x4000  }
0x80: {  	s30 =	simm.s32 $0x800;
	s29 =	simm.s32 $0x100;
	[sflag:s17] =	ssyncset.done $0x0  }
.LBB2_4:
0x81: {  	s0 =	sadd.s32 $0x80, s29  }
0x82: {  	[sflag:s17] =	ssyncadd.s32 $0xFFFFC000;
	s2 =	smov.u32 s30;
	s31 =	sadd.s32 $0x400, s30  }
0x83: {  	[tilespmem:s21], [sflag:$0x2] =	stream.indirect.gather [hbm4b:s4+s19], $0x80, s0, s19, $0xb8;
	[tilespmem:$0x1E280] =	vst v63  }
0x84: {  	p1 =	sne.s32 s30, $0x4800;
	_ =	swait.ge [sflag:s22], $0x4000  }
0x85: {  	[sflag:s22] =	ssyncset.done $0x0  }
0x86: {  	s0 =	sadd.s32 $0x1400, s29;
	[sflag:s22] =	ssyncadd.s32 $0xFFFFC000  }
0x87: {  	[spmem:s1] =	stream.indirect.scatter.add.f32 [tilespmem:s20], [sflag:$0x3], $0x80, s0, s19, $0xb8;
	[tilespmem:$0x1E280] =	vst v63  }
0x88: {  	_ =	swait.ge [sflag:s17], $0x4000  }
0x89: {  	[sflag:s17] =	ssyncset.done $0x0  }
0x8a: {  	s0 =	sadd.s32 $0x100, s29;
	[sflag:s17] =	ssyncadd.s32 $0xFFFFC000  }
0x8b: {  	[tilespmem:s20], [sflag:$0x1] =	stream.indirect.gather [hbm4b:s4+s19], $0x80, s0, s19, $0xb8;
	[tilespmem:$0x1E280] =	vst v63  }
0x8c: {  	_ =	swait.ge [sflag:s23], $0x4000  }
.Ltmp1:
0x8d: {  	[sflag:s23] =	ssyncset.done $0x0;
	(pc) =	sbr.rel @p1 .LBB2_4-.Ltmp1, $4  }
0x8e: {  	s0 =	sadd.s32 $0x1480, s29;
	[sflag:s23] =	ssyncadd.s32 $0xFFFFC000  }
0x8f: {  	[spmem:s1] =	stream.indirect.scatter.add.f32 [tilespmem:s21], [sflag:$0x3], $0x80, s0, s19, $0xb8;
	[tilespmem:$0x1E280] =	vst v63  }
0x90: {  	_ =	swait.ge [sflag:s17], $0x4000  }
0x91: {  	s30 =	smov.u32 s31;
	s29 =	sshra.s32 s2, $0x2;
	[sflag:s17] =	ssyncset.done $0x0  }
0x92: {  	s0 =	sadd.s32 $0x80, s29;
	[sflag:s17] =	ssyncadd.s32 $0xFFFFC000  }
0x93: {  	[tilespmem:s21], [sflag:$0x2] =	stream.indirect.gather [hbm4b:s4+s19], $0x80, s0, s19, $0xb8;
	[tilespmem:$0x1E280] =	vst v63  }
0x94: {  	_ =	swait.ge [sflag:s22], $0x4000  }
0x95: {  	[sflag:s22] =	ssyncset.done $0x0  }
0x96: {  	s2 =	sadd.s32 $0x1400, s29;
	[sflag:s22] =	ssyncadd.s32 $0xFFFFC000  }
0x97: {  	[spmem:s1] =	stream.indirect.scatter.add.f32 [tilespmem:s20], [sflag:$0x3], $0x80, s2, s19, $0xb8;
	[tilespmem:$0x1E280] =	vst v63  }
0x98: {  	_ =	swait.ge [sflag:s17], $0x4000  }
0x99: {  	[sflag:s17] =	ssyncset.done $0x0  }
0x9a: {  	s30 =	sadd.s32 $0x100, s29;
	[sflag:s17] =	ssyncadd.s32 $0xFFFFC000  }
0x9b: {  	[tilespmem:s20], [sflag:$0x1] =	stream.indirect.gather [hbm4b:s4+s19], $0x80, s30, s19, $0xb8;
	[tilespmem:$0x1E280] =	vst v63  }
0x9c: {  	_ =	swait.ge [sflag:s23], $0x4000  }
0x9d: {  	[sflag:s23] =	ssyncset.done $0x0  }
0x9e: {  	s31 =	sadd.s32 $0x1480, s29;
	[sflag:s23] =	ssyncadd.s32 $0xFFFFC000  }
0x9f: {  	[spmem:s1] =	stream.indirect.scatter.add.f32 [tilespmem:s21], [sflag:$0x3], $0x80, s31, s19, $0xb8;
	[tilespmem:$0x1E280] =	vst v63  }
0xa0: {  	_ =	swait.ge [sflag:s17], $0x4000  }
0xa1: {  	[sflag:s17] =	ssyncset.done $0x0  }
0xa2: {  	[sflag:s17] =	ssyncadd.s32 $0xFFFFC000  }
0xa3: {  	[tilespmem:s21], [sflag:$0x2] =	stream.indirect.gather [hbm4b:s4+s19], $0x80, s24, s19, $0xb8;
	[tilespmem:$0x1E280] =	vst v63  }
0xa4: {  	_ =	swait.ge [sflag:s22], $0x4000  }
0xa5: {  	[sflag:s22] =	ssyncset.done $0x0  }
0xa6: {  	[sflag:s22] =	ssyncadd.s32 $0xFFFFC000  }
0xa7: {  	[spmem:s1] =	stream.indirect.scatter.add.f32 [tilespmem:s20], [sflag:$0x3], $0x80, s25, s19, $0xb8;
	[tilespmem:$0x1E280] =	vst v63  }
0xa8: {  	_ =	swait.ge [sflag:s17], $0x4000  }
0xa9: {  	[sflag:s17] =	ssyncset.done $0x0  }
0xaa: {  	[sflag:s17] =	ssyncadd.s32 $0xFFFFC000  }
0xab: {  	_ =	swait.ge [sflag:s23], $0x4000  }
0xac: {  	[sflag:s23] =	ssyncset.done $0x0  }
0xad: {  	[sflag:s23] =	ssyncadd.s32 $0xFFFFC000  }
0xae: {  	[spmem:s1] =	stream.indirect.scatter.add.f32 [tilespmem:s21], [sflag:$0x3], $0x80, s26, s19, $0xb8;
	[tilespmem:$0x1E280] =	vst v63  }
0xaf: {  	_ =	swait.ge [sflag:s17], $0x4000  }
0xb0: {  	[sflag:s17] =	ssyncset.done $0x0  }
0xb1: {  	[sflag:s17] =	ssyncadd.s32 $0xFFFFC000  }
0xb2: {  	s0 =	sadd.s32 @p0 $0x25080, s12;
	s2 =	simm.s32 @p0 $0x1FC3;
	[bflag:$0x0] =	sbarrier.arrive $0xFFFF  }
0xb3: {  	[hbm:s0], [sflag:s2] =	dma.local @p0 [spmem:s14], $0x2080  }
0xb4: {  	s0 =	simm.s32 @p0 $0x3  }
0xb5: {  	_ =	swait.ge @p0 [sflag:s0], $0x2080  }
0xb6: {  	s28 =	sadd.s32 $0x1, s28;
	[sflag:s0] =	ssyncset.done @p0 $0x0  }
0xb7: {  	p1 =	sne.s32 s28, s13;
	[sflag:s0] =	ssyncadd.s32 @p0 $0xFFFFDF80;
	s0 =	sadd.s32 @!p0 s5, s12  }
0xb8: {  	[hbm:s0], [sflag:s15] =	dma.local @!p0 [spmem:s16], $0x2780  }
.Ltmp2:
0xb9: {  	_ = 	snop;
	(pc) =	sbr.rel @p1 .LBB2_1-.Ltmp2, $4  }
0xba: {  	s0 =	simm.s32 @!p0 $0x3  }
0xbb: {  	_ =	swait.ge @!p0 [sflag:s0], $0x2780  }
0xbc: {  	[sflag:s0] =	ssyncset.done @!p0 $0x0  }
0xbd: {  	[sflag:s0] =	ssyncadd.s32 @!p0 $0xFFFFD880  }
0xbe: {  	_ =	sfence.sel $0x180000  }
0xbf: {  	[bflag:$0x0] =	sbarrier.arrive $0xFFFF  }
0xc0: {  	_ =	strace $0x9000004D  }
0xc1: {  	s0 =	stileid.u32;
	[bflag:$0x2] =	sbarrier.arrive $0xFFFF  }
0xc2: {  	p0 =	sne.s32 s0, $0x0;
	s0 =	rddreg [dreg:$0x2]  }
0xc3: {  	s0 =	sadd.s32 @!p0 $0x100000, s0  }
0xc4: {  	[sflag:s0] =	ssyncadd.tile.s32 @!p0 $0x1;
	_ =	shalt  }
.Lfunc_end2:
_tile_overlayer_lowered:
.L_overlay_start_2:
0xc5: {  	(tag) =	ssettag $0x2  }
0xc6: {  	s0 =	rddreg [dreg:$0x0];
	s2 =	stileid.u32  }
0xc7: {  	s1 =	rddreg [dreg:$0x1];
	p0 =	sne.s32 s2, $0x0  }
0xc8: {  	s3 =	rddreg [dreg:$0x2];
	[bflag:$0x3] =	sbarrier.arrive $0xFFFF;
	s2 =	simm.s32 @!p0 $0x1C03  }
0xc9: {  	[timem:s3], [sflag:s2] =	dma.local @!p0 [hbm:s0], s1  }
0xca: {  	s0 =	simm.s32 @!p0 $0x3  }
0xcb: {  	_ =	swait.ge @!p0 [sflag:s0], s1  }
0xcc: {  	s1 =	ssub.s32 @!p0 $0x0, s1;
	[sflag:s0] =	ssyncset.done @!p0 $0x0  }
0xcd: {  	[sflag:s0] =	ssyncadd.s32 @!p0 s1  }
0xce: {  	[bflag:$0x3] =	sbarrier.arrive $0xFFFF  }
0xcf: {  	_ =	shalt  }

// kernel: kernel.21.cloned.1.call-start
scs
__scs_entry_jumppad:
0x0: {  	(pc) =	sbr.rel $0x88, $3  }
0x1: {  	(tag) =	ssettag $0x0;
	lr =	simm.s32 $0x1  }
0x2: {  	[smem:$0x3F96] =	sst lr;
	_ =	strace $0xD0000000  }
0x3: {  	_ = 	snop  }
0x4: {  	_ = 	snop  }
0x5: {  	_ = 	snop  }
0x6: {  	_ = 	snop  }
0x7: {  	_ = 	snop  }
__scs_overlays_trampoline_lowered:
0x8: {  	[smem:$0x3FA5] =	sst s0  }
0x9: {  	[smem:$0x3FA6] =	sst s1  }
0xa: {  	[smem:$0x3FA7] =	sst s2  }
0xb: {  	[smem:$0x3FA8] =	sst s3  }
0xc: {  	[smem:$0x3FA9] =	sst s4  }
0xd: {  	[smem:$0x3FAA] =	sst s5  }
0xe: {  	[smem:$0x3FAB] =	sst s6  }
0xf: {  	[smem:$0x3FAC] =	sst s7  }
0x10: {  	[smem:$0x3FAD] =	sst s8  }
0x11: {  	[smem:$0x3FAE] =	sst s9;
	s0 =	simm.s32 @!p0 $0x0  }
0x12: {  	s1 =	sld [smem:$0x3F94];
	s0 =	simm.s32 @p0 $0x1  }
0x13: {  	[smem:$0x3FAF] =	sst s0;
	s0 =	simm.s32 @!p1 $0x0  }
0x14: {  	s2 =	sld [smem:$0x3F93];
	s0 =	simm.s32 @p1 $0x1  }
0x15: {  	[smem:$0x3FB0] =	sst s0;
	s0 =	simm.s32 @!p2 $0x0  }
0x16: {  	s3 =	sld [smem:$0x3FDB];
	s0 =	simm.s32 @p2 $0x1  }
0x17: {  	s4 =	simm.s32 $0x1BF5;
	[smem:$0x3FB2] =	sst s0  }
0x18: {  	s0 =	sld [smem:$0x3F95];
	_ =	swait.ge [sflag:s4], $0x0  }
0x19: {  	s7 =	sld [smem:$0x3F96]  }
0x1a: {  	s8 =	sadd.s32 $0xFFFFE003, lr  }
0x1b: {  	s9 =	sadd.s32 $0xFFFFFEF7, lr;
	s5 =	simm.s32 $0xFFFFFFFF;
	p2 =	slt.u32 s8, $0xFFFFF086  }
0x1c: {  	p1 =	slt.u32 s9, $0xF7A;
	s5 =	simm.s32 @!p2 $0x0  }
0x1d: {  	s5 =	simm.s32 @p1 $0x1;
	p0 =	seq.s32 s7, s2  }
0x1e: {  	s7 =	smul.u32 @!p0 $0xF7A, s2;
	p2 =	seq.s32 @!p0 s5, $0x0  }
0x1f: {  	s9 =	smul.u32 $0xF7A, s1;
	s8 =	simm.s32 @!p0 $0x1BF5;
	p2 =	por !p2, p0  }
0x20: {  	[sflag:s8] =	ssyncset.s32 @!p0 $0xFFFFF086;
	s6 =	sadd.s32 @!p0 s3, s7;
	s7 =	simm.s32 @!p0 $0x108  }
0x21: {  	s3 =	sadd.s32 s3, s9;
	s6 =	sadd.s32 @!p0 $0x88, s6;
	s7 =	simm.s32 @p2 $0x1082  }
0x22: {  	[simem:s7], [sflag:s8] =	dma.local @!p0 [hbm:s6], $0xF7A  }
0x23: {  	s9 =	sor.u32 $0xD0000000, s2;
	s6 =	simm.s32 $0x108;
	_ =	swait.ge @!p0 [sflag:s8], $0x0  }
0x24: {  	s3 =	sadd.s32 $0x88, s3;
	s6 =	simm.s32 @!p1 $0x1082;
	[sflag:s4] =	ssyncset.s32 $0xFFFFF086  }
0x25: {  	[simem:s6], [sflag:s4] =	dma.local [hbm:s3], $0xF7A  }
0x26: {  	[smem:$0x3F96] =	sst s1;
	(tag) =	ssettag s2;
	_ =	strace s9  }
0x27: {  	s1 =	sld [smem:$0x3FA6]  }
0x28: {  	s2 =	sld [smem:$0x3FA7]  }
0x29: {  	s4 =	sld [smem:$0x3FA9]  }
0x2a: {  	p0 =	seq.s32 s5, $0x0;
	s5 =	sld [smem:$0x3FAA]  }
0x2b: {  	s6 =	sld [smem:$0x3FAB]  }
0x2c: {  	s7 =	sld [smem:$0x3FAC]  }
0x2d: {  	s3 =	simm.s32 $0x108;
	s8 =	sld [smem:$0x3FAD]  }
0x2e: {  	s3 =	simm.s32 @!p0 $0x1082;
	s9 =	sld [smem:$0x3FAE]  }
0x2f: {  	lr =	sadd.s32 s0, s3;
	s0 =	sld [smem:$0x3FA5]  }
0x30: {  	s3 =	sld [smem:$0x3FA8]  }
0x31: {  	[smem:$0x3FB1] =	sst s10  }
0x32: {  	s10 =	sld [smem:$0x3FAF];
	_ =	sdelay $0x3  }
0x33: {  	p0 =	seq.s32 s10, $0x1;
	s10 =	sld [smem:$0x3FB1];
	_ =	sdelay $0x3  }
0x34: {  	[smem:$0x3FB1] =	sst s10  }
0x35: {  	s10 =	sld [smem:$0x3FB0];
	_ =	sdelay $0x3  }
0x36: {  	p1 =	seq.s32 s10, $0x1;
	s10 =	sld [smem:$0x3FB1];
	_ =	sdelay $0x3  }
0x37: {  	[smem:$0x3FB1] =	sst s10  }
0x38: {  	s10 =	sld [smem:$0x3FB2]  }
0x39: {  	_ = 	snop;
	(pc) =	sbr.ind lr, $3  }
0x3a: {  	_ = 	snop  }
0x3b: {  	_ = 	snop  }
0x3c: {  	p2 =	seq.s32 s10, $0x1;
	s10 =	sld [smem:$0x3FB1]  }
0x3d: {  	_ =	shalt  }
0x3e: {  	_ =	shalt  }
0x3f: {  	_ =	shalt  }
0x40: {  	_ =	shalt  }
0x41: {  	_ =	shalt  }
0x42: {  	_ =	shalt  }
0x43: {  	_ =	shalt  }
0x44: {  	_ =	shalt  }
0x45: {  	_ =	shalt  }
0x46: {  	_ =	shalt  }
0x47: {  	_ =	shalt  }
0x48: {  	_ =	shalt  }
0x49: {  	_ =	shalt  }
0x4a: {  	_ =	shalt  }
0x4b: {  	_ =	shalt  }
0x4c: {  	_ =	shalt  }
0x4d: {  	_ =	shalt  }
0x4e: {  	_ =	shalt  }
0x4f: {  	_ =	shalt  }
0x50: {  	_ =	shalt  }
0x51: {  	_ =	shalt  }
0x52: {  	_ =	shalt  }
0x53: {  	_ =	shalt  }
0x54: {  	_ =	shalt  }
0x55: {  	_ =	shalt  }
0x56: {  	_ =	shalt  }
0x57: {  	_ =	shalt  }
0x58: {  	_ =	shalt  }
0x59: {  	_ =	shalt  }
0x5a: {  	_ =	shalt  }
0x5b: {  	_ =	shalt  }
0x5c: {  	_ =	shalt  }
0x5d: {  	_ =	shalt  }
0x5e: {  	_ =	shalt  }
0x5f: {  	_ =	shalt  }
0x60: {  	_ =	shalt  }
0x61: {  	_ =	shalt  }
0x62: {  	_ =	shalt  }
0x63: {  	_ =	shalt  }
0x64: {  	_ =	shalt  }
0x65: {  	_ =	shalt  }
0x66: {  	_ =	shalt  }
0x67: {  	_ =	shalt  }
0x68: {  	_ =	shalt  }
0x69: {  	_ =	shalt  }
0x6a: {  	_ =	shalt  }
0x6b: {  	_ =	shalt  }
0x6c: {  	_ =	shalt  }
0x6d: {  	_ =	shalt  }
0x6e: {  	_ =	shalt  }
0x6f: {  	_ =	shalt  }
0x70: {  	_ =	shalt  }
0x71: {  	_ =	shalt  }
0x72: {  	_ =	shalt  }
0x73: {  	_ =	shalt  }
0x74: {  	_ =	shalt  }
0x75: {  	_ =	shalt  }
0x76: {  	_ =	shalt  }
0x77: {  	_ =	shalt  }
0x78: {  	_ =	shalt  }
0x79: {  	_ =	shalt  }
0x7a: {  	_ =	shalt  }
0x7b: {  	_ =	shalt  }
0x7c: {  	_ =	shalt  }
0x7d: {  	_ =	shalt  }
0x7e: {  	_ =	shalt  }
0x7f: {  	_ =	shalt  }
0x80: {  	_ =	shalt  }
0x81: {  	_ =	shalt  }
0x82: {  	_ =	shalt  }
0x83: {  	_ =	shalt  }
0x84: {  	_ =	shalt  }
0x85: {  	_ =	shalt  }
0x86: {  	_ =	shalt  }
0x87: {  	_ =	shalt  }
.Lfunc_end0:
.L_simem_size_0:
called_computation.3_lowered:
.L_overlay_start_0:
0x88: {  	s2 =	sld [smem:$0x3FD9]  }
0x89: {  	s3 =	sld [smem:$0x3FFE];
	_ =	sdelay $0x1  }
0x8a: {  	s1 =	srdreg.scid  }
0x8b: {  	s0 =	sand.u32 $0x1, s1  }
0x8c: {  	s16 =	sshll.u32 s0, $0xA;
	s2 =	sadd.s32 s3, s2  }
0x8d: {  	s2 =	sadd.s32 s2, s16  }
0x8e: {  	[smem:$0x3FBD] =	sst s2  }
0x8f: {  	_ = 	snop  }
0x90: {  	(tm) =	ssettm $0x1  }
0x91: {  	s17 =	sld [smem:$0x3FFB];
	_ =	sdelay $0x3  }
0x92: {  	_ =	strace s17  }
0x93: {  	s2 =	sld [smem:$0x3FFC];
	_ =	sdelay $0x3  }
0x94: {  	_ =	strace s2  }
0x95: {  	s2 =	sld [smem:$0x3FFD];
	_ =	sdelay $0x3  }
0x96: {  	_ =	strace s2  }
0x97: {  	_ =	strace $0x8FFFFFFF  }
0x98: {  	s18 =	sld [smem:$0x3FDB];
	_ =	sdelay $0x1  }
0x99: {  	s19 =	simm.s32 $_scs_section_size  }
0x9a: {  	s4 =	simm.s32 $_size__tile_overlayer_lowered;
	s5 =	simm.s32 $_tile_overlayer_lowered  }
0x9b: {  	s22 =	simm.s32 $0x1BFF;
	s21 =	sshll.u32 s5, $0x1;
	s2 =	sadd.s32 s19, s18  }
0x9c: {  	s6 =	simm.s32 $0x0;
	s20 =	sshll.u32 s4, $0x1;
	s4 =	sadd.s32 s21, s2  }
0x9d: {  	[timem:s6], [sflag:s22] =	dma.local [hbm:s4], s20  }
0x9e: {  	_ =	swait.ge [sflag:s22], s20  }
0x9f: {  	s3 =	ssub.s32 $0x0, s20;
	[sflag:s22] =	ssyncset.done $0x0  }
0xa0: {  	[sflag:s22] =	ssyncadd.s32 s3;
	_ =	sdelay $0x1  }
0xa1: {  	s23 =	simm.s32 $0x1B8B  }
0xa2: {  	_ =	swait.ge [sflag:s23], $0x1  }
0xa3: {  	[sflag:s23] =	ssyncset.done $0x0  }
0xa4: {  	s25 =	simm.s32 $0x1B8E;
	s24 =	sld [smem:$0x3FFE];
	[sflag:s23] =	ssyncadd.s32 $0xFFFFFFFF  }
0xa5: {  	s26 =	simm.s32 $execute0_lowered;
	[smem:$0x3FD2] =	sst s25  }
0xa6: {  	s4 =	sshll.u32 s26, $0x1;
	_ =	strace $0x8000004F;
	[dreg:$0x1] =	wrdreg $0xFFFFFFFF  }
0xa7: {  	s28 =	simm.s32 $_size_execute0_lowered;
	s2 =	sadd.s32 s2, s4;
	[dreg:$0x0] =	wrdreg $0x0  }
0xa8: {  	s4 =	sshll.u32 s28, $0x1;
	[dreg:$0x2] =	wrdreg s2  }
0xa9: {  	[dreg:$0x3] =	wrdreg s4  }
0xaa: {  	[dreg:$0x4] =	wrdreg $0xC0  }
0xab: {  	_ =	task [dreg:s6], $0x5FFFF  }
0xac: {  	[dreg:$0x1] =	wrdreg $0xFFFFFFFF  }
0xad: {  	[dreg:$0x0] =	wrdreg $0x60  }
0xae: {  	[dreg:$0x2] =	wrdreg s24  }
0xaf: {  	[dreg:$0x3] =	wrdreg $0xA8000  }
0xb0: {  	[dreg:$0x4] =	wrdreg $0x9  }
0xb1: {  	_ =	task.clear_ibuf [dreg:s6], $0x5FFFF;
	_ =	strace $0x9000004F  }
0xb2: {  	s29 =	simm.s32 $0x9;
	_ =	strace $0x80000051  }
0xb3: {  	_ =	swait.ge [sflag:s29], $0x1  }
0xb4: {  	[sflag:s29] =	ssyncadd.s32 $0xFFFFFFFF  }
0xb5: {  	_ =	strace $0x90000051  }
0xb6: {  	_ =	sfence  }
0xb7: {  	s30 =	sld [smem:$0x0];
	_ =	sdelay $0x2  }
0xb8: {  	s31 =	sshll.u32 s1, $0xD;
	s1 =	sshrl.u32 s1, $0x2  }
0xb9: {  	s3 =	sand.u32 $0x4000, s31;
	s1 =	sadd.s32 s1, s30  }
0xba: {  	s0 =	sor.u32 s3, s0;
	s1 =	sshll.u32 s1, $0x11  }
0xbb: {  	s0 =	sor.u32 s1, s0  }
0xbc: {  	s0 =	sadd.s32 $0x8F2B, s0  }
0xbd: {  	[sflag:s0] =	ssyncadd.remote.s32 $0x1  }
0xbe: {  	_ =	sfence.sel $0xFFFF  }
0xbf: {  	[dreg:$0x0] =	wrdreg $0xFFFFFFFF;
	(pc) =	sbr.abs _section_cstart, $3  }
0xc0: {  	[dreg:$0x1] =	wrdreg $0xFFFFFFFF  }
0xc1: {  	_ =	task.clear_ibuf [dreg:s6], $0x2FFFF;
	_ =	strace $0x9FFFFFFF  }
0xc2: {  	(tm) =	ssettm $0x7FFFFFFF  }
0xc3: {  	_ =	shalt  }
tec
execute0_lowered:
.L_overlay_start_1:
0x0: {  	(tag) =	ssettag $0x1  }
0x1: {  	s7 =	rddreg [dreg:$0x0]  }
0x2: {  	s1 =	rddreg [dreg:$0x1];
	s3 =	simm.s32 $0x0  }
0x3: {  	s0 =	stileid.u32;
	s6 =	srdreg.scid;
	s18 =	simm.s32 $0x1400  }
0x4: {  	s19 =	simm.s32 $0x80;
	s20 =	simm.s32 $0x2800;
	s21 =	simm.s32 $0x6800  }
0x5: {  	s22 =	simm.s32 $0x1;
	s23 =	simm.s32 $0x2;
	s24 =	simm.s32 $0x1380  }
0x6: {  	s25 =	simm.s32 $0x2700;
	s26 =	simm.s32 $0x2780;
	s28 =	simm.s32 $0x0  }
0x7: {  	[smem:$0x7FF] =	sst s3;
	s4 =	sadd.s32 $0x18400, s7;
	s5 =	smul.u32 $0x2780, s0  }
0x8: {  	s10 =	sadd.s32 $0xE400, s7;
	s11 =	sadd.s32 $0x4400, s7;
	s6 =	sand.u32 $0x1, s6  }
0x9: {  	s12 =	smul.u32 $0x4F000, s0;
	s15 =	sadd.s32 $0x128400, s1;
	p0 =	seq.s32 s0, $0xF  }
0xa: {  	_ =	strace $0x80000050;
	s9 =	sshll.u32 s6, $0x4;
	s13 =	smul.u32 $0x27100, s6  }
0xb: {  	s6 =	ssub.s32 $0x2, s6;
	s17 =	sshll.u32 @!p0 s0, $0x6;
	s8 =	sadd.s32 s5, s7  }
0xc: {  	s9 =	sor.u32 s0, s9;
	s14 =	sshrl.u32 s6, $0x1;
	s12 =	sshrl.u32 s12, $0x2  }
0xd: {  	s9 =	smul.u32 $0x2800, s9;
	s13 =	sadd.s32 s13, s7;
	s14 =	ssub.s32 s6, s14  }
0xe: {  	s16 =	sadd.s32 s12, s1;
	s6 =	sadd.s32 $0x3F600, s8;
	s7 =	sadd.s32 $0x64680, s7  }
0xf: {  	s12 =	sadd.s32 $0x66800, s13;
	s13 =	smax.u32 s14, $0x1;
	s14 =	sshrl.u32 @p0 s15, $0x3  }
0x10: {  	s15 =	sor.u32 @!p0 $0x1C03, s17;
	s16 =	sshrl.u32 @!p0 s16, $0x3;
	s9 =	sshrl.u32 s9, $0x3  }
0x11: {  	s17 =	simm.s32 $0x3;
	s8 =	sadd.s32 s10, s9;
	s31 =	sadd.s32 $0x280, s9  }
0x12: {  	s9 =	sadd.s32 s11, s9;
	s10 =	sadd.s32 s10, s31;
	s11 =	sadd.s32 s11, s31  }
.LBB2_1:
0x13: {  	s29 =	simm.s32 @p0 $0x1FC3  }
0x14: {  	[spmem:s14], [sflag:s29] =	dma.local @p0 [hbm:s7], $0x2080  }
0x15: {  	s29 =	simm.s32 @p0 $0x3  }
0x16: {  	_ =	swait.ge @p0 [sflag:s29], $0x2080  }
0x17: {  	[sflag:s29] =	ssyncset.done @p0 $0x0  }
0x18: {  	[sflag:s29] =	ssyncadd.s32 @p0 $0xFFFFDF80;
	s29 =	simm.s32 @!p0 $0x3  }
0x19: {  	[spmem:s16], [sflag:s15] =	dma.local @!p0 [hbm:s6], $0x2780  }
0x1a: {  	_ =	swait.ge @!p0 [sflag:s29], $0x2780  }
0x1b: {  	[sflag:s29] =	ssyncset.done @!p0 $0x0  }
0x1c: {  	[sflag:s29] =	ssyncadd.s32 @!p0 $0xFFFFD880  }
0x1d: {  	[bflag:$0x0] =	sbarrier.arrive $0xFFFF  }
0x1e: {  	[tilespmem:s3], [sflag:$0x3] =	stream.linear.gather [hbm4b:s8+s3], $0x1400, $0x38;
	[tilespmem:$0x1E280] =	vst v63  }
0x1f: {  	_ =	swait.ge [sflag:s17], $0x1400  }
0x20: {  	[sflag:s17] =	ssyncset.done $0x0  }
0x21: {  	[sflag:s17] =	ssyncadd.s32 $0xFFFFEC00  }
0x22: {  	[tilespmem:s18], [sflag:$0x3] =	stream.linear.gather [hbm4b:s9+s3], $0x1400, $0x38;
	[tilespmem:$0x1E280] =	vst v63  }
0x23: {  	_ =	swait.ge [sflag:s17], $0x1400  }
0x24: {  	[sflag:s17] =	ssyncset.done $0x0  }
0x25: {  	[sflag:s17] =	ssyncadd.s32 $0xFFFFEC00  }
0x26: {  	[tilespmem:s20], [sflag:$0x1] =	stream.indirect.gather [hbm4b:s4+s19], $0x80, s3, s19, $0xb8;
	[tilespmem:$0x1E280] =	vst v63  }
0x27: {  	s29 =	simm.s32 $0x80  }
0x28: {  	[tilespmem:s21], [sflag:$0x2] =	stream.indirect.gather [hbm4b:s4+s19], $0x80, s29, s19, $0xb8;
	[tilespmem:$0x1E280] =	vst v63  }
0x29: {  	_ =	swait.ge [sflag:s22], $0x4000  }
0x2a: {  	[sflag:s22] =	ssyncset.done $0x0  }
0x2b: {  	s29 =	simm.s32 $0x1400;
	[sflag:s22] =	ssyncadd.s32 $0xFFFFC000  }
0x2c: {  	[spmem:s1] =	stream.indirect.scatter.add.f32 [tilespmem:s20], [sflag:$0x3], $0x80, s29, s19, $0xb8;
	[tilespmem:$0x1E280] =	vst v63  }
0x2d: {  	_ =	swait.ge [sflag:s17], $0x4000  }
0x2e: {  	[sflag:s17] =	ssyncset.done $0x0  }
0x2f: {  	s29 =	simm.s32 $0x100;
	[sflag:s17] =	ssyncadd.s32 $0xFFFFC000  }
0x30: {  	[tilespmem:s20], [sflag:$0x1] =	stream.indirect.gather [hbm4b:s4+s19], $0x80, s29, s19, $0xb8;
	[tilespmem:$0x1E280] =	vst v63  }
0x31: {  	_ =	swait.ge [sflag:s23], $0x4000  }
0x32: {  	[sflag:s23] =	ssyncset.done $0x0  }
0x33: {  	s29 =	simm.s32 $0x1480;
	[sflag:s23] =	ssyncadd.s32 $0xFFFFC000  }
0x34: {  	[spmem:s1] =	stream.indirect.scatter.add.f32 [tilespmem:s21], [sflag:$0x3], $0x80, s29, s19, $0xb8;
	[tilespmem:$0x1E280] =	vst v63  }
0x35: {  	_ =	swait.ge [sflag:s17], $0x4000  }
0x36: {  	s30 =	simm.s32 $0x800;
	s29 =	simm.s32 $0x100;
	[sflag:s17] =	ssyncset.done $0x0  }
.LBB2_2:
0x37: {  	s31 =	sadd.s32 $0x80, s29  }
0x38: {  	[sflag:s17] =	ssyncadd.s32 $0xFFFFC000;
	s0 =	smov.u32 s30;
	s2 =	sadd.s32 $0x400, s30  }
0x39: {  	[tilespmem:s21], [sflag:$0x2] =	stream.indirect.gather [hbm4b:s4+s19], $0x80, s31, s19, $0xb8;
	[tilespmem:$0x1E280] =	vst v63  }
0x3a: {  	p1 =	sne.s32 s30, $0x4800;
	_ =	swait.ge [sflag:s22], $0x4000  }
0x3b: {  	[sflag:s22] =	ssyncset.done $0x0  }
0x3c: {  	s30 =	sadd.s32 $0x1400, s29;
	[sflag:s22] =	ssyncadd.s32 $0xFFFFC000  }
0x3d: {  	[spmem:s1] =	stream.indirect.scatter.add.f32 [tilespmem:s20], [sflag:$0x3], $0x80, s30, s19, $0xb8;
	[tilespmem:$0x1E280] =	vst v63  }
0x3e: {  	_ =	swait.ge [sflag:s17], $0x4000  }
0x3f: {  	[sflag:s17] =	ssyncset.done $0x0  }
0x40: {  	s30 =	sadd.s32 $0x100, s29;
	[sflag:s17] =	ssyncadd.s32 $0xFFFFC000  }
0x41: {  	[tilespmem:s20], [sflag:$0x1] =	stream.indirect.gather [hbm4b:s4+s19], $0x80, s30, s19, $0xb8;
	[tilespmem:$0x1E280] =	vst v63  }
0x42: {  	_ =	swait.ge [sflag:s23], $0x4000  }
.Ltmp0:
0x43: {  	[sflag:s23] =	ssyncset.done $0x0;
	(pc) =	sbr.rel @p1 .LBB2_2-.Ltmp0, $4  }
0x44: {  	s29 =	sadd.s32 $0x1480, s29;
	[sflag:s23] =	ssyncadd.s32 $0xFFFFC000  }
0x45: {  	[spmem:s1] =	stream.indirect.scatter.add.f32 [tilespmem:s21], [sflag:$0x3], $0x80, s29, s19, $0xb8;
	[tilespmem:$0x1E280] =	vst v63  }
0x46: {  	_ =	swait.ge [sflag:s17], $0x4000  }
0x47: {  	s30 =	smov.u32 s2;
	s29 =	sshra.s32 s0, $0x2;
	[sflag:s17] =	ssyncset.done $0x0  }
0x48: {  	s0 =	sadd.s32 $0x80, s29;
	[sflag:s17] =	ssyncadd.s32 $0xFFFFC000  }
0x49: {  	[tilespmem:s21], [sflag:$0x2] =	stream.indirect.gather [hbm4b:s4+s19], $0x80, s0, s19, $0xb8;
	[tilespmem:$0x1E280] =	vst v63  }
0x4a: {  	_ =	swait.ge [sflag:s22], $0x4000  }
0x4b: {  	[sflag:s22] =	ssyncset.done $0x0  }
0x4c: {  	s2 =	sadd.s32 $0x1400, s29;
	[sflag:s22] =	ssyncadd.s32 $0xFFFFC000  }
0x4d: {  	[spmem:s1] =	stream.indirect.scatter.add.f32 [tilespmem:s20], [sflag:$0x3], $0x80, s2, s19, $0xb8;
	[tilespmem:$0x1E280] =	vst v63  }
0x4e: {  	_ =	swait.ge [sflag:s17], $0x4000  }
0x4f: {  	[sflag:s17] =	ssyncset.done $0x0  }
0x50: {  	s31 =	sadd.s32 $0x100, s29;
	[sflag:s17] =	ssyncadd.s32 $0xFFFFC000  }
0x51: {  	[tilespmem:s20], [sflag:$0x1] =	stream.indirect.gather [hbm4b:s4+s19], $0x80, s31, s19, $0xb8;
	[tilespmem:$0x1E280] =	vst v63  }
0x52: {  	_ =	swait.ge [sflag:s23], $0x4000  }
0x53: {  	[sflag:s23] =	ssyncset.done $0x0  }
0x54: {  	s2 =	sadd.s32 $0x1480, s29;
	[sflag:s23] =	ssyncadd.s32 $0xFFFFC000  }
0x55: {  	[spmem:s1] =	stream.indirect.scatter.add.f32 [tilespmem:s21], [sflag:$0x3], $0x80, s2, s19, $0xb8;
	[tilespmem:$0x1E280] =	vst v63  }
0x56: {  	_ =	swait.ge [sflag:s17], $0x4000  }
0x57: {  	[sflag:s17] =	ssyncset.done $0x0  }
0x58: {  	[sflag:s17] =	ssyncadd.s32 $0xFFFFC000  }
0x59: {  	[tilespmem:s21], [sflag:$0x2] =	stream.indirect.gather [hbm4b:s4+s19], $0x80, s24, s19, $0xb8;
	[tilespmem:$0x1E280] =	vst v63  }
0x5a: {  	_ =	swait.ge [sflag:s22], $0x4000  }
0x5b: {  	[sflag:s22] =	ssyncset.done $0x0  }
0x5c: {  	[sflag:s22] =	ssyncadd.s32 $0xFFFFC000  }
0x5d: {  	[spmem:s1] =	stream.indirect.scatter.add.f32 [tilespmem:s20], [sflag:$0x3], $0x80, s25, s19, $0xb8;
	[tilespmem:$0x1E280] =	vst v63  }
0x5e: {  	_ =	swait.ge [sflag:s17], $0x4000  }
0x5f: {  	[sflag:s17] =	ssyncset.done $0x0  }
0x60: {  	[sflag:s17] =	ssyncadd.s32 $0xFFFFC000  }
0x61: {  	_ =	swait.ge [sflag:s23], $0x4000  }
0x62: {  	[sflag:s23] =	ssyncset.done $0x0  }
0x63: {  	[sflag:s23] =	ssyncadd.s32 $0xFFFFC000  }
0x64: {  	[spmem:s1] =	stream.indirect.scatter.add.f32 [tilespmem:s21], [sflag:$0x3], $0x80, s26, s19, $0xb8;
	[tilespmem:$0x1E280] =	vst v63  }
0x65: {  	_ =	swait.ge [sflag:s17], $0x4000  }
0x66: {  	[sflag:s17] =	ssyncset.done $0x0  }
0x67: {  	s31 =	simm.s32 $0x0;
	[sflag:s17] =	ssyncadd.s32 $0xFFFFC000  }
0x68: {  	[tilespmem:s31], [sflag:$0x3] =	stream.linear.gather [hbm4b:s10+s31], $0x1400, $0x38;
	[tilespmem:$0x1E280] =	vst v63  }
0x69: {  	_ =	swait.ge [sflag:s17], $0x1400  }
0x6a: {  	[sflag:s17] =	ssyncset.done $0x0  }
0x6b: {  	[sflag:s17] =	ssyncadd.s32 $0xFFFFEC00  }
0x6c: {  	[tilespmem:s18], [sflag:$0x3] =	stream.linear.gather [hbm4b:s11+s31], $0x1400, $0x38;
	[tilespmem:$0x1E280] =	vst v63  }
0x6d: {  	_ =	swait.ge [sflag:s17], $0x1400  }
0x6e: {  	[sflag:s17] =	ssyncset.done $0x0  }
0x6f: {  	[sflag:s17] =	ssyncadd.s32 $0xFFFFEC00  }
0x70: {  	[tilespmem:s20], [sflag:$0x1] =	stream.indirect.gather [hbm4b:s4+s19], $0x80, s31, s19, $0xb8;
	[tilespmem:$0x1E280] =	vst v63  }
0x71: {  	s2 =	simm.s32 $0x80  }
0x72: {  	[tilespmem:s21], [sflag:$0x2] =	stream.indirect.gather [hbm4b:s4+s19], $0x80, s2, s19, $0xb8;
	[tilespmem:$0x1E280] =	vst v63  }
0x73: {  	_ =	swait.ge [sflag:s22], $0x4000  }
0x74: {  	[sflag:s22] =	ssyncset.done $0x0  }
0x75: {  	s31 =	simm.s32 $0x1400;
	[sflag:s22] =	ssyncadd.s32 $0xFFFFC000  }
0x76: {  	[spmem:s1] =	stream.indirect.scatter.add.f32 [tilespmem:s20], [sflag:$0x3], $0x80, s31, s19, $0xb8;
	[tilespmem:$0x1E280] =	vst v63  }
0x77: {  	_ =	swait.ge [sflag:s17], $0x4000  }
0x78: {  	[sflag:s17] =	ssyncset.done $0x0  }
0x79: {  	s2 =	simm.s32 $0x100;
	[sflag:s17] =	ssyncadd.s32 $0xFFFFC000  }
0x7a: {  	[tilespmem:s20], [sflag:$0x1] =	stream.indirect.gather [hbm4b:s4+s19], $0x80, s2, s19, $0xb8;
	[tilespmem:$0x1E280] =	vst v63  }
0x7b: {  	_ =	swait.ge [sflag:s23], $0x4000  }
0x7c: {  	[sflag:s23] =	ssyncset.done $0x0  }
0x7d: {  	s31 =	simm.s32 $0x1480;
	[sflag:s23] =	ssyncadd.s32 $0xFFFFC000  }
0x7e: {  	[spmem:s1] =	stream.indirect.scatter.add.f32 [tilespmem:s21], [sflag:$0x3], $0x80, s31, s19, $0xb8;
	[tilespmem:$0x1E280] =	vst v63  }
0x7f: {  	_ =	swait.ge [sflag:s17], $0x4000  }
0x80: {  	s30 =	simm.s32 $0x800;
	s29 =	simm.s32 $0x100;
	[sflag:s17] =	ssyncset.done $0x0  }
.LBB2_4:
0x81: {  	s0 =	sadd.s32 $0x80, s29  }
0x82: {  	[sflag:s17] =	ssyncadd.s32 $0xFFFFC000;
	s2 =	smov.u32 s30;
	s31 =	sadd.s32 $0x400, s30  }
0x83: {  	[tilespmem:s21], [sflag:$0x2] =	stream.indirect.gather [hbm4b:s4+s19], $0x80, s0, s19, $0xb8;
	[tilespmem:$0x1E280] =	vst v63  }
0x84: {  	p1 =	sne.s32 s30, $0x4800;
	_ =	swait.ge [sflag:s22], $0x4000  }
0x85: {  	[sflag:s22] =	ssyncset.done $0x0  }
0x86: {  	s0 =	sadd.s32 $0x1400, s29;
	[sflag:s22] =	ssyncadd.s32 $0xFFFFC000  }
0x87: {  	[spmem:s1] =	stream.indirect.scatter.add.f32 [tilespmem:s20], [sflag:$0x3], $0x80, s0, s19, $0xb8;
	[tilespmem:$0x1E280] =	vst v63  }
0x88: {  	_ =	swait.ge [sflag:s17], $0x4000  }
0x89: {  	[sflag:s17] =	ssyncset.done $0x0  }
0x8a: {  	s0 =	sadd.s32 $0x100, s29;
	[sflag:s17] =	ssyncadd.s32 $0xFFFFC000  }
0x8b: {  	[tilespmem:s20], [sflag:$0x1] =	stream.indirect.gather [hbm4b:s4+s19], $0x80, s0, s19, $0xb8;
	[tilespmem:$0x1E280] =	vst v63  }
0x8c: {  	_ =	swait.ge [sflag:s23], $0x4000  }
.Ltmp1:
0x8d: {  	[sflag:s23] =	ssyncset.done $0x0;
	(pc) =	sbr.rel @p1 .LBB2_4-.Ltmp1, $4  }
0x8e: {  	s0 =	sadd.s32 $0x1480, s29;
	[sflag:s23] =	ssyncadd.s32 $0xFFFFC000  }
0x8f: {  	[spmem:s1] =	stream.indirect.scatter.add.f32 [tilespmem:s21], [sflag:$0x3], $0x80, s0, s19, $0xb8;
	[tilespmem:$0x1E280] =	vst v63  }
0x90: {  	_ =	swait.ge [sflag:s17], $0x4000  }
0x91: {  	s30 =	smov.u32 s31;
	s29 =	sshra.s32 s2, $0x2;
	[sflag:s17] =	ssyncset.done $0x0  }
0x92: {  	s0 =	sadd.s32 $0x80, s29;
	[sflag:s17] =	ssyncadd.s32 $0xFFFFC000  }
0x93: {  	[tilespmem:s21], [sflag:$0x2] =	stream.indirect.gather [hbm4b:s4+s19], $0x80, s0, s19, $0xb8;
	[tilespmem:$0x1E280] =	vst v63  }
0x94: {  	_ =	swait.ge [sflag:s22], $0x4000  }
0x95: {  	[sflag:s22] =	ssyncset.done $0x0  }
0x96: {  	s2 =	sadd.s32 $0x1400, s29;
	[sflag:s22] =	ssyncadd.s32 $0xFFFFC000  }
0x97: {  	[spmem:s1] =	stream.indirect.scatter.add.f32 [tilespmem:s20], [sflag:$0x3], $0x80, s2, s19, $0xb8;
	[tilespmem:$0x1E280] =	vst v63  }
0x98: {  	_ =	swait.ge [sflag:s17], $0x4000  }
0x99: {  	[sflag:s17] =	ssyncset.done $0x0  }
0x9a: {  	s30 =	sadd.s32 $0x100, s29;
	[sflag:s17] =	ssyncadd.s32 $0xFFFFC000  }
0x9b: {  	[tilespmem:s20], [sflag:$0x1] =	stream.indirect.gather [hbm4b:s4+s19], $0x80, s30, s19, $0xb8;
	[tilespmem:$0x1E280] =	vst v63  }
0x9c: {  	_ =	swait.ge [sflag:s23], $0x4000  }
0x9d: {  	[sflag:s23] =	ssyncset.done $0x0  }
0x9e: {  	s31 =	sadd.s32 $0x1480, s29;
	[sflag:s23] =	ssyncadd.s32 $0xFFFFC000  }
0x9f: {  	[spmem:s1] =	stream.indirect.scatter.add.f32 [tilespmem:s21], [sflag:$0x3], $0x80, s31, s19, $0xb8;
	[tilespmem:$0x1E280] =	vst v63  }
0xa0: {  	_ =	swait.ge [sflag:s17], $0x4000  }
0xa1: {  	[sflag:s17] =	ssyncset.done $0x0  }
0xa2: {  	[sflag:s17] =	ssyncadd.s32 $0xFFFFC000  }
0xa3: {  	[tilespmem:s21], [sflag:$0x2] =	stream.indirect.gather [hbm4b:s4+s19], $0x80, s24, s19, $0xb8;
	[tilespmem:$0x1E280] =	vst v63  }
0xa4: {  	_ =	swait.ge [sflag:s22], $0x4000  }
0xa5: {  	[sflag:s22] =	ssyncset.done $0x0  }
0xa6: {  	[sflag:s22] =	ssyncadd.s32 $0xFFFFC000  }
0xa7: {  	[spmem:s1] =	stream.indirect.scatter.add.f32 [tilespmem:s20], [sflag:$0x3], $0x80, s25, s19, $0xb8;
	[tilespmem:$0x1E280] =	vst v63  }
0xa8: {  	_ =	swait.ge [sflag:s17], $0x4000  }
0xa9: {  	[sflag:s17] =	ssyncset.done $0x0  }
0xaa: {  	[sflag:s17] =	ssyncadd.s32 $0xFFFFC000  }
0xab: {  	_ =	swait.ge [sflag:s23], $0x4000  }
0xac: {  	[sflag:s23] =	ssyncset.done $0x0  }
0xad: {  	[sflag:s23] =	ssyncadd.s32 $0xFFFFC000  }
0xae: {  	[spmem:s1] =	stream.indirect.scatter.add.f32 [tilespmem:s21], [sflag:$0x3], $0x80, s26, s19, $0xb8;
	[tilespmem:$0x1E280] =	vst v63  }
0xaf: {  	_ =	swait.ge [sflag:s17], $0x4000  }
0xb0: {  	[sflag:s17] =	ssyncset.done $0x0  }
0xb1: {  	[sflag:s17] =	ssyncadd.s32 $0xFFFFC000  }
0xb2: {  	s0 =	sadd.s32 @p0 $0x25080, s12;
	s2 =	simm.s32 @p0 $0x1FC3;
	[bflag:$0x0] =	sbarrier.arrive $0xFFFF  }
0xb3: {  	[hbm:s0], [sflag:s2] =	dma.local @p0 [spmem:s14], $0x2080  }
0xb4: {  	s0 =	simm.s32 @p0 $0x3  }
0xb5: {  	_ =	swait.ge @p0 [sflag:s0], $0x2080  }
0xb6: {  	s28 =	sadd.s32 $0x1, s28;
	[sflag:s0] =	ssyncset.done @p0 $0x0  }
0xb7: {  	p1 =	sne.s32 s28, s13;
	[sflag:s0] =	ssyncadd.s32 @p0 $0xFFFFDF80;
	s0 =	sadd.s32 @!p0 s5, s12  }
0xb8: {  	[hbm:s0], [sflag:s15] =	dma.local @!p0 [spmem:s16], $0x2780  }
.Ltmp2:
0xb9: {  	_ = 	snop;
	(pc) =	sbr.rel @p1 .LBB2_1-.Ltmp2, $4  }
0xba: {  	s0 =	simm.s32 @!p0 $0x3  }
0xbb: {  	_ =	swait.ge @!p0 [sflag:s0], $0x2780  }
0xbc: {  	[sflag:s0] =	ssyncset.done @!p0 $0x0  }
0xbd: {  	[sflag:s0] =	ssyncadd.s32 @!p0 $0xFFFFD880  }
0xbe: {  	_ =	sfence.sel $0x180000  }
0xbf: {  	[bflag:$0x0] =	sbarrier.arrive $0xFFFF  }
0xc0: {  	_ =	strace $0x90000050  }
0xc1: {  	s0 =	stileid.u32;
	[bflag:$0x2] =	sbarrier.arrive $0xFFFF  }
0xc2: {  	p0 =	sne.s32 s0, $0x0;
	s0 =	rddreg [dreg:$0x2]  }
0xc3: {  	s0 =	sadd.s32 @!p0 $0x100000, s0  }
0xc4: {  	[sflag:s0] =	ssyncadd.tile.s32 @!p0 $0x1;
	_ =	shalt  }
.Lfunc_end2:
_tile_overlayer_lowered:
.L_overlay_start_2:
0xc5: {  	(tag) =	ssettag $0x2  }
0xc6: {  	s0 =	rddreg [dreg:$0x0];
	s2 =	stileid.u32  }
0xc7: {  	s1 =	rddreg [dreg:$0x1];
	p0 =	sne.s32 s2, $0x0  }
0xc8: {  	s3 =	rddreg [dreg:$0x2];
	[bflag:$0x3] =	sbarrier.arrive $0xFFFF;
	s2 =	simm.s32 @!p0 $0x1C03  }
0xc9: {  	[timem:s3], [sflag:s2] =	dma.local @!p0 [hbm:s0], s1  }
0xca: {  	s0 =	simm.s32 @!p0 $0x3  }
0xcb: {  	_ =	swait.ge @!p0 [sflag:s0], s1  }
0xcc: {  	s1 =	ssub.s32 @!p0 $0x0, s1;
	[sflag:s0] =	ssyncset.done @!p0 $0x0  }
0xcd: {  	[sflag:s0] =	ssyncadd.s32 @!p0 s1  }
0xce: {  	[bflag:$0x3] =	sbarrier.arrive $0xFFFF  }
0xcf: {  	_ =	shalt  }

// kernel: kernel.24.cloned.1.call-start
scs
__scs_entry_jumppad:
0x0: {  	(pc) =	sbr.rel $0x88, $3  }
0x1: {  	(tag) =	ssettag $0x0;
	lr =	simm.s32 $0x1  }
0x2: {  	[smem:$0x3F96] =	sst lr;
	_ =	strace $0xD0000000  }
0x3: {  	_ = 	snop  }
0x4: {  	_ = 	snop  }
0x5: {  	_ = 	snop  }
0x6: {  	_ = 	snop  }
0x7: {  	_ = 	snop  }
__scs_overlays_trampoline_lowered:
0x8: {  	[smem:$0x3FA5] =	sst s0  }
0x9: {  	[smem:$0x3FA6] =	sst s1  }
0xa: {  	[smem:$0x3FA7] =	sst s2  }
0xb: {  	[smem:$0x3FA8] =	sst s3  }
0xc: {  	[smem:$0x3FA9] =	sst s4  }
0xd: {  	[smem:$0x3FAA] =	sst s5  }
0xe: {  	[smem:$0x3FAB] =	sst s6  }
0xf: {  	[smem:$0x3FAC] =	sst s7  }
0x10: {  	[smem:$0x3FAD] =	sst s8  }
0x11: {  	[smem:$0x3FAE] =	sst s9;
	s0 =	simm.s32 @!p0 $0x0  }
0x12: {  	s1 =	sld [smem:$0x3F94];
	s0 =	simm.s32 @p0 $0x1  }
0x13: {  	[smem:$0x3FAF] =	sst s0;
	s0 =	simm.s32 @!p1 $0x0  }
0x14: {  	s2 =	sld [smem:$0x3F93];
	s0 =	simm.s32 @p1 $0x1  }
0x15: {  	[smem:$0x3FB0] =	sst s0;
	s0 =	simm.s32 @!p2 $0x0  }
0x16: {  	s3 =	sld [smem:$0x3FDB];
	s0 =	simm.s32 @p2 $0x1  }
0x17: {  	s4 =	simm.s32 $0x1BF5;
	[smem:$0x3FB2] =	sst s0  }
0x18: {  	s0 =	sld [smem:$0x3F95];
	_ =	swait.ge [sflag:s4], $0x0  }
0x19: {  	s7 =	sld [smem:$0x3F96]  }
0x1a: {  	s8 =	sadd.s32 $0xFFFFE003, lr  }
0x1b: {  	s9 =	sadd.s32 $0xFFFFFEF7, lr;
	s5 =	simm.s32 $0xFFFFFFFF;
	p2 =	slt.u32 s8, $0xFFFFF086  }
0x1c: {  	p1 =	slt.u32 s9, $0xF7A;
	s5 =	simm.s32 @!p2 $0x0  }
0x1d: {  	s5 =	simm.s32 @p1 $0x1;
	p0 =	seq.s32 s7, s2  }
0x1e: {  	s7 =	smul.u32 @!p0 $0xF7A, s2;
	p2 =	seq.s32 @!p0 s5, $0x0  }
0x1f: {  	s9 =	smul.u32 $0xF7A, s1;
	s8 =	simm.s32 @!p0 $0x1BF5;
	p2 =	por !p2, p0  }
0x20: {  	[sflag:s8] =	ssyncset.s32 @!p0 $0xFFFFF086;
	s6 =	sadd.s32 @!p0 s3, s7;
	s7 =	simm.s32 @!p0 $0x108  }
0x21: {  	s3 =	sadd.s32 s3, s9;
	s6 =	sadd.s32 @!p0 $0x88, s6;
	s7 =	simm.s32 @p2 $0x1082  }
0x22: {  	[simem:s7], [sflag:s8] =	dma.local @!p0 [hbm:s6], $0xF7A  }
0x23: {  	s9 =	sor.u32 $0xD0000000, s2;
	s6 =	simm.s32 $0x108;
	_ =	swait.ge @!p0 [sflag:s8], $0x0  }
0x24: {  	s3 =	sadd.s32 $0x88, s3;
	s6 =	simm.s32 @!p1 $0x1082;
	[sflag:s4] =	ssyncset.s32 $0xFFFFF086  }
0x25: {  	[simem:s6], [sflag:s4] =	dma.local [hbm:s3], $0xF7A  }
0x26: {  	[smem:$0x3F96] =	sst s1;
	(tag) =	ssettag s2;
	_ =	strace s9  }
0x27: {  	s1 =	sld [smem:$0x3FA6]  }
0x28: {  	s2 =	sld [smem:$0x3FA7]  }
0x29: {  	s4 =	sld [smem:$0x3FA9]  }
0x2a: {  	p0 =	seq.s32 s5, $0x0;
	s5 =	sld [smem:$0x3FAA]  }
0x2b: {  	s6 =	sld [smem:$0x3FAB]  }
0x2c: {  	s7 =	sld [smem:$0x3FAC]  }
0x2d: {  	s3 =	simm.s32 $0x108;
	s8 =	sld [smem:$0x3FAD]  }
0x2e: {  	s3 =	simm.s32 @!p0 $0x1082;
	s9 =	sld [smem:$0x3FAE]  }
0x2f: {  	lr =	sadd.s32 s0, s3;
	s0 =	sld [smem:$0x3FA5]  }
0x30: {  	s3 =	sld [smem:$0x3FA8]  }
0x31: {  	[smem:$0x3FB1] =	sst s10  }
0x32: {  	s10 =	sld [smem:$0x3FAF];
	_ =	sdelay $0x3  }
0x33: {  	p0 =	seq.s32 s10, $0x1;
	s10 =	sld [smem:$0x3FB1];
	_ =	sdelay $0x3  }
0x34: {  	[smem:$0x3FB1] =	sst s10  }
0x35: {  	s10 =	sld [smem:$0x3FB0];
	_ =	sdelay $0x3  }
0x36: {  	p1 =	seq.s32 s10, $0x1;
	s10 =	sld [smem:$0x3FB1];
	_ =	sdelay $0x3  }
0x37: {  	[smem:$0x3FB1] =	sst s10  }
0x38: {  	s10 =	sld [smem:$0x3FB2]  }
0x39: {  	_ = 	snop;
	(pc) =	sbr.ind lr, $3  }
0x3a: {  	_ = 	snop  }
0x3b: {  	_ = 	snop  }
0x3c: {  	p2 =	seq.s32 s10, $0x1;
	s10 =	sld [smem:$0x3FB1]  }
0x3d: {  	_ =	shalt  }
0x3e: {  	_ =	shalt  }
0x3f: {  	_ =	shalt  }
0x40: {  	_ =	shalt  }
0x41: {  	_ =	shalt  }
0x42: {  	_ =	shalt  }
0x43: {  	_ =	shalt  }
0x44: {  	_ =	shalt  }
0x45: {  	_ =	shalt  }
0x46: {  	_ =	shalt  }
0x47: {  	_ =	shalt  }
0x48: {  	_ =	shalt  }
0x49: {  	_ =	shalt  }
0x4a: {  	_ =	shalt  }
0x4b: {  	_ =	shalt  }
0x4c: {  	_ =	shalt  }
0x4d: {  	_ =	shalt  }
0x4e: {  	_ =	shalt  }
0x4f: {  	_ =	shalt  }
0x50: {  	_ =	shalt  }
0x51: {  	_ =	shalt  }
0x52: {  	_ =	shalt  }
0x53: {  	_ =	shalt  }
0x54: {  	_ =	shalt  }
0x55: {  	_ =	shalt  }
0x56: {  	_ =	shalt  }
0x57: {  	_ =	shalt  }
0x58: {  	_ =	shalt  }
0x59: {  	_ =	shalt  }
0x5a: {  	_ =	shalt  }
0x5b: {  	_ =	shalt  }
0x5c: {  	_ =	shalt  }
0x5d: {  	_ =	shalt  }
0x5e: {  	_ =	shalt  }
0x5f: {  	_ =	shalt  }
0x60: {  	_ =	shalt  }
0x61: {  	_ =	shalt  }
0x62: {  	_ =	shalt  }
0x63: {  	_ =	shalt  }
0x64: {  	_ =	shalt  }
0x65: {  	_ =	shalt  }
0x66: {  	_ =	shalt  }
0x67: {  	_ =	shalt  }
0x68: {  	_ =	shalt  }
0x69: {  	_ =	shalt  }
0x6a: {  	_ =	shalt  }
0x6b: {  	_ =	shalt  }
0x6c: {  	_ =	shalt  }
0x6d: {  	_ =	shalt  }
0x6e: {  	_ =	shalt  }
0x6f: {  	_ =	shalt  }
0x70: {  	_ =	shalt  }
0x71: {  	_ =	shalt  }
0x72: {  	_ =	shalt  }
0x73: {  	_ =	shalt  }
0x74: {  	_ =	shalt  }
0x75: {  	_ =	shalt  }
0x76: {  	_ =	shalt  }
0x77: {  	_ =	shalt  }
0x78: {  	_ =	shalt  }
0x79: {  	_ =	shalt  }
0x7a: {  	_ =	shalt  }
0x7b: {  	_ =	shalt  }
0x7c: {  	_ =	shalt  }
0x7d: {  	_ =	shalt  }
0x7e: {  	_ =	shalt  }
0x7f: {  	_ =	shalt  }
0x80: {  	_ =	shalt  }
0x81: {  	_ =	shalt  }
0x82: {  	_ =	shalt  }
0x83: {  	_ =	shalt  }
0x84: {  	_ =	shalt  }
0x85: {  	_ =	shalt  }
0x86: {  	_ =	shalt  }
0x87: {  	_ =	shalt  }
.Lfunc_end0:
.L_simem_size_0:
called_computation.4_lowered:
.L_overlay_start_0:
0x88: {  	s2 =	sld [smem:$0x3FD9]  }
0x89: {  	s3 =	sld [smem:$0x3FFE];
	_ =	sdelay $0x1  }
0x8a: {  	s1 =	srdreg.scid  }
0x8b: {  	s0 =	sand.u32 $0x1, s1  }
0x8c: {  	s16 =	sshll.u32 s0, $0xA;
	s2 =	sadd.s32 s3, s2  }
0x8d: {  	s2 =	sadd.s32 s2, s16  }
0x8e: {  	[smem:$0x3FBD] =	sst s2  }
0x8f: {  	_ = 	snop  }
0x90: {  	(tm) =	ssettm $0x1  }
0x91: {  	s17 =	sld [smem:$0x3FFB];
	_ =	sdelay $0x3  }
0x92: {  	_ =	strace s17  }
0x93: {  	s2 =	sld [smem:$0x3FFC];
	_ =	sdelay $0x3  }
0x94: {  	_ =	strace s2  }
0x95: {  	s2 =	sld [smem:$0x3FFD];
	_ =	sdelay $0x3  }
0x96: {  	_ =	strace s2  }
0x97: {  	_ =	strace $0x8FFFFFFF  }
0x98: {  	s18 =	sld [smem:$0x3FDB];
	_ =	sdelay $0x1  }
0x99: {  	s19 =	simm.s32 $_scs_section_size  }
0x9a: {  	s4 =	simm.s32 $_size__tile_overlayer_lowered;
	s5 =	simm.s32 $_tile_overlayer_lowered  }
0x9b: {  	s22 =	simm.s32 $0x1BFF;
	s21 =	sshll.u32 s5, $0x1;
	s2 =	sadd.s32 s19, s18  }
0x9c: {  	s6 =	simm.s32 $0x0;
	s20 =	sshll.u32 s4, $0x1;
	s4 =	sadd.s32 s21, s2  }
0x9d: {  	[timem:s6], [sflag:s22] =	dma.local [hbm:s4], s20  }
0x9e: {  	_ =	swait.ge [sflag:s22], s20  }
0x9f: {  	s3 =	ssub.s32 $0x0, s20;
	[sflag:s22] =	ssyncset.done $0x0  }
0xa0: {  	[sflag:s22] =	ssyncadd.s32 s3;
	_ =	sdelay $0x1  }
0xa1: {  	s23 =	simm.s32 $0x1B8B  }
0xa2: {  	_ =	swait.ge [sflag:s23], $0x1  }
0xa3: {  	[sflag:s23] =	ssyncset.done $0x0  }
0xa4: {  	s25 =	simm.s32 $0x1B8E;
	s24 =	sld [smem:$0x3FFE];
	[sflag:s23] =	ssyncadd.s32 $0xFFFFFFFF  }
0xa5: {  	s26 =	simm.s32 $execute0_lowered;
	[smem:$0x3FD2] =	sst s25  }
0xa6: {  	s4 =	sshll.u32 s26, $0x1;
	_ =	strace $0x80000052;
	[dreg:$0x1] =	wrdreg $0xFFFFFFFF  }
0xa7: {  	s28 =	simm.s32 $_size_execute0_lowered;
	s2 =	sadd.s32 s2, s4;
	[dreg:$0x0] =	wrdreg $0x0  }
0xa8: {  	s4 =	sshll.u32 s28, $0x1;
	[dreg:$0x2] =	wrdreg s2  }
0xa9: {  	[dreg:$0x3] =	wrdreg s4  }
0xaa: {  	[dreg:$0x4] =	wrdreg $0xC0  }
0xab: {  	_ =	task [dreg:s6], $0x5FFFF  }
0xac: {  	[dreg:$0x1] =	wrdreg $0xFFFFFFFF  }
0xad: {  	[dreg:$0x0] =	wrdreg $0x60  }
0xae: {  	[dreg:$0x2] =	wrdreg s24  }
0xaf: {  	[dreg:$0x3] =	wrdreg $0xA8000  }
0xb0: {  	[dreg:$0x4] =	wrdreg $0x9  }
0xb1: {  	_ =	task.clear_ibuf [dreg:s6], $0x5FFFF;
	_ =	strace $0x90000052  }
0xb2: {  	s29 =	simm.s32 $0x9;
	_ =	strace $0x80000054  }
0xb3: {  	_ =	swait.ge [sflag:s29], $0x1  }
0xb4: {  	[sflag:s29] =	ssyncadd.s32 $0xFFFFFFFF  }
0xb5: {  	_ =	strace $0x90000054  }
0xb6: {  	_ =	sfence  }
0xb7: {  	s30 =	sld [smem:$0x0];
	_ =	sdelay $0x2  }
0xb8: {  	s31 =	sshll.u32 s1, $0xD;
	s1 =	sshrl.u32 s1, $0x2  }
0xb9: {  	s3 =	sand.u32 $0x4000, s31;
	s1 =	sadd.s32 s1, s30  }
0xba: {  	s0 =	sor.u32 s3, s0;
	s1 =	sshll.u32 s1, $0x11  }
0xbb: {  	s0 =	sor.u32 s1, s0  }
0xbc: {  	s0 =	sadd.s32 $0x8F2B, s0  }
0xbd: {  	[sflag:s0] =	ssyncadd.remote.s32 $0x1  }
0xbe: {  	_ =	sfence.sel $0xFFFF  }
0xbf: {  	[dreg:$0x0] =	wrdreg $0xFFFFFFFF;
	(pc) =	sbr.abs _section_cstart, $3  }
0xc0: {  	[dreg:$0x1] =	wrdreg $0xFFFFFFFF  }
0xc1: {  	_ =	task.clear_ibuf [dreg:s6], $0x2FFFF;
	_ =	strace $0x9FFFFFFF  }
0xc2: {  	(tm) =	ssettm $0x7FFFFFFF  }
0xc3: {  	_ =	shalt  }
tec
execute0_lowered:
.L_overlay_start_1:
0x0: {  	(tag) =	ssettag $0x1  }
0x1: {  	s7 =	rddreg [dreg:$0x0]  }
0x2: {  	s1 =	rddreg [dreg:$0x1];
	s3 =	simm.s32 $0x0  }
0x3: {  	s0 =	stileid.u32;
	s6 =	srdreg.scid;
	s18 =	simm.s32 $0x1400  }
0x4: {  	s19 =	simm.s32 $0x80;
	s20 =	simm.s32 $0x2800;
	s21 =	simm.s32 $0x6800  }
0x5: {  	s22 =	simm.s32 $0x1;
	s23 =	simm.s32 $0x2;
	s24 =	simm.s32 $0x1380  }
0x6: {  	s25 =	simm.s32 $0x2700;
	s26 =	simm.s32 $0x2780;
	s28 =	simm.s32 $0x0  }
0x7: {  	[smem:$0x7FF] =	sst s3;
	s4 =	sadd.s32 $0x18400, s7;
	s5 =	smul.u32 $0x2780, s0  }
0x8: {  	s10 =	sadd.s32 $0xE400, s7;
	s11 =	sadd.s32 $0x4400, s7;
	s6 =	sand.u32 $0x1, s6  }
0x9: {  	s12 =	smul.u32 $0x4F000, s0;
	s15 =	sadd.s32 $0x128400, s1;
	p0 =	seq.s32 s0, $0xF  }
0xa: {  	_ =	strace $0x80000053;
	s9 =	sshll.u32 s6, $0x4;
	s13 =	smul.u32 $0x27100, s6  }
0xb: {  	s6 =	ssub.s32 $0x2, s6;
	s17 =	sshll.u32 @!p0 s0, $0x6;
	s8 =	sadd.s32 s5, s7  }
0xc: {  	s9 =	sor.u32 s0, s9;
	s14 =	sshrl.u32 s6, $0x1;
	s12 =	sshrl.u32 s12, $0x2  }
0xd: {  	s9 =	smul.u32 $0x2800, s9;
	s13 =	sadd.s32 s13, s7;
	s14 =	ssub.s32 s6, s14  }
0xe: {  	s16 =	sadd.s32 s12, s1;
	s6 =	sadd.s32 $0x3F600, s8;
	s7 =	sadd.s32 $0x64680, s7  }
0xf: {  	s12 =	sadd.s32 $0x66800, s13;
	s13 =	smax.u32 s14, $0x1;
	s14 =	sshrl.u32 @p0 s15, $0x3  }
0x10: {  	s15 =	sor.u32 @!p0 $0x1C03, s17;
	s16 =	sshrl.u32 @!p0 s16, $0x3;
	s9 =	sshrl.u32 s9, $0x3  }
0x11: {  	s17 =	simm.s32 $0x3;
	s8 =	sadd.s32 s10, s9;
	s31 =	sadd.s32 $0x280, s9  }
0x12: {  	s9 =	sadd.s32 s11, s9;
	s10 =	sadd.s32 s10, s31;
	s11 =	sadd.s32 s11, s31  }
.LBB2_1:
0x13: {  	s29 =	simm.s32 @p0 $0x1FC3  }
0x14: {  	[spmem:s14], [sflag:s29] =	dma.local @p0 [hbm:s7], $0x2080  }
0x15: {  	s29 =	simm.s32 @p0 $0x3  }
0x16: {  	_ =	swait.ge @p0 [sflag:s29], $0x2080  }
0x17: {  	[sflag:s29] =	ssyncset.done @p0 $0x0  }
0x18: {  	[sflag:s29] =	ssyncadd.s32 @p0 $0xFFFFDF80;
	s29 =	simm.s32 @!p0 $0x3  }
0x19: {  	[spmem:s16], [sflag:s15] =	dma.local @!p0 [hbm:s6], $0x2780  }
0x1a: {  	_ =	swait.ge @!p0 [sflag:s29], $0x2780  }
0x1b: {  	[sflag:s29] =	ssyncset.done @!p0 $0x0  }
0x1c: {  	[sflag:s29] =	ssyncadd.s32 @!p0 $0xFFFFD880  }
0x1d: {  	[bflag:$0x0] =	sbarrier.arrive $0xFFFF  }
0x1e: {  	[tilespmem:s3], [sflag:$0x3] =	stream.linear.gather [hbm4b:s8+s3], $0x1400, $0x38;
	[tilespmem:$0x1E280] =	vst v63  }
0x1f: {  	_ =	swait.ge [sflag:s17], $0x1400  }
0x20: {  	[sflag:s17] =	ssyncset.done $0x0  }
0x21: {  	[sflag:s17] =	ssyncadd.s32 $0xFFFFEC00  }
0x22: {  	[tilespmem:s18], [sflag:$0x3] =	stream.linear.gather [hbm4b:s9+s3], $0x1400, $0x38;
	[tilespmem:$0x1E280] =	vst v63  }
0x23: {  	_ =	swait.ge [sflag:s17], $0x1400  }
0x24: {  	[sflag:s17] =	ssyncset.done $0x0  }
0x25: {  	[sflag:s17] =	ssyncadd.s32 $0xFFFFEC00  }
0x26: {  	[tilespmem:s20], [sflag:$0x1] =	stream.indirect.gather [hbm4b:s4+s19], $0x80, s3, s19, $0xb8;
	[tilespmem:$0x1E280] =	vst v63  }
0x27: {  	s29 =	simm.s32 $0x80  }
0x28: {  	[tilespmem:s21], [sflag:$0x2] =	stream.indirect.gather [hbm4b:s4+s19], $0x80, s29, s19, $0xb8;
	[tilespmem:$0x1E280] =	vst v63  }
0x29: {  	_ =	swait.ge [sflag:s22], $0x4000  }
0x2a: {  	[sflag:s22] =	ssyncset.done $0x0  }
0x2b: {  	s29 =	simm.s32 $0x1400;
	[sflag:s22] =	ssyncadd.s32 $0xFFFFC000  }
0x2c: {  	[spmem:s1] =	stream.indirect.scatter.add.f32 [tilespmem:s20], [sflag:$0x3], $0x80, s29, s19, $0xb8;
	[tilespmem:$0x1E280] =	vst v63  }
0x2d: {  	_ =	swait.ge [sflag:s17], $0x4000  }
0x2e: {  	[sflag:s17] =	ssyncset.done $0x0  }
0x2f: {  	s29 =	simm.s32 $0x100;
	[sflag:s17] =	ssyncadd.s32 $0xFFFFC000  }
0x30: {  	[tilespmem:s20], [sflag:$0x1] =	stream.indirect.gather [hbm4b:s4+s19], $0x80, s29, s19, $0xb8;
	[tilespmem:$0x1E280] =	vst v63  }
0x31: {  	_ =	swait.ge [sflag:s23], $0x4000  }
0x32: {  	[sflag:s23] =	ssyncset.done $0x0  }
0x33: {  	s29 =	simm.s32 $0x1480;
	[sflag:s23] =	ssyncadd.s32 $0xFFFFC000  }
0x34: {  	[spmem:s1] =	stream.indirect.scatter.add.f32 [tilespmem:s21], [sflag:$0x3], $0x80, s29, s19, $0xb8;
	[tilespmem:$0x1E280] =	vst v63  }
0x35: {  	_ =	swait.ge [sflag:s17], $0x4000  }
0x36: {  	s30 =	simm.s32 $0x800;
	s29 =	simm.s32 $0x100;
	[sflag:s17] =	ssyncset.done $0x0  }
.LBB2_2:
0x37: {  	s31 =	sadd.s32 $0x80, s29  }
0x38: {  	[sflag:s17] =	ssyncadd.s32 $0xFFFFC000;
	s0 =	smov.u32 s30;
	s2 =	sadd.s32 $0x400, s30  }
0x39: {  	[tilespmem:s21], [sflag:$0x2] =	stream.indirect.gather [hbm4b:s4+s19], $0x80, s31, s19, $0xb8;
	[tilespmem:$0x1E280] =	vst v63  }
0x3a: {  	p1 =	sne.s32 s30, $0x4800;
	_ =	swait.ge [sflag:s22], $0x4000  }
0x3b: {  	[sflag:s22] =	ssyncset.done $0x0  }
0x3c: {  	s30 =	sadd.s32 $0x1400, s29;
	[sflag:s22] =	ssyncadd.s32 $0xFFFFC000  }
0x3d: {  	[spmem:s1] =	stream.indirect.scatter.add.f32 [tilespmem:s20], [sflag:$0x3], $0x80, s30, s19, $0xb8;
	[tilespmem:$0x1E280] =	vst v63  }
0x3e: {  	_ =	swait.ge [sflag:s17], $0x4000  }
0x3f: {  	[sflag:s17] =	ssyncset.done $0x0  }
0x40: {  	s30 =	sadd.s32 $0x100, s29;
	[sflag:s17] =	ssyncadd.s32 $0xFFFFC000  }
0x41: {  	[tilespmem:s20], [sflag:$0x1] =	stream.indirect.gather [hbm4b:s4+s19], $0x80, s30, s19, $0xb8;
	[tilespmem:$0x1E280] =	vst v63  }
0x42: {  	_ =	swait.ge [sflag:s23], $0x4000  }
.Ltmp0:
0x43: {  	[sflag:s23] =	ssyncset.done $0x0;
	(pc) =	sbr.rel @p1 .LBB2_2-.Ltmp0, $4  }
0x44: {  	s29 =	sadd.s32 $0x1480, s29;
	[sflag:s23] =	ssyncadd.s32 $0xFFFFC000  }
0x45: {  	[spmem:s1] =	stream.indirect.scatter.add.f32 [tilespmem:s21], [sflag:$0x3], $0x80, s29, s19, $0xb8;
	[tilespmem:$0x1E280] =	vst v63  }
0x46: {  	_ =	swait.ge [sflag:s17], $0x4000  }
0x47: {  	s30 =	smov.u32 s2;
	s29 =	sshra.s32 s0, $0x2;
	[sflag:s17] =	ssyncset.done $0x0  }
0x48: {  	s0 =	sadd.s32 $0x80, s29;
	[sflag:s17] =	ssyncadd.s32 $0xFFFFC000  }
0x49: {  	[tilespmem:s21], [sflag:$0x2] =	stream.indirect.gather [hbm4b:s4+s19], $0x80, s0, s19, $0xb8;
	[tilespmem:$0x1E280] =	vst v63  }
0x4a: {  	_ =	swait.ge [sflag:s22], $0x4000  }
0x4b: {  	[sflag:s22] =	ssyncset.done $0x0  }
0x4c: {  	s2 =	sadd.s32 $0x1400, s29;
	[sflag:s22] =	ssyncadd.s32 $0xFFFFC000  }
0x4d: {  	[spmem:s1] =	stream.indirect.scatter.add.f32 [tilespmem:s20], [sflag:$0x3], $0x80, s2, s19, $0xb8;
	[tilespmem:$0x1E280] =	vst v63  }
0x4e: {  	_ =	swait.ge [sflag:s17], $0x4000  }
0x4f: {  	[sflag:s17] =	ssyncset.done $0x0  }
0x50: {  	s31 =	sadd.s32 $0x100, s29;
	[sflag:s17] =	ssyncadd.s32 $0xFFFFC000  }
0x51: {  	[tilespmem:s20], [sflag:$0x1] =	stream.indirect.gather [hbm4b:s4+s19], $0x80, s31, s19, $0xb8;
	[tilespmem:$0x1E280] =	vst v63  }
0x52: {  	_ =	swait.ge [sflag:s23], $0x4000  }
0x53: {  	[sflag:s23] =	ssyncset.done $0x0  }
0x54: {  	s2 =	sadd.s32 $0x1480, s29;
	[sflag:s23] =	ssyncadd.s32 $0xFFFFC000  }
0x55: {  	[spmem:s1] =	stream.indirect.scatter.add.f32 [tilespmem:s21], [sflag:$0x3], $0x80, s2, s19, $0xb8;
	[tilespmem:$0x1E280] =	vst v63  }
0x56: {  	_ =	swait.ge [sflag:s17], $0x4000  }
0x57: {  	[sflag:s17] =	ssyncset.done $0x0  }
0x58: {  	[sflag:s17] =	ssyncadd.s32 $0xFFFFC000  }
0x59: {  	[tilespmem:s21], [sflag:$0x2] =	stream.indirect.gather [hbm4b:s4+s19], $0x80, s24, s19, $0xb8;
	[tilespmem:$0x1E280] =	vst v63  }
0x5a: {  	_ =	swait.ge [sflag:s22], $0x4000  }
0x5b: {  	[sflag:s22] =	ssyncset.done $0x0  }
0x5c: {  	[sflag:s22] =	ssyncadd.s32 $0xFFFFC000  }
0x5d: {  	[spmem:s1] =	stream.indirect.scatter.add.f32 [tilespmem:s20], [sflag:$0x3], $0x80, s25, s19, $0xb8;
	[tilespmem:$0x1E280] =	vst v63  }
0x5e: {  	_ =	swait.ge [sflag:s17], $0x4000  }
0x5f: {  	[sflag:s17] =	ssyncset.done $0x0  }
0x60: {  	[sflag:s17] =	ssyncadd.s32 $0xFFFFC000  }
0x61: {  	_ =	swait.ge [sflag:s23], $0x4000  }
0x62: {  	[sflag:s23] =	ssyncset.done $0x0  }
0x63: {  	[sflag:s23] =	ssyncadd.s32 $0xFFFFC000  }
0x64: {  	[spmem:s1] =	stream.indirect.scatter.add.f32 [tilespmem:s21], [sflag:$0x3], $0x80, s26, s19, $0xb8;
	[tilespmem:$0x1E280] =	vst v63  }
0x65: {  	_ =	swait.ge [sflag:s17], $0x4000  }
0x66: {  	[sflag:s17] =	ssyncset.done $0x0  }
0x67: {  	s31 =	simm.s32 $0x0;
	[sflag:s17] =	ssyncadd.s32 $0xFFFFC000  }
0x68: {  	[tilespmem:s31], [sflag:$0x3] =	stream.linear.gather [hbm4b:s10+s31], $0x1400, $0x38;
	[tilespmem:$0x1E280] =	vst v63  }
0x69: {  	_ =	swait.ge [sflag:s17], $0x1400  }
0x6a: {  	[sflag:s17] =	ssyncset.done $0x0  }
0x6b: {  	[sflag:s17] =	ssyncadd.s32 $0xFFFFEC00  }
0x6c: {  	[tilespmem:s18], [sflag:$0x3] =	stream.linear.gather [hbm4b:s11+s31], $0x1400, $0x38;
	[tilespmem:$0x1E280] =	vst v63  }
0x6d: {  	_ =	swait.ge [sflag:s17], $0x1400  }
0x6e: {  	[sflag:s17] =	ssyncset.done $0x0  }
0x6f: {  	[sflag:s17] =	ssyncadd.s32 $0xFFFFEC00  }
0x70: {  	[tilespmem:s20], [sflag:$0x1] =	stream.indirect.gather [hbm4b:s4+s19], $0x80, s31, s19, $0xb8;
	[tilespmem:$0x1E280] =	vst v63  }
0x71: {  	s2 =	simm.s32 $0x80  }
0x72: {  	[tilespmem:s21], [sflag:$0x2] =	stream.indirect.gather [hbm4b:s4+s19], $0x80, s2, s19, $0xb8;
	[tilespmem:$0x1E280] =	vst v63  }
0x73: {  	_ =	swait.ge [sflag:s22], $0x4000  }
0x74: {  	[sflag:s22] =	ssyncset.done $0x0  }
0x75: {  	s31 =	simm.s32 $0x1400;
	[sflag:s22] =	ssyncadd.s32 $0xFFFFC000  }
0x76: {  	[spmem:s1] =	stream.indirect.scatter.add.f32 [tilespmem:s20], [sflag:$0x3], $0x80, s31, s19, $0xb8;
	[tilespmem:$0x1E280] =	vst v63  }
0x77: {  	_ =	swait.ge [sflag:s17], $0x4000  }
0x78: {  	[sflag:s17] =	ssyncset.done $0x0  }
0x79: {  	s2 =	simm.s32 $0x100;
	[sflag:s17] =	ssyncadd.s32 $0xFFFFC000  }
0x7a: {  	[tilespmem:s20], [sflag:$0x1] =	stream.indirect.gather [hbm4b:s4+s19], $0x80, s2, s19, $0xb8;
	[tilespmem:$0x1E280] =	vst v63  }
0x7b: {  	_ =	swait.ge [sflag:s23], $0x4000  }
0x7c: {  	[sflag:s23] =	ssyncset.done $0x0  }
0x7d: {  	s31 =	simm.s32 $0x1480;
	[sflag:s23] =	ssyncadd.s32 $0xFFFFC000  }
0x7e: {  	[spmem:s1] =	stream.indirect.scatter.add.f32 [tilespmem:s21], [sflag:$0x3], $0x80, s31, s19, $0xb8;
	[tilespmem:$0x1E280] =	vst v63  }
0x7f: {  	_ =	swait.ge [sflag:s17], $0x4000  }
0x80: {  	s30 =	simm.s32 $0x800;
	s29 =	simm.s32 $0x100;
	[sflag:s17] =	ssyncset.done $0x0  }
.LBB2_4:
0x81: {  	s0 =	sadd.s32 $0x80, s29  }
0x82: {  	[sflag:s17] =	ssyncadd.s32 $0xFFFFC000;
	s2 =	smov.u32 s30;
	s31 =	sadd.s32 $0x400, s30  }
0x83: {  	[tilespmem:s21], [sflag:$0x2] =	stream.indirect.gather [hbm4b:s4+s19], $0x80, s0, s19, $0xb8;
	[tilespmem:$0x1E280] =	vst v63  }
0x84: {  	p1 =	sne.s32 s30, $0x4800;
	_ =	swait.ge [sflag:s22], $0x4000  }
0x85: {  	[sflag:s22] =	ssyncset.done $0x0  }
0x86: {  	s0 =	sadd.s32 $0x1400, s29;
	[sflag:s22] =	ssyncadd.s32 $0xFFFFC000  }
0x87: {  	[spmem:s1] =	stream.indirect.scatter.add.f32 [tilespmem:s20], [sflag:$0x3], $0x80, s0, s19, $0xb8;
	[tilespmem:$0x1E280] =	vst v63  }
0x88: {  	_ =	swait.ge [sflag:s17], $0x4000  }
0x89: {  	[sflag:s17] =	ssyncset.done $0x0  }
0x8a: {  	s0 =	sadd.s32 $0x100, s29;
	[sflag:s17] =	ssyncadd.s32 $0xFFFFC000  }
0x8b: {  	[tilespmem:s20], [sflag:$0x1] =	stream.indirect.gather [hbm4b:s4+s19], $0x80, s0, s19, $0xb8;
	[tilespmem:$0x1E280] =	vst v63  }
0x8c: {  	_ =	swait.ge [sflag:s23], $0x4000  }
.Ltmp1:
0x8d: {  	[sflag:s23] =	ssyncset.done $0x0;
	(pc) =	sbr.rel @p1 .LBB2_4-.Ltmp1, $4  }
0x8e: {  	s0 =	sadd.s32 $0x1480, s29;
	[sflag:s23] =	ssyncadd.s32 $0xFFFFC000  }
0x8f: {  	[spmem:s1] =	stream.indirect.scatter.add.f32 [tilespmem:s21], [sflag:$0x3], $0x80, s0, s19, $0xb8;
	[tilespmem:$0x1E280] =	vst v63  }
0x90: {  	_ =	swait.ge [sflag:s17], $0x4000  }
0x91: {  	s30 =	smov.u32 s31;
	s29 =	sshra.s32 s2, $0x2;
	[sflag:s17] =	ssyncset.done $0x0  }
0x92: {  	s0 =	sadd.s32 $0x80, s29;
	[sflag:s17] =	ssyncadd.s32 $0xFFFFC000  }
0x93: {  	[tilespmem:s21], [sflag:$0x2] =	stream.indirect.gather [hbm4b:s4+s19], $0x80, s0, s19, $0xb8;
	[tilespmem:$0x1E280] =	vst v63  }
0x94: {  	_ =	swait.ge [sflag:s22], $0x4000  }
0x95: {  	[sflag:s22] =	ssyncset.done $0x0  }
0x96: {  	s2 =	sadd.s32 $0x1400, s29;
	[sflag:s22] =	ssyncadd.s32 $0xFFFFC000  }
0x97: {  	[spmem:s1] =	stream.indirect.scatter.add.f32 [tilespmem:s20], [sflag:$0x3], $0x80, s2, s19, $0xb8;
	[tilespmem:$0x1E280] =	vst v63  }
0x98: {  	_ =	swait.ge [sflag:s17], $0x4000  }
0x99: {  	[sflag:s17] =	ssyncset.done $0x0  }
0x9a: {  	s30 =	sadd.s32 $0x100, s29;
	[sflag:s17] =	ssyncadd.s32 $0xFFFFC000  }
0x9b: {  	[tilespmem:s20], [sflag:$0x1] =	stream.indirect.gather [hbm4b:s4+s19], $0x80, s30, s19, $0xb8;
	[tilespmem:$0x1E280] =	vst v63  }
0x9c: {  	_ =	swait.ge [sflag:s23], $0x4000  }
0x9d: {  	[sflag:s23] =	ssyncset.done $0x0  }
0x9e: {  	s31 =	sadd.s32 $0x1480, s29;
	[sflag:s23] =	ssyncadd.s32 $0xFFFFC000  }
0x9f: {  	[spmem:s1] =	stream.indirect.scatter.add.f32 [tilespmem:s21], [sflag:$0x3], $0x80, s31, s19, $0xb8;
	[tilespmem:$0x1E280] =	vst v63  }
0xa0: {  	_ =	swait.ge [sflag:s17], $0x4000  }
0xa1: {  	[sflag:s17] =	ssyncset.done $0x0  }
0xa2: {  	[sflag:s17] =	ssyncadd.s32 $0xFFFFC000  }
0xa3: {  	[tilespmem:s21], [sflag:$0x2] =	stream.indirect.gather [hbm4b:s4+s19], $0x80, s24, s19, $0xb8;
	[tilespmem:$0x1E280] =	vst v63  }
0xa4: {  	_ =	swait.ge [sflag:s22], $0x4000  }
0xa5: {  	[sflag:s22] =	ssyncset.done $0x0  }
0xa6: {  	[sflag:s22] =	ssyncadd.s32 $0xFFFFC000  }
0xa7: {  	[spmem:s1] =	stream.indirect.scatter.add.f32 [tilespmem:s20], [sflag:$0x3], $0x80, s25, s19, $0xb8;
	[tilespmem:$0x1E280] =	vst v63  }
0xa8: {  	_ =	swait.ge [sflag:s17], $0x4000  }
0xa9: {  	[sflag:s17] =	ssyncset.done $0x0  }
0xaa: {  	[sflag:s17] =	ssyncadd.s32 $0xFFFFC000  }
0xab: {  	_ =	swait.ge [sflag:s23], $0x4000  }
0xac: {  	[sflag:s23] =	ssyncset.done $0x0  }
0xad: {  	[sflag:s23] =	ssyncadd.s32 $0xFFFFC000  }
0xae: {  	[spmem:s1] =	stream.indirect.scatter.add.f32 [tilespmem:s21], [sflag:$0x3], $0x80, s26, s19, $0xb8;
	[tilespmem:$0x1E280] =	vst v63  }
0xaf: {  	_ =	swait.ge [sflag:s17], $0x4000  }
0xb0: {  	[sflag:s17] =	ssyncset.done $0x0  }
0xb1: {  	[sflag:s17] =	ssyncadd.s32 $0xFFFFC000  }
0xb2: {  	s0 =	sadd.s32 @p0 $0x25080, s12;
	s2 =	simm.s32 @p0 $0x1FC3;
	[bflag:$0x0] =	sbarrier.arrive $0xFFFF  }
0xb3: {  	[hbm:s0], [sflag:s2] =	dma.local @p0 [spmem:s14], $0x2080  }
0xb4: {  	s0 =	simm.s32 @p0 $0x3  }
0xb5: {  	_ =	swait.ge @p0 [sflag:s0], $0x2080  }
0xb6: {  	s28 =	sadd.s32 $0x1, s28;
	[sflag:s0] =	ssyncset.done @p0 $0x0  }
0xb7: {  	p1 =	sne.s32 s28, s13;
	[sflag:s0] =	ssyncadd.s32 @p0 $0xFFFFDF80;
	s0 =	sadd.s32 @!p0 s5, s12  }
0xb8: {  	[hbm:s0], [sflag:s15] =	dma.local @!p0 [spmem:s16], $0x2780  }
.Ltmp2:
0xb9: {  	_ = 	snop;
	(pc) =	sbr.rel @p1 .LBB2_1-.Ltmp2, $4  }
0xba: {  	s0 =	simm.s32 @!p0 $0x3  }
0xbb: {  	_ =	swait.ge @!p0 [sflag:s0], $0x2780  }
0xbc: {  	[sflag:s0] =	ssyncset.done @!p0 $0x0  }
0xbd: {  	[sflag:s0] =	ssyncadd.s32 @!p0 $0xFFFFD880  }
0xbe: {  	_ =	sfence.sel $0x180000  }
0xbf: {  	[bflag:$0x0] =	sbarrier.arrive $0xFFFF  }
0xc0: {  	_ =	strace $0x90000053  }
0xc1: {  	s0 =	stileid.u32;
	[bflag:$0x2] =	sbarrier.arrive $0xFFFF  }
0xc2: {  	p0 =	sne.s32 s0, $0x0;
	s0 =	rddreg [dreg:$0x2]  }
0xc3: {  	s0 =	sadd.s32 @!p0 $0x100000, s0  }
0xc4: {  	[sflag:s0] =	ssyncadd.tile.s32 @!p0 $0x1;
	_ =	shalt  }
.Lfunc_end2:
_tile_overlayer_lowered:
.L_overlay_start_2:
0xc5: {  	(tag) =	ssettag $0x2  }
0xc6: {  	s0 =	rddreg [dreg:$0x0];
	s2 =	stileid.u32  }
0xc7: {  	s1 =	rddreg [dreg:$0x1];
	p0 =	sne.s32 s2, $0x0  }
0xc8: {  	s3 =	rddreg [dreg:$0x2];
	[bflag:$0x3] =	sbarrier.arrive $0xFFFF;
	s2 =	simm.s32 @!p0 $0x1C03  }
0xc9: {  	[timem:s3], [sflag:s2] =	dma.local @!p0 [hbm:s0], s1  }
0xca: {  	s0 =	simm.s32 @!p0 $0x3  }
0xcb: {  	_ =	swait.ge @!p0 [sflag:s0], s1  }
0xcc: {  	s1 =	ssub.s32 @!p0 $0x0, s1;
	[sflag:s0] =	ssyncset.done @!p0 $0x0  }
0xcd: {  	[sflag:s0] =	ssyncadd.s32 @!p0 s1  }
0xce: {  	[bflag:$0x3] =	sbarrier.arrive $0xFFFF  }
0xcf: {  	_ =	shalt  }

</sc_bundles>
